<compile_context>
chip_gen: v7x
topology: tpu7x:2x2x1
jax: 0.10.2.dev20260603
libtpu: 0.0.44.dev20260713+nightly
codegen_flags: <defaults>
</compile_context>

<pallas_src>
import functools

import jax
import jax.numpy as jnp
from jax import lax
from jax.experimental import pallas as pl
from jax.experimental.pallas import tpu as pltpu, tpu_sc as plsc

LANES = 16
NBUF = 4
WB_BLOCKS = 4


def _tree_sum(vals):
    while len(vals) > 1:
        nxt = [vals[i] + vals[i + 1] for i in range(0, len(vals) - 1, 2)]
        if len(vals) % 2:
            nxt.append(vals[-1])
        vals = nxt
    return vals[0]


@functools.lru_cache(maxsize=None)
def _make_kernel(bsz: int, l: int, t: int, d: int):
    n_res = bsz * l
    info = plsc.get_sparse_core_info()
    nw = info.num_cores * info.num_subcores
    res_per_w = n_res // nw
    w_per_l = l // res_per_w
    assert l % res_per_w == 0
    wb = res_per_w // WB_BLOCKS
    gs_per_wb = wb // NBUF
    assert res_per_w % (NBUF * WB_BLOCKS) == 0

    mesh = plsc.VectorSubcoreMesh(core_axis_name="c", subcore_axis_name="s")

    @functools.partial(
        pl.kernel,
        mesh=mesh,
        out_type=jax.ShapeDtypeStruct((n_res, d), jnp.float32),
        scratch_types=[
            pltpu.VMEM((res_per_w, t), jnp.int32),
            pltpu.VMEM((NBUF, t, d), jnp.float32),
            pltpu.VMEM((res_per_w, d), jnp.float32),
            pltpu.SemaphoreType.DMA,
        ] + [pltpu.SemaphoreType.DMA] * NBUF,
    )
    def k(idx_hbm, table_hbm, out_hbm, idx_v, rows_v, out_v, wsem, *sems):
        wid = lax.axis_index("s") * info.num_cores + lax.axis_index("c")
        pltpu.sync_copy(
            idx_hbm.at[wid // w_per_l,
                       pl.ds((wid % w_per_l) * res_per_w, res_per_w)],
            idx_v)

        def dma(j, b):
            return pltpu.make_async_copy(
                table_hbm.at[idx_v.at[j]], rows_v.at[b], sems[b])

        def wb_dma(m):
            return pltpu.make_async_copy(
                out_v.at[pl.ds(m * wb, wb)],
                out_hbm.at[pl.ds(wid * res_per_w + m * wb, wb)], wsem)

        for b in range(NBUF - 1):
            dma(b, b).start()

        def body(g, _):
            for b in range(NBUF):
                j = g * NBUF + b
                nxt = j + NBUF - 1

                @pl.when(nxt < res_per_w)
                def _():
                    dma(nxt, (b + NBUF - 1) % NBUF).start()

                dma(j, b).wait()
                for dc in range(d // LANES):
                    sl = pl.ds(dc * LANES, LANES)
                    out_v[j, sl] = _tree_sum(
                        [rows_v[b, tt, sl] for tt in range(t)])

            @pl.when(g % gs_per_wb == gs_per_wb - 1)
            def _():
                wb_dma(g // gs_per_wb).start()

            return 0

        lax.fori_loop(0, res_per_w // NBUF, body, 0)
        for m in range(WB_BLOCKS):
            wb_dma(m).wait()

    return k


def kernel(go_terms, table):
    b, l, t = go_terms.shape
    d = table.shape[1]
    out = _make_kernel(b, l, t, d)(go_terms, table)
    return out.reshape(b, l, d)

# --- scband reference (transcript-rebuilt; emitter-appended) ---
"""Pipeline reference for scband-goembedding-module-60447369724146 (READ-ONLY COPY).

The authoritative reference and input builder live on the scoring server;
editing this copy changes nothing except your own understanding.
"""

import jax, jax.numpy as jnp
import numpy as np

NUM_GO_TERMS = 100000
EMBED_DIM = 128
B, L, T = 16, 512, 20


def setup_inputs(seed: int = 0) -> dict:
    key = jax.random.key(seed)
    k1, k2 = jax.random.split(key)
    go_terms = jax.random.randint(k1, (B, L, T), 0, NUM_GO_TERMS, dtype=jnp.int32)
    table = jax.random.normal(k2, (NUM_GO_TERMS, EMBED_DIM), dtype=jnp.float32)
    # padding_idx=0: that embedding row is zeros (as in nn.Embedding with padding_idx)
    table = table.at[0].set(0.0)
    return {"go_terms": go_terms, "table": table}


def reference(go_terms, table):
    # nn.Embedding lookup: gather rows of the table -> [B, L, T, D]
    emb = jnp.take(table, go_terms, axis=0)
    # sum over the GO-term axis (dim=2) -> [B, L, D]
    residue_go_embeddings = jnp.sum(emb, axis=2)
    return residue_go_embeddings

if __name__ == "__main__":
    import jax
    _d = setup_inputs()
    print(jax.jit(kernel)(*tuple(_d.values())))

</pallas_src>

<mosaic_0001>
#map = affine_map<(d0, d1) -> (0, 0, 0)>
#map1 = affine_map<(d0, d1) -> (0, 0)>
module attributes {stable_mosaic.version = 14 : i64} {
  func.func @k(%arg0: i32, %arg1: i32, %arg2: memref<16x512x20xi32, #tpu.memory_space<hbm>>, %arg3: memref<100000x128xf32, #tpu.memory_space<hbm>>, %arg4: memref<8192x128xf32, #tpu.memory_space<hbm>>, %arg5: memref<256x20xi32, #tpu.memory_space<vmem>>, %arg6: memref<4x20x128xf32, #tpu.memory_space<vmem>>, %arg7: memref<256x128xf32, #tpu.memory_space<vmem>>, %arg8: memref<!tpu.dma_semaphore, #tpu.memory_space<semaphore_mem>>, %arg9: memref<!tpu.dma_semaphore, #tpu.memory_space<semaphore_mem>>, %arg10: memref<!tpu.dma_semaphore, #tpu.memory_space<semaphore_mem>>, %arg11: memref<!tpu.dma_semaphore, #tpu.memory_space<semaphore_mem>>, %arg12: memref<!tpu.dma_semaphore, #tpu.memory_space<semaphore_mem>>) attributes {dimension_semantics = [#tpu.dimension_semantics<core_parallel>, #tpu.dimension_semantics<subcore_parallel>], iteration_bounds = array<i64: 2, 16>, scalar_prefetch = 0 : i64, scratch_operands = 8 : i64, tpu.core_type = #tpu.core_type<sc_vector_subcore>, window_params = [{transform_indices = #map}, {transform_indices = #map1}, {transform_indices = #map1}]} {
    %mul3A = arith.constant 2 : i32
    %mul3A_0 = arith.muli %arg1, %mul3A : i32
    %add3A = arith.addi %mul3A_0, %arg0 : i32
    %jit3A = arith.constant 2 : i32
    %div3A = arith.divsi %add3A, %jit3A : i32
    %sign3A = arith.constant 0 : i32
    %sign3A_1 = arith.cmpi sgt, %add3A, %sign3A : i32
    %sign3A_2 = arith.extui %sign3A_1 : i1 to i32
    %sign3A_3 = arith.constant 0 : i32
    %sign3A_4 = arith.cmpi slt, %add3A, %sign3A_3 : i32
    %sign3A_5 = arith.extui %sign3A_4 : i1 to i32
    %sign3A_6 = arith.subi %sign3A_2, %sign3A_5 : i32
    %sign3A_7 = arith.constant 0 : i32
    %sign3A_8 = arith.cmpi sgt, %jit3A, %sign3A_7 : i32
    %sign3A_9 = arith.extui %sign3A_8 : i1 to i32
    %sign3A_10 = arith.constant 0 : i32
    %sign3A_11 = arith.cmpi slt, %jit3A, %sign3A_10 : i32
    %sign3A_12 = arith.extui %sign3A_11 : i1 to i32
    %sign3A_13 = arith.subi %sign3A_9, %sign3A_12 : i32
    %ne3A = arith.cmpi ne, %sign3A_6, %sign3A_13 : i32
    %rem3A = arith.remsi %add3A, %jit3A : i32
    %ne3A_14 = arith.constant 0 : i32
    %ne3A_15 = arith.cmpi ne, %rem3A, %ne3A_14 : i32
    %and3A = arith.andi %ne3A, %ne3A_15 : i1
    %sub3A = arith.constant 1 : i32
    %sub3A_16 = arith.subi %div3A, %sub3A : i32
    %select_n3A = arith.select %and3A, %sub3A_16, %div3A : i32
    %jit3A_17 = arith.constant 2 : i32
    %eq3A = arith.constant 0 : i32
    %eq3A_18 = arith.cmpi eq, %jit3A_17, %eq3A : i32
    %jit3A_19 = arith.constant 1 : i32
    %select_n3A_20 = arith.select %eq3A_18, %jit3A_19, %jit3A_17 : i32
    %rem3A_21 = arith.remsi %add3A, %select_n3A_20 : i32
    %ne3A_22 = arith.constant 0 : i32
    %ne3A_23 = arith.cmpi ne, %rem3A_21, %ne3A_22 : i32
    %lt3A = arith.constant 0 : i32
    %lt3A_24 = arith.cmpi slt, %rem3A_21, %lt3A : i32
    %lt3A_25 = arith.constant 0 : i32
    %lt3A_26 = arith.cmpi slt, %select_n3A_20, %lt3A_25 : i32
    %ne3A_27 = arith.xori %lt3A_24, %lt3A_26 : i1
    %and3A_28 = arith.andi %ne3A_27, %ne3A_23 : i1
    %add3A_29 = arith.addi %rem3A_21, %select_n3A_20 : i32
    %select_n3A_30 = arith.select %and3A_28, %add3A_29, %rem3A_21 : i32
    %mul3A_31 = arith.constant 256 : i32
    %mul3A_32 = arith.muli %select_n3A_30, %mul3A_31 : i32
    "tpu.region"() ({
      %run_scoped3A = tpu.sem_alloc : memref<!tpu.dma_semaphore, #tpu.memory_space<semaphore_mem>>
      %dma_start3A_129 = arith.constant 0 : i32
      %dma_start3A_130 = tpu.memref_slice %arg2[%select_n3A, %mul3A_32, %dma_start3A_129] : memref<16x512x20xi32, #tpu.memory_space<hbm>> -> memref<1x256x20xi32, #tpu.memory_space<hbm>>
      %dma_start3A_131 = tpu.memref_squeeze %dma_start3A_130 : memref<1x256x20xi32, #tpu.memory_space<hbm>> -> memref<256x20xi32, #tpu.memory_space<hbm>>
      %dma_start3A_132 = arith.constant 0 : i32
      %dma_start3A_133 = tpu.memref_slice %arg2[%select_n3A, %mul3A_32, %dma_start3A_132] : memref<16x512x20xi32, #tpu.memory_space<hbm>> -> memref<1x256x20xi32, #tpu.memory_space<hbm>>
      %dma_start3A_134 = tpu.memref_squeeze %dma_start3A_133 : memref<1x256x20xi32, #tpu.memory_space<hbm>> -> memref<256x20xi32, #tpu.memory_space<hbm>>
      tpu.enqueue_dma source(%dma_start3A_134 : memref<256x20xi32, #tpu.memory_space<hbm>>) target(%arg5 : memref<256x20xi32, #tpu.memory_space<vmem>>) target_semaphore(%run_scoped3A : memref<!tpu.dma_semaphore, #tpu.memory_space<semaphore_mem>>)
      %dma_wait3A_135 = arith.constant 0 : i32
      %dma_wait3A_136 = tpu.memref_slice %arg2[%select_n3A, %mul3A_32, %dma_wait3A_135] : memref<16x512x20xi32, #tpu.memory_space<hbm>> -> memref<1x256x20xi32, #tpu.memory_space<hbm>>
      %dma_wait3A_137 = tpu.memref_squeeze %dma_wait3A_136 : memref<1x256x20xi32, #tpu.memory_space<hbm>> -> memref<256x20xi32, #tpu.memory_space<hbm>>
      %dma_wait3A_138 = arith.constant 0 : i32
      %dma_wait3A_139 = tpu.memref_slice %arg2[%select_n3A, %mul3A_32, %dma_wait3A_138] : memref<16x512x20xi32, #tpu.memory_space<hbm>> -> memref<1x256x20xi32, #tpu.memory_space<hbm>>
      %dma_wait3A_140 = tpu.memref_squeeze %dma_wait3A_139 : memref<1x256x20xi32, #tpu.memory_space<hbm>> -> memref<256x20xi32, #tpu.memory_space<hbm>>
      tpu.wait_dma2 semaphore(%run_scoped3A : memref<!tpu.dma_semaphore, #tpu.memory_space<semaphore_mem>>) src(%dma_wait3A_140 : memref<256x20xi32, #tpu.memory_space<hbm>>) dst(%arg5 : memref<256x20xi32, #tpu.memory_space<vmem>>)
      tpu.yield
    }) : () -> ()
    %dma_start3A = arith.constant 0 : i32
    %dma_start3A_33 = arith.constant 0 : i32
    %dma_start3A_34 = arith.constant 0 : i32
    %dma_start3A_35 = arith.constant 0 : i32
    %dma_start3A_36 = tpu.memref_slice %arg6[%dma_start3A_33, %dma_start3A_34, %dma_start3A_35] : memref<4x20x128xf32, #tpu.memory_space<vmem>> -> memref<1x20x128xf32, #tpu.memory_space<vmem>>
    %dma_start3A_37 = tpu.memref_squeeze %dma_start3A_36 : memref<1x20x128xf32, #tpu.memory_space<vmem>> -> memref<20x128xf32, #tpu.memory_space<vmem>>
    %dma_start3A_38 = arith.constant 0 : i32
    %dma_start3A_39 = tpu.memref_slice %arg5[%dma_start3A, %dma_start3A_38] : memref<256x20xi32, #tpu.memory_space<vmem>> -> memref<1x20xi32, #tpu.memory_space<vmem>>
    %dma_start3A_40 = tpu.memref_squeeze %dma_start3A_39 : memref<1x20xi32, #tpu.memory_space<vmem>> -> memref<20xi32, #tpu.memory_space<vmem>>
    %dma_start3A_41 = arith.constant 0 : i32
    %dma_start3A_42 = arith.constant 0 : i32
    %dma_start3A_43 = tpu.memref_slice %arg3[%dma_start3A_41, %dma_start3A_42] : memref<100000x128xf32, #tpu.memory_space<hbm>> -> memref<100000x128xf32, #tpu.memory_space<hbm>>
    tpu.enqueue_indirect_dma source(%dma_start3A_43 : memref<100000x128xf32, #tpu.memory_space<hbm>>) target(%dma_start3A_37 : memref<20x128xf32, #tpu.memory_space<vmem>>) offsets(%dma_start3A_40 : memref<20xi32, #tpu.memory_space<vmem>>) semaphore(%arg9 : memref<!tpu.dma_semaphore, #tpu.memory_space<semaphore_mem>>)
    %dma_start3A_44 = arith.constant 1 : i32
    %dma_start3A_45 = arith.constant 1 : i32
    %dma_start3A_46 = arith.constant 0 : i32
    %dma_start3A_47 = arith.constant 0 : i32
    %dma_start3A_48 = tpu.memref_slice %arg6[%dma_start3A_45, %dma_start3A_46, %dma_start3A_47] : memref<4x20x128xf32, #tpu.memory_space<vmem>> -> memref<1x20x128xf32, #tpu.memory_space<vmem>>
    %dma_start3A_49 = tpu.memref_squeeze %dma_start3A_48 : memref<1x20x128xf32, #tpu.memory_space<vmem>> -> memref<20x128xf32, #tpu.memory_space<vmem>>
    %dma_start3A_50 = arith.constant 0 : i32
    %dma_start3A_51 = tpu.memref_slice %arg5[%dma_start3A_44, %dma_start3A_50] : memref<256x20xi32, #tpu.memory_space<vmem>> -> memref<1x20xi32, #tpu.memory_space<vmem>>
    %dma_start3A_52 = tpu.memref_squeeze %dma_start3A_51 : memref<1x20xi32, #tpu.memory_space<vmem>> -> memref<20xi32, #tpu.memory_space<vmem>>
    %dma_start3A_53 = arith.constant 0 : i32
    %dma_start3A_54 = arith.constant 0 : i32
    %dma_start3A_55 = tpu.memref_slice %arg3[%dma_start3A_53, %dma_start3A_54] : memref<100000x128xf32, #tpu.memory_space<hbm>> -> memref<100000x128xf32, #tpu.memory_space<hbm>>
    tpu.enqueue_indirect_dma source(%dma_start3A_55 : memref<100000x128xf32, #tpu.memory_space<hbm>>) target(%dma_start3A_49 : memref<20x128xf32, #tpu.memory_space<vmem>>) offsets(%dma_start3A_52 : memref<20xi32, #tpu.memory_space<vmem>>) semaphore(%arg10 : memref<!tpu.dma_semaphore, #tpu.memory_space<semaphore_mem>>)
    %dma_start3A_56 = arith.constant 2 : i32
    %dma_start3A_57 = arith.constant 2 : i32
    %dma_start3A_58 = arith.constant 0 : i32
    %dma_start3A_59 = arith.constant 0 : i32
    %dma_start3A_60 = tpu.memref_slice %arg6[%dma_start3A_57, %dma_start3A_58, %dma_start3A_59] : memref<4x20x128xf32, #tpu.memory_space<vmem>> -> memref<1x20x128xf32, #tpu.memory_space<vmem>>
    %dma_start3A_61 = tpu.memref_squeeze %dma_start3A_60 : memref<1x20x128xf32, #tpu.memory_space<vmem>> -> memref<20x128xf32, #tpu.memory_space<vmem>>
    %dma_start3A_62 = arith.constant 0 : i32
    %dma_start3A_63 = tpu.memref_slice %arg5[%dma_start3A_56, %dma_start3A_62] : memref<256x20xi32, #tpu.memory_space<vmem>> -> memref<1x20xi32, #tpu.memory_space<vmem>>
    %dma_start3A_64 = tpu.memref_squeeze %dma_start3A_63 : memref<1x20xi32, #tpu.memory_space<vmem>> -> memref<20xi32, #tpu.memory_space<vmem>>
    %dma_start3A_65 = arith.constant 0 : i32
    %dma_start3A_66 = arith.constant 0 : i32
    %dma_start3A_67 = tpu.memref_slice %arg3[%dma_start3A_65, %dma_start3A_66] : memref<100000x128xf32, #tpu.memory_space<hbm>> -> memref<100000x128xf32, #tpu.memory_space<hbm>>
    tpu.enqueue_indirect_dma source(%dma_start3A_67 : memref<100000x128xf32, #tpu.memory_space<hbm>>) target(%dma_start3A_61 : memref<20x128xf32, #tpu.memory_space<vmem>>) offsets(%dma_start3A_64 : memref<20xi32, #tpu.memory_space<vmem>>) semaphore(%arg11 : memref<!tpu.dma_semaphore, #tpu.memory_space<semaphore_mem>>)
    %scan3A = arith.constant 0 : i32
    %scan3A_68 = arith.constant 0 : i32
    %scan3A_69 = arith.constant 64 : i32
    %scan3A_70 = arith.addi %scan3A_68, %scan3A_69 : i32
    %scan3A_71 = arith.constant 1 : i32
    %scan3A_72 = scf.for %scan3A_129 = %scan3A_68 to %scan3A_70 step %scan3A_71 iter_args(%scan3A_130 = %scan3A) -> (i32)  : i32 {
      %mul3A_131 = arith.constant 4 : i32
      %mul3A_132 = arith.muli %scan3A_129, %mul3A_131 : i32
      %add3A_133 = arith.constant 0 : i32
      %add3A_134 = arith.addi %mul3A_132, %add3A_133 : i32
      %add3A_135 = arith.constant 4 : i32
      %add3A_136 = arith.addi %add3A_134, %add3A_135 : i32
      %sub3A_137 = arith.constant 1 : i32
      %sub3A_138 = arith.subi %add3A_136, %sub3A_137 : i32
      %lt3A_139 = arith.constant 256 : i32
      %lt3A_140 = arith.cmpi slt, %sub3A_138, %lt3A_139 : i32
      %convert_element_type3A = arith.extui %lt3A_140 : i1 to i32
      %cond3A = arith.constant 0 : i32
      %cond3A_141 = arith.cmpi ne, %convert_element_type3A, %cond3A : i32
      scf.if %cond3A_141 {
        %dma_start3A_5493 = arith.constant 3 : i32
        %dma_start3A_5494 = arith.constant 0 : i32
        %dma_start3A_5495 = arith.constant 0 : i32
        %dma_start3A_5496 = tpu.memref_slice %arg6[%dma_start3A_5493, %dma_start3A_5494, %dma_start3A_5495] : memref<4x20x128xf32, #tpu.memory_space<vmem>> -> memref<1x20x128xf32, #tpu.memory_space<vmem>>
        %dma_start3A_5497 = tpu.memref_squeeze %dma_start3A_5496 : memref<1x20x128xf32, #tpu.memory_space<vmem>> -> memref<20x128xf32, #tpu.memory_space<vmem>>
        %dma_start3A_5498 = arith.constant 0 : i32
        %dma_start3A_5499 = tpu.memref_slice %arg5[%sub3A_138, %dma_start3A_5498] : memref<256x20xi32, #tpu.memory_space<vmem>> -> memref<1x20xi32, #tpu.memory_space<vmem>>
        %dma_start3A_5500 = tpu.memref_squeeze %dma_start3A_5499 : memref<1x20xi32, #tpu.memory_space<vmem>> -> memref<20xi32, #tpu.memory_space<vmem>>
        %dma_start3A_5501 = arith.constant 0 : i32
        %dma_start3A_5502 = arith.constant 0 : i32
        %dma_start3A_5503 = tpu.memref_slice %arg3[%dma_start3A_5501, %dma_start3A_5502] : memref<100000x128xf32, #tpu.memory_space<hbm>> -> memref<100000x128xf32, #tpu.memory_space<hbm>>
        tpu.enqueue_indirect_dma source(%dma_start3A_5503 : memref<100000x128xf32, #tpu.memory_space<hbm>>) target(%dma_start3A_5497 : memref<20x128xf32, #tpu.memory_space<vmem>>) offsets(%dma_start3A_5500 : memref<20xi32, #tpu.memory_space<vmem>>) semaphore(%arg12 : memref<!tpu.dma_semaphore, #tpu.memory_space<semaphore_mem>>)
      } else {
      }
      %dma_wait3A_142 = arith.constant 0 : i32
      %dma_wait3A_143 = arith.constant 0 : i32
      %dma_wait3A_144 = arith.constant 0 : i32
      %dma_wait3A_145 = tpu.memref_slice %arg6[%dma_wait3A_142, %dma_wait3A_143, %dma_wait3A_144] : memref<4x20x128xf32, #tpu.memory_space<vmem>> -> memref<1x20x128xf32, #tpu.memory_space<vmem>>
      %dma_wait3A_146 = tpu.memref_squeeze %dma_wait3A_145 : memref<1x20x128xf32, #tpu.memory_space<vmem>> -> memref<20x128xf32, #tpu.memory_space<vmem>>
      %dma_wait3A_147 = arith.constant 0 : i32
      %dma_wait3A_148 = tpu.memref_slice %arg5[%add3A_134, %dma_wait3A_147] : memref<256x20xi32, #tpu.memory_space<vmem>> -> memref<1x20xi32, #tpu.memory_space<vmem>>
      %dma_wait3A_149 = tpu.memref_squeeze %dma_wait3A_148 : memref<1x20xi32, #tpu.memory_space<vmem>> -> memref<20xi32, #tpu.memory_space<vmem>>
      %dma_wait3A_150 = arith.constant 0 : i32
      %dma_wait3A_151 = arith.constant 0 : i32
      %dma_wait3A_152 = tpu.memref_slice %arg3[%dma_wait3A_150, %dma_wait3A_151] : memref<100000x128xf32, #tpu.memory_space<hbm>> -> memref<100000x128xf32, #tpu.memory_space<hbm>>
      tpu.wait_indirect_dma semaphore(%arg9 : memref<!tpu.dma_semaphore, #tpu.memory_space<semaphore_mem>>) src(%dma_wait3A_152 : memref<100000x128xf32, #tpu.memory_space<hbm>>) dst(%dma_wait3A_146 : memref<20x128xf32, #tpu.memory_space<vmem>>)
      %get3A = arith.constant 0 : i32
      %get3A_153 = arith.constant 0 : i32
      %get3A_154 = arith.index_cast %get3A : i32 to index
      %get3A_155 = arith.index_cast %get3A_153 : i32 to index
      %get3A_156 = arith.constant 0 : index
      %get3A_157 = tpu.vector_load %arg6[%get3A_154, %get3A_155, %get3A_156] {strides = array<i32>} : memref<4x20x128xf32, #tpu.memory_space<vmem>>, vector<1x1x16xf32>,
      %get3A_158 = vector.shape_cast %get3A_157 : vector<1x1x16xf32> to vector<16xf32>
      %get3A_159 = arith.constant 0 : i32
      %get3A_160 = arith.constant 1 : i32
      %get3A_161 = arith.index_cast %get3A_159 : i32 to index
      %get3A_162 = arith.index_cast %get3A_160 : i32 to index
      %get3A_163 = arith.constant 0 : index
      %get3A_164 = tpu.vector_load %arg6[%get3A_161, %get3A_162, %get3A_163] {strides = array<i32>} : memref<4x20x128xf32, #tpu.memory_space<vmem>>, vector<1x1x16xf32>,
      %get3A_165 = vector.shape_cast %get3A_164 : vector<1x1x16xf32> to vector<16xf32>
      %get3A_166 = arith.constant 0 : i32
      %get3A_167 = arith.constant 2 : i32
      %get3A_168 = arith.index_cast %get3A_166 : i32 to index
      %get3A_169 = arith.index_cast %get3A_167 : i32 to index
      %get3A_170 = arith.constant 0 : index
      %get3A_171 = tpu.vector_load %arg6[%get3A_168, %get3A_169, %get3A_170] {strides = array<i32>} : memref<4x20x128xf32, #tpu.memory_space<vmem>>, vector<1x1x16xf32>,
      %get3A_172 = vector.shape_cast %get3A_171 : vector<1x1x16xf32> to vector<16xf32>
      %get3A_173 = arith.constant 0 : i32
      %get3A_174 = arith.constant 3 : i32
      %get3A_175 = arith.index_cast %get3A_173 : i32 to index
      %get3A_176 = arith.index_cast %get3A_174 : i32 to index
      %get3A_177 = arith.constant 0 : index
      %get3A_178 = tpu.vector_load %arg6[%get3A_175, %get3A_176, %get3A_177] {strides = array<i32>} : memref<4x20x128xf32, #tpu.memory_space<vmem>>, vector<1x1x16xf32>,
      %get3A_179 = vector.shape_cast %get3A_178 : vector<1x1x16xf32> to vector<16xf32>
      %get3A_180 = arith.constant 0 : i32
      %get3A_181 = arith.constant 4 : i32
      %get3A_182 = arith.index_cast %get3A_180 : i32 to index
      %get3A_183 = arith.index_cast %get3A_181 : i32 to index
      %get3A_184 = arith.constant 0 : index
      %get3A_185 = tpu.vector_load %arg6[%get3A_182, %get3A_183, %get3A_184] {strides = array<i32>} : memref<4x20x128xf32, #tpu.memory_space<vmem>>, vector<1x1x16xf32>,
      %get3A_186 = vector.shape_cast %get3A_185 : vector<1x1x16xf32> to vector<16xf32>
      %get3A_187 = arith.constant 0 : i32
      %get3A_188 = arith.constant 5 : i32
      %get3A_189 = arith.index_cast %get3A_187 : i32 to index
      %get3A_190 = arith.index_cast %get3A_188 : i32 to index
      %get3A_191 = arith.constant 0 : index
      %get3A_192 = tpu.vector_load %arg6[%get3A_189, %get3A_190, %get3A_191] {strides = array<i32>} : memref<4x20x128xf32, #tpu.memory_space<vmem>>, vector<1x1x16xf32>,
      %get3A_193 = vector.shape_cast %get3A_192 : vector<1x1x16xf32> to vector<16xf32>
      %get3A_194 = arith.constant 0 : i32
      %get3A_195 = arith.constant 6 : i32
      %get3A_196 = arith.index_cast %get3A_194 : i32 to index
      %get3A_197 = arith.index_cast %get3A_195 : i32 to index
      %get3A_198 = arith.constant 0 : index
      %get3A_199 = tpu.vector_load %arg6[%get3A_196, %get3A_197, %get3A_198] {strides = array<i32>} : memref<4x20x128xf32, #tpu.memory_space<vmem>>, vector<1x1x16xf32>,
      %get3A_200 = vector.shape_cast %get3A_199 : vector<1x1x16xf32> to vector<16xf32>
      %get3A_201 = arith.constant 0 : i32
      %get3A_202 = arith.constant 7 : i32
      %get3A_203 = arith.index_cast %get3A_201 : i32 to index
      %get3A_204 = arith.index_cast %get3A_202 : i32 to index
      %get3A_205 = arith.constant 0 : index
      %get3A_206 = tpu.vector_load %arg6[%get3A_203, %get3A_204, %get3A_205] {strides = array<i32>} : memref<4x20x128xf32, #tpu.memory_space<vmem>>, vector<1x1x16xf32>,
      %get3A_207 = vector.shape_cast %get3A_206 : vector<1x1x16xf32> to vector<16xf32>
      %get3A_208 = arith.constant 0 : i32
      %get3A_209 = arith.constant 8 : i32
      %get3A_210 = arith.index_cast %get3A_208 : i32 to index
      %get3A_211 = arith.index_cast %get3A_209 : i32 to index
      %get3A_212 = arith.constant 0 : index
      %get3A_213 = tpu.vector_load %arg6[%get3A_210, %get3A_211, %get3A_212] {strides = array<i32>} : memref<4x20x128xf32, #tpu.memory_space<vmem>>, vector<1x1x16xf32>,
      %get3A_214 = vector.shape_cast %get3A_213 : vector<1x1x16xf32> to vector<16xf32>
      %get3A_215 = arith.constant 0 : i32
      %get3A_216 = arith.constant 9 : i32
      %get3A_217 = arith.index_cast %get3A_215 : i32 to index
      %get3A_218 = arith.index_cast %get3A_216 : i32 to index
      %get3A_219 = arith.constant 0 : index
      %get3A_220 = tpu.vector_load %arg6[%get3A_217, %get3A_218, %get3A_219] {strides = array<i32>} : memref<4x20x128xf32, #tpu.memory_space<vmem>>, vector<1x1x16xf32>,
      %get3A_221 = vector.shape_cast %get3A_220 : vector<1x1x16xf32> to vector<16xf32>
      %get3A_222 = arith.constant 0 : i32
      %get3A_223 = arith.constant 10 : i32
      %get3A_224 = arith.index_cast %get3A_222 : i32 to index
      %get3A_225 = arith.index_cast %get3A_223 : i32 to index
      %get3A_226 = arith.constant 0 : index
      %get3A_227 = tpu.vector_load %arg6[%get3A_224, %get3A_225, %get3A_226] {strides = array<i32>} : memref<4x20x128xf32, #tpu.memory_space<vmem>>, vector<1x1x16xf32>,
      %get3A_228 = vector.shape_cast %get3A_227 : vector<1x1x16xf32> to vector<16xf32>
      %get3A_229 = arith.constant 0 : i32
      %get3A_230 = arith.constant 11 : i32
      %get3A_231 = arith.index_cast %get3A_229 : i32 to index
      %get3A_232 = arith.index_cast %get3A_230 : i32 to index
      %get3A_233 = arith.constant 0 : index
      %get3A_234 = tpu.vector_load %arg6[%get3A_231, %get3A_232, %get3A_233] {strides = array<i32>} : memref<4x20x128xf32, #tpu.memory_space<vmem>>, vector<1x1x16xf32>,
      %get3A_235 = vector.shape_cast %get3A_234 : vector<1x1x16xf32> to vector<16xf32>
      %get3A_236 = arith.constant 0 : i32
      %get3A_237 = arith.constant 12 : i32
      %get3A_238 = arith.index_cast %get3A_236 : i32 to index
      %get3A_239 = arith.index_cast %get3A_237 : i32 to index
      %get3A_240 = arith.constant 0 : index
      %get3A_241 = tpu.vector_load %arg6[%get3A_238, %get3A_239, %get3A_240] {strides = array<i32>} : memref<4x20x128xf32, #tpu.memory_space<vmem>>, vector<1x1x16xf32>,
      %get3A_242 = vector.shape_cast %get3A_241 : vector<1x1x16xf32> to vector<16xf32>
      %get3A_243 = arith.constant 0 : i32
      %get3A_244 = arith.constant 13 : i32
      %get3A_245 = arith.index_cast %get3A_243 : i32 to index
      %get3A_246 = arith.index_cast %get3A_244 : i32 to index
      %get3A_247 = arith.constant 0 : index
      %get3A_248 = tpu.vector_load %arg6[%get3A_245, %get3A_246, %get3A_247] {strides = array<i32>} : memref<4x20x128xf32, #tpu.memory_space<vmem>>, vector<1x1x16xf32>,
      %get3A_249 = vector.shape_cast %get3A_248 : vector<1x1x16xf32> to vector<16xf32>
      %get3A_250 = arith.constant 0 : i32
      %get3A_251 = arith.constant 14 : i32
      %get3A_252 = arith.index_cast %get3A_250 : i32 to index
      %get3A_253 = arith.index_cast %get3A_251 : i32 to index
      %get3A_254 = arith.constant 0 : index
      %get3A_255 = tpu.vector_load %arg6[%get3A_252, %get3A_253, %get3A_254] {strides = array<i32>} : memref<4x20x128xf32, #tpu.memory_space<vmem>>, vector<1x1x16xf32>,
      %get3A_256 = vector.shape_cast %get3A_255 : vector<1x1x16xf32> to vector<16xf32>
      %get3A_257 = arith.constant 0 : i32
      %get3A_258 = arith.constant 15 : i32
      %get3A_259 = arith.index_cast %get3A_257 : i32 to index
      %get3A_260 = arith.index_cast %get3A_258 : i32 to index
      %get3A_261 = arith.constant 0 : index
      %get3A_262 = tpu.vector_load %arg6[%get3A_259, %get3A_260, %get3A_261] {strides = array<i32>} : memref<4x20x128xf32, #tpu.memory_space<vmem>>, vector<1x1x16xf32>,
      %get3A_263 = vector.shape_cast %get3A_262 : vector<1x1x16xf32> to vector<16xf32>
      %get3A_264 = arith.constant 0 : i32
      %get3A_265 = arith.constant 16 : i32
      %get3A_266 = arith.index_cast %get3A_264 : i32 to index
      %get3A_267 = arith.index_cast %get3A_265 : i32 to index
      %get3A_268 = arith.constant 0 : index
      %get3A_269 = tpu.vector_load %arg6[%get3A_266, %get3A_267, %get3A_268] {strides = array<i32>} : memref<4x20x128xf32, #tpu.memory_space<vmem>>, vector<1x1x16xf32>,
      %get3A_270 = vector.shape_cast %get3A_269 : vector<1x1x16xf32> to vector<16xf32>
      %get3A_271 = arith.constant 0 : i32
      %get3A_272 = arith.constant 17 : i32
      %get3A_273 = arith.index_cast %get3A_271 : i32 to index
      %get3A_274 = arith.index_cast %get3A_272 : i32 to index
      %get3A_275 = arith.constant 0 : index
      %get3A_276 = tpu.vector_load %arg6[%get3A_273, %get3A_274, %get3A_275] {strides = array<i32>} : memref<4x20x128xf32, #tpu.memory_space<vmem>>, vector<1x1x16xf32>,
      %get3A_277 = vector.shape_cast %get3A_276 : vector<1x1x16xf32> to vector<16xf32>
      %get3A_278 = arith.constant 0 : i32
      %get3A_279 = arith.constant 18 : i32
      %get3A_280 = arith.index_cast %get3A_278 : i32 to index
      %get3A_281 = arith.index_cast %get3A_279 : i32 to index
      %get3A_282 = arith.constant 0 : index
      %get3A_283 = tpu.vector_load %arg6[%get3A_280, %get3A_281, %get3A_282] {strides = array<i32>} : memref<4x20x128xf32, #tpu.memory_space<vmem>>, vector<1x1x16xf32>,
      %get3A_284 = vector.shape_cast %get3A_283 : vector<1x1x16xf32> to vector<16xf32>
      %get3A_285 = arith.constant 0 : i32
      %get3A_286 = arith.constant 19 : i32
      %get3A_287 = arith.index_cast %get3A_285 : i32 to index
      %get3A_288 = arith.index_cast %get3A_286 : i32 to index
      %get3A_289 = arith.constant 0 : index
      %get3A_290 = tpu.vector_load %arg6[%get3A_287, %get3A_288, %get3A_289] {strides = array<i32>} : memref<4x20x128xf32, #tpu.memory_space<vmem>>, vector<1x1x16xf32>,
      %get3A_291 = vector.shape_cast %get3A_290 : vector<1x1x16xf32> to vector<16xf32>
      %add3A_292 = arith.addf %get3A_158, %get3A_165 : vector<16xf32>
      %add3A_293 = arith.addf %get3A_172, %get3A_179 : vector<16xf32>
      %add3A_294 = arith.addf %get3A_186, %get3A_193 : vector<16xf32>
      %add3A_295 = arith.addf %get3A_200, %get3A_207 : vector<16xf32>
      %add3A_296 = arith.addf %get3A_214, %get3A_221 : vector<16xf32>
      %add3A_297 = arith.addf %get3A_228, %get3A_235 : vector<16xf32>
      %add3A_298 = arith.addf %get3A_242, %get3A_249 : vector<16xf32>
      %add3A_299 = arith.addf %get3A_256, %get3A_263 : vector<16xf32>
      %add3A_300 = arith.addf %get3A_270, %get3A_277 : vector<16xf32>
      %add3A_301 = arith.addf %get3A_284, %get3A_291 : vector<16xf32>
      %add3A_302 = arith.addf %add3A_292, %add3A_293 : vector<16xf32>
      %add3A_303 = arith.addf %add3A_294, %add3A_295 : vector<16xf32>
      %add3A_304 = arith.addf %add3A_296, %add3A_297 : vector<16xf32>
      %add3A_305 = arith.addf %add3A_298, %add3A_299 : vector<16xf32>
      %add3A_306 = arith.addf %add3A_300, %add3A_301 : vector<16xf32>
      %add3A_307 = arith.addf %add3A_302, %add3A_303 : vector<16xf32>
      %add3A_308 = arith.addf %add3A_304, %add3A_305 : vector<16xf32>
      %add3A_309 = arith.addf %add3A_307, %add3A_308 : vector<16xf32>
      %add3A_310 = arith.addf %add3A_309, %add3A_306 : vector<16xf32>
      %swap3A = arith.index_cast %add3A_134 : i32 to index
      %swap3A_311 = arith.constant 0 : index
      %swap3A_312 = tpu.vector_load %arg7[%swap3A, %swap3A_311] {strides = array<i32>} : memref<256x128xf32, #tpu.memory_space<vmem>>, vector<1x16xf32>,
      %swap3A_313 = vector.shape_cast %swap3A_312 : vector<1x16xf32> to vector<16xf32>
      %swap3A_314 = vector.shape_cast %add3A_310 : vector<16xf32> to vector<1x16xf32>
      tpu.vector_store %arg7[%swap3A, %swap3A_311], %swap3A_314 {strides = array<i32>} : memref<256x128xf32, #tpu.memory_space<vmem>>, vector<1x16xf32>,
      %get3A_315 = arith.constant 0 : i32
      %get3A_316 = arith.constant 0 : i32
      %get3A_317 = arith.index_cast %get3A_315 : i32 to index
      %get3A_318 = arith.index_cast %get3A_316 : i32 to index
      %get3A_319 = arith.constant 16 : index
      %get3A_320 = tpu.vector_load %arg6[%get3A_317, %get3A_318, %get3A_319] {strides = array<i32>} : memref<4x20x128xf32, #tpu.memory_space<vmem>>, vector<1x1x16xf32>,
      %get3A_321 = vector.shape_cast %get3A_320 : vector<1x1x16xf32> to vector<16xf32>
      %get3A_322 = arith.constant 0 : i32
      %get3A_323 = arith.constant 1 : i32
      %get3A_324 = arith.index_cast %get3A_322 : i32 to index
      %get3A_325 = arith.index_cast %get3A_323 : i32 to index
      %get3A_326 = arith.constant 16 : index
      %get3A_327 = tpu.vector_load %arg6[%get3A_324, %get3A_325, %get3A_326] {strides = array<i32>} : memref<4x20x128xf32, #tpu.memory_space<vmem>>, vector<1x1x16xf32>,
      %get3A_328 = vector.shape_cast %get3A_327 : vector<1x1x16xf32> to vector<16xf32>
      %get3A_329 = arith.constant 0 : i32
      %get3A_330 = arith.constant 2 : i32
      %get3A_331 = arith.index_cast %get3A_329 : i32 to index
      %get3A_332 = arith.index_cast %get3A_330 : i32 to index
      %get3A_333 = arith.constant 16 : index
      %get3A_334 = tpu.vector_load %arg6[%get3A_331, %get3A_332, %get3A_333] {strides = array<i32>} : memref<4x20x128xf32, #tpu.memory_space<vmem>>, vector<1x1x16xf32>,
      %get3A_335 = vector.shape_cast %get3A_334 : vector<1x1x16xf32> to vector<16xf32>
      %get3A_336 = arith.constant 0 : i32
      %get3A_337 = arith.constant 3 : i32
      %get3A_338 = arith.index_cast %get3A_336 : i32 to index
      %get3A_339 = arith.index_cast %get3A_337 : i32 to index
      %get3A_340 = arith.constant 16 : index
      %get3A_341 = tpu.vector_load %arg6[%get3A_338, %get3A_339, %get3A_340] {strides = array<i32>} : memref<4x20x128xf32, #tpu.memory_space<vmem>>, vector<1x1x16xf32>,
      %get3A_342 = vector.shape_cast %get3A_341 : vector<1x1x16xf32> to vector<16xf32>
      %get3A_343 = arith.constant 0 : i32
      %get3A_344 = arith.constant 4 : i32
      %get3A_345 = arith.index_cast %get3A_343 : i32 to index
      %get3A_346 = arith.index_cast %get3A_344 : i32 to index
      %get3A_347 = arith.constant 16 : index
      %get3A_348 = tpu.vector_load %arg6[%get3A_345, %get3A_346, %get3A_347] {strides = array<i32>} : memref<4x20x128xf32, #tpu.memory_space<vmem>>, vector<1x1x16xf32>,
      %get3A_349 = vector.shape_cast %get3A_348 : vector<1x1x16xf32> to vector<16xf32>
      %get3A_350 = arith.constant 0 : i32
      %get3A_351 = arith.constant 5 : i32
      %get3A_352 = arith.index_cast %get3A_350 : i32 to index
      %get3A_353 = arith.index_cast %get3A_351 : i32 to index
      %get3A_354 = arith.constant 16 : index
      %get3A_355 = tpu.vector_load %arg6[%get3A_352, %get3A_353, %get3A_354] {strides = array<i32>} : memref<4x20x128xf32, #tpu.memory_space<vmem>>, vector<1x1x16xf32>,
      %get3A_356 = vector.shape_cast %get3A_355 : vector<1x1x16xf32> to vector<16xf32>
      %get3A_357 = arith.constant 0 : i32
      %get3A_358 = arith.constant 6 : i32
      %get3A_359 = arith.index_cast %get3A_357 : i32 to index
      %get3A_360 = arith.index_cast %get3A_358 : i32 to index
      %get3A_361 = arith.constant 16 : index
      %get3A_362 = tpu.vector_load %arg6[%get3A_359, %get3A_360, %get3A_361] {strides = array<i32>} : memref<4x20x128xf32, #tpu.memory_space<vmem>>, vector<1x1x16xf32>,
      %get3A_363 = vector.shape_cast %get3A_362 : vector<1x1x16xf32> to vector<16xf32>
      %get3A_364 = arith.constant 0 : i32
      %get3A_365 = arith.constant 7 : i32
      %get3A_366 = arith.index_cast %get3A_364 : i32 to index
      %get3A_367 = arith.index_cast %get3A_365 : i32 to index
      %get3A_368 = arith.constant 16 : index
      %get3A_369 = tpu.vector_load %arg6[%get3A_366, %get3A_367, %get3A_368] {strides = array<i32>} : memref<4x20x128xf32, #tpu.memory_space<vmem>>, vector<1x1x16xf32>,
      %get3A_370 = vector.shape_cast %get3A_369 : vector<1x1x16xf32> to vector<16xf32>
      %get3A_371 = arith.constant 0 : i32
      %get3A_372 = arith.constant 8 : i32
      %get3A_373 = arith.index_cast %get3A_371 : i32 to index
      %get3A_374 = arith.index_cast %get3A_372 : i32 to index
      %get3A_375 = arith.constant 16 : index
      %get3A_376 = tpu.vector_load %arg6[%get3A_373, %get3A_374, %get3A_375] {strides = array<i32>} : memref<4x20x128xf32, #tpu.memory_space<vmem>>, vector<1x1x16xf32>,
      %get3A_377 = vector.shape_cast %get3A_376 : vector<1x1x16xf32> to vector<16xf32>
      %get3A_378 = arith.constant 0 : i32
      %get3A_379 = arith.constant 9 : i32
      %get3A_380 = arith.index_cast %get3A_378 : i32 to index
      %get3A_381 = arith.index_cast %get3A_379 : i32 to index
      %get3A_382 = arith.constant 16 : index
      %get3A_383 = tpu.vector_load %arg6[%get3A_380, %get3A_381, %get3A_382] {strides = array<i32>} : memref<4x20x128xf32, #tpu.memory_space<vmem>>, vector<1x1x16xf32>,
      %get3A_384 = vector.shape_cast %get3A_383 : vector<1x1x16xf32> to vector<16xf32>
      %get3A_385 = arith.constant 0 : i32
      %get3A_386 = arith.constant 10 : i32
      %get3A_387 = arith.index_cast %get3A_385 : i32 to index
      %get3A_388 = arith.index_cast %get3A_386 : i32 to index
      %get3A_389 = arith.constant 16 : index
      %get3A_390 = tpu.vector_load %arg6[%get3A_387, %get3A_388, %get3A_389] {strides = array<i32>} : memref<4x20x128xf32, #tpu.memory_space<vmem>>, vector<1x1x16xf32>,
      %get3A_391 = vector.shape_cast %get3A_390 : vector<1x1x16xf32> to vector<16xf32>
      %get3A_392 = arith.constant 0 : i32
      %get3A_393 = arith.constant 11 : i32
      %get3A_394 = arith.index_cast %get3A_392 : i32 to index
      %get3A_395 = arith.index_cast %get3A_393 : i32 to index
      %get3A_396 = arith.constant 16 : index
      %get3A_397 = tpu.vector_load %arg6[%get3A_394, %get3A_395, %get3A_396] {strides = array<i32>} : memref<4x20x128xf32, #tpu.memory_space<vmem>>, vector<1x1x16xf32>,
      %get3A_398 = vector.shape_cast %get3A_397 : vector<1x1x16xf32> to vector<16xf32>
      %get3A_399 = arith.constant 0 : i32
      %get3A_400 = arith.constant 12 : i32
      %get3A_401 = arith.index_cast %get3A_399 : i32 to index
      %get3A_402 = arith.index_cast %get3A_400 : i32 to index
      %get3A_403 = arith.constant 16 : index
      %get3A_404 = tpu.vector_load %arg6[%get3A_401, %get3A_402, %get3A_403] {strides = array<i32>} : memref<4x20x128xf32, #tpu.memory_space<vmem>>, vector<1x1x16xf32>,
      %get3A_405 = vector.shape_cast %get3A_404 : vector<1x1x16xf32> to vector<16xf32>
      %get3A_406 = arith.constant 0 : i32
      %get3A_407 = arith.constant 13 : i32
      %get3A_408 = arith.index_cast %get3A_406 : i32 to index
      %get3A_409 = arith.index_cast %get3A_407 : i32 to index
      %get3A_410 = arith.constant 16 : index
      %get3A_411 = tpu.vector_load %arg6[%get3A_408, %get3A_409, %get3A_410] {strides = array<i32>} : memref<4x20x128xf32, #tpu.memory_space<vmem>>, vector<1x1x16xf32>,
      %get3A_412 = vector.shape_cast %get3A_411 : vector<1x1x16xf32> to vector<16xf32>
      %get3A_413 = arith.constant 0 : i32
      %get3A_414 = arith.constant 14 : i32
      %get3A_415 = arith.index_cast %get3A_413 : i32 to index
      %get3A_416 = arith.index_cast %get3A_414 : i32 to index
      %get3A_417 = arith.constant 16 : index
      %get3A_418 = tpu.vector_load %arg6[%get3A_415, %get3A_416, %get3A_417] {strides = array<i32>} : memref<4x20x128xf32, #tpu.memory_space<vmem>>, vector<1x1x16xf32>,
      %get3A_419 = vector.shape_cast %get3A_418 : vector<1x1x16xf32> to vector<16xf32>
      %get3A_420 = arith.constant 0 : i32
      %get3A_421 = arith.constant 15 : i32
      %get3A_422 = arith.index_cast %get3A_420 : i32 to index
      %get3A_423 = arith.index_cast %get3A_421 : i32 to index
      %get3A_424 = arith.constant 16 : index
      %get3A_425 = tpu.vector_load %arg6[%get3A_422, %get3A_423, %get3A_424] {strides = array<i32>} : memref<4x20x128xf32, #tpu.memory_space<vmem>>, vector<1x1x16xf32>,
      %get3A_426 = vector.shape_cast %get3A_425 : vector<1x1x16xf32> to vector<16xf32>
      %get3A_427 = arith.constant 0 : i32
      %get3A_428 = arith.constant 16 : i32
      %get3A_429 = arith.index_cast %get3A_427 : i32 to index
      %get3A_430 = arith.index_cast %get3A_428 : i32 to index
      %get3A_431 = arith.constant 16 : index
      %get3A_432 = tpu.vector_load %arg6[%get3A_429, %get3A_430, %get3A_431] {strides = array<i32>} : memref<4x20x128xf32, #tpu.memory_space<vmem>>, vector<1x1x16xf32>,
      %get3A_433 = vector.shape_cast %get3A_432 : vector<1x1x16xf32> to vector<16xf32>
      %get3A_434 = arith.constant 0 : i32
      %get3A_435 = arith.constant 17 : i32
      %get3A_436 = arith.index_cast %get3A_434 : i32 to index
      %get3A_437 = arith.index_cast %get3A_435 : i32 to index
      %get3A_438 = arith.constant 16 : index
      %get3A_439 = tpu.vector_load %arg6[%get3A_436, %get3A_437, %get3A_438] {strides = array<i32>} : memref<4x20x128xf32, #tpu.memory_space<vmem>>, vector<1x1x16xf32>,
      %get3A_440 = vector.shape_cast %get3A_439 : vector<1x1x16xf32> to vector<16xf32>
      %get3A_441 = arith.constant 0 : i32
      %get3A_442 = arith.constant 18 : i32
      %get3A_443 = arith.index_cast %get3A_441 : i32 to index
      %get3A_444 = arith.index_cast %get3A_442 : i32 to index
      %get3A_445 = arith.constant 16 : index
      %get3A_446 = tpu.vector_load %arg6[%get3A_443, %get3A_444, %get3A_445] {strides = array<i32>} : memref<4x20x128xf32, #tpu.memory_space<vmem>>, vector<1x1x16xf32>,
      %get3A_447 = vector.shape_cast %get3A_446 : vector<1x1x16xf32> to vector<16xf32>
      %get3A_448 = arith.constant 0 : i32
      %get3A_449 = arith.constant 19 : i32
      %get3A_450 = arith.index_cast %get3A_448 : i32 to index
      %get3A_451 = arith.index_cast %get3A_449 : i32 to index
      %get3A_452 = arith.constant 16 : index
      %get3A_453 = tpu.vector_load %arg6[%get3A_450, %get3A_451, %get3A_452] {strides = array<i32>} : memref<4x20x128xf32, #tpu.memory_space<vmem>>, vector<1x1x16xf32>,
      %get3A_454 = vector.shape_cast %get3A_453 : vector<1x1x16xf32> to vector<16xf32>
      %add3A_455 = arith.addf %get3A_321, %get3A_328 : vector<16xf32>
      %add3A_456 = arith.addf %get3A_335, %get3A_342 : vector<16xf32>
      %add3A_457 = arith.addf %get3A_349, %get3A_356 : vector<16xf32>
      %add3A_458 = arith.addf %get3A_363, %get3A_370 : vector<16xf32>
      %add3A_459 = arith.addf %get3A_377, %get3A_384 : vector<16xf32>
      %add3A_460 = arith.addf %get3A_391, %get3A_398 : vector<16xf32>
      %add3A_461 = arith.addf %get3A_405, %get3A_412 : vector<16xf32>
      %add3A_462 = arith.addf %get3A_419, %get3A_426 : vector<16xf32>
      %add3A_463 = arith.addf %get3A_433, %get3A_440 : vector<16xf32>
      %add3A_464 = arith.addf %get3A_447, %get3A_454 : vector<16xf32>
      %add3A_465 = arith.addf %add3A_455, %add3A_456 : vector<16xf32>
      %add3A_466 = arith.addf %add3A_457, %add3A_458 : vector<16xf32>
      %add3A_467 = arith.addf %add3A_459, %add3A_460 : vector<16xf32>
      %add3A_468 = arith.addf %add3A_461, %add3A_462 : vector<16xf32>
      %add3A_469 = arith.addf %add3A_463, %add3A_464 : vector<16xf32>
      %add3A_470 = arith.addf %add3A_465, %add3A_466 : vector<16xf32>
      %add3A_471 = arith.addf %add3A_467, %add3A_468 : vector<16xf32>
      %add3A_472 = arith.addf %add3A_470, %add3A_471 : vector<16xf32>
      %add3A_473 = arith.addf %add3A_472, %add3A_469 : vector<16xf32>
      %swap3A_474 = arith.index_cast %add3A_134 : i32 to index
      %swap3A_475 = arith.constant 16 : index
      %swap3A_476 = tpu.vector_load %arg7[%swap3A_474, %swap3A_475] {strides = array<i32>} : memref<256x128xf32, #tpu.memory_space<vmem>>, vector<1x16xf32>,
      %swap3A_477 = vector.shape_cast %swap3A_476 : vector<1x16xf32> to vector<16xf32>
      %swap3A_478 = vector.shape_cast %add3A_473 : vector<16xf32> to vector<1x16xf32>
      tpu.vector_store %arg7[%swap3A_474, %swap3A_475], %swap3A_478 {strides = array<i32>} : memref<256x128xf32, #tpu.memory_space<vmem>>, vector<1x16xf32>,
      %get3A_479 = arith.constant 0 : i32
      %get3A_480 = arith.constant 0 : i32
      %get3A_481 = arith.index_cast %get3A_479 : i32 to index
      %get3A_482 = arith.index_cast %get3A_480 : i32 to index
      %get3A_483 = arith.constant 32 : index
      %get3A_484 = tpu.vector_load %arg6[%get3A_481, %get3A_482, %get3A_483] {strides = array<i32>} : memref<4x20x128xf32, #tpu.memory_space<vmem>>, vector<1x1x16xf32>,
      %get3A_485 = vector.shape_cast %get3A_484 : vector<1x1x16xf32> to vector<16xf32>
      %get3A_486 = arith.constant 0 : i32
      %get3A_487 = arith.constant 1 : i32
      %get3A_488 = arith.index_cast %get3A_486 : i32 to index
      %get3A_489 = arith.index_cast %get3A_487 : i32 to index
      %get3A_490 = arith.constant 32 : index
      %get3A_491 = tpu.vector_load %arg6[%get3A_488, %get3A_489, %get3A_490] {strides = array<i32>} : memref<4x20x128xf32, #tpu.memory_space<vmem>>, vector<1x1x16xf32>,
      %get3A_492 = vector.shape_cast %get3A_491 : vector<1x1x16xf32> to vector<16xf32>
      %get3A_493 = arith.constant 0 : i32
      %get3A_494 = arith.constant 2 : i32
      %get3A_495 = arith.index_cast %get3A_493 : i32 to index
      %get3A_496 = arith.index_cast %get3A_494 : i32 to index
      %get3A_497 = arith.constant 32 : index
      %get3A_498 = tpu.vector_load %arg6[%get3A_495, %get3A_496, %get3A_497] {strides = array<i32>} : memref<4x20x128xf32, #tpu.memory_space<vmem>>, vector<1x1x16xf32>,
      %get3A_499 = vector.shape_cast %get3A_498 : vector<1x1x16xf32> to vector<16xf32>
      %get3A_500 = arith.constant 0 : i32
      %get3A_501 = arith.constant 3 : i32
      %get3A_502 = arith.index_cast %get3A_500 : i32 to index
      %get3A_503 = arith.index_cast %get3A_501 : i32 to index
      %get3A_504 = arith.constant 32 : index
      %get3A_505 = tpu.vector_load %arg6[%get3A_502, %get3A_503, %get3A_504] {strides = array<i32>} : memref<4x20x128xf32, #tpu.memory_space<vmem>>, vector<1x1x16xf32>,
      %get3A_506 = vector.shape_cast %get3A_505 : vector<1x1x16xf32> to vector<16xf32>
      %get3A_507 = arith.constant 0 : i32
      %get3A_508 = arith.constant 4 : i32
      %get3A_509 = arith.index_cast %get3A_507 : i32 to index
      %get3A_510 = arith.index_cast %get3A_508 : i32 to index
      %get3A_511 = arith.constant 32 : index
      %get3A_512 = tpu.vector_load %arg6[%get3A_509, %get3A_510, %get3A_511] {strides = array<i32>} : memref<4x20x128xf32, #tpu.memory_space<vmem>>, vector<1x1x16xf32>,
      %get3A_513 = vector.shape_cast %get3A_512 : vector<1x1x16xf32> to vector<16xf32>
      %get3A_514 = arith.constant 0 : i32
      %get3A_515 = arith.constant 5 : i32
      %get3A_516 = arith.index_cast %get3A_514 : i32 to index
      %get3A_517 = arith.index_cast %get3A_515 : i32 to index
      %get3A_518 = arith.constant 32 : index
      %get3A_519 = tpu.vector_load %arg6[%get3A_516, %get3A_517, %get3A_518] {strides = array<i32>} : memref<4x20x128xf32, #tpu.memory_space<vmem>>, vector<1x1x16xf32>,
      %get3A_520 = vector.shape_cast %get3A_519 : vector<1x1x16xf32> to vector<16xf32>
      %get3A_521 = arith.constant 0 : i32
      %get3A_522 = arith.constant 6 : i32
      %get3A_523 = arith.index_cast %get3A_521 : i32 to index
      %get3A_524 = arith.index_cast %get3A_522 : i32 to index
      %get3A_525 = arith.constant 32 : index
      %get3A_526 = tpu.vector_load %arg6[%get3A_523, %get3A_524, %get3A_525] {strides = array<i32>} : memref<4x20x128xf32, #tpu.memory_space<vmem>>, vector<1x1x16xf32>,
      %get3A_527 = vector.shape_cast %get3A_526 : vector<1x1x16xf32> to vector<16xf32>
      %get3A_528 = arith.constant 0 : i32
      %get3A_529 = arith.constant 7 : i32
      %get3A_530 = arith.index_cast %get3A_528 : i32 to index
      %get3A_531 = arith.index_cast %get3A_529 : i32 to index
      %get3A_532 = arith.constant 32 : index
      %get3A_533 = tpu.vector_load %arg6[%get3A_530, %get3A_531, %get3A_532] {strides = array<i32>} : memref<4x20x128xf32, #tpu.memory_space<vmem>>, vector<1x1x16xf32>,
      %get3A_534 = vector.shape_cast %get3A_533 : vector<1x1x16xf32> to vector<16xf32>
      %get3A_535 = arith.constant 0 : i32
      %get3A_536 = arith.constant 8 : i32
      %get3A_537 = arith.index_cast %get3A_535 : i32 to index
      %get3A_538 = arith.index_cast %get3A_536 : i32 to index
      %get3A_539 = arith.constant 32 : index
      %get3A_540 = tpu.vector_load %arg6[%get3A_537, %get3A_538, %get3A_539] {strides = array<i32>} : memref<4x20x128xf32, #tpu.memory_space<vmem>>, vector<1x1x16xf32>,
      %get3A_541 = vector.shape_cast %get3A_540 : vector<1x1x16xf32> to vector<16xf32>
      %get3A_542 = arith.constant 0 : i32
      %get3A_543 = arith.constant 9 : i32
      %get3A_544 = arith.index_cast %get3A_542 : i32 to index
      %get3A_545 = arith.index_cast %get3A_543 : i32 to index
      %get3A_546 = arith.constant 32 : index
      %get3A_547 = tpu.vector_load %arg6[%get3A_544, %get3A_545, %get3A_546] {strides = array<i32>} : memref<4x20x128xf32, #tpu.memory_space<vmem>>, vector<1x1x16xf32>,
      %get3A_548 = vector.shape_cast %get3A_547 : vector<1x1x16xf32> to vector<16xf32>
      %get3A_549 = arith.constant 0 : i32
      %get3A_550 = arith.constant 10 : i32
      %get3A_551 = arith.index_cast %get3A_549 : i32 to index
      %get3A_552 = arith.index_cast %get3A_550 : i32 to index
      %get3A_553 = arith.constant 32 : index
      %get3A_554 = tpu.vector_load %arg6[%get3A_551, %get3A_552, %get3A_553] {strides = array<i32>} : memref<4x20x128xf32, #tpu.memory_space<vmem>>, vector<1x1x16xf32>,
      %get3A_555 = vector.shape_cast %get3A_554 : vector<1x1x16xf32> to vector<16xf32>
      %get3A_556 = arith.constant 0 : i32
      %get3A_557 = arith.constant 11 : i32
      %get3A_558 = arith.index_cast %get3A_556 : i32 to index
      %get3A_559 = arith.index_cast %get3A_557 : i32 to index
      %get3A_560 = arith.constant 32 : index
      %get3A_561 = tpu.vector_load %arg6[%get3A_558, %get3A_559, %get3A_560] {strides = array<i32>} : memref<4x20x128xf32, #tpu.memory_space<vmem>>, vector<1x1x16xf32>,
      %get3A_562 = vector.shape_cast %get3A_561 : vector<1x1x16xf32> to vector<16xf32>
      %get3A_563 = arith.constant 0 : i32
      %get3A_564 = arith.constant 12 : i32
      %get3A_565 = arith.index_cast %get3A_563 : i32 to index
      %get3A_566 = arith.index_cast %get3A_564 : i32 to index
      %get3A_567 = arith.constant 32 : index
      %get3A_568 = tpu.vector_load %arg6[%get3A_565, %get3A_566, %get3A_567] {strides = array<i32>} : memref<4x20x128xf32, #tpu.memory_space<vmem>>, vector<1x1x16xf32>,
      %get3A_569 = vector.shape_cast %get3A_568 : vector<1x1x16xf32> to vector<16xf32>
      %get3A_570 = arith.constant 0 : i32
      %get3A_571 = arith.constant 13 : i32
      %get3A_572 = arith.index_cast %get3A_570 : i32 to index
      %get3A_573 = arith.index_cast %get3A_571 : i32 to index
      %get3A_574 = arith.constant 32 : index
      %get3A_575 = tpu.vector_load %arg6[%get3A_572, %get3A_573, %get3A_574] {strides = array<i32>} : memref<4x20x128xf32, #tpu.memory_space<vmem>>, vector<1x1x16xf32>,
      %get3A_576 = vector.shape_cast %get3A_575 : vector<1x1x16xf32> to vector<16xf32>
      %get3A_577 = arith.constant 0 : i32
      %get3A_578 = arith.constant 14 : i32
      %get3A_579 = arith.index_cast %get3A_577 : i32 to index
      %get3A_580 = arith.index_cast %get3A_578 : i32 to index
      %get3A_581 = arith.constant 32 : index
      %get3A_582 = tpu.vector_load %arg6[%get3A_579, %get3A_580, %get3A_581] {strides = array<i32>} : memref<4x20x128xf32, #tpu.memory_space<vmem>>, vector<1x1x16xf32>,
      %get3A_583 = vector.shape_cast %get3A_582 : vector<1x1x16xf32> to vector<16xf32>
      %get3A_584 = arith.constant 0 : i32
      %get3A_585 = arith.constant 15 : i32
      %get3A_586 = arith.index_cast %get3A_584 : i32 to index
      %get3A_587 = arith.index_cast %get3A_585 : i32 to index
      %get3A_588 = arith.constant 32 : index
      %get3A_589 = tpu.vector_load %arg6[%get3A_586, %get3A_587, %get3A_588] {strides = array<i32>} : memref<4x20x128xf32, #tpu.memory_space<vmem>>, vector<1x1x16xf32>,
      %get3A_590 = vector.shape_cast %get3A_589 : vector<1x1x16xf32> to vector<16xf32>
      %get3A_591 = arith.constant 0 : i32
      %get3A_592 = arith.constant 16 : i32
      %get3A_593 = arith.index_cast %get3A_591 : i32 to index
      %get3A_594 = arith.index_cast %get3A_592 : i32 to index
      %get3A_595 = arith.constant 32 : index
      %get3A_596 = tpu.vector_load %arg6[%get3A_593, %get3A_594, %get3A_595] {strides = array<i32>} : memref<4x20x128xf32, #tpu.memory_space<vmem>>, vector<1x1x16xf32>,
      %get3A_597 = vector.shape_cast %get3A_596 : vector<1x1x16xf32> to vector<16xf32>
      %get3A_598 = arith.constant 0 : i32
      %get3A_599 = arith.constant 17 : i32
      %get3A_600 = arith.index_cast %get3A_598 : i32 to index
      %get3A_601 = arith.index_cast %get3A_599 : i32 to index
      %get3A_602 = arith.constant 32 : index
      %get3A_603 = tpu.vector_load %arg6[%get3A_600, %get3A_601, %get3A_602] {strides = array<i32>} : memref<4x20x128xf32, #tpu.memory_space<vmem>>, vector<1x1x16xf32>,
      %get3A_604 = vector.shape_cast %get3A_603 : vector<1x1x16xf32> to vector<16xf32>
      %get3A_605 = arith.constant 0 : i32
      %get3A_606 = arith.constant 18 : i32
      %get3A_607 = arith.index_cast %get3A_605 : i32 to index
      %get3A_608 = arith.index_cast %get3A_606 : i32 to index
      %get3A_609 = arith.constant 32 : index
      %get3A_610 = tpu.vector_load %arg6[%get3A_607, %get3A_608, %get3A_609] {strides = array<i32>} : memref<4x20x128xf32, #tpu.memory_space<vmem>>, vector<1x1x16xf32>,
      %get3A_611 = vector.shape_cast %get3A_610 : vector<1x1x16xf32> to vector<16xf32>
      %get3A_612 = arith.constant 0 : i32
      %get3A_613 = arith.constant 19 : i32
      %get3A_614 = arith.index_cast %get3A_612 : i32 to index
      %get3A_615 = arith.index_cast %get3A_613 : i32 to index
      %get3A_616 = arith.constant 32 : index
      %get3A_617 = tpu.vector_load %arg6[%get3A_614, %get3A_615, %get3A_616] {strides = array<i32>} : memref<4x20x128xf32, #tpu.memory_space<vmem>>, vector<1x1x16xf32>,
      %get3A_618 = vector.shape_cast %get3A_617 : vector<1x1x16xf32> to vector<16xf32>
      %add3A_619 = arith.addf %get3A_485, %get3A_492 : vector<16xf32>
      %add3A_620 = arith.addf %get3A_499, %get3A_506 : vector<16xf32>
      %add3A_621 = arith.addf %get3A_513, %get3A_520 : vector<16xf32>
      %add3A_622 = arith.addf %get3A_527, %get3A_534 : vector<16xf32>
      %add3A_623 = arith.addf %get3A_541, %get3A_548 : vector<16xf32>
      %add3A_624 = arith.addf %get3A_555, %get3A_562 : vector<16xf32>
      %add3A_625 = arith.addf %get3A_569, %get3A_576 : vector<16xf32>
      %add3A_626 = arith.addf %get3A_583, %get3A_590 : vector<16xf32>
      %add3A_627 = arith.addf %get3A_597, %get3A_604 : vector<16xf32>
      %add3A_628 = arith.addf %get3A_611, %get3A_618 : vector<16xf32>
      %add3A_629 = arith.addf %add3A_619, %add3A_620 : vector<16xf32>
      %add3A_630 = arith.addf %add3A_621, %add3A_622 : vector<16xf32>
      %add3A_631 = arith.addf %add3A_623, %add3A_624 : vector<16xf32>
      %add3A_632 = arith.addf %add3A_625, %add3A_626 : vector<16xf32>
      %add3A_633 = arith.addf %add3A_627, %add3A_628 : vector<16xf32>
      %add3A_634 = arith.addf %add3A_629, %add3A_630 : vector<16xf32>
      %add3A_635 = arith.addf %add3A_631, %add3A_632 : vector<16xf32>
      %add3A_636 = arith.addf %add3A_634, %add3A_635 : vector<16xf32>
      %add3A_637 = arith.addf %add3A_636, %add3A_633 : vector<16xf32>
      %swap3A_638 = arith.index_cast %add3A_134 : i32 to index
      %swap3A_639 = arith.constant 32 : index
      %swap3A_640 = tpu.vector_load %arg7[%swap3A_638, %swap3A_639] {strides = array<i32>} : memref<256x128xf32, #tpu.memory_space<vmem>>, vector<1x16xf32>,
      %swap3A_641 = vector.shape_cast %swap3A_640 : vector<1x16xf32> to vector<16xf32>
      %swap3A_642 = vector.shape_cast %add3A_637 : vector<16xf32> to vector<1x16xf32>
      tpu.vector_store %arg7[%swap3A_638, %swap3A_639], %swap3A_642 {strides = array<i32>} : memref<256x128xf32, #tpu.memory_space<vmem>>, vector<1x16xf32>,
      %get3A_643 = arith.constant 0 : i32
      %get3A_644 = arith.constant 0 : i32
      %get3A_645 = arith.index_cast %get3A_643 : i32 to index
      %get3A_646 = arith.index_cast %get3A_644 : i32 to index
      %get3A_647 = arith.constant 48 : index
      %get3A_648 = tpu.vector_load %arg6[%get3A_645, %get3A_646, %get3A_647] {strides = array<i32>} : memref<4x20x128xf32, #tpu.memory_space<vmem>>, vector<1x1x16xf32>,
      %get3A_649 = vector.shape_cast %get3A_648 : vector<1x1x16xf32> to vector<16xf32>
      %get3A_650 = arith.constant 0 : i32
      %get3A_651 = arith.constant 1 : i32
      %get3A_652 = arith.index_cast %get3A_650 : i32 to index
      %get3A_653 = arith.index_cast %get3A_651 : i32 to index
      %get3A_654 = arith.constant 48 : index
      %get3A_655 = tpu.vector_load %arg6[%get3A_652, %get3A_653, %get3A_654] {strides = array<i32>} : memref<4x20x128xf32, #tpu.memory_space<vmem>>, vector<1x1x16xf32>,
      %get3A_656 = vector.shape_cast %get3A_655 : vector<1x1x16xf32> to vector<16xf32>
      %get3A_657 = arith.constant 0 : i32
      %get3A_658 = arith.constant 2 : i32
      %get3A_659 = arith.index_cast %get3A_657 : i32 to index
      %get3A_660 = arith.index_cast %get3A_658 : i32 to index
      %get3A_661 = arith.constant 48 : index
      %get3A_662 = tpu.vector_load %arg6[%get3A_659, %get3A_660, %get3A_661] {strides = array<i32>} : memref<4x20x128xf32, #tpu.memory_space<vmem>>, vector<1x1x16xf32>,
      %get3A_663 = vector.shape_cast %get3A_662 : vector<1x1x16xf32> to vector<16xf32>
      %get3A_664 = arith.constant 0 : i32
      %get3A_665 = arith.constant 3 : i32
      %get3A_666 = arith.index_cast %get3A_664 : i32 to index
      %get3A_667 = arith.index_cast %get3A_665 : i32 to index
      %get3A_668 = arith.constant 48 : index
      %get3A_669 = tpu.vector_load %arg6[%get3A_666, %get3A_667, %get3A_668] {strides = array<i32>} : memref<4x20x128xf32, #tpu.memory_space<vmem>>, vector<1x1x16xf32>,
      %get3A_670 = vector.shape_cast %get3A_669 : vector<1x1x16xf32> to vector<16xf32>
      %get3A_671 = arith.constant 0 : i32
      %get3A_672 = arith.constant 4 : i32
      %get3A_673 = arith.index_cast %get3A_671 : i32 to index
      %get3A_674 = arith.index_cast %get3A_672 : i32 to index
      %get3A_675 = arith.constant 48 : index
      %get3A_676 = tpu.vector_load %arg6[%get3A_673, %get3A_674, %get3A_675] {strides = array<i32>} : memref<4x20x128xf32, #tpu.memory_space<vmem>>, vector<1x1x16xf32>,
      %get3A_677 = vector.shape_cast %get3A_676 : vector<1x1x16xf32> to vector<16xf32>
      %get3A_678 = arith.constant 0 : i32
      %get3A_679 = arith.constant 5 : i32
      %get3A_680 = arith.index_cast %get3A_678 : i32 to index
      %get3A_681 = arith.index_cast %get3A_679 : i32 to index
      %get3A_682 = arith.constant 48 : index
      %get3A_683 = tpu.vector_load %arg6[%get3A_680, %get3A_681, %get3A_682] {strides = array<i32>} : memref<4x20x128xf32, #tpu.memory_space<vmem>>, vector<1x1x16xf32>,
      %get3A_684 = vector.shape_cast %get3A_683 : vector<1x1x16xf32> to vector<16xf32>
      %get3A_685 = arith.constant 0 : i32
      %get3A_686 = arith.constant 6 : i32
      %get3A_687 = arith.index_cast %get3A_685 : i32 to index
      %get3A_688 = arith.index_cast %get3A_686 : i32 to index
      %get3A_689 = arith.constant 48 : index
      %get3A_690 = tpu.vector_load %arg6[%get3A_687, %get3A_688, %get3A_689] {strides = array<i32>} : memref<4x20x128xf32, #tpu.memory_space<vmem>>, vector<1x1x16xf32>,
      %get3A_691 = vector.shape_cast %get3A_690 : vector<1x1x16xf32> to vector<16xf32>
      %get3A_692 = arith.constant 0 : i32
      %get3A_693 = arith.constant 7 : i32
      %get3A_694 = arith.index_cast %get3A_692 : i32 to index
      %get3A_695 = arith.index_cast %get3A_693 : i32 to index
      %get3A_696 = arith.constant 48 : index
      %get3A_697 = tpu.vector_load %arg6[%get3A_694, %get3A_695, %get3A_696] {strides = array<i32>} : memref<4x20x128xf32, #tpu.memory_space<vmem>>, vector<1x1x16xf32>,
      %get3A_698 = vector.shape_cast %get3A_697 : vector<1x1x16xf32> to vector<16xf32>
      %get3A_699 = arith.constant 0 : i32
      %get3A_700 = arith.constant 8 : i32
      %get3A_701 = arith.index_cast %get3A_699 : i32 to index
      %get3A_702 = arith.index_cast %get3A_700 : i32 to index
      %get3A_703 = arith.constant 48 : index
      %get3A_704 = tpu.vector_load %arg6[%get3A_701, %get3A_702, %get3A_703] {strides = array<i32>} : memref<4x20x128xf32, #tpu.memory_space<vmem>>, vector<1x1x16xf32>,
      %get3A_705 = vector.shape_cast %get3A_704 : vector<1x1x16xf32> to vector<16xf32>
      %get3A_706 = arith.constant 0 : i32
      %get3A_707 = arith.constant 9 : i32
      %get3A_708 = arith.index_cast %get3A_706 : i32 to index
      %get3A_709 = arith.index_cast %get3A_707 : i32 to index
      %get3A_710 = arith.constant 48 : index
      %get3A_711 = tpu.vector_load %arg6[%get3A_708, %get3A_709, %get3A_710] {strides = array<i32>} : memref<4x20x128xf32, #tpu.memory_space<vmem>>, vector<1x1x16xf32>,
      %get3A_712 = vector.shape_cast %get3A_711 : vector<1x1x16xf32> to vector<16xf32>
      %get3A_713 = arith.constant 0 : i32
      %get3A_714 = arith.constant 10 : i32
      %get3A_715 = arith.index_cast %get3A_713 : i32 to index
      %get3A_716 = arith.index_cast %get3A_714 : i32 to index
      %get3A_717 = arith.constant 48 : index
      %get3A_718 = tpu.vector_load %arg6[%get3A_715, %get3A_716, %get3A_717] {strides = array<i32>} : memref<4x20x128xf32, #tpu.memory_space<vmem>>, vector<1x1x16xf32>,
      %get3A_719 = vector.shape_cast %get3A_718 : vector<1x1x16xf32> to vector<16xf32>
      %get3A_720 = arith.constant 0 : i32
      %get3A_721 = arith.constant 11 : i32
      %get3A_722 = arith.index_cast %get3A_720 : i32 to index
      %get3A_723 = arith.index_cast %get3A_721 : i32 to index
      %get3A_724 = arith.constant 48 : index
      %get3A_725 = tpu.vector_load %arg6[%get3A_722, %get3A_723, %get3A_724] {strides = array<i32>} : memref<4x20x128xf32, #tpu.memory_space<vmem>>, vector<1x1x16xf32>,
      %get3A_726 = vector.shape_cast %get3A_725 : vector<1x1x16xf32> to vector<16xf32>
      %get3A_727 = arith.constant 0 : i32
      %get3A_728 = arith.constant 12 : i32
      %get3A_729 = arith.index_cast %get3A_727 : i32 to index
      %get3A_730 = arith.index_cast %get3A_728 : i32 to index
      %get3A_731 = arith.constant 48 : index
      %get3A_732 = tpu.vector_load %arg6[%get3A_729, %get3A_730, %get3A_731] {strides = array<i32>} : memref<4x20x128xf32, #tpu.memory_space<vmem>>, vector<1x1x16xf32>,
      %get3A_733 = vector.shape_cast %get3A_732 : vector<1x1x16xf32> to vector<16xf32>
      %get3A_734 = arith.constant 0 : i32
      %get3A_735 = arith.constant 13 : i32
      %get3A_736 = arith.index_cast %get3A_734 : i32 to index
      %get3A_737 = arith.index_cast %get3A_735 : i32 to index
      %get3A_738 = arith.constant 48 : index
      %get3A_739 = tpu.vector_load %arg6[%get3A_736, %get3A_737, %get3A_738] {strides = array<i32>} : memref<4x20x128xf32, #tpu.memory_space<vmem>>, vector<1x1x16xf32>,
      %get3A_740 = vector.shape_cast %get3A_739 : vector<1x1x16xf32> to vector<16xf32>
      %get3A_741 = arith.constant 0 : i32
      %get3A_742 = arith.constant 14 : i32
      %get3A_743 = arith.index_cast %get3A_741 : i32 to index
      %get3A_744 = arith.index_cast %get3A_742 : i32 to index
      %get3A_745 = arith.constant 48 : index
      %get3A_746 = tpu.vector_load %arg6[%get3A_743, %get3A_744, %get3A_745] {strides = array<i32>} : memref<4x20x128xf32, #tpu.memory_space<vmem>>, vector<1x1x16xf32>,
      %get3A_747 = vector.shape_cast %get3A_746 : vector<1x1x16xf32> to vector<16xf32>
      %get3A_748 = arith.constant 0 : i32
      %get3A_749 = arith.constant 15 : i32
      %get3A_750 = arith.index_cast %get3A_748 : i32 to index
      %get3A_751 = arith.index_cast %get3A_749 : i32 to index
      %get3A_752 = arith.constant 48 : index
      %get3A_753 = tpu.vector_load %arg6[%get3A_750, %get3A_751, %get3A_752] {strides = array<i32>} : memref<4x20x128xf32, #tpu.memory_space<vmem>>, vector<1x1x16xf32>,
      %get3A_754 = vector.shape_cast %get3A_753 : vector<1x1x16xf32> to vector<16xf32>
      %get3A_755 = arith.constant 0 : i32
      %get3A_756 = arith.constant 16 : i32
      %get3A_757 = arith.index_cast %get3A_755 : i32 to index
      %get3A_758 = arith.index_cast %get3A_756 : i32 to index
      %get3A_759 = arith.constant 48 : index
      %get3A_760 = tpu.vector_load %arg6[%get3A_757, %get3A_758, %get3A_759] {strides = array<i32>} : memref<4x20x128xf32, #tpu.memory_space<vmem>>, vector<1x1x16xf32>,
      %get3A_761 = vector.shape_cast %get3A_760 : vector<1x1x16xf32> to vector<16xf32>
      %get3A_762 = arith.constant 0 : i32
      %get3A_763 = arith.constant 17 : i32
      %get3A_764 = arith.index_cast %get3A_762 : i32 to index
      %get3A_765 = arith.index_cast %get3A_763 : i32 to index
      %get3A_766 = arith.constant 48 : index
      %get3A_767 = tpu.vector_load %arg6[%get3A_764, %get3A_765, %get3A_766] {strides = array<i32>} : memref<4x20x128xf32, #tpu.memory_space<vmem>>, vector<1x1x16xf32>,
      %get3A_768 = vector.shape_cast %get3A_767 : vector<1x1x16xf32> to vector<16xf32>
      %get3A_769 = arith.constant 0 : i32
      %get3A_770 = arith.constant 18 : i32
      %get3A_771 = arith.index_cast %get3A_769 : i32 to index
      %get3A_772 = arith.index_cast %get3A_770 : i32 to index
      %get3A_773 = arith.constant 48 : index
      %get3A_774 = tpu.vector_load %arg6[%get3A_771, %get3A_772, %get3A_773] {strides = array<i32>} : memref<4x20x128xf32, #tpu.memory_space<vmem>>, vector<1x1x16xf32>,
      %get3A_775 = vector.shape_cast %get3A_774 : vector<1x1x16xf32> to vector<16xf32>
      %get3A_776 = arith.constant 0 : i32
      %get3A_777 = arith.constant 19 : i32
      %get3A_778 = arith.index_cast %get3A_776 : i32 to index
      %get3A_779 = arith.index_cast %get3A_777 : i32 to index
      %get3A_780 = arith.constant 48 : index
      %get3A_781 = tpu.vector_load %arg6[%get3A_778, %get3A_779, %get3A_780] {strides = array<i32>} : memref<4x20x128xf32, #tpu.memory_space<vmem>>, vector<1x1x16xf32>,
      %get3A_782 = vector.shape_cast %get3A_781 : vector<1x1x16xf32> to vector<16xf32>
      %add3A_783 = arith.addf %get3A_649, %get3A_656 : vector<16xf32>
      %add3A_784 = arith.addf %get3A_663, %get3A_670 : vector<16xf32>
      %add3A_785 = arith.addf %get3A_677, %get3A_684 : vector<16xf32>
      %add3A_786 = arith.addf %get3A_691, %get3A_698 : vector<16xf32>
      %add3A_787 = arith.addf %get3A_705, %get3A_712 : vector<16xf32>
      %add3A_788 = arith.addf %get3A_719, %get3A_726 : vector<16xf32>
      %add3A_789 = arith.addf %get3A_733, %get3A_740 : vector<16xf32>
      %add3A_790 = arith.addf %get3A_747, %get3A_754 : vector<16xf32>
      %add3A_791 = arith.addf %get3A_761, %get3A_768 : vector<16xf32>
      %add3A_792 = arith.addf %get3A_775, %get3A_782 : vector<16xf32>
      %add3A_793 = arith.addf %add3A_783, %add3A_784 : vector<16xf32>
      %add3A_794 = arith.addf %add3A_785, %add3A_786 : vector<16xf32>
      %add3A_795 = arith.addf %add3A_787, %add3A_788 : vector<16xf32>
      %add3A_796 = arith.addf %add3A_789, %add3A_790 : vector<16xf32>
      %add3A_797 = arith.addf %add3A_791, %add3A_792 : vector<16xf32>
      %add3A_798 = arith.addf %add3A_793, %add3A_794 : vector<16xf32>
      %add3A_799 = arith.addf %add3A_795, %add3A_796 : vector<16xf32>
      %add3A_800 = arith.addf %add3A_798, %add3A_799 : vector<16xf32>
      %add3A_801 = arith.addf %add3A_800, %add3A_797 : vector<16xf32>
      %swap3A_802 = arith.index_cast %add3A_134 : i32 to index
      %swap3A_803 = arith.constant 48 : index
      %swap3A_804 = tpu.vector_load %arg7[%swap3A_802, %swap3A_803] {strides = array<i32>} : memref<256x128xf32, #tpu.memory_space<vmem>>, vector<1x16xf32>,
      %swap3A_805 = vector.shape_cast %swap3A_804 : vector<1x16xf32> to vector<16xf32>
      %swap3A_806 = vector.shape_cast %add3A_801 : vector<16xf32> to vector<1x16xf32>
      tpu.vector_store %arg7[%swap3A_802, %swap3A_803], %swap3A_806 {strides = array<i32>} : memref<256x128xf32, #tpu.memory_space<vmem>>, vector<1x16xf32>,
      %get3A_807 = arith.constant 0 : i32
      %get3A_808 = arith.constant 0 : i32
      %get3A_809 = arith.index_cast %get3A_807 : i32 to index
      %get3A_810 = arith.index_cast %get3A_808 : i32 to index
      %get3A_811 = arith.constant 64 : index
      %get3A_812 = tpu.vector_load %arg6[%get3A_809, %get3A_810, %get3A_811] {strides = array<i32>} : memref<4x20x128xf32, #tpu.memory_space<vmem>>, vector<1x1x16xf32>,
      %get3A_813 = vector.shape_cast %get3A_812 : vector<1x1x16xf32> to vector<16xf32>
      %get3A_814 = arith.constant 0 : i32
      %get3A_815 = arith.constant 1 : i32
      %get3A_816 = arith.index_cast %get3A_814 : i32 to index
      %get3A_817 = arith.index_cast %get3A_815 : i32 to index
      %get3A_818 = arith.constant 64 : index
      %get3A_819 = tpu.vector_load %arg6[%get3A_816, %get3A_817, %get3A_818] {strides = array<i32>} : memref<4x20x128xf32, #tpu.memory_space<vmem>>, vector<1x1x16xf32>,
      %get3A_820 = vector.shape_cast %get3A_819 : vector<1x1x16xf32> to vector<16xf32>
      %get3A_821 = arith.constant 0 : i32
      %get3A_822 = arith.constant 2 : i32
      %get3A_823 = arith.index_cast %get3A_821 : i32 to index
      %get3A_824 = arith.index_cast %get3A_822 : i32 to index
      %get3A_825 = arith.constant 64 : index
      %get3A_826 = tpu.vector_load %arg6[%get3A_823, %get3A_824, %get3A_825] {strides = array<i32>} : memref<4x20x128xf32, #tpu.memory_space<vmem>>, vector<1x1x16xf32>,
      %get3A_827 = vector.shape_cast %get3A_826 : vector<1x1x16xf32> to vector<16xf32>
      %get3A_828 = arith.constant 0 : i32
      %get3A_829 = arith.constant 3 : i32
      %get3A_830 = arith.index_cast %get3A_828 : i32 to index
      %get3A_831 = arith.index_cast %get3A_829 : i32 to index
      %get3A_832 = arith.constant 64 : index
      %get3A_833 = tpu.vector_load %arg6[%get3A_830, %get3A_831, %get3A_832] {strides = array<i32>} : memref<4x20x128xf32, #tpu.memory_space<vmem>>, vector<1x1x16xf32>,
      %get3A_834 = vector.shape_cast %get3A_833 : vector<1x1x16xf32> to vector<16xf32>
      %get3A_835 = arith.constant 0 : i32
      %get3A_836 = arith.constant 4 : i32
      %get3A_837 = arith.index_cast %get3A_835 : i32 to index
      %get3A_838 = arith.index_cast %get3A_836 : i32 to index
      %get3A_839 = arith.constant 64 : index
      %get3A_840 = tpu.vector_load %arg6[%get3A_837, %get3A_838, %get3A_839] {strides = array<i32>} : memref<4x20x128xf32, #tpu.memory_space<vmem>>, vector<1x1x16xf32>,
      %get3A_841 = vector.shape_cast %get3A_840 : vector<1x1x16xf32> to vector<16xf32>
      %get3A_842 = arith.constant 0 : i32
      %get3A_843 = arith.constant 5 : i32
      %get3A_844 = arith.index_cast %get3A_842 : i32 to index
      %get3A_845 = arith.index_cast %get3A_843 : i32 to index
      %get3A_846 = arith.constant 64 : index
      %get3A_847 = tpu.vector_load %arg6[%get3A_844, %get3A_845, %get3A_846] {strides = array<i32>} : memref<4x20x128xf32, #tpu.memory_space<vmem>>, vector<1x1x16xf32>,
      %get3A_848 = vector.shape_cast %get3A_847 : vector<1x1x16xf32> to vector<16xf32>
      %get3A_849 = arith.constant 0 : i32
      %get3A_850 = arith.constant 6 : i32
      %get3A_851 = arith.index_cast %get3A_849 : i32 to index
      %get3A_852 = arith.index_cast %get3A_850 : i32 to index
      %get3A_853 = arith.constant 64 : index
      %get3A_854 = tpu.vector_load %arg6[%get3A_851, %get3A_852, %get3A_853] {strides = array<i32>} : memref<4x20x128xf32, #tpu.memory_space<vmem>>, vector<1x1x16xf32>,
      %get3A_855 = vector.shape_cast %get3A_854 : vector<1x1x16xf32> to vector<16xf32>
      %get3A_856 = arith.constant 0 : i32
      %get3A_857 = arith.constant 7 : i32
      %get3A_858 = arith.index_cast %get3A_856 : i32 to index
      %get3A_859 = arith.index_cast %get3A_857 : i32 to index
      %get3A_860 = arith.constant 64 : index
      %get3A_861 = tpu.vector_load %arg6[%get3A_858, %get3A_859, %get3A_860] {strides = array<i32>} : memref<4x20x128xf32, #tpu.memory_space<vmem>>, vector<1x1x16xf32>,
      %get3A_862 = vector.shape_cast %get3A_861 : vector<1x1x16xf32> to vector<16xf32>
      %get3A_863 = arith.constant 0 : i32
      %get3A_864 = arith.constant 8 : i32
      %get3A_865 = arith.index_cast %get3A_863 : i32 to index
      %get3A_866 = arith.index_cast %get3A_864 : i32 to index
      %get3A_867 = arith.constant 64 : index
      %get3A_868 = tpu.vector_load %arg6[%get3A_865, %get3A_866, %get3A_867] {strides = array<i32>} : memref<4x20x128xf32, #tpu.memory_space<vmem>>, vector<1x1x16xf32>,
      %get3A_869 = vector.shape_cast %get3A_868 : vector<1x1x16xf32> to vector<16xf32>
      %get3A_870 = arith.constant 0 : i32
      %get3A_871 = arith.constant 9 : i32
      %get3A_872 = arith.index_cast %get3A_870 : i32 to index
      %get3A_873 = arith.index_cast %get3A_871 : i32 to index
      %get3A_874 = arith.constant 64 : index
      %get3A_875 = tpu.vector_load %arg6[%get3A_872, %get3A_873, %get3A_874] {strides = array<i32>} : memref<4x20x128xf32, #tpu.memory_space<vmem>>, vector<1x1x16xf32>,
      %get3A_876 = vector.shape_cast %get3A_875 : vector<1x1x16xf32> to vector<16xf32>
      %get3A_877 = arith.constant 0 : i32
      %get3A_878 = arith.constant 10 : i32
      %get3A_879 = arith.index_cast %get3A_877 : i32 to index
      %get3A_880 = arith.index_cast %get3A_878 : i32 to index
      %get3A_881 = arith.constant 64 : index
      %get3A_882 = tpu.vector_load %arg6[%get3A_879, %get3A_880, %get3A_881] {strides = array<i32>} : memref<4x20x128xf32, #tpu.memory_space<vmem>>, vector<1x1x16xf32>,
      %get3A_883 = vector.shape_cast %get3A_882 : vector<1x1x16xf32> to vector<16xf32>
      %get3A_884 = arith.constant 0 : i32
      %get3A_885 = arith.constant 11 : i32
      %get3A_886 = arith.index_cast %get3A_884 : i32 to index
      %get3A_887 = arith.index_cast %get3A_885 : i32 to index
      %get3A_888 = arith.constant 64 : index
      %get3A_889 = tpu.vector_load %arg6[%get3A_886, %get3A_887, %get3A_888] {strides = array<i32>} : memref<4x20x128xf32, #tpu.memory_space<vmem>>, vector<1x1x16xf32>,
      %get3A_890 = vector.shape_cast %get3A_889 : vector<1x1x16xf32> to vector<16xf32>
      %get3A_891 = arith.constant 0 : i32
      %get3A_892 = arith.constant 12 : i32
      %get3A_893 = arith.index_cast %get3A_891 : i32 to index
      %get3A_894 = arith.index_cast %get3A_892 : i32 to index
      %get3A_895 = arith.constant 64 : index
      %get3A_896 = tpu.vector_load %arg6[%get3A_893, %get3A_894, %get3A_895] {strides = array<i32>} : memref<4x20x128xf32, #tpu.memory_space<vmem>>, vector<1x1x16xf32>,
      %get3A_897 = vector.shape_cast %get3A_896 : vector<1x1x16xf32> to vector<16xf32>
      %get3A_898 = arith.constant 0 : i32
      %get3A_899 = arith.constant 13 : i32
      %get3A_900 = arith.index_cast %get3A_898 : i32 to index
      %get3A_901 = arith.index_cast %get3A_899 : i32 to index
      %get3A_902 = arith.constant 64 : index
      %get3A_903 = tpu.vector_load %arg6[%get3A_900, %get3A_901, %get3A_902] {strides = array<i32>} : memref<4x20x128xf32, #tpu.memory_space<vmem>>, vector<1x1x16xf32>,
      %get3A_904 = vector.shape_cast %get3A_903 : vector<1x1x16xf32> to vector<16xf32>
      %get3A_905 = arith.constant 0 : i32
      %get3A_906 = arith.constant 14 : i32
      %get3A_907 = arith.index_cast %get3A_905 : i32 to index
      %get3A_908 = arith.index_cast %get3A_906 : i32 to index
      %get3A_909 = arith.constant 64 : index
      %get3A_910 = tpu.vector_load %arg6[%get3A_907, %get3A_908, %get3A_909] {strides = array<i32>} : memref<4x20x128xf32, #tpu.memory_space<vmem>>, vector<1x1x16xf32>,
      %get3A_911 = vector.shape_cast %get3A_910 : vector<1x1x16xf32> to vector<16xf32>
      %get3A_912 = arith.constant 0 : i32
      %get3A_913 = arith.constant 15 : i32
      %get3A_914 = arith.index_cast %get3A_912 : i32 to index
      %get3A_915 = arith.index_cast %get3A_913 : i32 to index
      %get3A_916 = arith.constant 64 : index
      %get3A_917 = tpu.vector_load %arg6[%get3A_914, %get3A_915, %get3A_916] {strides = array<i32>} : memref<4x20x128xf32, #tpu.memory_space<vmem>>, vector<1x1x16xf32>,
      %get3A_918 = vector.shape_cast %get3A_917 : vector<1x1x16xf32> to vector<16xf32>
      %get3A_919 = arith.constant 0 : i32
      %get3A_920 = arith.constant 16 : i32
      %get3A_921 = arith.index_cast %get3A_919 : i32 to index
      %get3A_922 = arith.index_cast %get3A_920 : i32 to index
      %get3A_923 = arith.constant 64 : index
      %get3A_924 = tpu.vector_load %arg6[%get3A_921, %get3A_922, %get3A_923] {strides = array<i32>} : memref<4x20x128xf32, #tpu.memory_space<vmem>>, vector<1x1x16xf32>,
      %get3A_925 = vector.shape_cast %get3A_924 : vector<1x1x16xf32> to vector<16xf32>
      %get3A_926 = arith.constant 0 : i32
      %get3A_927 = arith.constant 17 : i32
      %get3A_928 = arith.index_cast %get3A_926 : i32 to index
      %get3A_929 = arith.index_cast %get3A_927 : i32 to index
      %get3A_930 = arith.constant 64 : index
      %get3A_931 = tpu.vector_load %arg6[%get3A_928, %get3A_929, %get3A_930] {strides = array<i32>} : memref<4x20x128xf32, #tpu.memory_space<vmem>>, vector<1x1x16xf32>,
      %get3A_932 = vector.shape_cast %get3A_931 : vector<1x1x16xf32> to vector<16xf32>
      %get3A_933 = arith.constant 0 : i32
      %get3A_934 = arith.constant 18 : i32
      %get3A_935 = arith.index_cast %get3A_933 : i32 to index
      %get3A_936 = arith.index_cast %get3A_934 : i32 to index
      %get3A_937 = arith.constant 64 : index
      %get3A_938 = tpu.vector_load %arg6[%get3A_935, %get3A_936, %get3A_937] {strides = array<i32>} : memref<4x20x128xf32, #tpu.memory_space<vmem>>, vector<1x1x16xf32>,
      %get3A_939 = vector.shape_cast %get3A_938 : vector<1x1x16xf32> to vector<16xf32>
      %get3A_940 = arith.constant 0 : i32
      %get3A_941 = arith.constant 19 : i32
      %get3A_942 = arith.index_cast %get3A_940 : i32 to index
      %get3A_943 = arith.index_cast %get3A_941 : i32 to index
      %get3A_944 = arith.constant 64 : index
      %get3A_945 = tpu.vector_load %arg6[%get3A_942, %get3A_943, %get3A_944] {strides = array<i32>} : memref<4x20x128xf32, #tpu.memory_space<vmem>>, vector<1x1x16xf32>,
      %get3A_946 = vector.shape_cast %get3A_945 : vector<1x1x16xf32> to vector<16xf32>
      %add3A_947 = arith.addf %get3A_813, %get3A_820 : vector<16xf32>
      %add3A_948 = arith.addf %get3A_827, %get3A_834 : vector<16xf32>
      %add3A_949 = arith.addf %get3A_841, %get3A_848 : vector<16xf32>
      %add3A_950 = arith.addf %get3A_855, %get3A_862 : vector<16xf32>
      %add3A_951 = arith.addf %get3A_869, %get3A_876 : vector<16xf32>
      %add3A_952 = arith.addf %get3A_883, %get3A_890 : vector<16xf32>
      %add3A_953 = arith.addf %get3A_897, %get3A_904 : vector<16xf32>
      %add3A_954 = arith.addf %get3A_911, %get3A_918 : vector<16xf32>
      %add3A_955 = arith.addf %get3A_925, %get3A_932 : vector<16xf32>
      %add3A_956 = arith.addf %get3A_939, %get3A_946 : vector<16xf32>
      %add3A_957 = arith.addf %add3A_947, %add3A_948 : vector<16xf32>
      %add3A_958 = arith.addf %add3A_949, %add3A_950 : vector<16xf32>
      %add3A_959 = arith.addf %add3A_951, %add3A_952 : vector<16xf32>
      %add3A_960 = arith.addf %add3A_953, %add3A_954 : vector<16xf32>
      %add3A_961 = arith.addf %add3A_955, %add3A_956 : vector<16xf32>
      %add3A_962 = arith.addf %add3A_957, %add3A_958 : vector<16xf32>
      %add3A_963 = arith.addf %add3A_959, %add3A_960 : vector<16xf32>
      %add3A_964 = arith.addf %add3A_962, %add3A_963 : vector<16xf32>
      %add3A_965 = arith.addf %add3A_964, %add3A_961 : vector<16xf32>
      %swap3A_966 = arith.index_cast %add3A_134 : i32 to index
      %swap3A_967 = arith.constant 64 : index
      %swap3A_968 = tpu.vector_load %arg7[%swap3A_966, %swap3A_967] {strides = array<i32>} : memref<256x128xf32, #tpu.memory_space<vmem>>, vector<1x16xf32>,
      %swap3A_969 = vector.shape_cast %swap3A_968 : vector<1x16xf32> to vector<16xf32>
      %swap3A_970 = vector.shape_cast %add3A_965 : vector<16xf32> to vector<1x16xf32>
      tpu.vector_store %arg7[%swap3A_966, %swap3A_967], %swap3A_970 {strides = array<i32>} : memref<256x128xf32, #tpu.memory_space<vmem>>, vector<1x16xf32>,
      %get3A_971 = arith.constant 0 : i32
      %get3A_972 = arith.constant 0 : i32
      %get3A_973 = arith.index_cast %get3A_971 : i32 to index
      %get3A_974 = arith.index_cast %get3A_972 : i32 to index
      %get3A_975 = arith.constant 80 : index
      %get3A_976 = tpu.vector_load %arg6[%get3A_973, %get3A_974, %get3A_975] {strides = array<i32>} : memref<4x20x128xf32, #tpu.memory_space<vmem>>, vector<1x1x16xf32>,
      %get3A_977 = vector.shape_cast %get3A_976 : vector<1x1x16xf32> to vector<16xf32>
      %get3A_978 = arith.constant 0 : i32
      %get3A_979 = arith.constant 1 : i32
      %get3A_980 = arith.index_cast %get3A_978 : i32 to index
      %get3A_981 = arith.index_cast %get3A_979 : i32 to index
      %get3A_982 = arith.constant 80 : index
      %get3A_983 = tpu.vector_load %arg6[%get3A_980, %get3A_981, %get3A_982] {strides = array<i32>} : memref<4x20x128xf32, #tpu.memory_space<vmem>>, vector<1x1x16xf32>,
      %get3A_984 = vector.shape_cast %get3A_983 : vector<1x1x16xf32> to vector<16xf32>
      %get3A_985 = arith.constant 0 : i32
      %get3A_986 = arith.constant 2 : i32
      %get3A_987 = arith.index_cast %get3A_985 : i32 to index
      %get3A_988 = arith.index_cast %get3A_986 : i32 to index
      %get3A_989 = arith.constant 80 : index
      %get3A_990 = tpu.vector_load %arg6[%get3A_987, %get3A_988, %get3A_989] {strides = array<i32>} : memref<4x20x128xf32, #tpu.memory_space<vmem>>, vector<1x1x16xf32>,
      %get3A_991 = vector.shape_cast %get3A_990 : vector<1x1x16xf32> to vector<16xf32>
      %get3A_992 = arith.constant 0 : i32
      %get3A_993 = arith.constant 3 : i32
      %get3A_994 = arith.index_cast %get3A_992 : i32 to index
      %get3A_995 = arith.index_cast %get3A_993 : i32 to index
      %get3A_996 = arith.constant 80 : index
      %get3A_997 = tpu.vector_load %arg6[%get3A_994, %get3A_995, %get3A_996] {strides = array<i32>} : memref<4x20x128xf32, #tpu.memory_space<vmem>>, vector<1x1x16xf32>,
      %get3A_998 = vector.shape_cast %get3A_997 : vector<1x1x16xf32> to vector<16xf32>
      %get3A_999 = arith.constant 0 : i32
      %get3A_1000 = arith.constant 4 : i32
      %get3A_1001 = arith.index_cast %get3A_999 : i32 to index
      %get3A_1002 = arith.index_cast %get3A_1000 : i32 to index
      %get3A_1003 = arith.constant 80 : index
      %get3A_1004 = tpu.vector_load %arg6[%get3A_1001, %get3A_1002, %get3A_1003] {strides = array<i32>} : memref<4x20x128xf32, #tpu.memory_space<vmem>>, vector<1x1x16xf32>,
      %get3A_1005 = vector.shape_cast %get3A_1004 : vector<1x1x16xf32> to vector<16xf32>
      %get3A_1006 = arith.constant 0 : i32
      %get3A_1007 = arith.constant 5 : i32
      %get3A_1008 = arith.index_cast %get3A_1006 : i32 to index
      %get3A_1009 = arith.index_cast %get3A_1007 : i32 to index
      %get3A_1010 = arith.constant 80 : index
      %get3A_1011 = tpu.vector_load %arg6[%get3A_1008, %get3A_1009, %get3A_1010] {strides = array<i32>} : memref<4x20x128xf32, #tpu.memory_space<vmem>>, vector<1x1x16xf32>,
      %get3A_1012 = vector.shape_cast %get3A_1011 : vector<1x1x16xf32> to vector<16xf32>
      %get3A_1013 = arith.constant 0 : i32
      %get3A_1014 = arith.constant 6 : i32
      %get3A_1015 = arith.index_cast %get3A_1013 : i32 to index
      %get3A_1016 = arith.index_cast %get3A_1014 : i32 to index
      %get3A_1017 = arith.constant 80 : index
      %get3A_1018 = tpu.vector_load %arg6[%get3A_1015, %get3A_1016, %get3A_1017] {strides = array<i32>} : memref<4x20x128xf32, #tpu.memory_space<vmem>>, vector<1x1x16xf32>,
      %get3A_1019 = vector.shape_cast %get3A_1018 : vector<1x1x16xf32> to vector<16xf32>
      %get3A_1020 = arith.constant 0 : i32
      %get3A_1021 = arith.constant 7 : i32
      %get3A_1022 = arith.index_cast %get3A_1020 : i32 to index
      %get3A_1023 = arith.index_cast %get3A_1021 : i32 to index
      %get3A_1024 = arith.constant 80 : index
      %get3A_1025 = tpu.vector_load %arg6[%get3A_1022, %get3A_1023, %get3A_1024] {strides = array<i32>} : memref<4x20x128xf32, #tpu.memory_space<vmem>>, vector<1x1x16xf32>,
      %get3A_1026 = vector.shape_cast %get3A_1025 : vector<1x1x16xf32> to vector<16xf32>
      %get3A_1027 = arith.constant 0 : i32
      %get3A_1028 = arith.constant 8 : i32
      %get3A_1029 = arith.index_cast %get3A_1027 : i32 to index
      %get3A_1030 = arith.index_cast %get3A_1028 : i32 to index
      %get3A_1031 = arith.constant 80 : index
      %get3A_1032 = tpu.vector_load %arg6[%get3A_1029, %get3A_1030, %get3A_1031] {strides = array<i32>} : memref<4x20x128xf32, #tpu.memory_space<vmem>>, vector<1x1x16xf32>,
      %get3A_1033 = vector.shape_cast %get3A_1032 : vector<1x1x16xf32> to vector<16xf32>
      %get3A_1034 = arith.constant 0 : i32
      %get3A_1035 = arith.constant 9 : i32
      %get3A_1036 = arith.index_cast %get3A_1034 : i32 to index
      %get3A_1037 = arith.index_cast %get3A_1035 : i32 to index
      %get3A_1038 = arith.constant 80 : index
      %get3A_1039 = tpu.vector_load %arg6[%get3A_1036, %get3A_1037, %get3A_1038] {strides = array<i32>} : memref<4x20x128xf32, #tpu.memory_space<vmem>>, vector<1x1x16xf32>,
      %get3A_1040 = vector.shape_cast %get3A_1039 : vector<1x1x16xf32> to vector<16xf32>
      %get3A_1041 = arith.constant 0 : i32
      %get3A_1042 = arith.constant 10 : i32
      %get3A_1043 = arith.index_cast %get3A_1041 : i32 to index
      %get3A_1044 = arith.index_cast %get3A_1042 : i32 to index
      %get3A_1045 = arith.constant 80 : index
      %get3A_1046 = tpu.vector_load %arg6[%get3A_1043, %get3A_1044, %get3A_1045] {strides = array<i32>} : memref<4x20x128xf32, #tpu.memory_space<vmem>>, vector<1x1x16xf32>,
      %get3A_1047 = vector.shape_cast %get3A_1046 : vector<1x1x16xf32> to vector<16xf32>
      %get3A_1048 = arith.constant 0 : i32
      %get3A_1049 = arith.constant 11 : i32
      %get3A_1050 = arith.index_cast %get3A_1048 : i32 to index
      %get3A_1051 = arith.index_cast %get3A_1049 : i32 to index
      %get3A_1052 = arith.constant 80 : index
      %get3A_1053 = tpu.vector_load %arg6[%get3A_1050, %get3A_1051, %get3A_1052] {strides = array<i32>} : memref<4x20x128xf32, #tpu.memory_space<vmem>>, vector<1x1x16xf32>,
      %get3A_1054 = vector.shape_cast %get3A_1053 : vector<1x1x16xf32> to vector<16xf32>
      %get3A_1055 = arith.constant 0 : i32
      %get3A_1056 = arith.constant 12 : i32
      %get3A_1057 = arith.index_cast %get3A_1055 : i32 to index
      %get3A_1058 = arith.index_cast %get3A_1056 : i32 to index
      %get3A_1059 = arith.constant 80 : index
      %get3A_1060 = tpu.vector_load %arg6[%get3A_1057, %get3A_1058, %get3A_1059] {strides = array<i32>} : memref<4x20x128xf32, #tpu.memory_space<vmem>>, vector<1x1x16xf32>,
      %get3A_1061 = vector.shape_cast %get3A_1060 : vector<1x1x16xf32> to vector<16xf32>
      %get3A_1062 = arith.constant 0 : i32
      %get3A_1063 = arith.constant 13 : i32
      %get3A_1064 = arith.index_cast %get3A_1062 : i32 to index
      %get3A_1065 = arith.index_cast %get3A_1063 : i32 to index
      %get3A_1066 = arith.constant 80 : index
      %get3A_1067 = tpu.vector_load %arg6[%get3A_1064, %get3A_1065, %get3A_1066] {strides = array<i32>} : memref<4x20x128xf32, #tpu.memory_space<vmem>>, vector<1x1x16xf32>,
      %get3A_1068 = vector.shape_cast %get3A_1067 : vector<1x1x16xf32> to vector<16xf32>
      %get3A_1069 = arith.constant 0 : i32
      %get3A_1070 = arith.constant 14 : i32
      %get3A_1071 = arith.index_cast %get3A_1069 : i32 to index
      %get3A_1072 = arith.index_cast %get3A_1070 : i32 to index
      %get3A_1073 = arith.constant 80 : index
      %get3A_1074 = tpu.vector_load %arg6[%get3A_1071, %get3A_1072, %get3A_1073] {strides = array<i32>} : memref<4x20x128xf32, #tpu.memory_space<vmem>>, vector<1x1x16xf32>,
      %get3A_1075 = vector.shape_cast %get3A_1074 : vector<1x1x16xf32> to vector<16xf32>
      %get3A_1076 = arith.constant 0 : i32
      %get3A_1077 = arith.constant 15 : i32
      %get3A_1078 = arith.index_cast %get3A_1076 : i32 to index
      %get3A_1079 = arith.index_cast %get3A_1077 : i32 to index
      %get3A_1080 = arith.constant 80 : index
      %get3A_1081 = tpu.vector_load %arg6[%get3A_1078, %get3A_1079, %get3A_1080] {strides = array<i32>} : memref<4x20x128xf32, #tpu.memory_space<vmem>>, vector<1x1x16xf32>,
      %get3A_1082 = vector.shape_cast %get3A_1081 : vector<1x1x16xf32> to vector<16xf32>
      %get3A_1083 = arith.constant 0 : i32
      %get3A_1084 = arith.constant 16 : i32
      %get3A_1085 = arith.index_cast %get3A_1083 : i32 to index
      %get3A_1086 = arith.index_cast %get3A_1084 : i32 to index
      %get3A_1087 = arith.constant 80 : index
      %get3A_1088 = tpu.vector_load %arg6[%get3A_1085, %get3A_1086, %get3A_1087] {strides = array<i32>} : memref<4x20x128xf32, #tpu.memory_space<vmem>>, vector<1x1x16xf32>,
      %get3A_1089 = vector.shape_cast %get3A_1088 : vector<1x1x16xf32> to vector<16xf32>
      %get3A_1090 = arith.constant 0 : i32
      %get3A_1091 = arith.constant 17 : i32
      %get3A_1092 = arith.index_cast %get3A_1090 : i32 to index
      %get3A_1093 = arith.index_cast %get3A_1091 : i32 to index
      %get3A_1094 = arith.constant 80 : index
      %get3A_1095 = tpu.vector_load %arg6[%get3A_1092, %get3A_1093, %get3A_1094] {strides = array<i32>} : memref<4x20x128xf32, #tpu.memory_space<vmem>>, vector<1x1x16xf32>,
      %get3A_1096 = vector.shape_cast %get3A_1095 : vector<1x1x16xf32> to vector<16xf32>
      %get3A_1097 = arith.constant 0 : i32
      %get3A_1098 = arith.constant 18 : i32
      %get3A_1099 = arith.index_cast %get3A_1097 : i32 to index
      %get3A_1100 = arith.index_cast %get3A_1098 : i32 to index
      %get3A_1101 = arith.constant 80 : index
      %get3A_1102 = tpu.vector_load %arg6[%get3A_1099, %get3A_1100, %get3A_1101] {strides = array<i32>} : memref<4x20x128xf32, #tpu.memory_space<vmem>>, vector<1x1x16xf32>,
      %get3A_1103 = vector.shape_cast %get3A_1102 : vector<1x1x16xf32> to vector<16xf32>
      %get3A_1104 = arith.constant 0 : i32
      %get3A_1105 = arith.constant 19 : i32
      %get3A_1106 = arith.index_cast %get3A_1104 : i32 to index
      %get3A_1107 = arith.index_cast %get3A_1105 : i32 to index
      %get3A_1108 = arith.constant 80 : index
      %get3A_1109 = tpu.vector_load %arg6[%get3A_1106, %get3A_1107, %get3A_1108] {strides = array<i32>} : memref<4x20x128xf32, #tpu.memory_space<vmem>>, vector<1x1x16xf32>,
      %get3A_1110 = vector.shape_cast %get3A_1109 : vector<1x1x16xf32> to vector<16xf32>
      %add3A_1111 = arith.addf %get3A_977, %get3A_984 : vector<16xf32>
      %add3A_1112 = arith.addf %get3A_991, %get3A_998 : vector<16xf32>
      %add3A_1113 = arith.addf %get3A_1005, %get3A_1012 : vector<16xf32>
      %add3A_1114 = arith.addf %get3A_1019, %get3A_1026 : vector<16xf32>
      %add3A_1115 = arith.addf %get3A_1033, %get3A_1040 : vector<16xf32>
      %add3A_1116 = arith.addf %get3A_1047, %get3A_1054 : vector<16xf32>
      %add3A_1117 = arith.addf %get3A_1061, %get3A_1068 : vector<16xf32>
      %add3A_1118 = arith.addf %get3A_1075, %get3A_1082 : vector<16xf32>
      %add3A_1119 = arith.addf %get3A_1089, %get3A_1096 : vector<16xf32>
      %add3A_1120 = arith.addf %get3A_1103, %get3A_1110 : vector<16xf32>
      %add3A_1121 = arith.addf %add3A_1111, %add3A_1112 : vector<16xf32>
      %add3A_1122 = arith.addf %add3A_1113, %add3A_1114 : vector<16xf32>
      %add3A_1123 = arith.addf %add3A_1115, %add3A_1116 : vector<16xf32>
      %add3A_1124 = arith.addf %add3A_1117, %add3A_1118 : vector<16xf32>
      %add3A_1125 = arith.addf %add3A_1119, %add3A_1120 : vector<16xf32>
      %add3A_1126 = arith.addf %add3A_1121, %add3A_1122 : vector<16xf32>
      %add3A_1127 = arith.addf %add3A_1123, %add3A_1124 : vector<16xf32>
      %add3A_1128 = arith.addf %add3A_1126, %add3A_1127 : vector<16xf32>
      %add3A_1129 = arith.addf %add3A_1128, %add3A_1125 : vector<16xf32>
      %swap3A_1130 = arith.index_cast %add3A_134 : i32 to index
      %swap3A_1131 = arith.constant 80 : index
      %swap3A_1132 = tpu.vector_load %arg7[%swap3A_1130, %swap3A_1131] {strides = array<i32>} : memref<256x128xf32, #tpu.memory_space<vmem>>, vector<1x16xf32>,
      %swap3A_1133 = vector.shape_cast %swap3A_1132 : vector<1x16xf32> to vector<16xf32>
      %swap3A_1134 = vector.shape_cast %add3A_1129 : vector<16xf32> to vector<1x16xf32>
      tpu.vector_store %arg7[%swap3A_1130, %swap3A_1131], %swap3A_1134 {strides = array<i32>} : memref<256x128xf32, #tpu.memory_space<vmem>>, vector<1x16xf32>,
      %get3A_1135 = arith.constant 0 : i32
      %get3A_1136 = arith.constant 0 : i32
      %get3A_1137 = arith.index_cast %get3A_1135 : i32 to index
      %get3A_1138 = arith.index_cast %get3A_1136 : i32 to index
      %get3A_1139 = arith.constant 96 : index
      %get3A_1140 = tpu.vector_load %arg6[%get3A_1137, %get3A_1138, %get3A_1139] {strides = array<i32>} : memref<4x20x128xf32, #tpu.memory_space<vmem>>, vector<1x1x16xf32>,
      %get3A_1141 = vector.shape_cast %get3A_1140 : vector<1x1x16xf32> to vector<16xf32>
      %get3A_1142 = arith.constant 0 : i32
      %get3A_1143 = arith.constant 1 : i32
      %get3A_1144 = arith.index_cast %get3A_1142 : i32 to index
      %get3A_1145 = arith.index_cast %get3A_1143 : i32 to index
      %get3A_1146 = arith.constant 96 : index
      %get3A_1147 = tpu.vector_load %arg6[%get3A_1144, %get3A_1145, %get3A_1146] {strides = array<i32>} : memref<4x20x128xf32, #tpu.memory_space<vmem>>, vector<1x1x16xf32>,
      %get3A_1148 = vector.shape_cast %get3A_1147 : vector<1x1x16xf32> to vector<16xf32>
      %get3A_1149 = arith.constant 0 : i32
      %get3A_1150 = arith.constant 2 : i32
      %get3A_1151 = arith.index_cast %get3A_1149 : i32 to index
      %get3A_1152 = arith.index_cast %get3A_1150 : i32 to index
      %get3A_1153 = arith.constant 96 : index
      %get3A_1154 = tpu.vector_load %arg6[%get3A_1151, %get3A_1152, %get3A_1153] {strides = array<i32>} : memref<4x20x128xf32, #tpu.memory_space<vmem>>, vector<1x1x16xf32>,
      %get3A_1155 = vector.shape_cast %get3A_1154 : vector<1x1x16xf32> to vector<16xf32>
      %get3A_1156 = arith.constant 0 : i32
      %get3A_1157 = arith.constant 3 : i32
      %get3A_1158 = arith.index_cast %get3A_1156 : i32 to index
      %get3A_1159 = arith.index_cast %get3A_1157 : i32 to index
      %get3A_1160 = arith.constant 96 : index
      %get3A_1161 = tpu.vector_load %arg6[%get3A_1158, %get3A_1159, %get3A_1160] {strides = array<i32>} : memref<4x20x128xf32, #tpu.memory_space<vmem>>, vector<1x1x16xf32>,
      %get3A_1162 = vector.shape_cast %get3A_1161 : vector<1x1x16xf32> to vector<16xf32>
      %get3A_1163 = arith.constant 0 : i32
      %get3A_1164 = arith.constant 4 : i32
      %get3A_1165 = arith.index_cast %get3A_1163 : i32 to index
      %get3A_1166 = arith.index_cast %get3A_1164 : i32 to index
      %get3A_1167 = arith.constant 96 : index
      %get3A_1168 = tpu.vector_load %arg6[%get3A_1165, %get3A_1166, %get3A_1167] {strides = array<i32>} : memref<4x20x128xf32, #tpu.memory_space<vmem>>, vector<1x1x16xf32>,
      %get3A_1169 = vector.shape_cast %get3A_1168 : vector<1x1x16xf32> to vector<16xf32>
      %get3A_1170 = arith.constant 0 : i32
      %get3A_1171 = arith.constant 5 : i32
      %get3A_1172 = arith.index_cast %get3A_1170 : i32 to index
      %get3A_1173 = arith.index_cast %get3A_1171 : i32 to index
      %get3A_1174 = arith.constant 96 : index
      %get3A_1175 = tpu.vector_load %arg6[%get3A_1172, %get3A_1173, %get3A_1174] {strides = array<i32>} : memref<4x20x128xf32, #tpu.memory_space<vmem>>, vector<1x1x16xf32>,
      %get3A_1176 = vector.shape_cast %get3A_1175 : vector<1x1x16xf32> to vector<16xf32>
      %get3A_1177 = arith.constant 0 : i32
      %get3A_1178 = arith.constant 6 : i32
      %get3A_1179 = arith.index_cast %get3A_1177 : i32 to index
      %get3A_1180 = arith.index_cast %get3A_1178 : i32 to index
      %get3A_1181 = arith.constant 96 : index
      %get3A_1182 = tpu.vector_load %arg6[%get3A_1179, %get3A_1180, %get3A_1181] {strides = array<i32>} : memref<4x20x128xf32, #tpu.memory_space<vmem>>, vector<1x1x16xf32>,
      %get3A_1183 = vector.shape_cast %get3A_1182 : vector<1x1x16xf32> to vector<16xf32>
      %get3A_1184 = arith.constant 0 : i32
      %get3A_1185 = arith.constant 7 : i32
      %get3A_1186 = arith.index_cast %get3A_1184 : i32 to index
      %get3A_1187 = arith.index_cast %get3A_1185 : i32 to index
      %get3A_1188 = arith.constant 96 : index
      %get3A_1189 = tpu.vector_load %arg6[%get3A_1186, %get3A_1187, %get3A_1188] {strides = array<i32>} : memref<4x20x128xf32, #tpu.memory_space<vmem>>, vector<1x1x16xf32>,
      %get3A_1190 = vector.shape_cast %get3A_1189 : vector<1x1x16xf32> to vector<16xf32>
      %get3A_1191 = arith.constant 0 : i32
      %get3A_1192 = arith.constant 8 : i32
      %get3A_1193 = arith.index_cast %get3A_1191 : i32 to index
      %get3A_1194 = arith.index_cast %get3A_1192 : i32 to index
      %get3A_1195 = arith.constant 96 : index
      %get3A_1196 = tpu.vector_load %arg6[%get3A_1193, %get3A_1194, %get3A_1195] {strides = array<i32>} : memref<4x20x128xf32, #tpu.memory_space<vmem>>, vector<1x1x16xf32>,
      %get3A_1197 = vector.shape_cast %get3A_1196 : vector<1x1x16xf32> to vector<16xf32>
      %get3A_1198 = arith.constant 0 : i32
      %get3A_1199 = arith.constant 9 : i32
      %get3A_1200 = arith.index_cast %get3A_1198 : i32 to index
      %get3A_1201 = arith.index_cast %get3A_1199 : i32 to index
      %get3A_1202 = arith.constant 96 : index
      %get3A_1203 = tpu.vector_load %arg6[%get3A_1200, %get3A_1201, %get3A_1202] {strides = array<i32>} : memref<4x20x128xf32, #tpu.memory_space<vmem>>, vector<1x1x16xf32>,
      %get3A_1204 = vector.shape_cast %get3A_1203 : vector<1x1x16xf32> to vector<16xf32>
      %get3A_1205 = arith.constant 0 : i32
      %get3A_1206 = arith.constant 10 : i32
      %get3A_1207 = arith.index_cast %get3A_1205 : i32 to index
      %get3A_1208 = arith.index_cast %get3A_1206 : i32 to index
      %get3A_1209 = arith.constant 96 : index
      %get3A_1210 = tpu.vector_load %arg6[%get3A_1207, %get3A_1208, %get3A_1209] {strides = array<i32>} : memref<4x20x128xf32, #tpu.memory_space<vmem>>, vector<1x1x16xf32>,
      %get3A_1211 = vector.shape_cast %get3A_1210 : vector<1x1x16xf32> to vector<16xf32>
      %get3A_1212 = arith.constant 0 : i32
      %get3A_1213 = arith.constant 11 : i32
      %get3A_1214 = arith.index_cast %get3A_1212 : i32 to index
      %get3A_1215 = arith.index_cast %get3A_1213 : i32 to index
      %get3A_1216 = arith.constant 96 : index
      %get3A_1217 = tpu.vector_load %arg6[%get3A_1214, %get3A_1215, %get3A_1216] {strides = array<i32>} : memref<4x20x128xf32, #tpu.memory_space<vmem>>, vector<1x1x16xf32>,
      %get3A_1218 = vector.shape_cast %get3A_1217 : vector<1x1x16xf32> to vector<16xf32>
      %get3A_1219 = arith.constant 0 : i32
      %get3A_1220 = arith.constant 12 : i32
      %get3A_1221 = arith.index_cast %get3A_1219 : i32 to index
      %get3A_1222 = arith.index_cast %get3A_1220 : i32 to index
      %get3A_1223 = arith.constant 96 : index
      %get3A_1224 = tpu.vector_load %arg6[%get3A_1221, %get3A_1222, %get3A_1223] {strides = array<i32>} : memref<4x20x128xf32, #tpu.memory_space<vmem>>, vector<1x1x16xf32>,
      %get3A_1225 = vector.shape_cast %get3A_1224 : vector<1x1x16xf32> to vector<16xf32>
      %get3A_1226 = arith.constant 0 : i32
      %get3A_1227 = arith.constant 13 : i32
      %get3A_1228 = arith.index_cast %get3A_1226 : i32 to index
      %get3A_1229 = arith.index_cast %get3A_1227 : i32 to index
      %get3A_1230 = arith.constant 96 : index
      %get3A_1231 = tpu.vector_load %arg6[%get3A_1228, %get3A_1229, %get3A_1230] {strides = array<i32>} : memref<4x20x128xf32, #tpu.memory_space<vmem>>, vector<1x1x16xf32>,
      %get3A_1232 = vector.shape_cast %get3A_1231 : vector<1x1x16xf32> to vector<16xf32>
      %get3A_1233 = arith.constant 0 : i32
      %get3A_1234 = arith.constant 14 : i32
      %get3A_1235 = arith.index_cast %get3A_1233 : i32 to index
      %get3A_1236 = arith.index_cast %get3A_1234 : i32 to index
      %get3A_1237 = arith.constant 96 : index
      %get3A_1238 = tpu.vector_load %arg6[%get3A_1235, %get3A_1236, %get3A_1237] {strides = array<i32>} : memref<4x20x128xf32, #tpu.memory_space<vmem>>, vector<1x1x16xf32>,
      %get3A_1239 = vector.shape_cast %get3A_1238 : vector<1x1x16xf32> to vector<16xf32>
      %get3A_1240 = arith.constant 0 : i32
      %get3A_1241 = arith.constant 15 : i32
      %get3A_1242 = arith.index_cast %get3A_1240 : i32 to index
      %get3A_1243 = arith.index_cast %get3A_1241 : i32 to index
      %get3A_1244 = arith.constant 96 : index
      %get3A_1245 = tpu.vector_load %arg6[%get3A_1242, %get3A_1243, %get3A_1244] {strides = array<i32>} : memref<4x20x128xf32, #tpu.memory_space<vmem>>, vector<1x1x16xf32>,
      %get3A_1246 = vector.shape_cast %get3A_1245 : vector<1x1x16xf32> to vector<16xf32>
      %get3A_1247 = arith.constant 0 : i32
      %get3A_1248 = arith.constant 16 : i32
      %get3A_1249 = arith.index_cast %get3A_1247 : i32 to index
      %get3A_1250 = arith.index_cast %get3A_1248 : i32 to index
      %get3A_1251 = arith.constant 96 : index
      %get3A_1252 = tpu.vector_load %arg6[%get3A_1249, %get3A_1250, %get3A_1251] {strides = array<i32>} : memref<4x20x128xf32, #tpu.memory_space<vmem>>, vector<1x1x16xf32>,
      %get3A_1253 = vector.shape_cast %get3A_1252 : vector<1x1x16xf32> to vector<16xf32>
      %get3A_1254 = arith.constant 0 : i32
      %get3A_1255 = arith.constant 17 : i32
      %get3A_1256 = arith.index_cast %get3A_1254 : i32 to index
      %get3A_1257 = arith.index_cast %get3A_1255 : i32 to index
      %get3A_1258 = arith.constant 96 : index
      %get3A_1259 = tpu.vector_load %arg6[%get3A_1256, %get3A_1257, %get3A_1258] {strides = array<i32>} : memref<4x20x128xf32, #tpu.memory_space<vmem>>, vector<1x1x16xf32>,
      %get3A_1260 = vector.shape_cast %get3A_1259 : vector<1x1x16xf32> to vector<16xf32>
      %get3A_1261 = arith.constant 0 : i32
      %get3A_1262 = arith.constant 18 : i32
      %get3A_1263 = arith.index_cast %get3A_1261 : i32 to index
      %get3A_1264 = arith.index_cast %get3A_1262 : i32 to index
      %get3A_1265 = arith.constant 96 : index
      %get3A_1266 = tpu.vector_load %arg6[%get3A_1263, %get3A_1264, %get3A_1265] {strides = array<i32>} : memref<4x20x128xf32, #tpu.memory_space<vmem>>, vector<1x1x16xf32>,
      %get3A_1267 = vector.shape_cast %get3A_1266 : vector<1x1x16xf32> to vector<16xf32>
      %get3A_1268 = arith.constant 0 : i32
      %get3A_1269 = arith.constant 19 : i32
      %get3A_1270 = arith.index_cast %get3A_1268 : i32 to index
      %get3A_1271 = arith.index_cast %get3A_1269 : i32 to index
      %get3A_1272 = arith.constant 96 : index
      %get3A_1273 = tpu.vector_load %arg6[%get3A_1270, %get3A_1271, %get3A_1272] {strides = array<i32>} : memref<4x20x128xf32, #tpu.memory_space<vmem>>, vector<1x1x16xf32>,
      %get3A_1274 = vector.shape_cast %get3A_1273 : vector<1x1x16xf32> to vector<16xf32>
      %add3A_1275 = arith.addf %get3A_1141, %get3A_1148 : vector<16xf32>
      %add3A_1276 = arith.addf %get3A_1155, %get3A_1162 : vector<16xf32>
      %add3A_1277 = arith.addf %get3A_1169, %get3A_1176 : vector<16xf32>
      %add3A_1278 = arith.addf %get3A_1183, %get3A_1190 : vector<16xf32>
      %add3A_1279 = arith.addf %get3A_1197, %get3A_1204 : vector<16xf32>
      %add3A_1280 = arith.addf %get3A_1211, %get3A_1218 : vector<16xf32>
      %add3A_1281 = arith.addf %get3A_1225, %get3A_1232 : vector<16xf32>
      %add3A_1282 = arith.addf %get3A_1239, %get3A_1246 : vector<16xf32>
      %add3A_1283 = arith.addf %get3A_1253, %get3A_1260 : vector<16xf32>
      %add3A_1284 = arith.addf %get3A_1267, %get3A_1274 : vector<16xf32>
      %add3A_1285 = arith.addf %add3A_1275, %add3A_1276 : vector<16xf32>
      %add3A_1286 = arith.addf %add3A_1277, %add3A_1278 : vector<16xf32>
      %add3A_1287 = arith.addf %add3A_1279, %add3A_1280 : vector<16xf32>
      %add3A_1288 = arith.addf %add3A_1281, %add3A_1282 : vector<16xf32>
      %add3A_1289 = arith.addf %add3A_1283, %add3A_1284 : vector<16xf32>
      %add3A_1290 = arith.addf %add3A_1285, %add3A_1286 : vector<16xf32>
      %add3A_1291 = arith.addf %add3A_1287, %add3A_1288 : vector<16xf32>
      %add3A_1292 = arith.addf %add3A_1290, %add3A_1291 : vector<16xf32>
      %add3A_1293 = arith.addf %add3A_1292, %add3A_1289 : vector<16xf32>
      %swap3A_1294 = arith.index_cast %add3A_134 : i32 to index
      %swap3A_1295 = arith.constant 96 : index
      %swap3A_1296 = tpu.vector_load %arg7[%swap3A_1294, %swap3A_1295] {strides = array<i32>} : memref<256x128xf32, #tpu.memory_space<vmem>>, vector<1x16xf32>,
      %swap3A_1297 = vector.shape_cast %swap3A_1296 : vector<1x16xf32> to vector<16xf32>
      %swap3A_1298 = vector.shape_cast %add3A_1293 : vector<16xf32> to vector<1x16xf32>
      tpu.vector_store %arg7[%swap3A_1294, %swap3A_1295], %swap3A_1298 {strides = array<i32>} : memref<256x128xf32, #tpu.memory_space<vmem>>, vector<1x16xf32>,
      %get3A_1299 = arith.constant 0 : i32
      %get3A_1300 = arith.constant 0 : i32
      %get3A_1301 = arith.index_cast %get3A_1299 : i32 to index
      %get3A_1302 = arith.index_cast %get3A_1300 : i32 to index
      %get3A_1303 = arith.constant 112 : index
      %get3A_1304 = tpu.vector_load %arg6[%get3A_1301, %get3A_1302, %get3A_1303] {strides = array<i32>} : memref<4x20x128xf32, #tpu.memory_space<vmem>>, vector<1x1x16xf32>,
      %get3A_1305 = vector.shape_cast %get3A_1304 : vector<1x1x16xf32> to vector<16xf32>
      %get3A_1306 = arith.constant 0 : i32
      %get3A_1307 = arith.constant 1 : i32
      %get3A_1308 = arith.index_cast %get3A_1306 : i32 to index
      %get3A_1309 = arith.index_cast %get3A_1307 : i32 to index
      %get3A_1310 = arith.constant 112 : index
      %get3A_1311 = tpu.vector_load %arg6[%get3A_1308, %get3A_1309, %get3A_1310] {strides = array<i32>} : memref<4x20x128xf32, #tpu.memory_space<vmem>>, vector<1x1x16xf32>,
      %get3A_1312 = vector.shape_cast %get3A_1311 : vector<1x1x16xf32> to vector<16xf32>
      %get3A_1313 = arith.constant 0 : i32
      %get3A_1314 = arith.constant 2 : i32
      %get3A_1315 = arith.index_cast %get3A_1313 : i32 to index
      %get3A_1316 = arith.index_cast %get3A_1314 : i32 to index
      %get3A_1317 = arith.constant 112 : index
      %get3A_1318 = tpu.vector_load %arg6[%get3A_1315, %get3A_1316, %get3A_1317] {strides = array<i32>} : memref<4x20x128xf32, #tpu.memory_space<vmem>>, vector<1x1x16xf32>,
      %get3A_1319 = vector.shape_cast %get3A_1318 : vector<1x1x16xf32> to vector<16xf32>
      %get3A_1320 = arith.constant 0 : i32
      %get3A_1321 = arith.constant 3 : i32
      %get3A_1322 = arith.index_cast %get3A_1320 : i32 to index
      %get3A_1323 = arith.index_cast %get3A_1321 : i32 to index
      %get3A_1324 = arith.constant 112 : index
      %get3A_1325 = tpu.vector_load %arg6[%get3A_1322, %get3A_1323, %get3A_1324] {strides = array<i32>} : memref<4x20x128xf32, #tpu.memory_space<vmem>>, vector<1x1x16xf32>,
      %get3A_1326 = vector.shape_cast %get3A_1325 : vector<1x1x16xf32> to vector<16xf32>
      %get3A_1327 = arith.constant 0 : i32
      %get3A_1328 = arith.constant 4 : i32
      %get3A_1329 = arith.index_cast %get3A_1327 : i32 to index
      %get3A_1330 = arith.index_cast %get3A_1328 : i32 to index
      %get3A_1331 = arith.constant 112 : index
      %get3A_1332 = tpu.vector_load %arg6[%get3A_1329, %get3A_1330, %get3A_1331] {strides = array<i32>} : memref<4x20x128xf32, #tpu.memory_space<vmem>>, vector<1x1x16xf32>,
      %get3A_1333 = vector.shape_cast %get3A_1332 : vector<1x1x16xf32> to vector<16xf32>
      %get3A_1334 = arith.constant 0 : i32
      %get3A_1335 = arith.constant 5 : i32
      %get3A_1336 = arith.index_cast %get3A_1334 : i32 to index
      %get3A_1337 = arith.index_cast %get3A_1335 : i32 to index
      %get3A_1338 = arith.constant 112 : index
      %get3A_1339 = tpu.vector_load %arg6[%get3A_1336, %get3A_1337, %get3A_1338] {strides = array<i32>} : memref<4x20x128xf32, #tpu.memory_space<vmem>>, vector<1x1x16xf32>,
      %get3A_1340 = vector.shape_cast %get3A_1339 : vector<1x1x16xf32> to vector<16xf32>
      %get3A_1341 = arith.constant 0 : i32
      %get3A_1342 = arith.constant 6 : i32
      %get3A_1343 = arith.index_cast %get3A_1341 : i32 to index
      %get3A_1344 = arith.index_cast %get3A_1342 : i32 to index
      %get3A_1345 = arith.constant 112 : index
      %get3A_1346 = tpu.vector_load %arg6[%get3A_1343, %get3A_1344, %get3A_1345] {strides = array<i32>} : memref<4x20x128xf32, #tpu.memory_space<vmem>>, vector<1x1x16xf32>,
      %get3A_1347 = vector.shape_cast %get3A_1346 : vector<1x1x16xf32> to vector<16xf32>
      %get3A_1348 = arith.constant 0 : i32
      %get3A_1349 = arith.constant 7 : i32
      %get3A_1350 = arith.index_cast %get3A_1348 : i32 to index
      %get3A_1351 = arith.index_cast %get3A_1349 : i32 to index
      %get3A_1352 = arith.constant 112 : index
      %get3A_1353 = tpu.vector_load %arg6[%get3A_1350, %get3A_1351, %get3A_1352] {strides = array<i32>} : memref<4x20x128xf32, #tpu.memory_space<vmem>>, vector<1x1x16xf32>,
      %get3A_1354 = vector.shape_cast %get3A_1353 : vector<1x1x16xf32> to vector<16xf32>
      %get3A_1355 = arith.constant 0 : i32
      %get3A_1356 = arith.constant 8 : i32
      %get3A_1357 = arith.index_cast %get3A_1355 : i32 to index
      %get3A_1358 = arith.index_cast %get3A_1356 : i32 to index
      %get3A_1359 = arith.constant 112 : index
      %get3A_1360 = tpu.vector_load %arg6[%get3A_1357, %get3A_1358, %get3A_1359] {strides = array<i32>} : memref<4x20x128xf32, #tpu.memory_space<vmem>>, vector<1x1x16xf32>,
      %get3A_1361 = vector.shape_cast %get3A_1360 : vector<1x1x16xf32> to vector<16xf32>
      %get3A_1362 = arith.constant 0 : i32
      %get3A_1363 = arith.constant 9 : i32
      %get3A_1364 = arith.index_cast %get3A_1362 : i32 to index
      %get3A_1365 = arith.index_cast %get3A_1363 : i32 to index
      %get3A_1366 = arith.constant 112 : index
      %get3A_1367 = tpu.vector_load %arg6[%get3A_1364, %get3A_1365, %get3A_1366] {strides = array<i32>} : memref<4x20x128xf32, #tpu.memory_space<vmem>>, vector<1x1x16xf32>,
      %get3A_1368 = vector.shape_cast %get3A_1367 : vector<1x1x16xf32> to vector<16xf32>
      %get3A_1369 = arith.constant 0 : i32
      %get3A_1370 = arith.constant 10 : i32
      %get3A_1371 = arith.index_cast %get3A_1369 : i32 to index
      %get3A_1372 = arith.index_cast %get3A_1370 : i32 to index
      %get3A_1373 = arith.constant 112 : index
      %get3A_1374 = tpu.vector_load %arg6[%get3A_1371, %get3A_1372, %get3A_1373] {strides = array<i32>} : memref<4x20x128xf32, #tpu.memory_space<vmem>>, vector<1x1x16xf32>,
      %get3A_1375 = vector.shape_cast %get3A_1374 : vector<1x1x16xf32> to vector<16xf32>
      %get3A_1376 = arith.constant 0 : i32
      %get3A_1377 = arith.constant 11 : i32
      %get3A_1378 = arith.index_cast %get3A_1376 : i32 to index
      %get3A_1379 = arith.index_cast %get3A_1377 : i32 to index
      %get3A_1380 = arith.constant 112 : index
      %get3A_1381 = tpu.vector_load %arg6[%get3A_1378, %get3A_1379, %get3A_1380] {strides = array<i32>} : memref<4x20x128xf32, #tpu.memory_space<vmem>>, vector<1x1x16xf32>,
      %get3A_1382 = vector.shape_cast %get3A_1381 : vector<1x1x16xf32> to vector<16xf32>
      %get3A_1383 = arith.constant 0 : i32
      %get3A_1384 = arith.constant 12 : i32
      %get3A_1385 = arith.index_cast %get3A_1383 : i32 to index
      %get3A_1386 = arith.index_cast %get3A_1384 : i32 to index
      %get3A_1387 = arith.constant 112 : index
      %get3A_1388 = tpu.vector_load %arg6[%get3A_1385, %get3A_1386, %get3A_1387] {strides = array<i32>} : memref<4x20x128xf32, #tpu.memory_space<vmem>>, vector<1x1x16xf32>,
      %get3A_1389 = vector.shape_cast %get3A_1388 : vector<1x1x16xf32> to vector<16xf32>
      %get3A_1390 = arith.constant 0 : i32
      %get3A_1391 = arith.constant 13 : i32
      %get3A_1392 = arith.index_cast %get3A_1390 : i32 to index
      %get3A_1393 = arith.index_cast %get3A_1391 : i32 to index
      %get3A_1394 = arith.constant 112 : index
      %get3A_1395 = tpu.vector_load %arg6[%get3A_1392, %get3A_1393, %get3A_1394] {strides = array<i32>} : memref<4x20x128xf32, #tpu.memory_space<vmem>>, vector<1x1x16xf32>,
      %get3A_1396 = vector.shape_cast %get3A_1395 : vector<1x1x16xf32> to vector<16xf32>
      %get3A_1397 = arith.constant 0 : i32
      %get3A_1398 = arith.constant 14 : i32
      %get3A_1399 = arith.index_cast %get3A_1397 : i32 to index
      %get3A_1400 = arith.index_cast %get3A_1398 : i32 to index
      %get3A_1401 = arith.constant 112 : index
      %get3A_1402 = tpu.vector_load %arg6[%get3A_1399, %get3A_1400, %get3A_1401] {strides = array<i32>} : memref<4x20x128xf32, #tpu.memory_space<vmem>>, vector<1x1x16xf32>,
      %get3A_1403 = vector.shape_cast %get3A_1402 : vector<1x1x16xf32> to vector<16xf32>
      %get3A_1404 = arith.constant 0 : i32
      %get3A_1405 = arith.constant 15 : i32
      %get3A_1406 = arith.index_cast %get3A_1404 : i32 to index
      %get3A_1407 = arith.index_cast %get3A_1405 : i32 to index
      %get3A_1408 = arith.constant 112 : index
      %get3A_1409 = tpu.vector_load %arg6[%get3A_1406, %get3A_1407, %get3A_1408] {strides = array<i32>} : memref<4x20x128xf32, #tpu.memory_space<vmem>>, vector<1x1x16xf32>,
      %get3A_1410 = vector.shape_cast %get3A_1409 : vector<1x1x16xf32> to vector<16xf32>
      %get3A_1411 = arith.constant 0 : i32
      %get3A_1412 = arith.constant 16 : i32
      %get3A_1413 = arith.index_cast %get3A_1411 : i32 to index
      %get3A_1414 = arith.index_cast %get3A_1412 : i32 to index
      %get3A_1415 = arith.constant 112 : index
      %get3A_1416 = tpu.vector_load %arg6[%get3A_1413, %get3A_1414, %get3A_1415] {strides = array<i32>} : memref<4x20x128xf32, #tpu.memory_space<vmem>>, vector<1x1x16xf32>,
      %get3A_1417 = vector.shape_cast %get3A_1416 : vector<1x1x16xf32> to vector<16xf32>
      %get3A_1418 = arith.constant 0 : i32
      %get3A_1419 = arith.constant 17 : i32
      %get3A_1420 = arith.index_cast %get3A_1418 : i32 to index
      %get3A_1421 = arith.index_cast %get3A_1419 : i32 to index
      %get3A_1422 = arith.constant 112 : index
      %get3A_1423 = tpu.vector_load %arg6[%get3A_1420, %get3A_1421, %get3A_1422] {strides = array<i32>} : memref<4x20x128xf32, #tpu.memory_space<vmem>>, vector<1x1x16xf32>,
      %get3A_1424 = vector.shape_cast %get3A_1423 : vector<1x1x16xf32> to vector<16xf32>
      %get3A_1425 = arith.constant 0 : i32
      %get3A_1426 = arith.constant 18 : i32
      %get3A_1427 = arith.index_cast %get3A_1425 : i32 to index
      %get3A_1428 = arith.index_cast %get3A_1426 : i32 to index
      %get3A_1429 = arith.constant 112 : index
      %get3A_1430 = tpu.vector_load %arg6[%get3A_1427, %get3A_1428, %get3A_1429] {strides = array<i32>} : memref<4x20x128xf32, #tpu.memory_space<vmem>>, vector<1x1x16xf32>,
      %get3A_1431 = vector.shape_cast %get3A_1430 : vector<1x1x16xf32> to vector<16xf32>
      %get3A_1432 = arith.constant 0 : i32
      %get3A_1433 = arith.constant 19 : i32
      %get3A_1434 = arith.index_cast %get3A_1432 : i32 to index
      %get3A_1435 = arith.index_cast %get3A_1433 : i32 to index
      %get3A_1436 = arith.constant 112 : index
      %get3A_1437 = tpu.vector_load %arg6[%get3A_1434, %get3A_1435, %get3A_1436] {strides = array<i32>} : memref<4x20x128xf32, #tpu.memory_space<vmem>>, vector<1x1x16xf32>,
      %get3A_1438 = vector.shape_cast %get3A_1437 : vector<1x1x16xf32> to vector<16xf32>
      %add3A_1439 = arith.addf %get3A_1305, %get3A_1312 : vector<16xf32>
      %add3A_1440 = arith.addf %get3A_1319, %get3A_1326 : vector<16xf32>
      %add3A_1441 = arith.addf %get3A_1333, %get3A_1340 : vector<16xf32>
      %add3A_1442 = arith.addf %get3A_1347, %get3A_1354 : vector<16xf32>
      %add3A_1443 = arith.addf %get3A_1361, %get3A_1368 : vector<16xf32>
      %add3A_1444 = arith.addf %get3A_1375, %get3A_1382 : vector<16xf32>
      %add3A_1445 = arith.addf %get3A_1389, %get3A_1396 : vector<16xf32>
      %add3A_1446 = arith.addf %get3A_1403, %get3A_1410 : vector<16xf32>
      %add3A_1447 = arith.addf %get3A_1417, %get3A_1424 : vector<16xf32>
      %add3A_1448 = arith.addf %get3A_1431, %get3A_1438 : vector<16xf32>
      %add3A_1449 = arith.addf %add3A_1439, %add3A_1440 : vector<16xf32>
      %add3A_1450 = arith.addf %add3A_1441, %add3A_1442 : vector<16xf32>
      %add3A_1451 = arith.addf %add3A_1443, %add3A_1444 : vector<16xf32>
      %add3A_1452 = arith.addf %add3A_1445, %add3A_1446 : vector<16xf32>
      %add3A_1453 = arith.addf %add3A_1447, %add3A_1448 : vector<16xf32>
      %add3A_1454 = arith.addf %add3A_1449, %add3A_1450 : vector<16xf32>
      %add3A_1455 = arith.addf %add3A_1451, %add3A_1452 : vector<16xf32>
      %add3A_1456 = arith.addf %add3A_1454, %add3A_1455 : vector<16xf32>
      %add3A_1457 = arith.addf %add3A_1456, %add3A_1453 : vector<16xf32>
      %swap3A_1458 = arith.index_cast %add3A_134 : i32 to index
      %swap3A_1459 = arith.constant 112 : index
      %swap3A_1460 = tpu.vector_load %arg7[%swap3A_1458, %swap3A_1459] {strides = array<i32>} : memref<256x128xf32, #tpu.memory_space<vmem>>, vector<1x16xf32>,
      %swap3A_1461 = vector.shape_cast %swap3A_1460 : vector<1x16xf32> to vector<16xf32>
      %swap3A_1462 = vector.shape_cast %add3A_1457 : vector<16xf32> to vector<1x16xf32>
      tpu.vector_store %arg7[%swap3A_1458, %swap3A_1459], %swap3A_1462 {strides = array<i32>} : memref<256x128xf32, #tpu.memory_space<vmem>>, vector<1x16xf32>,
      %mul3A_1463 = arith.constant 4 : i32
      %mul3A_1464 = arith.muli %scan3A_129, %mul3A_1463 : i32
      %add3A_1465 = arith.constant 1 : i32
      %add3A_1466 = arith.addi %mul3A_1464, %add3A_1465 : i32
      %add3A_1467 = arith.constant 4 : i32
      %add3A_1468 = arith.addi %add3A_1466, %add3A_1467 : i32
      %sub3A_1469 = arith.constant 1 : i32
      %sub3A_1470 = arith.subi %add3A_1468, %sub3A_1469 : i32
      %lt3A_1471 = arith.constant 256 : i32
      %lt3A_1472 = arith.cmpi slt, %sub3A_1470, %lt3A_1471 : i32
      %convert_element_type3A_1473 = arith.extui %lt3A_1472 : i1 to i32
      %cond3A_1474 = arith.constant 0 : i32
      %cond3A_1475 = arith.cmpi ne, %convert_element_type3A_1473, %cond3A_1474 : i32
      scf.if %cond3A_1475 {
        %dma_start3A_5493 = arith.constant 0 : i32
        %dma_start3A_5494 = arith.constant 0 : i32
        %dma_start3A_5495 = arith.constant 0 : i32
        %dma_start3A_5496 = tpu.memref_slice %arg6[%dma_start3A_5493, %dma_start3A_5494, %dma_start3A_5495] : memref<4x20x128xf32, #tpu.memory_space<vmem>> -> memref<1x20x128xf32, #tpu.memory_space<vmem>>
        %dma_start3A_5497 = tpu.memref_squeeze %dma_start3A_5496 : memref<1x20x128xf32, #tpu.memory_space<vmem>> -> memref<20x128xf32, #tpu.memory_space<vmem>>
        %dma_start3A_5498 = arith.constant 0 : i32
        %dma_start3A_5499 = tpu.memref_slice %arg5[%sub3A_1470, %dma_start3A_5498] : memref<256x20xi32, #tpu.memory_space<vmem>> -> memref<1x20xi32, #tpu.memory_space<vmem>>
        %dma_start3A_5500 = tpu.memref_squeeze %dma_start3A_5499 : memref<1x20xi32, #tpu.memory_space<vmem>> -> memref<20xi32, #tpu.memory_space<vmem>>
        %dma_start3A_5501 = arith.constant 0 : i32
        %dma_start3A_5502 = arith.constant 0 : i32
        %dma_start3A_5503 = tpu.memref_slice %arg3[%dma_start3A_5501, %dma_start3A_5502] : memref<100000x128xf32, #tpu.memory_space<hbm>> -> memref<100000x128xf32, #tpu.memory_space<hbm>>
        tpu.enqueue_indirect_dma source(%dma_start3A_5503 : memref<100000x128xf32, #tpu.memory_space<hbm>>) target(%dma_start3A_5497 : memref<20x128xf32, #tpu.memory_space<vmem>>) offsets(%dma_start3A_5500 : memref<20xi32, #tpu.memory_space<vmem>>) semaphore(%arg9 : memref<!tpu.dma_semaphore, #tpu.memory_space<semaphore_mem>>)
      } else {
      }
      %dma_wait3A_1476 = arith.constant 1 : i32
      %dma_wait3A_1477 = arith.constant 0 : i32
      %dma_wait3A_1478 = arith.constant 0 : i32
      %dma_wait3A_1479 = tpu.memref_slice %arg6[%dma_wait3A_1476, %dma_wait3A_1477, %dma_wait3A_1478] : memref<4x20x128xf32, #tpu.memory_space<vmem>> -> memref<1x20x128xf32, #tpu.memory_space<vmem>>
      %dma_wait3A_1480 = tpu.memref_squeeze %dma_wait3A_1479 : memref<1x20x128xf32, #tpu.memory_space<vmem>> -> memref<20x128xf32, #tpu.memory_space<vmem>>
      %dma_wait3A_1481 = arith.constant 0 : i32
      %dma_wait3A_1482 = tpu.memref_slice %arg5[%add3A_1466, %dma_wait3A_1481] : memref<256x20xi32, #tpu.memory_space<vmem>> -> memref<1x20xi32, #tpu.memory_space<vmem>>
      %dma_wait3A_1483 = tpu.memref_squeeze %dma_wait3A_1482 : memref<1x20xi32, #tpu.memory_space<vmem>> -> memref<20xi32, #tpu.memory_space<vmem>>
      %dma_wait3A_1484 = arith.constant 0 : i32
      %dma_wait3A_1485 = arith.constant 0 : i32
      %dma_wait3A_1486 = tpu.memref_slice %arg3[%dma_wait3A_1484, %dma_wait3A_1485] : memref<100000x128xf32, #tpu.memory_space<hbm>> -> memref<100000x128xf32, #tpu.memory_space<hbm>>
      tpu.wait_indirect_dma semaphore(%arg10 : memref<!tpu.dma_semaphore, #tpu.memory_space<semaphore_mem>>) src(%dma_wait3A_1486 : memref<100000x128xf32, #tpu.memory_space<hbm>>) dst(%dma_wait3A_1480 : memref<20x128xf32, #tpu.memory_space<vmem>>)
      %get3A_1487 = arith.constant 1 : i32
      %get3A_1488 = arith.constant 0 : i32
      %get3A_1489 = arith.index_cast %get3A_1487 : i32 to index
      %get3A_1490 = arith.index_cast %get3A_1488 : i32 to index
      %get3A_1491 = arith.constant 0 : index
      %get3A_1492 = tpu.vector_load %arg6[%get3A_1489, %get3A_1490, %get3A_1491] {strides = array<i32>} : memref<4x20x128xf32, #tpu.memory_space<vmem>>, vector<1x1x16xf32>,
      %get3A_1493 = vector.shape_cast %get3A_1492 : vector<1x1x16xf32> to vector<16xf32>
      %get3A_1494 = arith.constant 1 : i32
      %get3A_1495 = arith.constant 1 : i32
      %get3A_1496 = arith.index_cast %get3A_1494 : i32 to index
      %get3A_1497 = arith.index_cast %get3A_1495 : i32 to index
      %get3A_1498 = arith.constant 0 : index
      %get3A_1499 = tpu.vector_load %arg6[%get3A_1496, %get3A_1497, %get3A_1498] {strides = array<i32>} : memref<4x20x128xf32, #tpu.memory_space<vmem>>, vector<1x1x16xf32>,
      %get3A_1500 = vector.shape_cast %get3A_1499 : vector<1x1x16xf32> to vector<16xf32>
      %get3A_1501 = arith.constant 1 : i32
      %get3A_1502 = arith.constant 2 : i32
      %get3A_1503 = arith.index_cast %get3A_1501 : i32 to index
      %get3A_1504 = arith.index_cast %get3A_1502 : i32 to index
      %get3A_1505 = arith.constant 0 : index
      %get3A_1506 = tpu.vector_load %arg6[%get3A_1503, %get3A_1504, %get3A_1505] {strides = array<i32>} : memref<4x20x128xf32, #tpu.memory_space<vmem>>, vector<1x1x16xf32>,
      %get3A_1507 = vector.shape_cast %get3A_1506 : vector<1x1x16xf32> to vector<16xf32>
      %get3A_1508 = arith.constant 1 : i32
      %get3A_1509 = arith.constant 3 : i32
      %get3A_1510 = arith.index_cast %get3A_1508 : i32 to index
      %get3A_1511 = arith.index_cast %get3A_1509 : i32 to index
      %get3A_1512 = arith.constant 0 : index
      %get3A_1513 = tpu.vector_load %arg6[%get3A_1510, %get3A_1511, %get3A_1512] {strides = array<i32>} : memref<4x20x128xf32, #tpu.memory_space<vmem>>, vector<1x1x16xf32>,
      %get3A_1514 = vector.shape_cast %get3A_1513 : vector<1x1x16xf32> to vector<16xf32>
      %get3A_1515 = arith.constant 1 : i32
      %get3A_1516 = arith.constant 4 : i32
      %get3A_1517 = arith.index_cast %get3A_1515 : i32 to index
      %get3A_1518 = arith.index_cast %get3A_1516 : i32 to index
      %get3A_1519 = arith.constant 0 : index
      %get3A_1520 = tpu.vector_load %arg6[%get3A_1517, %get3A_1518, %get3A_1519] {strides = array<i32>} : memref<4x20x128xf32, #tpu.memory_space<vmem>>, vector<1x1x16xf32>,
      %get3A_1521 = vector.shape_cast %get3A_1520 : vector<1x1x16xf32> to vector<16xf32>
      %get3A_1522 = arith.constant 1 : i32
      %get3A_1523 = arith.constant 5 : i32
      %get3A_1524 = arith.index_cast %get3A_1522 : i32 to index
      %get3A_1525 = arith.index_cast %get3A_1523 : i32 to index
      %get3A_1526 = arith.constant 0 : index
      %get3A_1527 = tpu.vector_load %arg6[%get3A_1524, %get3A_1525, %get3A_1526] {strides = array<i32>} : memref<4x20x128xf32, #tpu.memory_space<vmem>>, vector<1x1x16xf32>,
      %get3A_1528 = vector.shape_cast %get3A_1527 : vector<1x1x16xf32> to vector<16xf32>
      %get3A_1529 = arith.constant 1 : i32
      %get3A_1530 = arith.constant 6 : i32
      %get3A_1531 = arith.index_cast %get3A_1529 : i32 to index
      %get3A_1532 = arith.index_cast %get3A_1530 : i32 to index
      %get3A_1533 = arith.constant 0 : index
      %get3A_1534 = tpu.vector_load %arg6[%get3A_1531, %get3A_1532, %get3A_1533] {strides = array<i32>} : memref<4x20x128xf32, #tpu.memory_space<vmem>>, vector<1x1x16xf32>,
      %get3A_1535 = vector.shape_cast %get3A_1534 : vector<1x1x16xf32> to vector<16xf32>
      %get3A_1536 = arith.constant 1 : i32
      %get3A_1537 = arith.constant 7 : i32
      %get3A_1538 = arith.index_cast %get3A_1536 : i32 to index
      %get3A_1539 = arith.index_cast %get3A_1537 : i32 to index
      %get3A_1540 = arith.constant 0 : index
      %get3A_1541 = tpu.vector_load %arg6[%get3A_1538, %get3A_1539, %get3A_1540] {strides = array<i32>} : memref<4x20x128xf32, #tpu.memory_space<vmem>>, vector<1x1x16xf32>,
      %get3A_1542 = vector.shape_cast %get3A_1541 : vector<1x1x16xf32> to vector<16xf32>
      %get3A_1543 = arith.constant 1 : i32
      %get3A_1544 = arith.constant 8 : i32
      %get3A_1545 = arith.index_cast %get3A_1543 : i32 to index
      %get3A_1546 = arith.index_cast %get3A_1544 : i32 to index
      %get3A_1547 = arith.constant 0 : index
      %get3A_1548 = tpu.vector_load %arg6[%get3A_1545, %get3A_1546, %get3A_1547] {strides = array<i32>} : memref<4x20x128xf32, #tpu.memory_space<vmem>>, vector<1x1x16xf32>,
      %get3A_1549 = vector.shape_cast %get3A_1548 : vector<1x1x16xf32> to vector<16xf32>
      %get3A_1550 = arith.constant 1 : i32
      %get3A_1551 = arith.constant 9 : i32
      %get3A_1552 = arith.index_cast %get3A_1550 : i32 to index
      %get3A_1553 = arith.index_cast %get3A_1551 : i32 to index
      %get3A_1554 = arith.constant 0 : index
      %get3A_1555 = tpu.vector_load %arg6[%get3A_1552, %get3A_1553, %get3A_1554] {strides = array<i32>} : memref<4x20x128xf32, #tpu.memory_space<vmem>>, vector<1x1x16xf32>,
      %get3A_1556 = vector.shape_cast %get3A_1555 : vector<1x1x16xf32> to vector<16xf32>
      %get3A_1557 = arith.constant 1 : i32
      %get3A_1558 = arith.constant 10 : i32
      %get3A_1559 = arith.index_cast %get3A_1557 : i32 to index
      %get3A_1560 = arith.index_cast %get3A_1558 : i32 to index
      %get3A_1561 = arith.constant 0 : index
      %get3A_1562 = tpu.vector_load %arg6[%get3A_1559, %get3A_1560, %get3A_1561] {strides = array<i32>} : memref<4x20x128xf32, #tpu.memory_space<vmem>>, vector<1x1x16xf32>,
      %get3A_1563 = vector.shape_cast %get3A_1562 : vector<1x1x16xf32> to vector<16xf32>
      %get3A_1564 = arith.constant 1 : i32
      %get3A_1565 = arith.constant 11 : i32
      %get3A_1566 = arith.index_cast %get3A_1564 : i32 to index
      %get3A_1567 = arith.index_cast %get3A_1565 : i32 to index
      %get3A_1568 = arith.constant 0 : index
      %get3A_1569 = tpu.vector_load %arg6[%get3A_1566, %get3A_1567, %get3A_1568] {strides = array<i32>} : memref<4x20x128xf32, #tpu.memory_space<vmem>>, vector<1x1x16xf32>,
      %get3A_1570 = vector.shape_cast %get3A_1569 : vector<1x1x16xf32> to vector<16xf32>
      %get3A_1571 = arith.constant 1 : i32
      %get3A_1572 = arith.constant 12 : i32
      %get3A_1573 = arith.index_cast %get3A_1571 : i32 to index
      %get3A_1574 = arith.index_cast %get3A_1572 : i32 to index
      %get3A_1575 = arith.constant 0 : index
      %get3A_1576 = tpu.vector_load %arg6[%get3A_1573, %get3A_1574, %get3A_1575] {strides = array<i32>} : memref<4x20x128xf32, #tpu.memory_space<vmem>>, vector<1x1x16xf32>,
      %get3A_1577 = vector.shape_cast %get3A_1576 : vector<1x1x16xf32> to vector<16xf32>
      %get3A_1578 = arith.constant 1 : i32
      %get3A_1579 = arith.constant 13 : i32
      %get3A_1580 = arith.index_cast %get3A_1578 : i32 to index
      %get3A_1581 = arith.index_cast %get3A_1579 : i32 to index
      %get3A_1582 = arith.constant 0 : index
      %get3A_1583 = tpu.vector_load %arg6[%get3A_1580, %get3A_1581, %get3A_1582] {strides = array<i32>} : memref<4x20x128xf32, #tpu.memory_space<vmem>>, vector<1x1x16xf32>,
      %get3A_1584 = vector.shape_cast %get3A_1583 : vector<1x1x16xf32> to vector<16xf32>
      %get3A_1585 = arith.constant 1 : i32
      %get3A_1586 = arith.constant 14 : i32
      %get3A_1587 = arith.index_cast %get3A_1585 : i32 to index
      %get3A_1588 = arith.index_cast %get3A_1586 : i32 to index
      %get3A_1589 = arith.constant 0 : index
      %get3A_1590 = tpu.vector_load %arg6[%get3A_1587, %get3A_1588, %get3A_1589] {strides = array<i32>} : memref<4x20x128xf32, #tpu.memory_space<vmem>>, vector<1x1x16xf32>,
      %get3A_1591 = vector.shape_cast %get3A_1590 : vector<1x1x16xf32> to vector<16xf32>
      %get3A_1592 = arith.constant 1 : i32
      %get3A_1593 = arith.constant 15 : i32
      %get3A_1594 = arith.index_cast %get3A_1592 : i32 to index
      %get3A_1595 = arith.index_cast %get3A_1593 : i32 to index
      %get3A_1596 = arith.constant 0 : index
      %get3A_1597 = tpu.vector_load %arg6[%get3A_1594, %get3A_1595, %get3A_1596] {strides = array<i32>} : memref<4x20x128xf32, #tpu.memory_space<vmem>>, vector<1x1x16xf32>,
      %get3A_1598 = vector.shape_cast %get3A_1597 : vector<1x1x16xf32> to vector<16xf32>
      %get3A_1599 = arith.constant 1 : i32
      %get3A_1600 = arith.constant 16 : i32
      %get3A_1601 = arith.index_cast %get3A_1599 : i32 to index
      %get3A_1602 = arith.index_cast %get3A_1600 : i32 to index
      %get3A_1603 = arith.constant 0 : index
      %get3A_1604 = tpu.vector_load %arg6[%get3A_1601, %get3A_1602, %get3A_1603] {strides = array<i32>} : memref<4x20x128xf32, #tpu.memory_space<vmem>>, vector<1x1x16xf32>,
      %get3A_1605 = vector.shape_cast %get3A_1604 : vector<1x1x16xf32> to vector<16xf32>
      %get3A_1606 = arith.constant 1 : i32
      %get3A_1607 = arith.constant 17 : i32
      %get3A_1608 = arith.index_cast %get3A_1606 : i32 to index
      %get3A_1609 = arith.index_cast %get3A_1607 : i32 to index
      %get3A_1610 = arith.constant 0 : index
      %get3A_1611 = tpu.vector_load %arg6[%get3A_1608, %get3A_1609, %get3A_1610] {strides = array<i32>} : memref<4x20x128xf32, #tpu.memory_space<vmem>>, vector<1x1x16xf32>,
      %get3A_1612 = vector.shape_cast %get3A_1611 : vector<1x1x16xf32> to vector<16xf32>
      %get3A_1613 = arith.constant 1 : i32
      %get3A_1614 = arith.constant 18 : i32
      %get3A_1615 = arith.index_cast %get3A_1613 : i32 to index
      %get3A_1616 = arith.index_cast %get3A_1614 : i32 to index
      %get3A_1617 = arith.constant 0 : index
      %get3A_1618 = tpu.vector_load %arg6[%get3A_1615, %get3A_1616, %get3A_1617] {strides = array<i32>} : memref<4x20x128xf32, #tpu.memory_space<vmem>>, vector<1x1x16xf32>,
      %get3A_1619 = vector.shape_cast %get3A_1618 : vector<1x1x16xf32> to vector<16xf32>
      %get3A_1620 = arith.constant 1 : i32
      %get3A_1621 = arith.constant 19 : i32
      %get3A_1622 = arith.index_cast %get3A_1620 : i32 to index
      %get3A_1623 = arith.index_cast %get3A_1621 : i32 to index
      %get3A_1624 = arith.constant 0 : index
      %get3A_1625 = tpu.vector_load %arg6[%get3A_1622, %get3A_1623, %get3A_1624] {strides = array<i32>} : memref<4x20x128xf32, #tpu.memory_space<vmem>>, vector<1x1x16xf32>,
      %get3A_1626 = vector.shape_cast %get3A_1625 : vector<1x1x16xf32> to vector<16xf32>
      %add3A_1627 = arith.addf %get3A_1493, %get3A_1500 : vector<16xf32>
      %add3A_1628 = arith.addf %get3A_1507, %get3A_1514 : vector<16xf32>
      %add3A_1629 = arith.addf %get3A_1521, %get3A_1528 : vector<16xf32>
      %add3A_1630 = arith.addf %get3A_1535, %get3A_1542 : vector<16xf32>
      %add3A_1631 = arith.addf %get3A_1549, %get3A_1556 : vector<16xf32>
      %add3A_1632 = arith.addf %get3A_1563, %get3A_1570 : vector<16xf32>
      %add3A_1633 = arith.addf %get3A_1577, %get3A_1584 : vector<16xf32>
      %add3A_1634 = arith.addf %get3A_1591, %get3A_1598 : vector<16xf32>
      %add3A_1635 = arith.addf %get3A_1605, %get3A_1612 : vector<16xf32>
      %add3A_1636 = arith.addf %get3A_1619, %get3A_1626 : vector<16xf32>
      %add3A_1637 = arith.addf %add3A_1627, %add3A_1628 : vector<16xf32>
      %add3A_1638 = arith.addf %add3A_1629, %add3A_1630 : vector<16xf32>
      %add3A_1639 = arith.addf %add3A_1631, %add3A_1632 : vector<16xf32>
      %add3A_1640 = arith.addf %add3A_1633, %add3A_1634 : vector<16xf32>
      %add3A_1641 = arith.addf %add3A_1635, %add3A_1636 : vector<16xf32>
      %add3A_1642 = arith.addf %add3A_1637, %add3A_1638 : vector<16xf32>
      %add3A_1643 = arith.addf %add3A_1639, %add3A_1640 : vector<16xf32>
      %add3A_1644 = arith.addf %add3A_1642, %add3A_1643 : vector<16xf32>
      %add3A_1645 = arith.addf %add3A_1644, %add3A_1641 : vector<16xf32>
      %swap3A_1646 = arith.index_cast %add3A_1466 : i32 to index
      %swap3A_1647 = arith.constant 0 : index
      %swap3A_1648 = tpu.vector_load %arg7[%swap3A_1646, %swap3A_1647] {strides = array<i32>} : memref<256x128xf32, #tpu.memory_space<vmem>>, vector<1x16xf32>,
      %swap3A_1649 = vector.shape_cast %swap3A_1648 : vector<1x16xf32> to vector<16xf32>
      %swap3A_1650 = vector.shape_cast %add3A_1645 : vector<16xf32> to vector<1x16xf32>
      tpu.vector_store %arg7[%swap3A_1646, %swap3A_1647], %swap3A_1650 {strides = array<i32>} : memref<256x128xf32, #tpu.memory_space<vmem>>, vector<1x16xf32>,
      %get3A_1651 = arith.constant 1 : i32
      %get3A_1652 = arith.constant 0 : i32
      %get3A_1653 = arith.index_cast %get3A_1651 : i32 to index
      %get3A_1654 = arith.index_cast %get3A_1652 : i32 to index
      %get3A_1655 = arith.constant 16 : index
      %get3A_1656 = tpu.vector_load %arg6[%get3A_1653, %get3A_1654, %get3A_1655] {strides = array<i32>} : memref<4x20x128xf32, #tpu.memory_space<vmem>>, vector<1x1x16xf32>,
      %get3A_1657 = vector.shape_cast %get3A_1656 : vector<1x1x16xf32> to vector<16xf32>
      %get3A_1658 = arith.constant 1 : i32
      %get3A_1659 = arith.constant 1 : i32
      %get3A_1660 = arith.index_cast %get3A_1658 : i32 to index
      %get3A_1661 = arith.index_cast %get3A_1659 : i32 to index
      %get3A_1662 = arith.constant 16 : index
      %get3A_1663 = tpu.vector_load %arg6[%get3A_1660, %get3A_1661, %get3A_1662] {strides = array<i32>} : memref<4x20x128xf32, #tpu.memory_space<vmem>>, vector<1x1x16xf32>,
      %get3A_1664 = vector.shape_cast %get3A_1663 : vector<1x1x16xf32> to vector<16xf32>
      %get3A_1665 = arith.constant 1 : i32
      %get3A_1666 = arith.constant 2 : i32
      %get3A_1667 = arith.index_cast %get3A_1665 : i32 to index
      %get3A_1668 = arith.index_cast %get3A_1666 : i32 to index
      %get3A_1669 = arith.constant 16 : index
      %get3A_1670 = tpu.vector_load %arg6[%get3A_1667, %get3A_1668, %get3A_1669] {strides = array<i32>} : memref<4x20x128xf32, #tpu.memory_space<vmem>>, vector<1x1x16xf32>,
      %get3A_1671 = vector.shape_cast %get3A_1670 : vector<1x1x16xf32> to vector<16xf32>
      %get3A_1672 = arith.constant 1 : i32
      %get3A_1673 = arith.constant 3 : i32
      %get3A_1674 = arith.index_cast %get3A_1672 : i32 to index
      %get3A_1675 = arith.index_cast %get3A_1673 : i32 to index
      %get3A_1676 = arith.constant 16 : index
      %get3A_1677 = tpu.vector_load %arg6[%get3A_1674, %get3A_1675, %get3A_1676] {strides = array<i32>} : memref<4x20x128xf32, #tpu.memory_space<vmem>>, vector<1x1x16xf32>,
      %get3A_1678 = vector.shape_cast %get3A_1677 : vector<1x1x16xf32> to vector<16xf32>
      %get3A_1679 = arith.constant 1 : i32
      %get3A_1680 = arith.constant 4 : i32
      %get3A_1681 = arith.index_cast %get3A_1679 : i32 to index
      %get3A_1682 = arith.index_cast %get3A_1680 : i32 to index
      %get3A_1683 = arith.constant 16 : index
      %get3A_1684 = tpu.vector_load %arg6[%get3A_1681, %get3A_1682, %get3A_1683] {strides = array<i32>} : memref<4x20x128xf32, #tpu.memory_space<vmem>>, vector<1x1x16xf32>,
      %get3A_1685 = vector.shape_cast %get3A_1684 : vector<1x1x16xf32> to vector<16xf32>
      %get3A_1686 = arith.constant 1 : i32
      %get3A_1687 = arith.constant 5 : i32
      %get3A_1688 = arith.index_cast %get3A_1686 : i32 to index
      %get3A_1689 = arith.index_cast %get3A_1687 : i32 to index
      %get3A_1690 = arith.constant 16 : index
      %get3A_1691 = tpu.vector_load %arg6[%get3A_1688, %get3A_1689, %get3A_1690] {strides = array<i32>} : memref<4x20x128xf32, #tpu.memory_space<vmem>>, vector<1x1x16xf32>,
      %get3A_1692 = vector.shape_cast %get3A_1691 : vector<1x1x16xf32> to vector<16xf32>
      %get3A_1693 = arith.constant 1 : i32
      %get3A_1694 = arith.constant 6 : i32
      %get3A_1695 = arith.index_cast %get3A_1693 : i32 to index
      %get3A_1696 = arith.index_cast %get3A_1694 : i32 to index
      %get3A_1697 = arith.constant 16 : index
      %get3A_1698 = tpu.vector_load %arg6[%get3A_1695, %get3A_1696, %get3A_1697] {strides = array<i32>} : memref<4x20x128xf32, #tpu.memory_space<vmem>>, vector<1x1x16xf32>,
      %get3A_1699 = vector.shape_cast %get3A_1698 : vector<1x1x16xf32> to vector<16xf32>
      %get3A_1700 = arith.constant 1 : i32
      %get3A_1701 = arith.constant 7 : i32
      %get3A_1702 = arith.index_cast %get3A_1700 : i32 to index
      %get3A_1703 = arith.index_cast %get3A_1701 : i32 to index
      %get3A_1704 = arith.constant 16 : index
      %get3A_1705 = tpu.vector_load %arg6[%get3A_1702, %get3A_1703, %get3A_1704] {strides = array<i32>} : memref<4x20x128xf32, #tpu.memory_space<vmem>>, vector<1x1x16xf32>,
      %get3A_1706 = vector.shape_cast %get3A_1705 : vector<1x1x16xf32> to vector<16xf32>
      %get3A_1707 = arith.constant 1 : i32
      %get3A_1708 = arith.constant 8 : i32
      %get3A_1709 = arith.index_cast %get3A_1707 : i32 to index
      %get3A_1710 = arith.index_cast %get3A_1708 : i32 to index
      %get3A_1711 = arith.constant 16 : index
      %get3A_1712 = tpu.vector_load %arg6[%get3A_1709, %get3A_1710, %get3A_1711] {strides = array<i32>} : memref<4x20x128xf32, #tpu.memory_space<vmem>>, vector<1x1x16xf32>,
      %get3A_1713 = vector.shape_cast %get3A_1712 : vector<1x1x16xf32> to vector<16xf32>
      %get3A_1714 = arith.constant 1 : i32
      %get3A_1715 = arith.constant 9 : i32
      %get3A_1716 = arith.index_cast %get3A_1714 : i32 to index
      %get3A_1717 = arith.index_cast %get3A_1715 : i32 to index
      %get3A_1718 = arith.constant 16 : index
      %get3A_1719 = tpu.vector_load %arg6[%get3A_1716, %get3A_1717, %get3A_1718] {strides = array<i32>} : memref<4x20x128xf32, #tpu.memory_space<vmem>>, vector<1x1x16xf32>,
      %get3A_1720 = vector.shape_cast %get3A_1719 : vector<1x1x16xf32> to vector<16xf32>
      %get3A_1721 = arith.constant 1 : i32
      %get3A_1722 = arith.constant 10 : i32
      %get3A_1723 = arith.index_cast %get3A_1721 : i32 to index
      %get3A_1724 = arith.index_cast %get3A_1722 : i32 to index
      %get3A_1725 = arith.constant 16 : index
      %get3A_1726 = tpu.vector_load %arg6[%get3A_1723, %get3A_1724, %get3A_1725] {strides = array<i32>} : memref<4x20x128xf32, #tpu.memory_space<vmem>>, vector<1x1x16xf32>,
      %get3A_1727 = vector.shape_cast %get3A_1726 : vector<1x1x16xf32> to vector<16xf32>
      %get3A_1728 = arith.constant 1 : i32
      %get3A_1729 = arith.constant 11 : i32
      %get3A_1730 = arith.index_cast %get3A_1728 : i32 to index
      %get3A_1731 = arith.index_cast %get3A_1729 : i32 to index
      %get3A_1732 = arith.constant 16 : index
      %get3A_1733 = tpu.vector_load %arg6[%get3A_1730, %get3A_1731, %get3A_1732] {strides = array<i32>} : memref<4x20x128xf32, #tpu.memory_space<vmem>>, vector<1x1x16xf32>,
      %get3A_1734 = vector.shape_cast %get3A_1733 : vector<1x1x16xf32> to vector<16xf32>
      %get3A_1735 = arith.constant 1 : i32
      %get3A_1736 = arith.constant 12 : i32
      %get3A_1737 = arith.index_cast %get3A_1735 : i32 to index
      %get3A_1738 = arith.index_cast %get3A_1736 : i32 to index
      %get3A_1739 = arith.constant 16 : index
      %get3A_1740 = tpu.vector_load %arg6[%get3A_1737, %get3A_1738, %get3A_1739] {strides = array<i32>} : memref<4x20x128xf32, #tpu.memory_space<vmem>>, vector<1x1x16xf32>,
      %get3A_1741 = vector.shape_cast %get3A_1740 : vector<1x1x16xf32> to vector<16xf32>
      %get3A_1742 = arith.constant 1 : i32
      %get3A_1743 = arith.constant 13 : i32
      %get3A_1744 = arith.index_cast %get3A_1742 : i32 to index
      %get3A_1745 = arith.index_cast %get3A_1743 : i32 to index
      %get3A_1746 = arith.constant 16 : index
      %get3A_1747 = tpu.vector_load %arg6[%get3A_1744, %get3A_1745, %get3A_1746] {strides = array<i32>} : memref<4x20x128xf32, #tpu.memory_space<vmem>>, vector<1x1x16xf32>,
      %get3A_1748 = vector.shape_cast %get3A_1747 : vector<1x1x16xf32> to vector<16xf32>
      %get3A_1749 = arith.constant 1 : i32
      %get3A_1750 = arith.constant 14 : i32
      %get3A_1751 = arith.index_cast %get3A_1749 : i32 to index
      %get3A_1752 = arith.index_cast %get3A_1750 : i32 to index
      %get3A_1753 = arith.constant 16 : index
      %get3A_1754 = tpu.vector_load %arg6[%get3A_1751, %get3A_1752, %get3A_1753] {strides = array<i32>} : memref<4x20x128xf32, #tpu.memory_space<vmem>>, vector<1x1x16xf32>,
      %get3A_1755 = vector.shape_cast %get3A_1754 : vector<1x1x16xf32> to vector<16xf32>
      %get3A_1756 = arith.constant 1 : i32
      %get3A_1757 = arith.constant 15 : i32
      %get3A_1758 = arith.index_cast %get3A_1756 : i32 to index
      %get3A_1759 = arith.index_cast %get3A_1757 : i32 to index
      %get3A_1760 = arith.constant 16 : index
      %get3A_1761 = tpu.vector_load %arg6[%get3A_1758, %get3A_1759, %get3A_1760] {strides = array<i32>} : memref<4x20x128xf32, #tpu.memory_space<vmem>>, vector<1x1x16xf32>,
      %get3A_1762 = vector.shape_cast %get3A_1761 : vector<1x1x16xf32> to vector<16xf32>
      %get3A_1763 = arith.constant 1 : i32
      %get3A_1764 = arith.constant 16 : i32
      %get3A_1765 = arith.index_cast %get3A_1763 : i32 to index
      %get3A_1766 = arith.index_cast %get3A_1764 : i32 to index
      %get3A_1767 = arith.constant 16 : index
      %get3A_1768 = tpu.vector_load %arg6[%get3A_1765, %get3A_1766, %get3A_1767] {strides = array<i32>} : memref<4x20x128xf32, #tpu.memory_space<vmem>>, vector<1x1x16xf32>,
      %get3A_1769 = vector.shape_cast %get3A_1768 : vector<1x1x16xf32> to vector<16xf32>
      %get3A_1770 = arith.constant 1 : i32
      %get3A_1771 = arith.constant 17 : i32
      %get3A_1772 = arith.index_cast %get3A_1770 : i32 to index
      %get3A_1773 = arith.index_cast %get3A_1771 : i32 to index
      %get3A_1774 = arith.constant 16 : index
      %get3A_1775 = tpu.vector_load %arg6[%get3A_1772, %get3A_1773, %get3A_1774] {strides = array<i32>} : memref<4x20x128xf32, #tpu.memory_space<vmem>>, vector<1x1x16xf32>,
      %get3A_1776 = vector.shape_cast %get3A_1775 : vector<1x1x16xf32> to vector<16xf32>
      %get3A_1777 = arith.constant 1 : i32
      %get3A_1778 = arith.constant 18 : i32
      %get3A_1779 = arith.index_cast %get3A_1777 : i32 to index
      %get3A_1780 = arith.index_cast %get3A_1778 : i32 to index
      %get3A_1781 = arith.constant 16 : index
      %get3A_1782 = tpu.vector_load %arg6[%get3A_1779, %get3A_1780, %get3A_1781] {strides = array<i32>} : memref<4x20x128xf32, #tpu.memory_space<vmem>>, vector<1x1x16xf32>,
      %get3A_1783 = vector.shape_cast %get3A_1782 : vector<1x1x16xf32> to vector<16xf32>
      %get3A_1784 = arith.constant 1 : i32
      %get3A_1785 = arith.constant 19 : i32
      %get3A_1786 = arith.index_cast %get3A_1784 : i32 to index
      %get3A_1787 = arith.index_cast %get3A_1785 : i32 to index
      %get3A_1788 = arith.constant 16 : index
      %get3A_1789 = tpu.vector_load %arg6[%get3A_1786, %get3A_1787, %get3A_1788] {strides = array<i32>} : memref<4x20x128xf32, #tpu.memory_space<vmem>>, vector<1x1x16xf32>,
      %get3A_1790 = vector.shape_cast %get3A_1789 : vector<1x1x16xf32> to vector<16xf32>
      %add3A_1791 = arith.addf %get3A_1657, %get3A_1664 : vector<16xf32>
      %add3A_1792 = arith.addf %get3A_1671, %get3A_1678 : vector<16xf32>
      %add3A_1793 = arith.addf %get3A_1685, %get3A_1692 : vector<16xf32>
      %add3A_1794 = arith.addf %get3A_1699, %get3A_1706 : vector<16xf32>
      %add3A_1795 = arith.addf %get3A_1713, %get3A_1720 : vector<16xf32>
      %add3A_1796 = arith.addf %get3A_1727, %get3A_1734 : vector<16xf32>
      %add3A_1797 = arith.addf %get3A_1741, %get3A_1748 : vector<16xf32>
      %add3A_1798 = arith.addf %get3A_1755, %get3A_1762 : vector<16xf32>
      %add3A_1799 = arith.addf %get3A_1769, %get3A_1776 : vector<16xf32>
      %add3A_1800 = arith.addf %get3A_1783, %get3A_1790 : vector<16xf32>
      %add3A_1801 = arith.addf %add3A_1791, %add3A_1792 : vector<16xf32>
      %add3A_1802 = arith.addf %add3A_1793, %add3A_1794 : vector<16xf32>
      %add3A_1803 = arith.addf %add3A_1795, %add3A_1796 : vector<16xf32>
      %add3A_1804 = arith.addf %add3A_1797, %add3A_1798 : vector<16xf32>
      %add3A_1805 = arith.addf %add3A_1799, %add3A_1800 : vector<16xf32>
      %add3A_1806 = arith.addf %add3A_1801, %add3A_1802 : vector<16xf32>
      %add3A_1807 = arith.addf %add3A_1803, %add3A_1804 : vector<16xf32>
      %add3A_1808 = arith.addf %add3A_1806, %add3A_1807 : vector<16xf32>
      %add3A_1809 = arith.addf %add3A_1808, %add3A_1805 : vector<16xf32>
      %swap3A_1810 = arith.index_cast %add3A_1466 : i32 to index
      %swap3A_1811 = arith.constant 16 : index
      %swap3A_1812 = tpu.vector_load %arg7[%swap3A_1810, %swap3A_1811] {strides = array<i32>} : memref<256x128xf32, #tpu.memory_space<vmem>>, vector<1x16xf32>,
      %swap3A_1813 = vector.shape_cast %swap3A_1812 : vector<1x16xf32> to vector<16xf32>
      %swap3A_1814 = vector.shape_cast %add3A_1809 : vector<16xf32> to vector<1x16xf32>
      tpu.vector_store %arg7[%swap3A_1810, %swap3A_1811], %swap3A_1814 {strides = array<i32>} : memref<256x128xf32, #tpu.memory_space<vmem>>, vector<1x16xf32>,
      %get3A_1815 = arith.constant 1 : i32
      %get3A_1816 = arith.constant 0 : i32
      %get3A_1817 = arith.index_cast %get3A_1815 : i32 to index
      %get3A_1818 = arith.index_cast %get3A_1816 : i32 to index
      %get3A_1819 = arith.constant 32 : index
      %get3A_1820 = tpu.vector_load %arg6[%get3A_1817, %get3A_1818, %get3A_1819] {strides = array<i32>} : memref<4x20x128xf32, #tpu.memory_space<vmem>>, vector<1x1x16xf32>,
      %get3A_1821 = vector.shape_cast %get3A_1820 : vector<1x1x16xf32> to vector<16xf32>
      %get3A_1822 = arith.constant 1 : i32
      %get3A_1823 = arith.constant 1 : i32
      %get3A_1824 = arith.index_cast %get3A_1822 : i32 to index
      %get3A_1825 = arith.index_cast %get3A_1823 : i32 to index
      %get3A_1826 = arith.constant 32 : index
      %get3A_1827 = tpu.vector_load %arg6[%get3A_1824, %get3A_1825, %get3A_1826] {strides = array<i32>} : memref<4x20x128xf32, #tpu.memory_space<vmem>>, vector<1x1x16xf32>,
      %get3A_1828 = vector.shape_cast %get3A_1827 : vector<1x1x16xf32> to vector<16xf32>
      %get3A_1829 = arith.constant 1 : i32
      %get3A_1830 = arith.constant 2 : i32
      %get3A_1831 = arith.index_cast %get3A_1829 : i32 to index
      %get3A_1832 = arith.index_cast %get3A_1830 : i32 to index
      %get3A_1833 = arith.constant 32 : index
      %get3A_1834 = tpu.vector_load %arg6[%get3A_1831, %get3A_1832, %get3A_1833] {strides = array<i32>} : memref<4x20x128xf32, #tpu.memory_space<vmem>>, vector<1x1x16xf32>,
      %get3A_1835 = vector.shape_cast %get3A_1834 : vector<1x1x16xf32> to vector<16xf32>
      %get3A_1836 = arith.constant 1 : i32
      %get3A_1837 = arith.constant 3 : i32
      %get3A_1838 = arith.index_cast %get3A_1836 : i32 to index
      %get3A_1839 = arith.index_cast %get3A_1837 : i32 to index
      %get3A_1840 = arith.constant 32 : index
      %get3A_1841 = tpu.vector_load %arg6[%get3A_1838, %get3A_1839, %get3A_1840] {strides = array<i32>} : memref<4x20x128xf32, #tpu.memory_space<vmem>>, vector<1x1x16xf32>,
      %get3A_1842 = vector.shape_cast %get3A_1841 : vector<1x1x16xf32> to vector<16xf32>
      %get3A_1843 = arith.constant 1 : i32
      %get3A_1844 = arith.constant 4 : i32
      %get3A_1845 = arith.index_cast %get3A_1843 : i32 to index
      %get3A_1846 = arith.index_cast %get3A_1844 : i32 to index
      %get3A_1847 = arith.constant 32 : index
      %get3A_1848 = tpu.vector_load %arg6[%get3A_1845, %get3A_1846, %get3A_1847] {strides = array<i32>} : memref<4x20x128xf32, #tpu.memory_space<vmem>>, vector<1x1x16xf32>,
      %get3A_1849 = vector.shape_cast %get3A_1848 : vector<1x1x16xf32> to vector<16xf32>
      %get3A_1850 = arith.constant 1 : i32
      %get3A_1851 = arith.constant 5 : i32
      %get3A_1852 = arith.index_cast %get3A_1850 : i32 to index
      %get3A_1853 = arith.index_cast %get3A_1851 : i32 to index
      %get3A_1854 = arith.constant 32 : index
      %get3A_1855 = tpu.vector_load %arg6[%get3A_1852, %get3A_1853, %get3A_1854] {strides = array<i32>} : memref<4x20x128xf32, #tpu.memory_space<vmem>>, vector<1x1x16xf32>,
      %get3A_1856 = vector.shape_cast %get3A_1855 : vector<1x1x16xf32> to vector<16xf32>
      %get3A_1857 = arith.constant 1 : i32
      %get3A_1858 = arith.constant 6 : i32
      %get3A_1859 = arith.index_cast %get3A_1857 : i32 to index
      %get3A_1860 = arith.index_cast %get3A_1858 : i32 to index
      %get3A_1861 = arith.constant 32 : index
      %get3A_1862 = tpu.vector_load %arg6[%get3A_1859, %get3A_1860, %get3A_1861] {strides = array<i32>} : memref<4x20x128xf32, #tpu.memory_space<vmem>>, vector<1x1x16xf32>,
      %get3A_1863 = vector.shape_cast %get3A_1862 : vector<1x1x16xf32> to vector<16xf32>
      %get3A_1864 = arith.constant 1 : i32
      %get3A_1865 = arith.constant 7 : i32
      %get3A_1866 = arith.index_cast %get3A_1864 : i32 to index
      %get3A_1867 = arith.index_cast %get3A_1865 : i32 to index
      %get3A_1868 = arith.constant 32 : index
      %get3A_1869 = tpu.vector_load %arg6[%get3A_1866, %get3A_1867, %get3A_1868] {strides = array<i32>} : memref<4x20x128xf32, #tpu.memory_space<vmem>>, vector<1x1x16xf32>,
      %get3A_1870 = vector.shape_cast %get3A_1869 : vector<1x1x16xf32> to vector<16xf32>
      %get3A_1871 = arith.constant 1 : i32
      %get3A_1872 = arith.constant 8 : i32
      %get3A_1873 = arith.index_cast %get3A_1871 : i32 to index
      %get3A_1874 = arith.index_cast %get3A_1872 : i32 to index
      %get3A_1875 = arith.constant 32 : index
      %get3A_1876 = tpu.vector_load %arg6[%get3A_1873, %get3A_1874, %get3A_1875] {strides = array<i32>} : memref<4x20x128xf32, #tpu.memory_space<vmem>>, vector<1x1x16xf32>,
      %get3A_1877 = vector.shape_cast %get3A_1876 : vector<1x1x16xf32> to vector<16xf32>
      %get3A_1878 = arith.constant 1 : i32
      %get3A_1879 = arith.constant 9 : i32
      %get3A_1880 = arith.index_cast %get3A_1878 : i32 to index
      %get3A_1881 = arith.index_cast %get3A_1879 : i32 to index
      %get3A_1882 = arith.constant 32 : index
      %get3A_1883 = tpu.vector_load %arg6[%get3A_1880, %get3A_1881, %get3A_1882] {strides = array<i32>} : memref<4x20x128xf32, #tpu.memory_space<vmem>>, vector<1x1x16xf32>,
      %get3A_1884 = vector.shape_cast %get3A_1883 : vector<1x1x16xf32> to vector<16xf32>
      %get3A_1885 = arith.constant 1 : i32
      %get3A_1886 = arith.constant 10 : i32
      %get3A_1887 = arith.index_cast %get3A_1885 : i32 to index
      %get3A_1888 = arith.index_cast %get3A_1886 : i32 to index
      %get3A_1889 = arith.constant 32 : index
      %get3A_1890 = tpu.vector_load %arg6[%get3A_1887, %get3A_1888, %get3A_1889] {strides = array<i32>} : memref<4x20x128xf32, #tpu.memory_space<vmem>>, vector<1x1x16xf32>,
      %get3A_1891 = vector.shape_cast %get3A_1890 : vector<1x1x16xf32> to vector<16xf32>
      %get3A_1892 = arith.constant 1 : i32
      %get3A_1893 = arith.constant 11 : i32
      %get3A_1894 = arith.index_cast %get3A_1892 : i32 to index
      %get3A_1895 = arith.index_cast %get3A_1893 : i32 to index
      %get3A_1896 = arith.constant 32 : index
      %get3A_1897 = tpu.vector_load %arg6[%get3A_1894, %get3A_1895, %get3A_1896] {strides = array<i32>} : memref<4x20x128xf32, #tpu.memory_space<vmem>>, vector<1x1x16xf32>,
      %get3A_1898 = vector.shape_cast %get3A_1897 : vector<1x1x16xf32> to vector<16xf32>
      %get3A_1899 = arith.constant 1 : i32
      %get3A_1900 = arith.constant 12 : i32
      %get3A_1901 = arith.index_cast %get3A_1899 : i32 to index
      %get3A_1902 = arith.index_cast %get3A_1900 : i32 to index
      %get3A_1903 = arith.constant 32 : index
      %get3A_1904 = tpu.vector_load %arg6[%get3A_1901, %get3A_1902, %get3A_1903] {strides = array<i32>} : memref<4x20x128xf32, #tpu.memory_space<vmem>>, vector<1x1x16xf32>,
      %get3A_1905 = vector.shape_cast %get3A_1904 : vector<1x1x16xf32> to vector<16xf32>
      %get3A_1906 = arith.constant 1 : i32
      %get3A_1907 = arith.constant 13 : i32
      %get3A_1908 = arith.index_cast %get3A_1906 : i32 to index
      %get3A_1909 = arith.index_cast %get3A_1907 : i32 to index
      %get3A_1910 = arith.constant 32 : index
      %get3A_1911 = tpu.vector_load %arg6[%get3A_1908, %get3A_1909, %get3A_1910] {strides = array<i32>} : memref<4x20x128xf32, #tpu.memory_space<vmem>>, vector<1x1x16xf32>,
      %get3A_1912 = vector.shape_cast %get3A_1911 : vector<1x1x16xf32> to vector<16xf32>
      %get3A_1913 = arith.constant 1 : i32
      %get3A_1914 = arith.constant 14 : i32
      %get3A_1915 = arith.index_cast %get3A_1913 : i32 to index
      %get3A_1916 = arith.index_cast %get3A_1914 : i32 to index
      %get3A_1917 = arith.constant 32 : index
      %get3A_1918 = tpu.vector_load %arg6[%get3A_1915, %get3A_1916, %get3A_1917] {strides = array<i32>} : memref<4x20x128xf32, #tpu.memory_space<vmem>>, vector<1x1x16xf32>,
      %get3A_1919 = vector.shape_cast %get3A_1918 : vector<1x1x16xf32> to vector<16xf32>
      %get3A_1920 = arith.constant 1 : i32
      %get3A_1921 = arith.constant 15 : i32
      %get3A_1922 = arith.index_cast %get3A_1920 : i32 to index
      %get3A_1923 = arith.index_cast %get3A_1921 : i32 to index
      %get3A_1924 = arith.constant 32 : index
      %get3A_1925 = tpu.vector_load %arg6[%get3A_1922, %get3A_1923, %get3A_1924] {strides = array<i32>} : memref<4x20x128xf32, #tpu.memory_space<vmem>>, vector<1x1x16xf32>,
      %get3A_1926 = vector.shape_cast %get3A_1925 : vector<1x1x16xf32> to vector<16xf32>
      %get3A_1927 = arith.constant 1 : i32
      %get3A_1928 = arith.constant 16 : i32
      %get3A_1929 = arith.index_cast %get3A_1927 : i32 to index
      %get3A_1930 = arith.index_cast %get3A_1928 : i32 to index
      %get3A_1931 = arith.constant 32 : index
      %get3A_1932 = tpu.vector_load %arg6[%get3A_1929, %get3A_1930, %get3A_1931] {strides = array<i32>} : memref<4x20x128xf32, #tpu.memory_space<vmem>>, vector<1x1x16xf32>,
      %get3A_1933 = vector.shape_cast %get3A_1932 : vector<1x1x16xf32> to vector<16xf32>
      %get3A_1934 = arith.constant 1 : i32
      %get3A_1935 = arith.constant 17 : i32
      %get3A_1936 = arith.index_cast %get3A_1934 : i32 to index
      %get3A_1937 = arith.index_cast %get3A_1935 : i32 to index
      %get3A_1938 = arith.constant 32 : index
      %get3A_1939 = tpu.vector_load %arg6[%get3A_1936, %get3A_1937, %get3A_1938] {strides = array<i32>} : memref<4x20x128xf32, #tpu.memory_space<vmem>>, vector<1x1x16xf32>,
      %get3A_1940 = vector.shape_cast %get3A_1939 : vector<1x1x16xf32> to vector<16xf32>
      %get3A_1941 = arith.constant 1 : i32
      %get3A_1942 = arith.constant 18 : i32
      %get3A_1943 = arith.index_cast %get3A_1941 : i32 to index
      %get3A_1944 = arith.index_cast %get3A_1942 : i32 to index
      %get3A_1945 = arith.constant 32 : index
      %get3A_1946 = tpu.vector_load %arg6[%get3A_1943, %get3A_1944, %get3A_1945] {strides = array<i32>} : memref<4x20x128xf32, #tpu.memory_space<vmem>>, vector<1x1x16xf32>,
      %get3A_1947 = vector.shape_cast %get3A_1946 : vector<1x1x16xf32> to vector<16xf32>
      %get3A_1948 = arith.constant 1 : i32
      %get3A_1949 = arith.constant 19 : i32
      %get3A_1950 = arith.index_cast %get3A_1948 : i32 to index
      %get3A_1951 = arith.index_cast %get3A_1949 : i32 to index
      %get3A_1952 = arith.constant 32 : index
      %get3A_1953 = tpu.vector_load %arg6[%get3A_1950, %get3A_1951, %get3A_1952] {strides = array<i32>} : memref<4x20x128xf32, #tpu.memory_space<vmem>>, vector<1x1x16xf32>,
      %get3A_1954 = vector.shape_cast %get3A_1953 : vector<1x1x16xf32> to vector<16xf32>
      %add3A_1955 = arith.addf %get3A_1821, %get3A_1828 : vector<16xf32>
      %add3A_1956 = arith.addf %get3A_1835, %get3A_1842 : vector<16xf32>
      %add3A_1957 = arith.addf %get3A_1849, %get3A_1856 : vector<16xf32>
      %add3A_1958 = arith.addf %get3A_1863, %get3A_1870 : vector<16xf32>
      %add3A_1959 = arith.addf %get3A_1877, %get3A_1884 : vector<16xf32>
      %add3A_1960 = arith.addf %get3A_1891, %get3A_1898 : vector<16xf32>
      %add3A_1961 = arith.addf %get3A_1905, %get3A_1912 : vector<16xf32>
      %add3A_1962 = arith.addf %get3A_1919, %get3A_1926 : vector<16xf32>
      %add3A_1963 = arith.addf %get3A_1933, %get3A_1940 : vector<16xf32>
      %add3A_1964 = arith.addf %get3A_1947, %get3A_1954 : vector<16xf32>
      %add3A_1965 = arith.addf %add3A_1955, %add3A_1956 : vector<16xf32>
      %add3A_1966 = arith.addf %add3A_1957, %add3A_1958 : vector<16xf32>
      %add3A_1967 = arith.addf %add3A_1959, %add3A_1960 : vector<16xf32>
      %add3A_1968 = arith.addf %add3A_1961, %add3A_1962 : vector<16xf32>
      %add3A_1969 = arith.addf %add3A_1963, %add3A_1964 : vector<16xf32>
      %add3A_1970 = arith.addf %add3A_1965, %add3A_1966 : vector<16xf32>
      %add3A_1971 = arith.addf %add3A_1967, %add3A_1968 : vector<16xf32>
      %add3A_1972 = arith.addf %add3A_1970, %add3A_1971 : vector<16xf32>
      %add3A_1973 = arith.addf %add3A_1972, %add3A_1969 : vector<16xf32>
      %swap3A_1974 = arith.index_cast %add3A_1466 : i32 to index
      %swap3A_1975 = arith.constant 32 : index
      %swap3A_1976 = tpu.vector_load %arg7[%swap3A_1974, %swap3A_1975] {strides = array<i32>} : memref<256x128xf32, #tpu.memory_space<vmem>>, vector<1x16xf32>,
      %swap3A_1977 = vector.shape_cast %swap3A_1976 : vector<1x16xf32> to vector<16xf32>
      %swap3A_1978 = vector.shape_cast %add3A_1973 : vector<16xf32> to vector<1x16xf32>
      tpu.vector_store %arg7[%swap3A_1974, %swap3A_1975], %swap3A_1978 {strides = array<i32>} : memref<256x128xf32, #tpu.memory_space<vmem>>, vector<1x16xf32>,
      %get3A_1979 = arith.constant 1 : i32
      %get3A_1980 = arith.constant 0 : i32
      %get3A_1981 = arith.index_cast %get3A_1979 : i32 to index
      %get3A_1982 = arith.index_cast %get3A_1980 : i32 to index
      %get3A_1983 = arith.constant 48 : index
      %get3A_1984 = tpu.vector_load %arg6[%get3A_1981, %get3A_1982, %get3A_1983] {strides = array<i32>} : memref<4x20x128xf32, #tpu.memory_space<vmem>>, vector<1x1x16xf32>,
      %get3A_1985 = vector.shape_cast %get3A_1984 : vector<1x1x16xf32> to vector<16xf32>
      %get3A_1986 = arith.constant 1 : i32
      %get3A_1987 = arith.constant 1 : i32
      %get3A_1988 = arith.index_cast %get3A_1986 : i32 to index
      %get3A_1989 = arith.index_cast %get3A_1987 : i32 to index
      %get3A_1990 = arith.constant 48 : index
      %get3A_1991 = tpu.vector_load %arg6[%get3A_1988, %get3A_1989, %get3A_1990] {strides = array<i32>} : memref<4x20x128xf32, #tpu.memory_space<vmem>>, vector<1x1x16xf32>,
      %get3A_1992 = vector.shape_cast %get3A_1991 : vector<1x1x16xf32> to vector<16xf32>
      %get3A_1993 = arith.constant 1 : i32
      %get3A_1994 = arith.constant 2 : i32
      %get3A_1995 = arith.index_cast %get3A_1993 : i32 to index
      %get3A_1996 = arith.index_cast %get3A_1994 : i32 to index
      %get3A_1997 = arith.constant 48 : index
      %get3A_1998 = tpu.vector_load %arg6[%get3A_1995, %get3A_1996, %get3A_1997] {strides = array<i32>} : memref<4x20x128xf32, #tpu.memory_space<vmem>>, vector<1x1x16xf32>,
      %get3A_1999 = vector.shape_cast %get3A_1998 : vector<1x1x16xf32> to vector<16xf32>
      %get3A_2000 = arith.constant 1 : i32
      %get3A_2001 = arith.constant 3 : i32
      %get3A_2002 = arith.index_cast %get3A_2000 : i32 to index
      %get3A_2003 = arith.index_cast %get3A_2001 : i32 to index
      %get3A_2004 = arith.constant 48 : index
      %get3A_2005 = tpu.vector_load %arg6[%get3A_2002, %get3A_2003, %get3A_2004] {strides = array<i32>} : memref<4x20x128xf32, #tpu.memory_space<vmem>>, vector<1x1x16xf32>,
      %get3A_2006 = vector.shape_cast %get3A_2005 : vector<1x1x16xf32> to vector<16xf32>
      %get3A_2007 = arith.constant 1 : i32
      %get3A_2008 = arith.constant 4 : i32
      %get3A_2009 = arith.index_cast %get3A_2007 : i32 to index
      %get3A_2010 = arith.index_cast %get3A_2008 : i32 to index
      %get3A_2011 = arith.constant 48 : index
      %get3A_2012 = tpu.vector_load %arg6[%get3A_2009, %get3A_2010, %get3A_2011] {strides = array<i32>} : memref<4x20x128xf32, #tpu.memory_space<vmem>>, vector<1x1x16xf32>,
      %get3A_2013 = vector.shape_cast %get3A_2012 : vector<1x1x16xf32> to vector<16xf32>
      %get3A_2014 = arith.constant 1 : i32
      %get3A_2015 = arith.constant 5 : i32
      %get3A_2016 = arith.index_cast %get3A_2014 : i32 to index
      %get3A_2017 = arith.index_cast %get3A_2015 : i32 to index
      %get3A_2018 = arith.constant 48 : index
      %get3A_2019 = tpu.vector_load %arg6[%get3A_2016, %get3A_2017, %get3A_2018] {strides = array<i32>} : memref<4x20x128xf32, #tpu.memory_space<vmem>>, vector<1x1x16xf32>,
      %get3A_2020 = vector.shape_cast %get3A_2019 : vector<1x1x16xf32> to vector<16xf32>
      %get3A_2021 = arith.constant 1 : i32
      %get3A_2022 = arith.constant 6 : i32
      %get3A_2023 = arith.index_cast %get3A_2021 : i32 to index
      %get3A_2024 = arith.index_cast %get3A_2022 : i32 to index
      %get3A_2025 = arith.constant 48 : index
      %get3A_2026 = tpu.vector_load %arg6[%get3A_2023, %get3A_2024, %get3A_2025] {strides = array<i32>} : memref<4x20x128xf32, #tpu.memory_space<vmem>>, vector<1x1x16xf32>,
      %get3A_2027 = vector.shape_cast %get3A_2026 : vector<1x1x16xf32> to vector<16xf32>
      %get3A_2028 = arith.constant 1 : i32
      %get3A_2029 = arith.constant 7 : i32
      %get3A_2030 = arith.index_cast %get3A_2028 : i32 to index
      %get3A_2031 = arith.index_cast %get3A_2029 : i32 to index
      %get3A_2032 = arith.constant 48 : index
      %get3A_2033 = tpu.vector_load %arg6[%get3A_2030, %get3A_2031, %get3A_2032] {strides = array<i32>} : memref<4x20x128xf32, #tpu.memory_space<vmem>>, vector<1x1x16xf32>,
      %get3A_2034 = vector.shape_cast %get3A_2033 : vector<1x1x16xf32> to vector<16xf32>
      %get3A_2035 = arith.constant 1 : i32
      %get3A_2036 = arith.constant 8 : i32
      %get3A_2037 = arith.index_cast %get3A_2035 : i32 to index
      %get3A_2038 = arith.index_cast %get3A_2036 : i32 to index
      %get3A_2039 = arith.constant 48 : index
      %get3A_2040 = tpu.vector_load %arg6[%get3A_2037, %get3A_2038, %get3A_2039] {strides = array<i32>} : memref<4x20x128xf32, #tpu.memory_space<vmem>>, vector<1x1x16xf32>,
      %get3A_2041 = vector.shape_cast %get3A_2040 : vector<1x1x16xf32> to vector<16xf32>
      %get3A_2042 = arith.constant 1 : i32
      %get3A_2043 = arith.constant 9 : i32
      %get3A_2044 = arith.index_cast %get3A_2042 : i32 to index
      %get3A_2045 = arith.index_cast %get3A_2043 : i32 to index
      %get3A_2046 = arith.constant 48 : index
      %get3A_2047 = tpu.vector_load %arg6[%get3A_2044, %get3A_2045, %get3A_2046] {strides = array<i32>} : memref<4x20x128xf32, #tpu.memory_space<vmem>>, vector<1x1x16xf32>,
      %get3A_2048 = vector.shape_cast %get3A_2047 : vector<1x1x16xf32> to vector<16xf32>
      %get3A_2049 = arith.constant 1 : i32
      %get3A_2050 = arith.constant 10 : i32
      %get3A_2051 = arith.index_cast %get3A_2049 : i32 to index
      %get3A_2052 = arith.index_cast %get3A_2050 : i32 to index
      %get3A_2053 = arith.constant 48 : index
      %get3A_2054 = tpu.vector_load %arg6[%get3A_2051, %get3A_2052, %get3A_2053] {strides = array<i32>} : memref<4x20x128xf32, #tpu.memory_space<vmem>>, vector<1x1x16xf32>,
      %get3A_2055 = vector.shape_cast %get3A_2054 : vector<1x1x16xf32> to vector<16xf32>
      %get3A_2056 = arith.constant 1 : i32
      %get3A_2057 = arith.constant 11 : i32
      %get3A_2058 = arith.index_cast %get3A_2056 : i32 to index
      %get3A_2059 = arith.index_cast %get3A_2057 : i32 to index
      %get3A_2060 = arith.constant 48 : index
      %get3A_2061 = tpu.vector_load %arg6[%get3A_2058, %get3A_2059, %get3A_2060] {strides = array<i32>} : memref<4x20x128xf32, #tpu.memory_space<vmem>>, vector<1x1x16xf32>,
      %get3A_2062 = vector.shape_cast %get3A_2061 : vector<1x1x16xf32> to vector<16xf32>
      %get3A_2063 = arith.constant 1 : i32
      %get3A_2064 = arith.constant 12 : i32
      %get3A_2065 = arith.index_cast %get3A_2063 : i32 to index
      %get3A_2066 = arith.index_cast %get3A_2064 : i32 to index
      %get3A_2067 = arith.constant 48 : index
      %get3A_2068 = tpu.vector_load %arg6[%get3A_2065, %get3A_2066, %get3A_2067] {strides = array<i32>} : memref<4x20x128xf32, #tpu.memory_space<vmem>>, vector<1x1x16xf32>,
      %get3A_2069 = vector.shape_cast %get3A_2068 : vector<1x1x16xf32> to vector<16xf32>
      %get3A_2070 = arith.constant 1 : i32
      %get3A_2071 = arith.constant 13 : i32
      %get3A_2072 = arith.index_cast %get3A_2070 : i32 to index
      %get3A_2073 = arith.index_cast %get3A_2071 : i32 to index
      %get3A_2074 = arith.constant 48 : index
      %get3A_2075 = tpu.vector_load %arg6[%get3A_2072, %get3A_2073, %get3A_2074] {strides = array<i32>} : memref<4x20x128xf32, #tpu.memory_space<vmem>>, vector<1x1x16xf32>,
      %get3A_2076 = vector.shape_cast %get3A_2075 : vector<1x1x16xf32> to vector<16xf32>
      %get3A_2077 = arith.constant 1 : i32
      %get3A_2078 = arith.constant 14 : i32
      %get3A_2079 = arith.index_cast %get3A_2077 : i32 to index
      %get3A_2080 = arith.index_cast %get3A_2078 : i32 to index
      %get3A_2081 = arith.constant 48 : index
      %get3A_2082 = tpu.vector_load %arg6[%get3A_2079, %get3A_2080, %get3A_2081] {strides = array<i32>} : memref<4x20x128xf32, #tpu.memory_space<vmem>>, vector<1x1x16xf32>,
      %get3A_2083 = vector.shape_cast %get3A_2082 : vector<1x1x16xf32> to vector<16xf32>
      %get3A_2084 = arith.constant 1 : i32
      %get3A_2085 = arith.constant 15 : i32
      %get3A_2086 = arith.index_cast %get3A_2084 : i32 to index
      %get3A_2087 = arith.index_cast %get3A_2085 : i32 to index
      %get3A_2088 = arith.constant 48 : index
      %get3A_2089 = tpu.vector_load %arg6[%get3A_2086, %get3A_2087, %get3A_2088] {strides = array<i32>} : memref<4x20x128xf32, #tpu.memory_space<vmem>>, vector<1x1x16xf32>,
      %get3A_2090 = vector.shape_cast %get3A_2089 : vector<1x1x16xf32> to vector<16xf32>
      %get3A_2091 = arith.constant 1 : i32
      %get3A_2092 = arith.constant 16 : i32
      %get3A_2093 = arith.index_cast %get3A_2091 : i32 to index
      %get3A_2094 = arith.index_cast %get3A_2092 : i32 to index
      %get3A_2095 = arith.constant 48 : index
      %get3A_2096 = tpu.vector_load %arg6[%get3A_2093, %get3A_2094, %get3A_2095] {strides = array<i32>} : memref<4x20x128xf32, #tpu.memory_space<vmem>>, vector<1x1x16xf32>,
      %get3A_2097 = vector.shape_cast %get3A_2096 : vector<1x1x16xf32> to vector<16xf32>
      %get3A_2098 = arith.constant 1 : i32
      %get3A_2099 = arith.constant 17 : i32
      %get3A_2100 = arith.index_cast %get3A_2098 : i32 to index
      %get3A_2101 = arith.index_cast %get3A_2099 : i32 to index
      %get3A_2102 = arith.constant 48 : index
      %get3A_2103 = tpu.vector_load %arg6[%get3A_2100, %get3A_2101, %get3A_2102] {strides = array<i32>} : memref<4x20x128xf32, #tpu.memory_space<vmem>>, vector<1x1x16xf32>,
      %get3A_2104 = vector.shape_cast %get3A_2103 : vector<1x1x16xf32> to vector<16xf32>
      %get3A_2105 = arith.constant 1 : i32
      %get3A_2106 = arith.constant 18 : i32
      %get3A_2107 = arith.index_cast %get3A_2105 : i32 to index
      %get3A_2108 = arith.index_cast %get3A_2106 : i32 to index
      %get3A_2109 = arith.constant 48 : index
      %get3A_2110 = tpu.vector_load %arg6[%get3A_2107, %get3A_2108, %get3A_2109] {strides = array<i32>} : memref<4x20x128xf32, #tpu.memory_space<vmem>>, vector<1x1x16xf32>,
      %get3A_2111 = vector.shape_cast %get3A_2110 : vector<1x1x16xf32> to vector<16xf32>
      %get3A_2112 = arith.constant 1 : i32
      %get3A_2113 = arith.constant 19 : i32
      %get3A_2114 = arith.index_cast %get3A_2112 : i32 to index
      %get3A_2115 = arith.index_cast %get3A_2113 : i32 to index
      %get3A_2116 = arith.constant 48 : index
      %get3A_2117 = tpu.vector_load %arg6[%get3A_2114, %get3A_2115, %get3A_2116] {strides = array<i32>} : memref<4x20x128xf32, #tpu.memory_space<vmem>>, vector<1x1x16xf32>,
      %get3A_2118 = vector.shape_cast %get3A_2117 : vector<1x1x16xf32> to vector<16xf32>
      %add3A_2119 = arith.addf %get3A_1985, %get3A_1992 : vector<16xf32>
      %add3A_2120 = arith.addf %get3A_1999, %get3A_2006 : vector<16xf32>
      %add3A_2121 = arith.addf %get3A_2013, %get3A_2020 : vector<16xf32>
      %add3A_2122 = arith.addf %get3A_2027, %get3A_2034 : vector<16xf32>
      %add3A_2123 = arith.addf %get3A_2041, %get3A_2048 : vector<16xf32>
      %add3A_2124 = arith.addf %get3A_2055, %get3A_2062 : vector<16xf32>
      %add3A_2125 = arith.addf %get3A_2069, %get3A_2076 : vector<16xf32>
      %add3A_2126 = arith.addf %get3A_2083, %get3A_2090 : vector<16xf32>
      %add3A_2127 = arith.addf %get3A_2097, %get3A_2104 : vector<16xf32>
      %add3A_2128 = arith.addf %get3A_2111, %get3A_2118 : vector<16xf32>
      %add3A_2129 = arith.addf %add3A_2119, %add3A_2120 : vector<16xf32>
      %add3A_2130 = arith.addf %add3A_2121, %add3A_2122 : vector<16xf32>
      %add3A_2131 = arith.addf %add3A_2123, %add3A_2124 : vector<16xf32>
      %add3A_2132 = arith.addf %add3A_2125, %add3A_2126 : vector<16xf32>
      %add3A_2133 = arith.addf %add3A_2127, %add3A_2128 : vector<16xf32>
      %add3A_2134 = arith.addf %add3A_2129, %add3A_2130 : vector<16xf32>
      %add3A_2135 = arith.addf %add3A_2131, %add3A_2132 : vector<16xf32>
      %add3A_2136 = arith.addf %add3A_2134, %add3A_2135 : vector<16xf32>
      %add3A_2137 = arith.addf %add3A_2136, %add3A_2133 : vector<16xf32>
      %swap3A_2138 = arith.index_cast %add3A_1466 : i32 to index
      %swap3A_2139 = arith.constant 48 : index
      %swap3A_2140 = tpu.vector_load %arg7[%swap3A_2138, %swap3A_2139] {strides = array<i32>} : memref<256x128xf32, #tpu.memory_space<vmem>>, vector<1x16xf32>,
      %swap3A_2141 = vector.shape_cast %swap3A_2140 : vector<1x16xf32> to vector<16xf32>
      %swap3A_2142 = vector.shape_cast %add3A_2137 : vector<16xf32> to vector<1x16xf32>
      tpu.vector_store %arg7[%swap3A_2138, %swap3A_2139], %swap3A_2142 {strides = array<i32>} : memref<256x128xf32, #tpu.memory_space<vmem>>, vector<1x16xf32>,
      %get3A_2143 = arith.constant 1 : i32
      %get3A_2144 = arith.constant 0 : i32
      %get3A_2145 = arith.index_cast %get3A_2143 : i32 to index
      %get3A_2146 = arith.index_cast %get3A_2144 : i32 to index
      %get3A_2147 = arith.constant 64 : index
      %get3A_2148 = tpu.vector_load %arg6[%get3A_2145, %get3A_2146, %get3A_2147] {strides = array<i32>} : memref<4x20x128xf32, #tpu.memory_space<vmem>>, vector<1x1x16xf32>,
      %get3A_2149 = vector.shape_cast %get3A_2148 : vector<1x1x16xf32> to vector<16xf32>
      %get3A_2150 = arith.constant 1 : i32
      %get3A_2151 = arith.constant 1 : i32
      %get3A_2152 = arith.index_cast %get3A_2150 : i32 to index
      %get3A_2153 = arith.index_cast %get3A_2151 : i32 to index
      %get3A_2154 = arith.constant 64 : index
      %get3A_2155 = tpu.vector_load %arg6[%get3A_2152, %get3A_2153, %get3A_2154] {strides = array<i32>} : memref<4x20x128xf32, #tpu.memory_space<vmem>>, vector<1x1x16xf32>,
      %get3A_2156 = vector.shape_cast %get3A_2155 : vector<1x1x16xf32> to vector<16xf32>
      %get3A_2157 = arith.constant 1 : i32
      %get3A_2158 = arith.constant 2 : i32
      %get3A_2159 = arith.index_cast %get3A_2157 : i32 to index
      %get3A_2160 = arith.index_cast %get3A_2158 : i32 to index
      %get3A_2161 = arith.constant 64 : index
      %get3A_2162 = tpu.vector_load %arg6[%get3A_2159, %get3A_2160, %get3A_2161] {strides = array<i32>} : memref<4x20x128xf32, #tpu.memory_space<vmem>>, vector<1x1x16xf32>,
      %get3A_2163 = vector.shape_cast %get3A_2162 : vector<1x1x16xf32> to vector<16xf32>
      %get3A_2164 = arith.constant 1 : i32
      %get3A_2165 = arith.constant 3 : i32
      %get3A_2166 = arith.index_cast %get3A_2164 : i32 to index
      %get3A_2167 = arith.index_cast %get3A_2165 : i32 to index
      %get3A_2168 = arith.constant 64 : index
      %get3A_2169 = tpu.vector_load %arg6[%get3A_2166, %get3A_2167, %get3A_2168] {strides = array<i32>} : memref<4x20x128xf32, #tpu.memory_space<vmem>>, vector<1x1x16xf32>,
      %get3A_2170 = vector.shape_cast %get3A_2169 : vector<1x1x16xf32> to vector<16xf32>
      %get3A_2171 = arith.constant 1 : i32
      %get3A_2172 = arith.constant 4 : i32
      %get3A_2173 = arith.index_cast %get3A_2171 : i32 to index
      %get3A_2174 = arith.index_cast %get3A_2172 : i32 to index
      %get3A_2175 = arith.constant 64 : index
      %get3A_2176 = tpu.vector_load %arg6[%get3A_2173, %get3A_2174, %get3A_2175] {strides = array<i32>} : memref<4x20x128xf32, #tpu.memory_space<vmem>>, vector<1x1x16xf32>,
      %get3A_2177 = vector.shape_cast %get3A_2176 : vector<1x1x16xf32> to vector<16xf32>
      %get3A_2178 = arith.constant 1 : i32
      %get3A_2179 = arith.constant 5 : i32
      %get3A_2180 = arith.index_cast %get3A_2178 : i32 to index
      %get3A_2181 = arith.index_cast %get3A_2179 : i32 to index
      %get3A_2182 = arith.constant 64 : index
      %get3A_2183 = tpu.vector_load %arg6[%get3A_2180, %get3A_2181, %get3A_2182] {strides = array<i32>} : memref<4x20x128xf32, #tpu.memory_space<vmem>>, vector<1x1x16xf32>,
      %get3A_2184 = vector.shape_cast %get3A_2183 : vector<1x1x16xf32> to vector<16xf32>
      %get3A_2185 = arith.constant 1 : i32
      %get3A_2186 = arith.constant 6 : i32
      %get3A_2187 = arith.index_cast %get3A_2185 : i32 to index
      %get3A_2188 = arith.index_cast %get3A_2186 : i32 to index
      %get3A_2189 = arith.constant 64 : index
      %get3A_2190 = tpu.vector_load %arg6[%get3A_2187, %get3A_2188, %get3A_2189] {strides = array<i32>} : memref<4x20x128xf32, #tpu.memory_space<vmem>>, vector<1x1x16xf32>,
      %get3A_2191 = vector.shape_cast %get3A_2190 : vector<1x1x16xf32> to vector<16xf32>
      %get3A_2192 = arith.constant 1 : i32
      %get3A_2193 = arith.constant 7 : i32
      %get3A_2194 = arith.index_cast %get3A_2192 : i32 to index
      %get3A_2195 = arith.index_cast %get3A_2193 : i32 to index
      %get3A_2196 = arith.constant 64 : index
      %get3A_2197 = tpu.vector_load %arg6[%get3A_2194, %get3A_2195, %get3A_2196] {strides = array<i32>} : memref<4x20x128xf32, #tpu.memory_space<vmem>>, vector<1x1x16xf32>,
      %get3A_2198 = vector.shape_cast %get3A_2197 : vector<1x1x16xf32> to vector<16xf32>
      %get3A_2199 = arith.constant 1 : i32
      %get3A_2200 = arith.constant 8 : i32
      %get3A_2201 = arith.index_cast %get3A_2199 : i32 to index
      %get3A_2202 = arith.index_cast %get3A_2200 : i32 to index
      %get3A_2203 = arith.constant 64 : index
      %get3A_2204 = tpu.vector_load %arg6[%get3A_2201, %get3A_2202, %get3A_2203] {strides = array<i32>} : memref<4x20x128xf32, #tpu.memory_space<vmem>>, vector<1x1x16xf32>,
      %get3A_2205 = vector.shape_cast %get3A_2204 : vector<1x1x16xf32> to vector<16xf32>
      %get3A_2206 = arith.constant 1 : i32
      %get3A_2207 = arith.constant 9 : i32
      %get3A_2208 = arith.index_cast %get3A_2206 : i32 to index
      %get3A_2209 = arith.index_cast %get3A_2207 : i32 to index
      %get3A_2210 = arith.constant 64 : index
      %get3A_2211 = tpu.vector_load %arg6[%get3A_2208, %get3A_2209, %get3A_2210] {strides = array<i32>} : memref<4x20x128xf32, #tpu.memory_space<vmem>>, vector<1x1x16xf32>,
      %get3A_2212 = vector.shape_cast %get3A_2211 : vector<1x1x16xf32> to vector<16xf32>
      %get3A_2213 = arith.constant 1 : i32
      %get3A_2214 = arith.constant 10 : i32
      %get3A_2215 = arith.index_cast %get3A_2213 : i32 to index
      %get3A_2216 = arith.index_cast %get3A_2214 : i32 to index
      %get3A_2217 = arith.constant 64 : index
      %get3A_2218 = tpu.vector_load %arg6[%get3A_2215, %get3A_2216, %get3A_2217] {strides = array<i32>} : memref<4x20x128xf32, #tpu.memory_space<vmem>>, vector<1x1x16xf32>,
      %get3A_2219 = vector.shape_cast %get3A_2218 : vector<1x1x16xf32> to vector<16xf32>
      %get3A_2220 = arith.constant 1 : i32
      %get3A_2221 = arith.constant 11 : i32
      %get3A_2222 = arith.index_cast %get3A_2220 : i32 to index
      %get3A_2223 = arith.index_cast %get3A_2221 : i32 to index
      %get3A_2224 = arith.constant 64 : index
      %get3A_2225 = tpu.vector_load %arg6[%get3A_2222, %get3A_2223, %get3A_2224] {strides = array<i32>} : memref<4x20x128xf32, #tpu.memory_space<vmem>>, vector<1x1x16xf32>,
      %get3A_2226 = vector.shape_cast %get3A_2225 : vector<1x1x16xf32> to vector<16xf32>
      %get3A_2227 = arith.constant 1 : i32
      %get3A_2228 = arith.constant 12 : i32
      %get3A_2229 = arith.index_cast %get3A_2227 : i32 to index
      %get3A_2230 = arith.index_cast %get3A_2228 : i32 to index
      %get3A_2231 = arith.constant 64 : index
      %get3A_2232 = tpu.vector_load %arg6[%get3A_2229, %get3A_2230, %get3A_2231] {strides = array<i32>} : memref<4x20x128xf32, #tpu.memory_space<vmem>>, vector<1x1x16xf32>,
      %get3A_2233 = vector.shape_cast %get3A_2232 : vector<1x1x16xf32> to vector<16xf32>
      %get3A_2234 = arith.constant 1 : i32
      %get3A_2235 = arith.constant 13 : i32
      %get3A_2236 = arith.index_cast %get3A_2234 : i32 to index
      %get3A_2237 = arith.index_cast %get3A_2235 : i32 to index
      %get3A_2238 = arith.constant 64 : index
      %get3A_2239 = tpu.vector_load %arg6[%get3A_2236, %get3A_2237, %get3A_2238] {strides = array<i32>} : memref<4x20x128xf32, #tpu.memory_space<vmem>>, vector<1x1x16xf32>,
      %get3A_2240 = vector.shape_cast %get3A_2239 : vector<1x1x16xf32> to vector<16xf32>
      %get3A_2241 = arith.constant 1 : i32
      %get3A_2242 = arith.constant 14 : i32
      %get3A_2243 = arith.index_cast %get3A_2241 : i32 to index
      %get3A_2244 = arith.index_cast %get3A_2242 : i32 to index
      %get3A_2245 = arith.constant 64 : index
      %get3A_2246 = tpu.vector_load %arg6[%get3A_2243, %get3A_2244, %get3A_2245] {strides = array<i32>} : memref<4x20x128xf32, #tpu.memory_space<vmem>>, vector<1x1x16xf32>,
      %get3A_2247 = vector.shape_cast %get3A_2246 : vector<1x1x16xf32> to vector<16xf32>
      %get3A_2248 = arith.constant 1 : i32
      %get3A_2249 = arith.constant 15 : i32
      %get3A_2250 = arith.index_cast %get3A_2248 : i32 to index
      %get3A_2251 = arith.index_cast %get3A_2249 : i32 to index
      %get3A_2252 = arith.constant 64 : index
      %get3A_2253 = tpu.vector_load %arg6[%get3A_2250, %get3A_2251, %get3A_2252] {strides = array<i32>} : memref<4x20x128xf32, #tpu.memory_space<vmem>>, vector<1x1x16xf32>,
      %get3A_2254 = vector.shape_cast %get3A_2253 : vector<1x1x16xf32> to vector<16xf32>
      %get3A_2255 = arith.constant 1 : i32
      %get3A_2256 = arith.constant 16 : i32
      %get3A_2257 = arith.index_cast %get3A_2255 : i32 to index
      %get3A_2258 = arith.index_cast %get3A_2256 : i32 to index
      %get3A_2259 = arith.constant 64 : index
      %get3A_2260 = tpu.vector_load %arg6[%get3A_2257, %get3A_2258, %get3A_2259] {strides = array<i32>} : memref<4x20x128xf32, #tpu.memory_space<vmem>>, vector<1x1x16xf32>,
      %get3A_2261 = vector.shape_cast %get3A_2260 : vector<1x1x16xf32> to vector<16xf32>
      %get3A_2262 = arith.constant 1 : i32
      %get3A_2263 = arith.constant 17 : i32
      %get3A_2264 = arith.index_cast %get3A_2262 : i32 to index
      %get3A_2265 = arith.index_cast %get3A_2263 : i32 to index
      %get3A_2266 = arith.constant 64 : index
      %get3A_2267 = tpu.vector_load %arg6[%get3A_2264, %get3A_2265, %get3A_2266] {strides = array<i32>} : memref<4x20x128xf32, #tpu.memory_space<vmem>>, vector<1x1x16xf32>,
      %get3A_2268 = vector.shape_cast %get3A_2267 : vector<1x1x16xf32> to vector<16xf32>
      %get3A_2269 = arith.constant 1 : i32
      %get3A_2270 = arith.constant 18 : i32
      %get3A_2271 = arith.index_cast %get3A_2269 : i32 to index
      %get3A_2272 = arith.index_cast %get3A_2270 : i32 to index
      %get3A_2273 = arith.constant 64 : index
      %get3A_2274 = tpu.vector_load %arg6[%get3A_2271, %get3A_2272, %get3A_2273] {strides = array<i32>} : memref<4x20x128xf32, #tpu.memory_space<vmem>>, vector<1x1x16xf32>,
      %get3A_2275 = vector.shape_cast %get3A_2274 : vector<1x1x16xf32> to vector<16xf32>
      %get3A_2276 = arith.constant 1 : i32
      %get3A_2277 = arith.constant 19 : i32
      %get3A_2278 = arith.index_cast %get3A_2276 : i32 to index
      %get3A_2279 = arith.index_cast %get3A_2277 : i32 to index
      %get3A_2280 = arith.constant 64 : index
      %get3A_2281 = tpu.vector_load %arg6[%get3A_2278, %get3A_2279, %get3A_2280] {strides = array<i32>} : memref<4x20x128xf32, #tpu.memory_space<vmem>>, vector<1x1x16xf32>,
      %get3A_2282 = vector.shape_cast %get3A_2281 : vector<1x1x16xf32> to vector<16xf32>
      %add3A_2283 = arith.addf %get3A_2149, %get3A_2156 : vector<16xf32>
      %add3A_2284 = arith.addf %get3A_2163, %get3A_2170 : vector<16xf32>
      %add3A_2285 = arith.addf %get3A_2177, %get3A_2184 : vector<16xf32>
      %add3A_2286 = arith.addf %get3A_2191, %get3A_2198 : vector<16xf32>
      %add3A_2287 = arith.addf %get3A_2205, %get3A_2212 : vector<16xf32>
      %add3A_2288 = arith.addf %get3A_2219, %get3A_2226 : vector<16xf32>
      %add3A_2289 = arith.addf %get3A_2233, %get3A_2240 : vector<16xf32>
      %add3A_2290 = arith.addf %get3A_2247, %get3A_2254 : vector<16xf32>
      %add3A_2291 = arith.addf %get3A_2261, %get3A_2268 : vector<16xf32>
      %add3A_2292 = arith.addf %get3A_2275, %get3A_2282 : vector<16xf32>
      %add3A_2293 = arith.addf %add3A_2283, %add3A_2284 : vector<16xf32>
      %add3A_2294 = arith.addf %add3A_2285, %add3A_2286 : vector<16xf32>
      %add3A_2295 = arith.addf %add3A_2287, %add3A_2288 : vector<16xf32>
      %add3A_2296 = arith.addf %add3A_2289, %add3A_2290 : vector<16xf32>
      %add3A_2297 = arith.addf %add3A_2291, %add3A_2292 : vector<16xf32>
      %add3A_2298 = arith.addf %add3A_2293, %add3A_2294 : vector<16xf32>
      %add3A_2299 = arith.addf %add3A_2295, %add3A_2296 : vector<16xf32>
      %add3A_2300 = arith.addf %add3A_2298, %add3A_2299 : vector<16xf32>
      %add3A_2301 = arith.addf %add3A_2300, %add3A_2297 : vector<16xf32>
      %swap3A_2302 = arith.index_cast %add3A_1466 : i32 to index
      %swap3A_2303 = arith.constant 64 : index
      %swap3A_2304 = tpu.vector_load %arg7[%swap3A_2302, %swap3A_2303] {strides = array<i32>} : memref<256x128xf32, #tpu.memory_space<vmem>>, vector<1x16xf32>,
      %swap3A_2305 = vector.shape_cast %swap3A_2304 : vector<1x16xf32> to vector<16xf32>
      %swap3A_2306 = vector.shape_cast %add3A_2301 : vector<16xf32> to vector<1x16xf32>
      tpu.vector_store %arg7[%swap3A_2302, %swap3A_2303], %swap3A_2306 {strides = array<i32>} : memref<256x128xf32, #tpu.memory_space<vmem>>, vector<1x16xf32>,
      %get3A_2307 = arith.constant 1 : i32
      %get3A_2308 = arith.constant 0 : i32
      %get3A_2309 = arith.index_cast %get3A_2307 : i32 to index
      %get3A_2310 = arith.index_cast %get3A_2308 : i32 to index
      %get3A_2311 = arith.constant 80 : index
      %get3A_2312 = tpu.vector_load %arg6[%get3A_2309, %get3A_2310, %get3A_2311] {strides = array<i32>} : memref<4x20x128xf32, #tpu.memory_space<vmem>>, vector<1x1x16xf32>,
      %get3A_2313 = vector.shape_cast %get3A_2312 : vector<1x1x16xf32> to vector<16xf32>
      %get3A_2314 = arith.constant 1 : i32
      %get3A_2315 = arith.constant 1 : i32
      %get3A_2316 = arith.index_cast %get3A_2314 : i32 to index
      %get3A_2317 = arith.index_cast %get3A_2315 : i32 to index
      %get3A_2318 = arith.constant 80 : index
      %get3A_2319 = tpu.vector_load %arg6[%get3A_2316, %get3A_2317, %get3A_2318] {strides = array<i32>} : memref<4x20x128xf32, #tpu.memory_space<vmem>>, vector<1x1x16xf32>,
      %get3A_2320 = vector.shape_cast %get3A_2319 : vector<1x1x16xf32> to vector<16xf32>
      %get3A_2321 = arith.constant 1 : i32
      %get3A_2322 = arith.constant 2 : i32
      %get3A_2323 = arith.index_cast %get3A_2321 : i32 to index
      %get3A_2324 = arith.index_cast %get3A_2322 : i32 to index
      %get3A_2325 = arith.constant 80 : index
      %get3A_2326 = tpu.vector_load %arg6[%get3A_2323, %get3A_2324, %get3A_2325] {strides = array<i32>} : memref<4x20x128xf32, #tpu.memory_space<vmem>>, vector<1x1x16xf32>,
      %get3A_2327 = vector.shape_cast %get3A_2326 : vector<1x1x16xf32> to vector<16xf32>
      %get3A_2328 = arith.constant 1 : i32
      %get3A_2329 = arith.constant 3 : i32
      %get3A_2330 = arith.index_cast %get3A_2328 : i32 to index
      %get3A_2331 = arith.index_cast %get3A_2329 : i32 to index
      %get3A_2332 = arith.constant 80 : index
      %get3A_2333 = tpu.vector_load %arg6[%get3A_2330, %get3A_2331, %get3A_2332] {strides = array<i32>} : memref<4x20x128xf32, #tpu.memory_space<vmem>>, vector<1x1x16xf32>,
      %get3A_2334 = vector.shape_cast %get3A_2333 : vector<1x1x16xf32> to vector<16xf32>
      %get3A_2335 = arith.constant 1 : i32
      %get3A_2336 = arith.constant 4 : i32
      %get3A_2337 = arith.index_cast %get3A_2335 : i32 to index
      %get3A_2338 = arith.index_cast %get3A_2336 : i32 to index
      %get3A_2339 = arith.constant 80 : index
      %get3A_2340 = tpu.vector_load %arg6[%get3A_2337, %get3A_2338, %get3A_2339] {strides = array<i32>} : memref<4x20x128xf32, #tpu.memory_space<vmem>>, vector<1x1x16xf32>,
      %get3A_2341 = vector.shape_cast %get3A_2340 : vector<1x1x16xf32> to vector<16xf32>
      %get3A_2342 = arith.constant 1 : i32
      %get3A_2343 = arith.constant 5 : i32
      %get3A_2344 = arith.index_cast %get3A_2342 : i32 to index
      %get3A_2345 = arith.index_cast %get3A_2343 : i32 to index
      %get3A_2346 = arith.constant 80 : index
      %get3A_2347 = tpu.vector_load %arg6[%get3A_2344, %get3A_2345, %get3A_2346] {strides = array<i32>} : memref<4x20x128xf32, #tpu.memory_space<vmem>>, vector<1x1x16xf32>,
      %get3A_2348 = vector.shape_cast %get3A_2347 : vector<1x1x16xf32> to vector<16xf32>
      %get3A_2349 = arith.constant 1 : i32
      %get3A_2350 = arith.constant 6 : i32
      %get3A_2351 = arith.index_cast %get3A_2349 : i32 to index
      %get3A_2352 = arith.index_cast %get3A_2350 : i32 to index
      %get3A_2353 = arith.constant 80 : index
      %get3A_2354 = tpu.vector_load %arg6[%get3A_2351, %get3A_2352, %get3A_2353] {strides = array<i32>} : memref<4x20x128xf32, #tpu.memory_space<vmem>>, vector<1x1x16xf32>,
      %get3A_2355 = vector.shape_cast %get3A_2354 : vector<1x1x16xf32> to vector<16xf32>
      %get3A_2356 = arith.constant 1 : i32
      %get3A_2357 = arith.constant 7 : i32
      %get3A_2358 = arith.index_cast %get3A_2356 : i32 to index
      %get3A_2359 = arith.index_cast %get3A_2357 : i32 to index
      %get3A_2360 = arith.constant 80 : index
      %get3A_2361 = tpu.vector_load %arg6[%get3A_2358, %get3A_2359, %get3A_2360] {strides = array<i32>} : memref<4x20x128xf32, #tpu.memory_space<vmem>>, vector<1x1x16xf32>,
      %get3A_2362 = vector.shape_cast %get3A_2361 : vector<1x1x16xf32> to vector<16xf32>
      %get3A_2363 = arith.constant 1 : i32
      %get3A_2364 = arith.constant 8 : i32
      %get3A_2365 = arith.index_cast %get3A_2363 : i32 to index
      %get3A_2366 = arith.index_cast %get3A_2364 : i32 to index
      %get3A_2367 = arith.constant 80 : index
      %get3A_2368 = tpu.vector_load %arg6[%get3A_2365, %get3A_2366, %get3A_2367] {strides = array<i32>} : memref<4x20x128xf32, #tpu.memory_space<vmem>>, vector<1x1x16xf32>,
      %get3A_2369 = vector.shape_cast %get3A_2368 : vector<1x1x16xf32> to vector<16xf32>
      %get3A_2370 = arith.constant 1 : i32
      %get3A_2371 = arith.constant 9 : i32
      %get3A_2372 = arith.index_cast %get3A_2370 : i32 to index
      %get3A_2373 = arith.index_cast %get3A_2371 : i32 to index
      %get3A_2374 = arith.constant 80 : index
      %get3A_2375 = tpu.vector_load %arg6[%get3A_2372, %get3A_2373, %get3A_2374] {strides = array<i32>} : memref<4x20x128xf32, #tpu.memory_space<vmem>>, vector<1x1x16xf32>,
      %get3A_2376 = vector.shape_cast %get3A_2375 : vector<1x1x16xf32> to vector<16xf32>
      %get3A_2377 = arith.constant 1 : i32
      %get3A_2378 = arith.constant 10 : i32
      %get3A_2379 = arith.index_cast %get3A_2377 : i32 to index
      %get3A_2380 = arith.index_cast %get3A_2378 : i32 to index
      %get3A_2381 = arith.constant 80 : index
      %get3A_2382 = tpu.vector_load %arg6[%get3A_2379, %get3A_2380, %get3A_2381] {strides = array<i32>} : memref<4x20x128xf32, #tpu.memory_space<vmem>>, vector<1x1x16xf32>,
      %get3A_2383 = vector.shape_cast %get3A_2382 : vector<1x1x16xf32> to vector<16xf32>
      %get3A_2384 = arith.constant 1 : i32
      %get3A_2385 = arith.constant 11 : i32
      %get3A_2386 = arith.index_cast %get3A_2384 : i32 to index
      %get3A_2387 = arith.index_cast %get3A_2385 : i32 to index
      %get3A_2388 = arith.constant 80 : index
      %get3A_2389 = tpu.vector_load %arg6[%get3A_2386, %get3A_2387, %get3A_2388] {strides = array<i32>} : memref<4x20x128xf32, #tpu.memory_space<vmem>>, vector<1x1x16xf32>,
      %get3A_2390 = vector.shape_cast %get3A_2389 : vector<1x1x16xf32> to vector<16xf32>
      %get3A_2391 = arith.constant 1 : i32
      %get3A_2392 = arith.constant 12 : i32
      %get3A_2393 = arith.index_cast %get3A_2391 : i32 to index
      %get3A_2394 = arith.index_cast %get3A_2392 : i32 to index
      %get3A_2395 = arith.constant 80 : index
      %get3A_2396 = tpu.vector_load %arg6[%get3A_2393, %get3A_2394, %get3A_2395] {strides = array<i32>} : memref<4x20x128xf32, #tpu.memory_space<vmem>>, vector<1x1x16xf32>,
      %get3A_2397 = vector.shape_cast %get3A_2396 : vector<1x1x16xf32> to vector<16xf32>
      %get3A_2398 = arith.constant 1 : i32
      %get3A_2399 = arith.constant 13 : i32
      %get3A_2400 = arith.index_cast %get3A_2398 : i32 to index
      %get3A_2401 = arith.index_cast %get3A_2399 : i32 to index
      %get3A_2402 = arith.constant 80 : index
      %get3A_2403 = tpu.vector_load %arg6[%get3A_2400, %get3A_2401, %get3A_2402] {strides = array<i32>} : memref<4x20x128xf32, #tpu.memory_space<vmem>>, vector<1x1x16xf32>,
      %get3A_2404 = vector.shape_cast %get3A_2403 : vector<1x1x16xf32> to vector<16xf32>
      %get3A_2405 = arith.constant 1 : i32
      %get3A_2406 = arith.constant 14 : i32
      %get3A_2407 = arith.index_cast %get3A_2405 : i32 to index
      %get3A_2408 = arith.index_cast %get3A_2406 : i32 to index
      %get3A_2409 = arith.constant 80 : index
      %get3A_2410 = tpu.vector_load %arg6[%get3A_2407, %get3A_2408, %get3A_2409] {strides = array<i32>} : memref<4x20x128xf32, #tpu.memory_space<vmem>>, vector<1x1x16xf32>,
      %get3A_2411 = vector.shape_cast %get3A_2410 : vector<1x1x16xf32> to vector<16xf32>
      %get3A_2412 = arith.constant 1 : i32
      %get3A_2413 = arith.constant 15 : i32
      %get3A_2414 = arith.index_cast %get3A_2412 : i32 to index
      %get3A_2415 = arith.index_cast %get3A_2413 : i32 to index
      %get3A_2416 = arith.constant 80 : index
      %get3A_2417 = tpu.vector_load %arg6[%get3A_2414, %get3A_2415, %get3A_2416] {strides = array<i32>} : memref<4x20x128xf32, #tpu.memory_space<vmem>>, vector<1x1x16xf32>,
      %get3A_2418 = vector.shape_cast %get3A_2417 : vector<1x1x16xf32> to vector<16xf32>
      %get3A_2419 = arith.constant 1 : i32
      %get3A_2420 = arith.constant 16 : i32
      %get3A_2421 = arith.index_cast %get3A_2419 : i32 to index
      %get3A_2422 = arith.index_cast %get3A_2420 : i32 to index
      %get3A_2423 = arith.constant 80 : index
      %get3A_2424 = tpu.vector_load %arg6[%get3A_2421, %get3A_2422, %get3A_2423] {strides = array<i32>} : memref<4x20x128xf32, #tpu.memory_space<vmem>>, vector<1x1x16xf32>,
      %get3A_2425 = vector.shape_cast %get3A_2424 : vector<1x1x16xf32> to vector<16xf32>
      %get3A_2426 = arith.constant 1 : i32
      %get3A_2427 = arith.constant 17 : i32
      %get3A_2428 = arith.index_cast %get3A_2426 : i32 to index
      %get3A_2429 = arith.index_cast %get3A_2427 : i32 to index
      %get3A_2430 = arith.constant 80 : index
      %get3A_2431 = tpu.vector_load %arg6[%get3A_2428, %get3A_2429, %get3A_2430] {strides = array<i32>} : memref<4x20x128xf32, #tpu.memory_space<vmem>>, vector<1x1x16xf32>,
      %get3A_2432 = vector.shape_cast %get3A_2431 : vector<1x1x16xf32> to vector<16xf32>
      %get3A_2433 = arith.constant 1 : i32
      %get3A_2434 = arith.constant 18 : i32
      %get3A_2435 = arith.index_cast %get3A_2433 : i32 to index
      %get3A_2436 = arith.index_cast %get3A_2434 : i32 to index
      %get3A_2437 = arith.constant 80 : index
      %get3A_2438 = tpu.vector_load %arg6[%get3A_2435, %get3A_2436, %get3A_2437] {strides = array<i32>} : memref<4x20x128xf32, #tpu.memory_space<vmem>>, vector<1x1x16xf32>,
      %get3A_2439 = vector.shape_cast %get3A_2438 : vector<1x1x16xf32> to vector<16xf32>
      %get3A_2440 = arith.constant 1 : i32
      %get3A_2441 = arith.constant 19 : i32
      %get3A_2442 = arith.index_cast %get3A_2440 : i32 to index
      %get3A_2443 = arith.index_cast %get3A_2441 : i32 to index
      %get3A_2444 = arith.constant 80 : index
      %get3A_2445 = tpu.vector_load %arg6[%get3A_2442, %get3A_2443, %get3A_2444] {strides = array<i32>} : memref<4x20x128xf32, #tpu.memory_space<vmem>>, vector<1x1x16xf32>,
      %get3A_2446 = vector.shape_cast %get3A_2445 : vector<1x1x16xf32> to vector<16xf32>
      %add3A_2447 = arith.addf %get3A_2313, %get3A_2320 : vector<16xf32>
      %add3A_2448 = arith.addf %get3A_2327, %get3A_2334 : vector<16xf32>
      %add3A_2449 = arith.addf %get3A_2341, %get3A_2348 : vector<16xf32>
      %add3A_2450 = arith.addf %get3A_2355, %get3A_2362 : vector<16xf32>
      %add3A_2451 = arith.addf %get3A_2369, %get3A_2376 : vector<16xf32>
      %add3A_2452 = arith.addf %get3A_2383, %get3A_2390 : vector<16xf32>
      %add3A_2453 = arith.addf %get3A_2397, %get3A_2404 : vector<16xf32>
      %add3A_2454 = arith.addf %get3A_2411, %get3A_2418 : vector<16xf32>
      %add3A_2455 = arith.addf %get3A_2425, %get3A_2432 : vector<16xf32>
      %add3A_2456 = arith.addf %get3A_2439, %get3A_2446 : vector<16xf32>
      %add3A_2457 = arith.addf %add3A_2447, %add3A_2448 : vector<16xf32>
      %add3A_2458 = arith.addf %add3A_2449, %add3A_2450 : vector<16xf32>
      %add3A_2459 = arith.addf %add3A_2451, %add3A_2452 : vector<16xf32>
      %add3A_2460 = arith.addf %add3A_2453, %add3A_2454 : vector<16xf32>
      %add3A_2461 = arith.addf %add3A_2455, %add3A_2456 : vector<16xf32>
      %add3A_2462 = arith.addf %add3A_2457, %add3A_2458 : vector<16xf32>
      %add3A_2463 = arith.addf %add3A_2459, %add3A_2460 : vector<16xf32>
      %add3A_2464 = arith.addf %add3A_2462, %add3A_2463 : vector<16xf32>
      %add3A_2465 = arith.addf %add3A_2464, %add3A_2461 : vector<16xf32>
      %swap3A_2466 = arith.index_cast %add3A_1466 : i32 to index
      %swap3A_2467 = arith.constant 80 : index
      %swap3A_2468 = tpu.vector_load %arg7[%swap3A_2466, %swap3A_2467] {strides = array<i32>} : memref<256x128xf32, #tpu.memory_space<vmem>>, vector<1x16xf32>,
      %swap3A_2469 = vector.shape_cast %swap3A_2468 : vector<1x16xf32> to vector<16xf32>
      %swap3A_2470 = vector.shape_cast %add3A_2465 : vector<16xf32> to vector<1x16xf32>
      tpu.vector_store %arg7[%swap3A_2466, %swap3A_2467], %swap3A_2470 {strides = array<i32>} : memref<256x128xf32, #tpu.memory_space<vmem>>, vector<1x16xf32>,
      %get3A_2471 = arith.constant 1 : i32
      %get3A_2472 = arith.constant 0 : i32
      %get3A_2473 = arith.index_cast %get3A_2471 : i32 to index
      %get3A_2474 = arith.index_cast %get3A_2472 : i32 to index
      %get3A_2475 = arith.constant 96 : index
      %get3A_2476 = tpu.vector_load %arg6[%get3A_2473, %get3A_2474, %get3A_2475] {strides = array<i32>} : memref<4x20x128xf32, #tpu.memory_space<vmem>>, vector<1x1x16xf32>,
      %get3A_2477 = vector.shape_cast %get3A_2476 : vector<1x1x16xf32> to vector<16xf32>
      %get3A_2478 = arith.constant 1 : i32
      %get3A_2479 = arith.constant 1 : i32
      %get3A_2480 = arith.index_cast %get3A_2478 : i32 to index
      %get3A_2481 = arith.index_cast %get3A_2479 : i32 to index
      %get3A_2482 = arith.constant 96 : index
      %get3A_2483 = tpu.vector_load %arg6[%get3A_2480, %get3A_2481, %get3A_2482] {strides = array<i32>} : memref<4x20x128xf32, #tpu.memory_space<vmem>>, vector<1x1x16xf32>,
      %get3A_2484 = vector.shape_cast %get3A_2483 : vector<1x1x16xf32> to vector<16xf32>
      %get3A_2485 = arith.constant 1 : i32
      %get3A_2486 = arith.constant 2 : i32
      %get3A_2487 = arith.index_cast %get3A_2485 : i32 to index
      %get3A_2488 = arith.index_cast %get3A_2486 : i32 to index
      %get3A_2489 = arith.constant 96 : index
      %get3A_2490 = tpu.vector_load %arg6[%get3A_2487, %get3A_2488, %get3A_2489] {strides = array<i32>} : memref<4x20x128xf32, #tpu.memory_space<vmem>>, vector<1x1x16xf32>,
      %get3A_2491 = vector.shape_cast %get3A_2490 : vector<1x1x16xf32> to vector<16xf32>
      %get3A_2492 = arith.constant 1 : i32
      %get3A_2493 = arith.constant 3 : i32
      %get3A_2494 = arith.index_cast %get3A_2492 : i32 to index
      %get3A_2495 = arith.index_cast %get3A_2493 : i32 to index
      %get3A_2496 = arith.constant 96 : index
      %get3A_2497 = tpu.vector_load %arg6[%get3A_2494, %get3A_2495, %get3A_2496] {strides = array<i32>} : memref<4x20x128xf32, #tpu.memory_space<vmem>>, vector<1x1x16xf32>,
      %get3A_2498 = vector.shape_cast %get3A_2497 : vector<1x1x16xf32> to vector<16xf32>
      %get3A_2499 = arith.constant 1 : i32
      %get3A_2500 = arith.constant 4 : i32
      %get3A_2501 = arith.index_cast %get3A_2499 : i32 to index
      %get3A_2502 = arith.index_cast %get3A_2500 : i32 to index
      %get3A_2503 = arith.constant 96 : index
      %get3A_2504 = tpu.vector_load %arg6[%get3A_2501, %get3A_2502, %get3A_2503] {strides = array<i32>} : memref<4x20x128xf32, #tpu.memory_space<vmem>>, vector<1x1x16xf32>,
      %get3A_2505 = vector.shape_cast %get3A_2504 : vector<1x1x16xf32> to vector<16xf32>
      %get3A_2506 = arith.constant 1 : i32
      %get3A_2507 = arith.constant 5 : i32
      %get3A_2508 = arith.index_cast %get3A_2506 : i32 to index
      %get3A_2509 = arith.index_cast %get3A_2507 : i32 to index
      %get3A_2510 = arith.constant 96 : index
      %get3A_2511 = tpu.vector_load %arg6[%get3A_2508, %get3A_2509, %get3A_2510] {strides = array<i32>} : memref<4x20x128xf32, #tpu.memory_space<vmem>>, vector<1x1x16xf32>,
      %get3A_2512 = vector.shape_cast %get3A_2511 : vector<1x1x16xf32> to vector<16xf32>
      %get3A_2513 = arith.constant 1 : i32
      %get3A_2514 = arith.constant 6 : i32
      %get3A_2515 = arith.index_cast %get3A_2513 : i32 to index
      %get3A_2516 = arith.index_cast %get3A_2514 : i32 to index
      %get3A_2517 = arith.constant 96 : index
      %get3A_2518 = tpu.vector_load %arg6[%get3A_2515, %get3A_2516, %get3A_2517] {strides = array<i32>} : memref<4x20x128xf32, #tpu.memory_space<vmem>>, vector<1x1x16xf32>,
      %get3A_2519 = vector.shape_cast %get3A_2518 : vector<1x1x16xf32> to vector<16xf32>
      %get3A_2520 = arith.constant 1 : i32
      %get3A_2521 = arith.constant 7 : i32
      %get3A_2522 = arith.index_cast %get3A_2520 : i32 to index
      %get3A_2523 = arith.index_cast %get3A_2521 : i32 to index
      %get3A_2524 = arith.constant 96 : index
      %get3A_2525 = tpu.vector_load %arg6[%get3A_2522, %get3A_2523, %get3A_2524] {strides = array<i32>} : memref<4x20x128xf32, #tpu.memory_space<vmem>>, vector<1x1x16xf32>,
      %get3A_2526 = vector.shape_cast %get3A_2525 : vector<1x1x16xf32> to vector<16xf32>
      %get3A_2527 = arith.constant 1 : i32
      %get3A_2528 = arith.constant 8 : i32
      %get3A_2529 = arith.index_cast %get3A_2527 : i32 to index
      %get3A_2530 = arith.index_cast %get3A_2528 : i32 to index
      %get3A_2531 = arith.constant 96 : index
      %get3A_2532 = tpu.vector_load %arg6[%get3A_2529, %get3A_2530, %get3A_2531] {strides = array<i32>} : memref<4x20x128xf32, #tpu.memory_space<vmem>>, vector<1x1x16xf32>,
      %get3A_2533 = vector.shape_cast %get3A_2532 : vector<1x1x16xf32> to vector<16xf32>
      %get3A_2534 = arith.constant 1 : i32
      %get3A_2535 = arith.constant 9 : i32
      %get3A_2536 = arith.index_cast %get3A_2534 : i32 to index
      %get3A_2537 = arith.index_cast %get3A_2535 : i32 to index
      %get3A_2538 = arith.constant 96 : index
      %get3A_2539 = tpu.vector_load %arg6[%get3A_2536, %get3A_2537, %get3A_2538] {strides = array<i32>} : memref<4x20x128xf32, #tpu.memory_space<vmem>>, vector<1x1x16xf32>,
      %get3A_2540 = vector.shape_cast %get3A_2539 : vector<1x1x16xf32> to vector<16xf32>
      %get3A_2541 = arith.constant 1 : i32
      %get3A_2542 = arith.constant 10 : i32
      %get3A_2543 = arith.index_cast %get3A_2541 : i32 to index
      %get3A_2544 = arith.index_cast %get3A_2542 : i32 to index
      %get3A_2545 = arith.constant 96 : index
      %get3A_2546 = tpu.vector_load %arg6[%get3A_2543, %get3A_2544, %get3A_2545] {strides = array<i32>} : memref<4x20x128xf32, #tpu.memory_space<vmem>>, vector<1x1x16xf32>,
      %get3A_2547 = vector.shape_cast %get3A_2546 : vector<1x1x16xf32> to vector<16xf32>
      %get3A_2548 = arith.constant 1 : i32
      %get3A_2549 = arith.constant 11 : i32
      %get3A_2550 = arith.index_cast %get3A_2548 : i32 to index
      %get3A_2551 = arith.index_cast %get3A_2549 : i32 to index
      %get3A_2552 = arith.constant 96 : index
      %get3A_2553 = tpu.vector_load %arg6[%get3A_2550, %get3A_2551, %get3A_2552] {strides = array<i32>} : memref<4x20x128xf32, #tpu.memory_space<vmem>>, vector<1x1x16xf32>,
      %get3A_2554 = vector.shape_cast %get3A_2553 : vector<1x1x16xf32> to vector<16xf32>
      %get3A_2555 = arith.constant 1 : i32
      %get3A_2556 = arith.constant 12 : i32
      %get3A_2557 = arith.index_cast %get3A_2555 : i32 to index
      %get3A_2558 = arith.index_cast %get3A_2556 : i32 to index
      %get3A_2559 = arith.constant 96 : index
      %get3A_2560 = tpu.vector_load %arg6[%get3A_2557, %get3A_2558, %get3A_2559] {strides = array<i32>} : memref<4x20x128xf32, #tpu.memory_space<vmem>>, vector<1x1x16xf32>,
      %get3A_2561 = vector.shape_cast %get3A_2560 : vector<1x1x16xf32> to vector<16xf32>
      %get3A_2562 = arith.constant 1 : i32
      %get3A_2563 = arith.constant 13 : i32
      %get3A_2564 = arith.index_cast %get3A_2562 : i32 to index
      %get3A_2565 = arith.index_cast %get3A_2563 : i32 to index
      %get3A_2566 = arith.constant 96 : index
      %get3A_2567 = tpu.vector_load %arg6[%get3A_2564, %get3A_2565, %get3A_2566] {strides = array<i32>} : memref<4x20x128xf32, #tpu.memory_space<vmem>>, vector<1x1x16xf32>,
      %get3A_2568 = vector.shape_cast %get3A_2567 : vector<1x1x16xf32> to vector<16xf32>
      %get3A_2569 = arith.constant 1 : i32
      %get3A_2570 = arith.constant 14 : i32
      %get3A_2571 = arith.index_cast %get3A_2569 : i32 to index
      %get3A_2572 = arith.index_cast %get3A_2570 : i32 to index
      %get3A_2573 = arith.constant 96 : index
      %get3A_2574 = tpu.vector_load %arg6[%get3A_2571, %get3A_2572, %get3A_2573] {strides = array<i32>} : memref<4x20x128xf32, #tpu.memory_space<vmem>>, vector<1x1x16xf32>,
      %get3A_2575 = vector.shape_cast %get3A_2574 : vector<1x1x16xf32> to vector<16xf32>
      %get3A_2576 = arith.constant 1 : i32
      %get3A_2577 = arith.constant 15 : i32
      %get3A_2578 = arith.index_cast %get3A_2576 : i32 to index
      %get3A_2579 = arith.index_cast %get3A_2577 : i32 to index
      %get3A_2580 = arith.constant 96 : index
      %get3A_2581 = tpu.vector_load %arg6[%get3A_2578, %get3A_2579, %get3A_2580] {strides = array<i32>} : memref<4x20x128xf32, #tpu.memory_space<vmem>>, vector<1x1x16xf32>,
      %get3A_2582 = vector.shape_cast %get3A_2581 : vector<1x1x16xf32> to vector<16xf32>
      %get3A_2583 = arith.constant 1 : i32
      %get3A_2584 = arith.constant 16 : i32
      %get3A_2585 = arith.index_cast %get3A_2583 : i32 to index
      %get3A_2586 = arith.index_cast %get3A_2584 : i32 to index
      %get3A_2587 = arith.constant 96 : index
      %get3A_2588 = tpu.vector_load %arg6[%get3A_2585, %get3A_2586, %get3A_2587] {strides = array<i32>} : memref<4x20x128xf32, #tpu.memory_space<vmem>>, vector<1x1x16xf32>,
      %get3A_2589 = vector.shape_cast %get3A_2588 : vector<1x1x16xf32> to vector<16xf32>
      %get3A_2590 = arith.constant 1 : i32
      %get3A_2591 = arith.constant 17 : i32
      %get3A_2592 = arith.index_cast %get3A_2590 : i32 to index
      %get3A_2593 = arith.index_cast %get3A_2591 : i32 to index
      %get3A_2594 = arith.constant 96 : index
      %get3A_2595 = tpu.vector_load %arg6[%get3A_2592, %get3A_2593, %get3A_2594] {strides = array<i32>} : memref<4x20x128xf32, #tpu.memory_space<vmem>>, vector<1x1x16xf32>,
      %get3A_2596 = vector.shape_cast %get3A_2595 : vector<1x1x16xf32> to vector<16xf32>
      %get3A_2597 = arith.constant 1 : i32
      %get3A_2598 = arith.constant 18 : i32
      %get3A_2599 = arith.index_cast %get3A_2597 : i32 to index
      %get3A_2600 = arith.index_cast %get3A_2598 : i32 to index
      %get3A_2601 = arith.constant 96 : index
      %get3A_2602 = tpu.vector_load %arg6[%get3A_2599, %get3A_2600, %get3A_2601] {strides = array<i32>} : memref<4x20x128xf32, #tpu.memory_space<vmem>>, vector<1x1x16xf32>,
      %get3A_2603 = vector.shape_cast %get3A_2602 : vector<1x1x16xf32> to vector<16xf32>
      %get3A_2604 = arith.constant 1 : i32
      %get3A_2605 = arith.constant 19 : i32
      %get3A_2606 = arith.index_cast %get3A_2604 : i32 to index
      %get3A_2607 = arith.index_cast %get3A_2605 : i32 to index
      %get3A_2608 = arith.constant 96 : index
      %get3A_2609 = tpu.vector_load %arg6[%get3A_2606, %get3A_2607, %get3A_2608] {strides = array<i32>} : memref<4x20x128xf32, #tpu.memory_space<vmem>>, vector<1x1x16xf32>,
      %get3A_2610 = vector.shape_cast %get3A_2609 : vector<1x1x16xf32> to vector<16xf32>
      %add3A_2611 = arith.addf %get3A_2477, %get3A_2484 : vector<16xf32>
      %add3A_2612 = arith.addf %get3A_2491, %get3A_2498 : vector<16xf32>
      %add3A_2613 = arith.addf %get3A_2505, %get3A_2512 : vector<16xf32>
      %add3A_2614 = arith.addf %get3A_2519, %get3A_2526 : vector<16xf32>
      %add3A_2615 = arith.addf %get3A_2533, %get3A_2540 : vector<16xf32>
      %add3A_2616 = arith.addf %get3A_2547, %get3A_2554 : vector<16xf32>
      %add3A_2617 = arith.addf %get3A_2561, %get3A_2568 : vector<16xf32>
      %add3A_2618 = arith.addf %get3A_2575, %get3A_2582 : vector<16xf32>
      %add3A_2619 = arith.addf %get3A_2589, %get3A_2596 : vector<16xf32>
      %add3A_2620 = arith.addf %get3A_2603, %get3A_2610 : vector<16xf32>
      %add3A_2621 = arith.addf %add3A_2611, %add3A_2612 : vector<16xf32>
      %add3A_2622 = arith.addf %add3A_2613, %add3A_2614 : vector<16xf32>
      %add3A_2623 = arith.addf %add3A_2615, %add3A_2616 : vector<16xf32>
      %add3A_2624 = arith.addf %add3A_2617, %add3A_2618 : vector<16xf32>
      %add3A_2625 = arith.addf %add3A_2619, %add3A_2620 : vector<16xf32>
      %add3A_2626 = arith.addf %add3A_2621, %add3A_2622 : vector<16xf32>
      %add3A_2627 = arith.addf %add3A_2623, %add3A_2624 : vector<16xf32>
      %add3A_2628 = arith.addf %add3A_2626, %add3A_2627 : vector<16xf32>
      %add3A_2629 = arith.addf %add3A_2628, %add3A_2625 : vector<16xf32>
      %swap3A_2630 = arith.index_cast %add3A_1466 : i32 to index
      %swap3A_2631 = arith.constant 96 : index
      %swap3A_2632 = tpu.vector_load %arg7[%swap3A_2630, %swap3A_2631] {strides = array<i32>} : memref<256x128xf32, #tpu.memory_space<vmem>>, vector<1x16xf32>,
      %swap3A_2633 = vector.shape_cast %swap3A_2632 : vector<1x16xf32> to vector<16xf32>
      %swap3A_2634 = vector.shape_cast %add3A_2629 : vector<16xf32> to vector<1x16xf32>
      tpu.vector_store %arg7[%swap3A_2630, %swap3A_2631], %swap3A_2634 {strides = array<i32>} : memref<256x128xf32, #tpu.memory_space<vmem>>, vector<1x16xf32>,
      %get3A_2635 = arith.constant 1 : i32
      %get3A_2636 = arith.constant 0 : i32
      %get3A_2637 = arith.index_cast %get3A_2635 : i32 to index
      %get3A_2638 = arith.index_cast %get3A_2636 : i32 to index
      %get3A_2639 = arith.constant 112 : index
      %get3A_2640 = tpu.vector_load %arg6[%get3A_2637, %get3A_2638, %get3A_2639] {strides = array<i32>} : memref<4x20x128xf32, #tpu.memory_space<vmem>>, vector<1x1x16xf32>,
      %get3A_2641 = vector.shape_cast %get3A_2640 : vector<1x1x16xf32> to vector<16xf32>
      %get3A_2642 = arith.constant 1 : i32
      %get3A_2643 = arith.constant 1 : i32
      %get3A_2644 = arith.index_cast %get3A_2642 : i32 to index
      %get3A_2645 = arith.index_cast %get3A_2643 : i32 to index
      %get3A_2646 = arith.constant 112 : index
      %get3A_2647 = tpu.vector_load %arg6[%get3A_2644, %get3A_2645, %get3A_2646] {strides = array<i32>} : memref<4x20x128xf32, #tpu.memory_space<vmem>>, vector<1x1x16xf32>,
      %get3A_2648 = vector.shape_cast %get3A_2647 : vector<1x1x16xf32> to vector<16xf32>
      %get3A_2649 = arith.constant 1 : i32
      %get3A_2650 = arith.constant 2 : i32
      %get3A_2651 = arith.index_cast %get3A_2649 : i32 to index
      %get3A_2652 = arith.index_cast %get3A_2650 : i32 to index
      %get3A_2653 = arith.constant 112 : index
      %get3A_2654 = tpu.vector_load %arg6[%get3A_2651, %get3A_2652, %get3A_2653] {strides = array<i32>} : memref<4x20x128xf32, #tpu.memory_space<vmem>>, vector<1x1x16xf32>,
      %get3A_2655 = vector.shape_cast %get3A_2654 : vector<1x1x16xf32> to vector<16xf32>
      %get3A_2656 = arith.constant 1 : i32
      %get3A_2657 = arith.constant 3 : i32
      %get3A_2658 = arith.index_cast %get3A_2656 : i32 to index
      %get3A_2659 = arith.index_cast %get3A_2657 : i32 to index
      %get3A_2660 = arith.constant 112 : index
      %get3A_2661 = tpu.vector_load %arg6[%get3A_2658, %get3A_2659, %get3A_2660] {strides = array<i32>} : memref<4x20x128xf32, #tpu.memory_space<vmem>>, vector<1x1x16xf32>,
      %get3A_2662 = vector.shape_cast %get3A_2661 : vector<1x1x16xf32> to vector<16xf32>
      %get3A_2663 = arith.constant 1 : i32
      %get3A_2664 = arith.constant 4 : i32
      %get3A_2665 = arith.index_cast %get3A_2663 : i32 to index
      %get3A_2666 = arith.index_cast %get3A_2664 : i32 to index
      %get3A_2667 = arith.constant 112 : index
      %get3A_2668 = tpu.vector_load %arg6[%get3A_2665, %get3A_2666, %get3A_2667] {strides = array<i32>} : memref<4x20x128xf32, #tpu.memory_space<vmem>>, vector<1x1x16xf32>,
      %get3A_2669 = vector.shape_cast %get3A_2668 : vector<1x1x16xf32> to vector<16xf32>
      %get3A_2670 = arith.constant 1 : i32
      %get3A_2671 = arith.constant 5 : i32
      %get3A_2672 = arith.index_cast %get3A_2670 : i32 to index
      %get3A_2673 = arith.index_cast %get3A_2671 : i32 to index
      %get3A_2674 = arith.constant 112 : index
      %get3A_2675 = tpu.vector_load %arg6[%get3A_2672, %get3A_2673, %get3A_2674] {strides = array<i32>} : memref<4x20x128xf32, #tpu.memory_space<vmem>>, vector<1x1x16xf32>,
      %get3A_2676 = vector.shape_cast %get3A_2675 : vector<1x1x16xf32> to vector<16xf32>
      %get3A_2677 = arith.constant 1 : i32
      %get3A_2678 = arith.constant 6 : i32
      %get3A_2679 = arith.index_cast %get3A_2677 : i32 to index
      %get3A_2680 = arith.index_cast %get3A_2678 : i32 to index
      %get3A_2681 = arith.constant 112 : index
      %get3A_2682 = tpu.vector_load %arg6[%get3A_2679, %get3A_2680, %get3A_2681] {strides = array<i32>} : memref<4x20x128xf32, #tpu.memory_space<vmem>>, vector<1x1x16xf32>,
      %get3A_2683 = vector.shape_cast %get3A_2682 : vector<1x1x16xf32> to vector<16xf32>
      %get3A_2684 = arith.constant 1 : i32
      %get3A_2685 = arith.constant 7 : i32
      %get3A_2686 = arith.index_cast %get3A_2684 : i32 to index
      %get3A_2687 = arith.index_cast %get3A_2685 : i32 to index
      %get3A_2688 = arith.constant 112 : index
      %get3A_2689 = tpu.vector_load %arg6[%get3A_2686, %get3A_2687, %get3A_2688] {strides = array<i32>} : memref<4x20x128xf32, #tpu.memory_space<vmem>>, vector<1x1x16xf32>,
      %get3A_2690 = vector.shape_cast %get3A_2689 : vector<1x1x16xf32> to vector<16xf32>
      %get3A_2691 = arith.constant 1 : i32
      %get3A_2692 = arith.constant 8 : i32
      %get3A_2693 = arith.index_cast %get3A_2691 : i32 to index
      %get3A_2694 = arith.index_cast %get3A_2692 : i32 to index
      %get3A_2695 = arith.constant 112 : index
      %get3A_2696 = tpu.vector_load %arg6[%get3A_2693, %get3A_2694, %get3A_2695] {strides = array<i32>} : memref<4x20x128xf32, #tpu.memory_space<vmem>>, vector<1x1x16xf32>,
      %get3A_2697 = vector.shape_cast %get3A_2696 : vector<1x1x16xf32> to vector<16xf32>
      %get3A_2698 = arith.constant 1 : i32
      %get3A_2699 = arith.constant 9 : i32
      %get3A_2700 = arith.index_cast %get3A_2698 : i32 to index
      %get3A_2701 = arith.index_cast %get3A_2699 : i32 to index
      %get3A_2702 = arith.constant 112 : index
      %get3A_2703 = tpu.vector_load %arg6[%get3A_2700, %get3A_2701, %get3A_2702] {strides = array<i32>} : memref<4x20x128xf32, #tpu.memory_space<vmem>>, vector<1x1x16xf32>,
      %get3A_2704 = vector.shape_cast %get3A_2703 : vector<1x1x16xf32> to vector<16xf32>
      %get3A_2705 = arith.constant 1 : i32
      %get3A_2706 = arith.constant 10 : i32
      %get3A_2707 = arith.index_cast %get3A_2705 : i32 to index
      %get3A_2708 = arith.index_cast %get3A_2706 : i32 to index
      %get3A_2709 = arith.constant 112 : index
      %get3A_2710 = tpu.vector_load %arg6[%get3A_2707, %get3A_2708, %get3A_2709] {strides = array<i32>} : memref<4x20x128xf32, #tpu.memory_space<vmem>>, vector<1x1x16xf32>,
      %get3A_2711 = vector.shape_cast %get3A_2710 : vector<1x1x16xf32> to vector<16xf32>
      %get3A_2712 = arith.constant 1 : i32
      %get3A_2713 = arith.constant 11 : i32
      %get3A_2714 = arith.index_cast %get3A_2712 : i32 to index
      %get3A_2715 = arith.index_cast %get3A_2713 : i32 to index
      %get3A_2716 = arith.constant 112 : index
      %get3A_2717 = tpu.vector_load %arg6[%get3A_2714, %get3A_2715, %get3A_2716] {strides = array<i32>} : memref<4x20x128xf32, #tpu.memory_space<vmem>>, vector<1x1x16xf32>,
      %get3A_2718 = vector.shape_cast %get3A_2717 : vector<1x1x16xf32> to vector<16xf32>
      %get3A_2719 = arith.constant 1 : i32
      %get3A_2720 = arith.constant 12 : i32
      %get3A_2721 = arith.index_cast %get3A_2719 : i32 to index
      %get3A_2722 = arith.index_cast %get3A_2720 : i32 to index
      %get3A_2723 = arith.constant 112 : index
      %get3A_2724 = tpu.vector_load %arg6[%get3A_2721, %get3A_2722, %get3A_2723] {strides = array<i32>} : memref<4x20x128xf32, #tpu.memory_space<vmem>>, vector<1x1x16xf32>,
      %get3A_2725 = vector.shape_cast %get3A_2724 : vector<1x1x16xf32> to vector<16xf32>
      %get3A_2726 = arith.constant 1 : i32
      %get3A_2727 = arith.constant 13 : i32
      %get3A_2728 = arith.index_cast %get3A_2726 : i32 to index
      %get3A_2729 = arith.index_cast %get3A_2727 : i32 to index
      %get3A_2730 = arith.constant 112 : index
      %get3A_2731 = tpu.vector_load %arg6[%get3A_2728, %get3A_2729, %get3A_2730] {strides = array<i32>} : memref<4x20x128xf32, #tpu.memory_space<vmem>>, vector<1x1x16xf32>,
      %get3A_2732 = vector.shape_cast %get3A_2731 : vector<1x1x16xf32> to vector<16xf32>
      %get3A_2733 = arith.constant 1 : i32
      %get3A_2734 = arith.constant 14 : i32
      %get3A_2735 = arith.index_cast %get3A_2733 : i32 to index
      %get3A_2736 = arith.index_cast %get3A_2734 : i32 to index
      %get3A_2737 = arith.constant 112 : index
      %get3A_2738 = tpu.vector_load %arg6[%get3A_2735, %get3A_2736, %get3A_2737] {strides = array<i32>} : memref<4x20x128xf32, #tpu.memory_space<vmem>>, vector<1x1x16xf32>,
      %get3A_2739 = vector.shape_cast %get3A_2738 : vector<1x1x16xf32> to vector<16xf32>
      %get3A_2740 = arith.constant 1 : i32
      %get3A_2741 = arith.constant 15 : i32
      %get3A_2742 = arith.index_cast %get3A_2740 : i32 to index
      %get3A_2743 = arith.index_cast %get3A_2741 : i32 to index
      %get3A_2744 = arith.constant 112 : index
      %get3A_2745 = tpu.vector_load %arg6[%get3A_2742, %get3A_2743, %get3A_2744] {strides = array<i32>} : memref<4x20x128xf32, #tpu.memory_space<vmem>>, vector<1x1x16xf32>,
      %get3A_2746 = vector.shape_cast %get3A_2745 : vector<1x1x16xf32> to vector<16xf32>
      %get3A_2747 = arith.constant 1 : i32
      %get3A_2748 = arith.constant 16 : i32
      %get3A_2749 = arith.index_cast %get3A_2747 : i32 to index
      %get3A_2750 = arith.index_cast %get3A_2748 : i32 to index
      %get3A_2751 = arith.constant 112 : index
      %get3A_2752 = tpu.vector_load %arg6[%get3A_2749, %get3A_2750, %get3A_2751] {strides = array<i32>} : memref<4x20x128xf32, #tpu.memory_space<vmem>>, vector<1x1x16xf32>,
      %get3A_2753 = vector.shape_cast %get3A_2752 : vector<1x1x16xf32> to vector<16xf32>
      %get3A_2754 = arith.constant 1 : i32
      %get3A_2755 = arith.constant 17 : i32
      %get3A_2756 = arith.index_cast %get3A_2754 : i32 to index
      %get3A_2757 = arith.index_cast %get3A_2755 : i32 to index
      %get3A_2758 = arith.constant 112 : index
      %get3A_2759 = tpu.vector_load %arg6[%get3A_2756, %get3A_2757, %get3A_2758] {strides = array<i32>} : memref<4x20x128xf32, #tpu.memory_space<vmem>>, vector<1x1x16xf32>,
      %get3A_2760 = vector.shape_cast %get3A_2759 : vector<1x1x16xf32> to vector<16xf32>
      %get3A_2761 = arith.constant 1 : i32
      %get3A_2762 = arith.constant 18 : i32
      %get3A_2763 = arith.index_cast %get3A_2761 : i32 to index
      %get3A_2764 = arith.index_cast %get3A_2762 : i32 to index
      %get3A_2765 = arith.constant 112 : index
      %get3A_2766 = tpu.vector_load %arg6[%get3A_2763, %get3A_2764, %get3A_2765] {strides = array<i32>} : memref<4x20x128xf32, #tpu.memory_space<vmem>>, vector<1x1x16xf32>,
      %get3A_2767 = vector.shape_cast %get3A_2766 : vector<1x1x16xf32> to vector<16xf32>
      %get3A_2768 = arith.constant 1 : i32
      %get3A_2769 = arith.constant 19 : i32
      %get3A_2770 = arith.index_cast %get3A_2768 : i32 to index
      %get3A_2771 = arith.index_cast %get3A_2769 : i32 to index
      %get3A_2772 = arith.constant 112 : index
      %get3A_2773 = tpu.vector_load %arg6[%get3A_2770, %get3A_2771, %get3A_2772] {strides = array<i32>} : memref<4x20x128xf32, #tpu.memory_space<vmem>>, vector<1x1x16xf32>,
      %get3A_2774 = vector.shape_cast %get3A_2773 : vector<1x1x16xf32> to vector<16xf32>
      %add3A_2775 = arith.addf %get3A_2641, %get3A_2648 : vector<16xf32>
      %add3A_2776 = arith.addf %get3A_2655, %get3A_2662 : vector<16xf32>
      %add3A_2777 = arith.addf %get3A_2669, %get3A_2676 : vector<16xf32>
      %add3A_2778 = arith.addf %get3A_2683, %get3A_2690 : vector<16xf32>
      %add3A_2779 = arith.addf %get3A_2697, %get3A_2704 : vector<16xf32>
      %add3A_2780 = arith.addf %get3A_2711, %get3A_2718 : vector<16xf32>
      %add3A_2781 = arith.addf %get3A_2725, %get3A_2732 : vector<16xf32>
      %add3A_2782 = arith.addf %get3A_2739, %get3A_2746 : vector<16xf32>
      %add3A_2783 = arith.addf %get3A_2753, %get3A_2760 : vector<16xf32>
      %add3A_2784 = arith.addf %get3A_2767, %get3A_2774 : vector<16xf32>
      %add3A_2785 = arith.addf %add3A_2775, %add3A_2776 : vector<16xf32>
      %add3A_2786 = arith.addf %add3A_2777, %add3A_2778 : vector<16xf32>
      %add3A_2787 = arith.addf %add3A_2779, %add3A_2780 : vector<16xf32>
      %add3A_2788 = arith.addf %add3A_2781, %add3A_2782 : vector<16xf32>
      %add3A_2789 = arith.addf %add3A_2783, %add3A_2784 : vector<16xf32>
      %add3A_2790 = arith.addf %add3A_2785, %add3A_2786 : vector<16xf32>
      %add3A_2791 = arith.addf %add3A_2787, %add3A_2788 : vector<16xf32>
      %add3A_2792 = arith.addf %add3A_2790, %add3A_2791 : vector<16xf32>
      %add3A_2793 = arith.addf %add3A_2792, %add3A_2789 : vector<16xf32>
      %swap3A_2794 = arith.index_cast %add3A_1466 : i32 to index
      %swap3A_2795 = arith.constant 112 : index
      %swap3A_2796 = tpu.vector_load %arg7[%swap3A_2794, %swap3A_2795] {strides = array<i32>} : memref<256x128xf32, #tpu.memory_space<vmem>>, vector<1x16xf32>,
      %swap3A_2797 = vector.shape_cast %swap3A_2796 : vector<1x16xf32> to vector<16xf32>
      %swap3A_2798 = vector.shape_cast %add3A_2793 : vector<16xf32> to vector<1x16xf32>
      tpu.vector_store %arg7[%swap3A_2794, %swap3A_2795], %swap3A_2798 {strides = array<i32>} : memref<256x128xf32, #tpu.memory_space<vmem>>, vector<1x16xf32>,
      %mul3A_2799 = arith.constant 4 : i32
      %mul3A_2800 = arith.muli %scan3A_129, %mul3A_2799 : i32
      %add3A_2801 = arith.constant 2 : i32
      %add3A_2802 = arith.addi %mul3A_2800, %add3A_2801 : i32
      %add3A_2803 = arith.constant 4 : i32
      %add3A_2804 = arith.addi %add3A_2802, %add3A_2803 : i32
      %sub3A_2805 = arith.constant 1 : i32
      %sub3A_2806 = arith.subi %add3A_2804, %sub3A_2805 : i32
      %lt3A_2807 = arith.constant 256 : i32
      %lt3A_2808 = arith.cmpi slt, %sub3A_2806, %lt3A_2807 : i32
      %convert_element_type3A_2809 = arith.extui %lt3A_2808 : i1 to i32
      %cond3A_2810 = arith.constant 0 : i32
      %cond3A_2811 = arith.cmpi ne, %convert_element_type3A_2809, %cond3A_2810 : i32
      scf.if %cond3A_2811 {
        %dma_start3A_5493 = arith.constant 1 : i32
        %dma_start3A_5494 = arith.constant 0 : i32
        %dma_start3A_5495 = arith.constant 0 : i32
        %dma_start3A_5496 = tpu.memref_slice %arg6[%dma_start3A_5493, %dma_start3A_5494, %dma_start3A_5495] : memref<4x20x128xf32, #tpu.memory_space<vmem>> -> memref<1x20x128xf32, #tpu.memory_space<vmem>>
        %dma_start3A_5497 = tpu.memref_squeeze %dma_start3A_5496 : memref<1x20x128xf32, #tpu.memory_space<vmem>> -> memref<20x128xf32, #tpu.memory_space<vmem>>
        %dma_start3A_5498 = arith.constant 0 : i32
        %dma_start3A_5499 = tpu.memref_slice %arg5[%sub3A_2806, %dma_start3A_5498] : memref<256x20xi32, #tpu.memory_space<vmem>> -> memref<1x20xi32, #tpu.memory_space<vmem>>
        %dma_start3A_5500 = tpu.memref_squeeze %dma_start3A_5499 : memref<1x20xi32, #tpu.memory_space<vmem>> -> memref<20xi32, #tpu.memory_space<vmem>>
        %dma_start3A_5501 = arith.constant 0 : i32
        %dma_start3A_5502 = arith.constant 0 : i32
        %dma_start3A_5503 = tpu.memref_slice %arg3[%dma_start3A_5501, %dma_start3A_5502] : memref<100000x128xf32, #tpu.memory_space<hbm>> -> memref<100000x128xf32, #tpu.memory_space<hbm>>
        tpu.enqueue_indirect_dma source(%dma_start3A_5503 : memref<100000x128xf32, #tpu.memory_space<hbm>>) target(%dma_start3A_5497 : memref<20x128xf32, #tpu.memory_space<vmem>>) offsets(%dma_start3A_5500 : memref<20xi32, #tpu.memory_space<vmem>>) semaphore(%arg10 : memref<!tpu.dma_semaphore, #tpu.memory_space<semaphore_mem>>)
      } else {
      }
      %dma_wait3A_2812 = arith.constant 2 : i32
      %dma_wait3A_2813 = arith.constant 0 : i32
      %dma_wait3A_2814 = arith.constant 0 : i32
      %dma_wait3A_2815 = tpu.memref_slice %arg6[%dma_wait3A_2812, %dma_wait3A_2813, %dma_wait3A_2814] : memref<4x20x128xf32, #tpu.memory_space<vmem>> -> memref<1x20x128xf32, #tpu.memory_space<vmem>>
      %dma_wait3A_2816 = tpu.memref_squeeze %dma_wait3A_2815 : memref<1x20x128xf32, #tpu.memory_space<vmem>> -> memref<20x128xf32, #tpu.memory_space<vmem>>
      %dma_wait3A_2817 = arith.constant 0 : i32
      %dma_wait3A_2818 = tpu.memref_slice %arg5[%add3A_2802, %dma_wait3A_2817] : memref<256x20xi32, #tpu.memory_space<vmem>> -> memref<1x20xi32, #tpu.memory_space<vmem>>
      %dma_wait3A_2819 = tpu.memref_squeeze %dma_wait3A_2818 : memref<1x20xi32, #tpu.memory_space<vmem>> -> memref<20xi32, #tpu.memory_space<vmem>>
      %dma_wait3A_2820 = arith.constant 0 : i32
      %dma_wait3A_2821 = arith.constant 0 : i32
      %dma_wait3A_2822 = tpu.memref_slice %arg3[%dma_wait3A_2820, %dma_wait3A_2821] : memref<100000x128xf32, #tpu.memory_space<hbm>> -> memref<100000x128xf32, #tpu.memory_space<hbm>>
      tpu.wait_indirect_dma semaphore(%arg11 : memref<!tpu.dma_semaphore, #tpu.memory_space<semaphore_mem>>) src(%dma_wait3A_2822 : memref<100000x128xf32, #tpu.memory_space<hbm>>) dst(%dma_wait3A_2816 : memref<20x128xf32, #tpu.memory_space<vmem>>)
      %get3A_2823 = arith.constant 2 : i32
      %get3A_2824 = arith.constant 0 : i32
      %get3A_2825 = arith.index_cast %get3A_2823 : i32 to index
      %get3A_2826 = arith.index_cast %get3A_2824 : i32 to index
      %get3A_2827 = arith.constant 0 : index
      %get3A_2828 = tpu.vector_load %arg6[%get3A_2825, %get3A_2826, %get3A_2827] {strides = array<i32>} : memref<4x20x128xf32, #tpu.memory_space<vmem>>, vector<1x1x16xf32>,
      %get3A_2829 = vector.shape_cast %get3A_2828 : vector<1x1x16xf32> to vector<16xf32>
      %get3A_2830 = arith.constant 2 : i32
      %get3A_2831 = arith.constant 1 : i32
      %get3A_2832 = arith.index_cast %get3A_2830 : i32 to index
      %get3A_2833 = arith.index_cast %get3A_2831 : i32 to index
      %get3A_2834 = arith.constant 0 : index
      %get3A_2835 = tpu.vector_load %arg6[%get3A_2832, %get3A_2833, %get3A_2834] {strides = array<i32>} : memref<4x20x128xf32, #tpu.memory_space<vmem>>, vector<1x1x16xf32>,
      %get3A_2836 = vector.shape_cast %get3A_2835 : vector<1x1x16xf32> to vector<16xf32>
      %get3A_2837 = arith.constant 2 : i32
      %get3A_2838 = arith.constant 2 : i32
      %get3A_2839 = arith.index_cast %get3A_2837 : i32 to index
      %get3A_2840 = arith.index_cast %get3A_2838 : i32 to index
      %get3A_2841 = arith.constant 0 : index
      %get3A_2842 = tpu.vector_load %arg6[%get3A_2839, %get3A_2840, %get3A_2841] {strides = array<i32>} : memref<4x20x128xf32, #tpu.memory_space<vmem>>, vector<1x1x16xf32>,
      %get3A_2843 = vector.shape_cast %get3A_2842 : vector<1x1x16xf32> to vector<16xf32>
      %get3A_2844 = arith.constant 2 : i32
      %get3A_2845 = arith.constant 3 : i32
      %get3A_2846 = arith.index_cast %get3A_2844 : i32 to index
      %get3A_2847 = arith.index_cast %get3A_2845 : i32 to index
      %get3A_2848 = arith.constant 0 : index
      %get3A_2849 = tpu.vector_load %arg6[%get3A_2846, %get3A_2847, %get3A_2848] {strides = array<i32>} : memref<4x20x128xf32, #tpu.memory_space<vmem>>, vector<1x1x16xf32>,
      %get3A_2850 = vector.shape_cast %get3A_2849 : vector<1x1x16xf32> to vector<16xf32>
      %get3A_2851 = arith.constant 2 : i32
      %get3A_2852 = arith.constant 4 : i32
      %get3A_2853 = arith.index_cast %get3A_2851 : i32 to index
      %get3A_2854 = arith.index_cast %get3A_2852 : i32 to index
      %get3A_2855 = arith.constant 0 : index
      %get3A_2856 = tpu.vector_load %arg6[%get3A_2853, %get3A_2854, %get3A_2855] {strides = array<i32>} : memref<4x20x128xf32, #tpu.memory_space<vmem>>, vector<1x1x16xf32>,
      %get3A_2857 = vector.shape_cast %get3A_2856 : vector<1x1x16xf32> to vector<16xf32>
      %get3A_2858 = arith.constant 2 : i32
      %get3A_2859 = arith.constant 5 : i32
      %get3A_2860 = arith.index_cast %get3A_2858 : i32 to index
      %get3A_2861 = arith.index_cast %get3A_2859 : i32 to index
      %get3A_2862 = arith.constant 0 : index
      %get3A_2863 = tpu.vector_load %arg6[%get3A_2860, %get3A_2861, %get3A_2862] {strides = array<i32>} : memref<4x20x128xf32, #tpu.memory_space<vmem>>, vector<1x1x16xf32>,
      %get3A_2864 = vector.shape_cast %get3A_2863 : vector<1x1x16xf32> to vector<16xf32>
      %get3A_2865 = arith.constant 2 : i32
      %get3A_2866 = arith.constant 6 : i32
      %get3A_2867 = arith.index_cast %get3A_2865 : i32 to index
      %get3A_2868 = arith.index_cast %get3A_2866 : i32 to index
      %get3A_2869 = arith.constant 0 : index
      %get3A_2870 = tpu.vector_load %arg6[%get3A_2867, %get3A_2868, %get3A_2869] {strides = array<i32>} : memref<4x20x128xf32, #tpu.memory_space<vmem>>, vector<1x1x16xf32>,
      %get3A_2871 = vector.shape_cast %get3A_2870 : vector<1x1x16xf32> to vector<16xf32>
      %get3A_2872 = arith.constant 2 : i32
      %get3A_2873 = arith.constant 7 : i32
      %get3A_2874 = arith.index_cast %get3A_2872 : i32 to index
      %get3A_2875 = arith.index_cast %get3A_2873 : i32 to index
      %get3A_2876 = arith.constant 0 : index
      %get3A_2877 = tpu.vector_load %arg6[%get3A_2874, %get3A_2875, %get3A_2876] {strides = array<i32>} : memref<4x20x128xf32, #tpu.memory_space<vmem>>, vector<1x1x16xf32>,
      %get3A_2878 = vector.shape_cast %get3A_2877 : vector<1x1x16xf32> to vector<16xf32>
      %get3A_2879 = arith.constant 2 : i32
      %get3A_2880 = arith.constant 8 : i32
      %get3A_2881 = arith.index_cast %get3A_2879 : i32 to index
      %get3A_2882 = arith.index_cast %get3A_2880 : i32 to index
      %get3A_2883 = arith.constant 0 : index
      %get3A_2884 = tpu.vector_load %arg6[%get3A_2881, %get3A_2882, %get3A_2883] {strides = array<i32>} : memref<4x20x128xf32, #tpu.memory_space<vmem>>, vector<1x1x16xf32>,
      %get3A_2885 = vector.shape_cast %get3A_2884 : vector<1x1x16xf32> to vector<16xf32>
      %get3A_2886 = arith.constant 2 : i32
      %get3A_2887 = arith.constant 9 : i32
      %get3A_2888 = arith.index_cast %get3A_2886 : i32 to index
      %get3A_2889 = arith.index_cast %get3A_2887 : i32 to index
      %get3A_2890 = arith.constant 0 : index
      %get3A_2891 = tpu.vector_load %arg6[%get3A_2888, %get3A_2889, %get3A_2890] {strides = array<i32>} : memref<4x20x128xf32, #tpu.memory_space<vmem>>, vector<1x1x16xf32>,
      %get3A_2892 = vector.shape_cast %get3A_2891 : vector<1x1x16xf32> to vector<16xf32>
      %get3A_2893 = arith.constant 2 : i32
      %get3A_2894 = arith.constant 10 : i32
      %get3A_2895 = arith.index_cast %get3A_2893 : i32 to index
      %get3A_2896 = arith.index_cast %get3A_2894 : i32 to index
      %get3A_2897 = arith.constant 0 : index
      %get3A_2898 = tpu.vector_load %arg6[%get3A_2895, %get3A_2896, %get3A_2897] {strides = array<i32>} : memref<4x20x128xf32, #tpu.memory_space<vmem>>, vector<1x1x16xf32>,
      %get3A_2899 = vector.shape_cast %get3A_2898 : vector<1x1x16xf32> to vector<16xf32>
      %get3A_2900 = arith.constant 2 : i32
      %get3A_2901 = arith.constant 11 : i32
      %get3A_2902 = arith.index_cast %get3A_2900 : i32 to index
      %get3A_2903 = arith.index_cast %get3A_2901 : i32 to index
      %get3A_2904 = arith.constant 0 : index
      %get3A_2905 = tpu.vector_load %arg6[%get3A_2902, %get3A_2903, %get3A_2904] {strides = array<i32>} : memref<4x20x128xf32, #tpu.memory_space<vmem>>, vector<1x1x16xf32>,
      %get3A_2906 = vector.shape_cast %get3A_2905 : vector<1x1x16xf32> to vector<16xf32>
      %get3A_2907 = arith.constant 2 : i32
      %get3A_2908 = arith.constant 12 : i32
      %get3A_2909 = arith.index_cast %get3A_2907 : i32 to index
      %get3A_2910 = arith.index_cast %get3A_2908 : i32 to index
      %get3A_2911 = arith.constant 0 : index
      %get3A_2912 = tpu.vector_load %arg6[%get3A_2909, %get3A_2910, %get3A_2911] {strides = array<i32>} : memref<4x20x128xf32, #tpu.memory_space<vmem>>, vector<1x1x16xf32>,
      %get3A_2913 = vector.shape_cast %get3A_2912 : vector<1x1x16xf32> to vector<16xf32>
      %get3A_2914 = arith.constant 2 : i32
      %get3A_2915 = arith.constant 13 : i32
      %get3A_2916 = arith.index_cast %get3A_2914 : i32 to index
      %get3A_2917 = arith.index_cast %get3A_2915 : i32 to index
      %get3A_2918 = arith.constant 0 : index
      %get3A_2919 = tpu.vector_load %arg6[%get3A_2916, %get3A_2917, %get3A_2918] {strides = array<i32>} : memref<4x20x128xf32, #tpu.memory_space<vmem>>, vector<1x1x16xf32>,
      %get3A_2920 = vector.shape_cast %get3A_2919 : vector<1x1x16xf32> to vector<16xf32>
      %get3A_2921 = arith.constant 2 : i32
      %get3A_2922 = arith.constant 14 : i32
      %get3A_2923 = arith.index_cast %get3A_2921 : i32 to index
      %get3A_2924 = arith.index_cast %get3A_2922 : i32 to index
      %get3A_2925 = arith.constant 0 : index
      %get3A_2926 = tpu.vector_load %arg6[%get3A_2923, %get3A_2924, %get3A_2925] {strides = array<i32>} : memref<4x20x128xf32, #tpu.memory_space<vmem>>, vector<1x1x16xf32>,
      %get3A_2927 = vector.shape_cast %get3A_2926 : vector<1x1x16xf32> to vector<16xf32>
      %get3A_2928 = arith.constant 2 : i32
      %get3A_2929 = arith.constant 15 : i32
      %get3A_2930 = arith.index_cast %get3A_2928 : i32 to index
      %get3A_2931 = arith.index_cast %get3A_2929 : i32 to index
      %get3A_2932 = arith.constant 0 : index
      %get3A_2933 = tpu.vector_load %arg6[%get3A_2930, %get3A_2931, %get3A_2932] {strides = array<i32>} : memref<4x20x128xf32, #tpu.memory_space<vmem>>, vector<1x1x16xf32>,
      %get3A_2934 = vector.shape_cast %get3A_2933 : vector<1x1x16xf32> to vector<16xf32>
      %get3A_2935 = arith.constant 2 : i32
      %get3A_2936 = arith.constant 16 : i32
      %get3A_2937 = arith.index_cast %get3A_2935 : i32 to index
      %get3A_2938 = arith.index_cast %get3A_2936 : i32 to index
      %get3A_2939 = arith.constant 0 : index
      %get3A_2940 = tpu.vector_load %arg6[%get3A_2937, %get3A_2938, %get3A_2939] {strides = array<i32>} : memref<4x20x128xf32, #tpu.memory_space<vmem>>, vector<1x1x16xf32>,
      %get3A_2941 = vector.shape_cast %get3A_2940 : vector<1x1x16xf32> to vector<16xf32>
      %get3A_2942 = arith.constant 2 : i32
      %get3A_2943 = arith.constant 17 : i32
      %get3A_2944 = arith.index_cast %get3A_2942 : i32 to index
      %get3A_2945 = arith.index_cast %get3A_2943 : i32 to index
      %get3A_2946 = arith.constant 0 : index
      %get3A_2947 = tpu.vector_load %arg6[%get3A_2944, %get3A_2945, %get3A_2946] {strides = array<i32>} : memref<4x20x128xf32, #tpu.memory_space<vmem>>, vector<1x1x16xf32>,
      %get3A_2948 = vector.shape_cast %get3A_2947 : vector<1x1x16xf32> to vector<16xf32>
      %get3A_2949 = arith.constant 2 : i32
      %get3A_2950 = arith.constant 18 : i32
      %get3A_2951 = arith.index_cast %get3A_2949 : i32 to index
      %get3A_2952 = arith.index_cast %get3A_2950 : i32 to index
      %get3A_2953 = arith.constant 0 : index
      %get3A_2954 = tpu.vector_load %arg6[%get3A_2951, %get3A_2952, %get3A_2953] {strides = array<i32>} : memref<4x20x128xf32, #tpu.memory_space<vmem>>, vector<1x1x16xf32>,
      %get3A_2955 = vector.shape_cast %get3A_2954 : vector<1x1x16xf32> to vector<16xf32>
      %get3A_2956 = arith.constant 2 : i32
      %get3A_2957 = arith.constant 19 : i32
      %get3A_2958 = arith.index_cast %get3A_2956 : i32 to index
      %get3A_2959 = arith.index_cast %get3A_2957 : i32 to index
      %get3A_2960 = arith.constant 0 : index
      %get3A_2961 = tpu.vector_load %arg6[%get3A_2958, %get3A_2959, %get3A_2960] {strides = array<i32>} : memref<4x20x128xf32, #tpu.memory_space<vmem>>, vector<1x1x16xf32>,
      %get3A_2962 = vector.shape_cast %get3A_2961 : vector<1x1x16xf32> to vector<16xf32>
      %add3A_2963 = arith.addf %get3A_2829, %get3A_2836 : vector<16xf32>
      %add3A_2964 = arith.addf %get3A_2843, %get3A_2850 : vector<16xf32>
      %add3A_2965 = arith.addf %get3A_2857, %get3A_2864 : vector<16xf32>
      %add3A_2966 = arith.addf %get3A_2871, %get3A_2878 : vector<16xf32>
      %add3A_2967 = arith.addf %get3A_2885, %get3A_2892 : vector<16xf32>
      %add3A_2968 = arith.addf %get3A_2899, %get3A_2906 : vector<16xf32>
      %add3A_2969 = arith.addf %get3A_2913, %get3A_2920 : vector<16xf32>
      %add3A_2970 = arith.addf %get3A_2927, %get3A_2934 : vector<16xf32>
      %add3A_2971 = arith.addf %get3A_2941, %get3A_2948 : vector<16xf32>
      %add3A_2972 = arith.addf %get3A_2955, %get3A_2962 : vector<16xf32>
      %add3A_2973 = arith.addf %add3A_2963, %add3A_2964 : vector<16xf32>
      %add3A_2974 = arith.addf %add3A_2965, %add3A_2966 : vector<16xf32>
      %add3A_2975 = arith.addf %add3A_2967, %add3A_2968 : vector<16xf32>
      %add3A_2976 = arith.addf %add3A_2969, %add3A_2970 : vector<16xf32>
      %add3A_2977 = arith.addf %add3A_2971, %add3A_2972 : vector<16xf32>
      %add3A_2978 = arith.addf %add3A_2973, %add3A_2974 : vector<16xf32>
      %add3A_2979 = arith.addf %add3A_2975, %add3A_2976 : vector<16xf32>
      %add3A_2980 = arith.addf %add3A_2978, %add3A_2979 : vector<16xf32>
      %add3A_2981 = arith.addf %add3A_2980, %add3A_2977 : vector<16xf32>
      %swap3A_2982 = arith.index_cast %add3A_2802 : i32 to index
      %swap3A_2983 = arith.constant 0 : index
      %swap3A_2984 = tpu.vector_load %arg7[%swap3A_2982, %swap3A_2983] {strides = array<i32>} : memref<256x128xf32, #tpu.memory_space<vmem>>, vector<1x16xf32>,
      %swap3A_2985 = vector.shape_cast %swap3A_2984 : vector<1x16xf32> to vector<16xf32>
      %swap3A_2986 = vector.shape_cast %add3A_2981 : vector<16xf32> to vector<1x16xf32>
      tpu.vector_store %arg7[%swap3A_2982, %swap3A_2983], %swap3A_2986 {strides = array<i32>} : memref<256x128xf32, #tpu.memory_space<vmem>>, vector<1x16xf32>,
      %get3A_2987 = arith.constant 2 : i32
      %get3A_2988 = arith.constant 0 : i32
      %get3A_2989 = arith.index_cast %get3A_2987 : i32 to index
      %get3A_2990 = arith.index_cast %get3A_2988 : i32 to index
      %get3A_2991 = arith.constant 16 : index
      %get3A_2992 = tpu.vector_load %arg6[%get3A_2989, %get3A_2990, %get3A_2991] {strides = array<i32>} : memref<4x20x128xf32, #tpu.memory_space<vmem>>, vector<1x1x16xf32>,
      %get3A_2993 = vector.shape_cast %get3A_2992 : vector<1x1x16xf32> to vector<16xf32>
      %get3A_2994 = arith.constant 2 : i32
      %get3A_2995 = arith.constant 1 : i32
      %get3A_2996 = arith.index_cast %get3A_2994 : i32 to index
      %get3A_2997 = arith.index_cast %get3A_2995 : i32 to index
      %get3A_2998 = arith.constant 16 : index
      %get3A_2999 = tpu.vector_load %arg6[%get3A_2996, %get3A_2997, %get3A_2998] {strides = array<i32>} : memref<4x20x128xf32, #tpu.memory_space<vmem>>, vector<1x1x16xf32>,
      %get3A_3000 = vector.shape_cast %get3A_2999 : vector<1x1x16xf32> to vector<16xf32>
      %get3A_3001 = arith.constant 2 : i32
      %get3A_3002 = arith.constant 2 : i32
      %get3A_3003 = arith.index_cast %get3A_3001 : i32 to index
      %get3A_3004 = arith.index_cast %get3A_3002 : i32 to index
      %get3A_3005 = arith.constant 16 : index
      %get3A_3006 = tpu.vector_load %arg6[%get3A_3003, %get3A_3004, %get3A_3005] {strides = array<i32>} : memref<4x20x128xf32, #tpu.memory_space<vmem>>, vector<1x1x16xf32>,
      %get3A_3007 = vector.shape_cast %get3A_3006 : vector<1x1x16xf32> to vector<16xf32>
      %get3A_3008 = arith.constant 2 : i32
      %get3A_3009 = arith.constant 3 : i32
      %get3A_3010 = arith.index_cast %get3A_3008 : i32 to index
      %get3A_3011 = arith.index_cast %get3A_3009 : i32 to index
      %get3A_3012 = arith.constant 16 : index
      %get3A_3013 = tpu.vector_load %arg6[%get3A_3010, %get3A_3011, %get3A_3012] {strides = array<i32>} : memref<4x20x128xf32, #tpu.memory_space<vmem>>, vector<1x1x16xf32>,
      %get3A_3014 = vector.shape_cast %get3A_3013 : vector<1x1x16xf32> to vector<16xf32>
      %get3A_3015 = arith.constant 2 : i32
      %get3A_3016 = arith.constant 4 : i32
      %get3A_3017 = arith.index_cast %get3A_3015 : i32 to index
      %get3A_3018 = arith.index_cast %get3A_3016 : i32 to index
      %get3A_3019 = arith.constant 16 : index
      %get3A_3020 = tpu.vector_load %arg6[%get3A_3017, %get3A_3018, %get3A_3019] {strides = array<i32>} : memref<4x20x128xf32, #tpu.memory_space<vmem>>, vector<1x1x16xf32>,
      %get3A_3021 = vector.shape_cast %get3A_3020 : vector<1x1x16xf32> to vector<16xf32>
      %get3A_3022 = arith.constant 2 : i32
      %get3A_3023 = arith.constant 5 : i32
      %get3A_3024 = arith.index_cast %get3A_3022 : i32 to index
      %get3A_3025 = arith.index_cast %get3A_3023 : i32 to index
      %get3A_3026 = arith.constant 16 : index
      %get3A_3027 = tpu.vector_load %arg6[%get3A_3024, %get3A_3025, %get3A_3026] {strides = array<i32>} : memref<4x20x128xf32, #tpu.memory_space<vmem>>, vector<1x1x16xf32>,
      %get3A_3028 = vector.shape_cast %get3A_3027 : vector<1x1x16xf32> to vector<16xf32>
      %get3A_3029 = arith.constant 2 : i32
      %get3A_3030 = arith.constant 6 : i32
      %get3A_3031 = arith.index_cast %get3A_3029 : i32 to index
      %get3A_3032 = arith.index_cast %get3A_3030 : i32 to index
      %get3A_3033 = arith.constant 16 : index
      %get3A_3034 = tpu.vector_load %arg6[%get3A_3031, %get3A_3032, %get3A_3033] {strides = array<i32>} : memref<4x20x128xf32, #tpu.memory_space<vmem>>, vector<1x1x16xf32>,
      %get3A_3035 = vector.shape_cast %get3A_3034 : vector<1x1x16xf32> to vector<16xf32>
      %get3A_3036 = arith.constant 2 : i32
      %get3A_3037 = arith.constant 7 : i32
      %get3A_3038 = arith.index_cast %get3A_3036 : i32 to index
      %get3A_3039 = arith.index_cast %get3A_3037 : i32 to index
      %get3A_3040 = arith.constant 16 : index
      %get3A_3041 = tpu.vector_load %arg6[%get3A_3038, %get3A_3039, %get3A_3040] {strides = array<i32>} : memref<4x20x128xf32, #tpu.memory_space<vmem>>, vector<1x1x16xf32>,
      %get3A_3042 = vector.shape_cast %get3A_3041 : vector<1x1x16xf32> to vector<16xf32>
      %get3A_3043 = arith.constant 2 : i32
      %get3A_3044 = arith.constant 8 : i32
      %get3A_3045 = arith.index_cast %get3A_3043 : i32 to index
      %get3A_3046 = arith.index_cast %get3A_3044 : i32 to index
      %get3A_3047 = arith.constant 16 : index
      %get3A_3048 = tpu.vector_load %arg6[%get3A_3045, %get3A_3046, %get3A_3047] {strides = array<i32>} : memref<4x20x128xf32, #tpu.memory_space<vmem>>, vector<1x1x16xf32>,
      %get3A_3049 = vector.shape_cast %get3A_3048 : vector<1x1x16xf32> to vector<16xf32>
      %get3A_3050 = arith.constant 2 : i32
      %get3A_3051 = arith.constant 9 : i32
      %get3A_3052 = arith.index_cast %get3A_3050 : i32 to index
      %get3A_3053 = arith.index_cast %get3A_3051 : i32 to index
      %get3A_3054 = arith.constant 16 : index
      %get3A_3055 = tpu.vector_load %arg6[%get3A_3052, %get3A_3053, %get3A_3054] {strides = array<i32>} : memref<4x20x128xf32, #tpu.memory_space<vmem>>, vector<1x1x16xf32>,
      %get3A_3056 = vector.shape_cast %get3A_3055 : vector<1x1x16xf32> to vector<16xf32>
      %get3A_3057 = arith.constant 2 : i32
      %get3A_3058 = arith.constant 10 : i32
      %get3A_3059 = arith.index_cast %get3A_3057 : i32 to index
      %get3A_3060 = arith.index_cast %get3A_3058 : i32 to index
      %get3A_3061 = arith.constant 16 : index
      %get3A_3062 = tpu.vector_load %arg6[%get3A_3059, %get3A_3060, %get3A_3061] {strides = array<i32>} : memref<4x20x128xf32, #tpu.memory_space<vmem>>, vector<1x1x16xf32>,
      %get3A_3063 = vector.shape_cast %get3A_3062 : vector<1x1x16xf32> to vector<16xf32>
      %get3A_3064 = arith.constant 2 : i32
      %get3A_3065 = arith.constant 11 : i32
      %get3A_3066 = arith.index_cast %get3A_3064 : i32 to index
      %get3A_3067 = arith.index_cast %get3A_3065 : i32 to index
      %get3A_3068 = arith.constant 16 : index
      %get3A_3069 = tpu.vector_load %arg6[%get3A_3066, %get3A_3067, %get3A_3068] {strides = array<i32>} : memref<4x20x128xf32, #tpu.memory_space<vmem>>, vector<1x1x16xf32>,
      %get3A_3070 = vector.shape_cast %get3A_3069 : vector<1x1x16xf32> to vector<16xf32>
      %get3A_3071 = arith.constant 2 : i32
      %get3A_3072 = arith.constant 12 : i32
      %get3A_3073 = arith.index_cast %get3A_3071 : i32 to index
      %get3A_3074 = arith.index_cast %get3A_3072 : i32 to index
      %get3A_3075 = arith.constant 16 : index
      %get3A_3076 = tpu.vector_load %arg6[%get3A_3073, %get3A_3074, %get3A_3075] {strides = array<i32>} : memref<4x20x128xf32, #tpu.memory_space<vmem>>, vector<1x1x16xf32>,
      %get3A_3077 = vector.shape_cast %get3A_3076 : vector<1x1x16xf32> to vector<16xf32>
      %get3A_3078 = arith.constant 2 : i32
      %get3A_3079 = arith.constant 13 : i32
      %get3A_3080 = arith.index_cast %get3A_3078 : i32 to index
      %get3A_3081 = arith.index_cast %get3A_3079 : i32 to index
      %get3A_3082 = arith.constant 16 : index
      %get3A_3083 = tpu.vector_load %arg6[%get3A_3080, %get3A_3081, %get3A_3082] {strides = array<i32>} : memref<4x20x128xf32, #tpu.memory_space<vmem>>, vector<1x1x16xf32>,
      %get3A_3084 = vector.shape_cast %get3A_3083 : vector<1x1x16xf32> to vector<16xf32>
      %get3A_3085 = arith.constant 2 : i32
      %get3A_3086 = arith.constant 14 : i32
      %get3A_3087 = arith.index_cast %get3A_3085 : i32 to index
      %get3A_3088 = arith.index_cast %get3A_3086 : i32 to index
      %get3A_3089 = arith.constant 16 : index
      %get3A_3090 = tpu.vector_load %arg6[%get3A_3087, %get3A_3088, %get3A_3089] {strides = array<i32>} : memref<4x20x128xf32, #tpu.memory_space<vmem>>, vector<1x1x16xf32>,
      %get3A_3091 = vector.shape_cast %get3A_3090 : vector<1x1x16xf32> to vector<16xf32>
      %get3A_3092 = arith.constant 2 : i32
      %get3A_3093 = arith.constant 15 : i32
      %get3A_3094 = arith.index_cast %get3A_3092 : i32 to index
      %get3A_3095 = arith.index_cast %get3A_3093 : i32 to index
      %get3A_3096 = arith.constant 16 : index
      %get3A_3097 = tpu.vector_load %arg6[%get3A_3094, %get3A_3095, %get3A_3096] {strides = array<i32>} : memref<4x20x128xf32, #tpu.memory_space<vmem>>, vector<1x1x16xf32>,
      %get3A_3098 = vector.shape_cast %get3A_3097 : vector<1x1x16xf32> to vector<16xf32>
      %get3A_3099 = arith.constant 2 : i32
      %get3A_3100 = arith.constant 16 : i32
      %get3A_3101 = arith.index_cast %get3A_3099 : i32 to index
      %get3A_3102 = arith.index_cast %get3A_3100 : i32 to index
      %get3A_3103 = arith.constant 16 : index
      %get3A_3104 = tpu.vector_load %arg6[%get3A_3101, %get3A_3102, %get3A_3103] {strides = array<i32>} : memref<4x20x128xf32, #tpu.memory_space<vmem>>, vector<1x1x16xf32>,
      %get3A_3105 = vector.shape_cast %get3A_3104 : vector<1x1x16xf32> to vector<16xf32>
      %get3A_3106 = arith.constant 2 : i32
      %get3A_3107 = arith.constant 17 : i32
      %get3A_3108 = arith.index_cast %get3A_3106 : i32 to index
      %get3A_3109 = arith.index_cast %get3A_3107 : i32 to index
      %get3A_3110 = arith.constant 16 : index
      %get3A_3111 = tpu.vector_load %arg6[%get3A_3108, %get3A_3109, %get3A_3110] {strides = array<i32>} : memref<4x20x128xf32, #tpu.memory_space<vmem>>, vector<1x1x16xf32>,
      %get3A_3112 = vector.shape_cast %get3A_3111 : vector<1x1x16xf32> to vector<16xf32>
      %get3A_3113 = arith.constant 2 : i32
      %get3A_3114 = arith.constant 18 : i32
      %get3A_3115 = arith.index_cast %get3A_3113 : i32 to index
      %get3A_3116 = arith.index_cast %get3A_3114 : i32 to index
      %get3A_3117 = arith.constant 16 : index
      %get3A_3118 = tpu.vector_load %arg6[%get3A_3115, %get3A_3116, %get3A_3117] {strides = array<i32>} : memref<4x20x128xf32, #tpu.memory_space<vmem>>, vector<1x1x16xf32>,
      %get3A_3119 = vector.shape_cast %get3A_3118 : vector<1x1x16xf32> to vector<16xf32>
      %get3A_3120 = arith.constant 2 : i32
      %get3A_3121 = arith.constant 19 : i32
      %get3A_3122 = arith.index_cast %get3A_3120 : i32 to index
      %get3A_3123 = arith.index_cast %get3A_3121 : i32 to index
      %get3A_3124 = arith.constant 16 : index
      %get3A_3125 = tpu.vector_load %arg6[%get3A_3122, %get3A_3123, %get3A_3124] {strides = array<i32>} : memref<4x20x128xf32, #tpu.memory_space<vmem>>, vector<1x1x16xf32>,
      %get3A_3126 = vector.shape_cast %get3A_3125 : vector<1x1x16xf32> to vector<16xf32>
      %add3A_3127 = arith.addf %get3A_2993, %get3A_3000 : vector<16xf32>
      %add3A_3128 = arith.addf %get3A_3007, %get3A_3014 : vector<16xf32>
      %add3A_3129 = arith.addf %get3A_3021, %get3A_3028 : vector<16xf32>
      %add3A_3130 = arith.addf %get3A_3035, %get3A_3042 : vector<16xf32>
      %add3A_3131 = arith.addf %get3A_3049, %get3A_3056 : vector<16xf32>
      %add3A_3132 = arith.addf %get3A_3063, %get3A_3070 : vector<16xf32>
      %add3A_3133 = arith.addf %get3A_3077, %get3A_3084 : vector<16xf32>
      %add3A_3134 = arith.addf %get3A_3091, %get3A_3098 : vector<16xf32>
      %add3A_3135 = arith.addf %get3A_3105, %get3A_3112 : vector<16xf32>
      %add3A_3136 = arith.addf %get3A_3119, %get3A_3126 : vector<16xf32>
      %add3A_3137 = arith.addf %add3A_3127, %add3A_3128 : vector<16xf32>
      %add3A_3138 = arith.addf %add3A_3129, %add3A_3130 : vector<16xf32>
      %add3A_3139 = arith.addf %add3A_3131, %add3A_3132 : vector<16xf32>
      %add3A_3140 = arith.addf %add3A_3133, %add3A_3134 : vector<16xf32>
      %add3A_3141 = arith.addf %add3A_3135, %add3A_3136 : vector<16xf32>
      %add3A_3142 = arith.addf %add3A_3137, %add3A_3138 : vector<16xf32>
      %add3A_3143 = arith.addf %add3A_3139, %add3A_3140 : vector<16xf32>
      %add3A_3144 = arith.addf %add3A_3142, %add3A_3143 : vector<16xf32>
      %add3A_3145 = arith.addf %add3A_3144, %add3A_3141 : vector<16xf32>
      %swap3A_3146 = arith.index_cast %add3A_2802 : i32 to index
      %swap3A_3147 = arith.constant 16 : index
      %swap3A_3148 = tpu.vector_load %arg7[%swap3A_3146, %swap3A_3147] {strides = array<i32>} : memref<256x128xf32, #tpu.memory_space<vmem>>, vector<1x16xf32>,
      %swap3A_3149 = vector.shape_cast %swap3A_3148 : vector<1x16xf32> to vector<16xf32>
      %swap3A_3150 = vector.shape_cast %add3A_3145 : vector<16xf32> to vector<1x16xf32>
      tpu.vector_store %arg7[%swap3A_3146, %swap3A_3147], %swap3A_3150 {strides = array<i32>} : memref<256x128xf32, #tpu.memory_space<vmem>>, vector<1x16xf32>,
      %get3A_3151 = arith.constant 2 : i32
      %get3A_3152 = arith.constant 0 : i32
      %get3A_3153 = arith.index_cast %get3A_3151 : i32 to index
      %get3A_3154 = arith.index_cast %get3A_3152 : i32 to index
      %get3A_3155 = arith.constant 32 : index
      %get3A_3156 = tpu.vector_load %arg6[%get3A_3153, %get3A_3154, %get3A_3155] {strides = array<i32>} : memref<4x20x128xf32, #tpu.memory_space<vmem>>, vector<1x1x16xf32>,
      %get3A_3157 = vector.shape_cast %get3A_3156 : vector<1x1x16xf32> to vector<16xf32>
      %get3A_3158 = arith.constant 2 : i32
      %get3A_3159 = arith.constant 1 : i32
      %get3A_3160 = arith.index_cast %get3A_3158 : i32 to index
      %get3A_3161 = arith.index_cast %get3A_3159 : i32 to index
      %get3A_3162 = arith.constant 32 : index
      %get3A_3163 = tpu.vector_load %arg6[%get3A_3160, %get3A_3161, %get3A_3162] {strides = array<i32>} : memref<4x20x128xf32, #tpu.memory_space<vmem>>, vector<1x1x16xf32>,
      %get3A_3164 = vector.shape_cast %get3A_3163 : vector<1x1x16xf32> to vector<16xf32>
      %get3A_3165 = arith.constant 2 : i32
      %get3A_3166 = arith.constant 2 : i32
      %get3A_3167 = arith.index_cast %get3A_3165 : i32 to index
      %get3A_3168 = arith.index_cast %get3A_3166 : i32 to index
      %get3A_3169 = arith.constant 32 : index
      %get3A_3170 = tpu.vector_load %arg6[%get3A_3167, %get3A_3168, %get3A_3169] {strides = array<i32>} : memref<4x20x128xf32, #tpu.memory_space<vmem>>, vector<1x1x16xf32>,
      %get3A_3171 = vector.shape_cast %get3A_3170 : vector<1x1x16xf32> to vector<16xf32>
      %get3A_3172 = arith.constant 2 : i32
      %get3A_3173 = arith.constant 3 : i32
      %get3A_3174 = arith.index_cast %get3A_3172 : i32 to index
      %get3A_3175 = arith.index_cast %get3A_3173 : i32 to index
      %get3A_3176 = arith.constant 32 : index
      %get3A_3177 = tpu.vector_load %arg6[%get3A_3174, %get3A_3175, %get3A_3176] {strides = array<i32>} : memref<4x20x128xf32, #tpu.memory_space<vmem>>, vector<1x1x16xf32>,
      %get3A_3178 = vector.shape_cast %get3A_3177 : vector<1x1x16xf32> to vector<16xf32>
      %get3A_3179 = arith.constant 2 : i32
      %get3A_3180 = arith.constant 4 : i32
      %get3A_3181 = arith.index_cast %get3A_3179 : i32 to index
      %get3A_3182 = arith.index_cast %get3A_3180 : i32 to index
      %get3A_3183 = arith.constant 32 : index
      %get3A_3184 = tpu.vector_load %arg6[%get3A_3181, %get3A_3182, %get3A_3183] {strides = array<i32>} : memref<4x20x128xf32, #tpu.memory_space<vmem>>, vector<1x1x16xf32>,
      %get3A_3185 = vector.shape_cast %get3A_3184 : vector<1x1x16xf32> to vector<16xf32>
      %get3A_3186 = arith.constant 2 : i32
      %get3A_3187 = arith.constant 5 : i32
      %get3A_3188 = arith.index_cast %get3A_3186 : i32 to index
      %get3A_3189 = arith.index_cast %get3A_3187 : i32 to index
      %get3A_3190 = arith.constant 32 : index
      %get3A_3191 = tpu.vector_load %arg6[%get3A_3188, %get3A_3189, %get3A_3190] {strides = array<i32>} : memref<4x20x128xf32, #tpu.memory_space<vmem>>, vector<1x1x16xf32>,
      %get3A_3192 = vector.shape_cast %get3A_3191 : vector<1x1x16xf32> to vector<16xf32>
      %get3A_3193 = arith.constant 2 : i32
      %get3A_3194 = arith.constant 6 : i32
      %get3A_3195 = arith.index_cast %get3A_3193 : i32 to index
      %get3A_3196 = arith.index_cast %get3A_3194 : i32 to index
      %get3A_3197 = arith.constant 32 : index
      %get3A_3198 = tpu.vector_load %arg6[%get3A_3195, %get3A_3196, %get3A_3197] {strides = array<i32>} : memref<4x20x128xf32, #tpu.memory_space<vmem>>, vector<1x1x16xf32>,
      %get3A_3199 = vector.shape_cast %get3A_3198 : vector<1x1x16xf32> to vector<16xf32>
      %get3A_3200 = arith.constant 2 : i32
      %get3A_3201 = arith.constant 7 : i32
      %get3A_3202 = arith.index_cast %get3A_3200 : i32 to index
      %get3A_3203 = arith.index_cast %get3A_3201 : i32 to index
      %get3A_3204 = arith.constant 32 : index
      %get3A_3205 = tpu.vector_load %arg6[%get3A_3202, %get3A_3203, %get3A_3204] {strides = array<i32>} : memref<4x20x128xf32, #tpu.memory_space<vmem>>, vector<1x1x16xf32>,
      %get3A_3206 = vector.shape_cast %get3A_3205 : vector<1x1x16xf32> to vector<16xf32>
      %get3A_3207 = arith.constant 2 : i32
      %get3A_3208 = arith.constant 8 : i32
      %get3A_3209 = arith.index_cast %get3A_3207 : i32 to index
      %get3A_3210 = arith.index_cast %get3A_3208 : i32 to index
      %get3A_3211 = arith.constant 32 : index
      %get3A_3212 = tpu.vector_load %arg6[%get3A_3209, %get3A_3210, %get3A_3211] {strides = array<i32>} : memref<4x20x128xf32, #tpu.memory_space<vmem>>, vector<1x1x16xf32>,
      %get3A_3213 = vector.shape_cast %get3A_3212 : vector<1x1x16xf32> to vector<16xf32>
      %get3A_3214 = arith.constant 2 : i32
      %get3A_3215 = arith.constant 9 : i32
      %get3A_3216 = arith.index_cast %get3A_3214 : i32 to index
      %get3A_3217 = arith.index_cast %get3A_3215 : i32 to index
      %get3A_3218 = arith.constant 32 : index
      %get3A_3219 = tpu.vector_load %arg6[%get3A_3216, %get3A_3217, %get3A_3218] {strides = array<i32>} : memref<4x20x128xf32, #tpu.memory_space<vmem>>, vector<1x1x16xf32>,
      %get3A_3220 = vector.shape_cast %get3A_3219 : vector<1x1x16xf32> to vector<16xf32>
      %get3A_3221 = arith.constant 2 : i32
      %get3A_3222 = arith.constant 10 : i32
      %get3A_3223 = arith.index_cast %get3A_3221 : i32 to index
      %get3A_3224 = arith.index_cast %get3A_3222 : i32 to index
      %get3A_3225 = arith.constant 32 : index
      %get3A_3226 = tpu.vector_load %arg6[%get3A_3223, %get3A_3224, %get3A_3225] {strides = array<i32>} : memref<4x20x128xf32, #tpu.memory_space<vmem>>, vector<1x1x16xf32>,
      %get3A_3227 = vector.shape_cast %get3A_3226 : vector<1x1x16xf32> to vector<16xf32>
      %get3A_3228 = arith.constant 2 : i32
      %get3A_3229 = arith.constant 11 : i32
      %get3A_3230 = arith.index_cast %get3A_3228 : i32 to index
      %get3A_3231 = arith.index_cast %get3A_3229 : i32 to index
      %get3A_3232 = arith.constant 32 : index
      %get3A_3233 = tpu.vector_load %arg6[%get3A_3230, %get3A_3231, %get3A_3232] {strides = array<i32>} : memref<4x20x128xf32, #tpu.memory_space<vmem>>, vector<1x1x16xf32>,
      %get3A_3234 = vector.shape_cast %get3A_3233 : vector<1x1x16xf32> to vector<16xf32>
      %get3A_3235 = arith.constant 2 : i32
      %get3A_3236 = arith.constant 12 : i32
      %get3A_3237 = arith.index_cast %get3A_3235 : i32 to index
      %get3A_3238 = arith.index_cast %get3A_3236 : i32 to index
      %get3A_3239 = arith.constant 32 : index
      %get3A_3240 = tpu.vector_load %arg6[%get3A_3237, %get3A_3238, %get3A_3239] {strides = array<i32>} : memref<4x20x128xf32, #tpu.memory_space<vmem>>, vector<1x1x16xf32>,
      %get3A_3241 = vector.shape_cast %get3A_3240 : vector<1x1x16xf32> to vector<16xf32>
      %get3A_3242 = arith.constant 2 : i32
      %get3A_3243 = arith.constant 13 : i32
      %get3A_3244 = arith.index_cast %get3A_3242 : i32 to index
      %get3A_3245 = arith.index_cast %get3A_3243 : i32 to index
      %get3A_3246 = arith.constant 32 : index
      %get3A_3247 = tpu.vector_load %arg6[%get3A_3244, %get3A_3245, %get3A_3246] {strides = array<i32>} : memref<4x20x128xf32, #tpu.memory_space<vmem>>, vector<1x1x16xf32>,
      %get3A_3248 = vector.shape_cast %get3A_3247 : vector<1x1x16xf32> to vector<16xf32>
      %get3A_3249 = arith.constant 2 : i32
      %get3A_3250 = arith.constant 14 : i32
      %get3A_3251 = arith.index_cast %get3A_3249 : i32 to index
      %get3A_3252 = arith.index_cast %get3A_3250 : i32 to index
      %get3A_3253 = arith.constant 32 : index
      %get3A_3254 = tpu.vector_load %arg6[%get3A_3251, %get3A_3252, %get3A_3253] {strides = array<i32>} : memref<4x20x128xf32, #tpu.memory_space<vmem>>, vector<1x1x16xf32>,
      %get3A_3255 = vector.shape_cast %get3A_3254 : vector<1x1x16xf32> to vector<16xf32>
      %get3A_3256 = arith.constant 2 : i32
      %get3A_3257 = arith.constant 15 : i32
      %get3A_3258 = arith.index_cast %get3A_3256 : i32 to index
      %get3A_3259 = arith.index_cast %get3A_3257 : i32 to index
      %get3A_3260 = arith.constant 32 : index
      %get3A_3261 = tpu.vector_load %arg6[%get3A_3258, %get3A_3259, %get3A_3260] {strides = array<i32>} : memref<4x20x128xf32, #tpu.memory_space<vmem>>, vector<1x1x16xf32>,
      %get3A_3262 = vector.shape_cast %get3A_3261 : vector<1x1x16xf32> to vector<16xf32>
      %get3A_3263 = arith.constant 2 : i32
      %get3A_3264 = arith.constant 16 : i32
      %get3A_3265 = arith.index_cast %get3A_3263 : i32 to index
      %get3A_3266 = arith.index_cast %get3A_3264 : i32 to index
      %get3A_3267 = arith.constant 32 : index
      %get3A_3268 = tpu.vector_load %arg6[%get3A_3265, %get3A_3266, %get3A_3267] {strides = array<i32>} : memref<4x20x128xf32, #tpu.memory_space<vmem>>, vector<1x1x16xf32>,
      %get3A_3269 = vector.shape_cast %get3A_3268 : vector<1x1x16xf32> to vector<16xf32>
      %get3A_3270 = arith.constant 2 : i32
      %get3A_3271 = arith.constant 17 : i32
      %get3A_3272 = arith.index_cast %get3A_3270 : i32 to index
      %get3A_3273 = arith.index_cast %get3A_3271 : i32 to index
      %get3A_3274 = arith.constant 32 : index
      %get3A_3275 = tpu.vector_load %arg6[%get3A_3272, %get3A_3273, %get3A_3274] {strides = array<i32>} : memref<4x20x128xf32, #tpu.memory_space<vmem>>, vector<1x1x16xf32>,
      %get3A_3276 = vector.shape_cast %get3A_3275 : vector<1x1x16xf32> to vector<16xf32>
      %get3A_3277 = arith.constant 2 : i32
      %get3A_3278 = arith.constant 18 : i32
      %get3A_3279 = arith.index_cast %get3A_3277 : i32 to index
      %get3A_3280 = arith.index_cast %get3A_3278 : i32 to index
      %get3A_3281 = arith.constant 32 : index
      %get3A_3282 = tpu.vector_load %arg6[%get3A_3279, %get3A_3280, %get3A_3281] {strides = array<i32>} : memref<4x20x128xf32, #tpu.memory_space<vmem>>, vector<1x1x16xf32>,
      %get3A_3283 = vector.shape_cast %get3A_3282 : vector<1x1x16xf32> to vector<16xf32>
      %get3A_3284 = arith.constant 2 : i32
      %get3A_3285 = arith.constant 19 : i32
      %get3A_3286 = arith.index_cast %get3A_3284 : i32 to index
      %get3A_3287 = arith.index_cast %get3A_3285 : i32 to index
      %get3A_3288 = arith.constant 32 : index
      %get3A_3289 = tpu.vector_load %arg6[%get3A_3286, %get3A_3287, %get3A_3288] {strides = array<i32>} : memref<4x20x128xf32, #tpu.memory_space<vmem>>, vector<1x1x16xf32>,
      %get3A_3290 = vector.shape_cast %get3A_3289 : vector<1x1x16xf32> to vector<16xf32>
      %add3A_3291 = arith.addf %get3A_3157, %get3A_3164 : vector<16xf32>
      %add3A_3292 = arith.addf %get3A_3171, %get3A_3178 : vector<16xf32>
      %add3A_3293 = arith.addf %get3A_3185, %get3A_3192 : vector<16xf32>
      %add3A_3294 = arith.addf %get3A_3199, %get3A_3206 : vector<16xf32>
      %add3A_3295 = arith.addf %get3A_3213, %get3A_3220 : vector<16xf32>
      %add3A_3296 = arith.addf %get3A_3227, %get3A_3234 : vector<16xf32>
      %add3A_3297 = arith.addf %get3A_3241, %get3A_3248 : vector<16xf32>
      %add3A_3298 = arith.addf %get3A_3255, %get3A_3262 : vector<16xf32>
      %add3A_3299 = arith.addf %get3A_3269, %get3A_3276 : vector<16xf32>
      %add3A_3300 = arith.addf %get3A_3283, %get3A_3290 : vector<16xf32>
      %add3A_3301 = arith.addf %add3A_3291, %add3A_3292 : vector<16xf32>
      %add3A_3302 = arith.addf %add3A_3293, %add3A_3294 : vector<16xf32>
      %add3A_3303 = arith.addf %add3A_3295, %add3A_3296 : vector<16xf32>
      %add3A_3304 = arith.addf %add3A_3297, %add3A_3298 : vector<16xf32>
      %add3A_3305 = arith.addf %add3A_3299, %add3A_3300 : vector<16xf32>
      %add3A_3306 = arith.addf %add3A_3301, %add3A_3302 : vector<16xf32>
      %add3A_3307 = arith.addf %add3A_3303, %add3A_3304 : vector<16xf32>
      %add3A_3308 = arith.addf %add3A_3306, %add3A_3307 : vector<16xf32>
      %add3A_3309 = arith.addf %add3A_3308, %add3A_3305 : vector<16xf32>
      %swap3A_3310 = arith.index_cast %add3A_2802 : i32 to index
      %swap3A_3311 = arith.constant 32 : index
      %swap3A_3312 = tpu.vector_load %arg7[%swap3A_3310, %swap3A_3311] {strides = array<i32>} : memref<256x128xf32, #tpu.memory_space<vmem>>, vector<1x16xf32>,
      %swap3A_3313 = vector.shape_cast %swap3A_3312 : vector<1x16xf32> to vector<16xf32>
      %swap3A_3314 = vector.shape_cast %add3A_3309 : vector<16xf32> to vector<1x16xf32>
      tpu.vector_store %arg7[%swap3A_3310, %swap3A_3311], %swap3A_3314 {strides = array<i32>} : memref<256x128xf32, #tpu.memory_space<vmem>>, vector<1x16xf32>,
      %get3A_3315 = arith.constant 2 : i32
      %get3A_3316 = arith.constant 0 : i32
      %get3A_3317 = arith.index_cast %get3A_3315 : i32 to index
      %get3A_3318 = arith.index_cast %get3A_3316 : i32 to index
      %get3A_3319 = arith.constant 48 : index
      %get3A_3320 = tpu.vector_load %arg6[%get3A_3317, %get3A_3318, %get3A_3319] {strides = array<i32>} : memref<4x20x128xf32, #tpu.memory_space<vmem>>, vector<1x1x16xf32>,
      %get3A_3321 = vector.shape_cast %get3A_3320 : vector<1x1x16xf32> to vector<16xf32>
      %get3A_3322 = arith.constant 2 : i32
      %get3A_3323 = arith.constant 1 : i32
      %get3A_3324 = arith.index_cast %get3A_3322 : i32 to index
      %get3A_3325 = arith.index_cast %get3A_3323 : i32 to index
      %get3A_3326 = arith.constant 48 : index
      %get3A_3327 = tpu.vector_load %arg6[%get3A_3324, %get3A_3325, %get3A_3326] {strides = array<i32>} : memref<4x20x128xf32, #tpu.memory_space<vmem>>, vector<1x1x16xf32>,
      %get3A_3328 = vector.shape_cast %get3A_3327 : vector<1x1x16xf32> to vector<16xf32>
      %get3A_3329 = arith.constant 2 : i32
      %get3A_3330 = arith.constant 2 : i32
      %get3A_3331 = arith.index_cast %get3A_3329 : i32 to index
      %get3A_3332 = arith.index_cast %get3A_3330 : i32 to index
      %get3A_3333 = arith.constant 48 : index
      %get3A_3334 = tpu.vector_load %arg6[%get3A_3331, %get3A_3332, %get3A_3333] {strides = array<i32>} : memref<4x20x128xf32, #tpu.memory_space<vmem>>, vector<1x1x16xf32>,
      %get3A_3335 = vector.shape_cast %get3A_3334 : vector<1x1x16xf32> to vector<16xf32>
      %get3A_3336 = arith.constant 2 : i32
      %get3A_3337 = arith.constant 3 : i32
      %get3A_3338 = arith.index_cast %get3A_3336 : i32 to index
      %get3A_3339 = arith.index_cast %get3A_3337 : i32 to index
      %get3A_3340 = arith.constant 48 : index
      %get3A_3341 = tpu.vector_load %arg6[%get3A_3338, %get3A_3339, %get3A_3340] {strides = array<i32>} : memref<4x20x128xf32, #tpu.memory_space<vmem>>, vector<1x1x16xf32>,
      %get3A_3342 = vector.shape_cast %get3A_3341 : vector<1x1x16xf32> to vector<16xf32>
      %get3A_3343 = arith.constant 2 : i32
      %get3A_3344 = arith.constant 4 : i32
      %get3A_3345 = arith.index_cast %get3A_3343 : i32 to index
      %get3A_3346 = arith.index_cast %get3A_3344 : i32 to index
      %get3A_3347 = arith.constant 48 : index
      %get3A_3348 = tpu.vector_load %arg6[%get3A_3345, %get3A_3346, %get3A_3347] {strides = array<i32>} : memref<4x20x128xf32, #tpu.memory_space<vmem>>, vector<1x1x16xf32>,
      %get3A_3349 = vector.shape_cast %get3A_3348 : vector<1x1x16xf32> to vector<16xf32>
      %get3A_3350 = arith.constant 2 : i32
      %get3A_3351 = arith.constant 5 : i32
      %get3A_3352 = arith.index_cast %get3A_3350 : i32 to index
      %get3A_3353 = arith.index_cast %get3A_3351 : i32 to index
      %get3A_3354 = arith.constant 48 : index
      %get3A_3355 = tpu.vector_load %arg6[%get3A_3352, %get3A_3353, %get3A_3354] {strides = array<i32>} : memref<4x20x128xf32, #tpu.memory_space<vmem>>, vector<1x1x16xf32>,
      %get3A_3356 = vector.shape_cast %get3A_3355 : vector<1x1x16xf32> to vector<16xf32>
      %get3A_3357 = arith.constant 2 : i32
      %get3A_3358 = arith.constant 6 : i32
      %get3A_3359 = arith.index_cast %get3A_3357 : i32 to index
      %get3A_3360 = arith.index_cast %get3A_3358 : i32 to index
      %get3A_3361 = arith.constant 48 : index
      %get3A_3362 = tpu.vector_load %arg6[%get3A_3359, %get3A_3360, %get3A_3361] {strides = array<i32>} : memref<4x20x128xf32, #tpu.memory_space<vmem>>, vector<1x1x16xf32>,
      %get3A_3363 = vector.shape_cast %get3A_3362 : vector<1x1x16xf32> to vector<16xf32>
      %get3A_3364 = arith.constant 2 : i32
      %get3A_3365 = arith.constant 7 : i32
      %get3A_3366 = arith.index_cast %get3A_3364 : i32 to index
      %get3A_3367 = arith.index_cast %get3A_3365 : i32 to index
      %get3A_3368 = arith.constant 48 : index
      %get3A_3369 = tpu.vector_load %arg6[%get3A_3366, %get3A_3367, %get3A_3368] {strides = array<i32>} : memref<4x20x128xf32, #tpu.memory_space<vmem>>, vector<1x1x16xf32>,
      %get3A_3370 = vector.shape_cast %get3A_3369 : vector<1x1x16xf32> to vector<16xf32>
      %get3A_3371 = arith.constant 2 : i32
      %get3A_3372 = arith.constant 8 : i32
      %get3A_3373 = arith.index_cast %get3A_3371 : i32 to index
      %get3A_3374 = arith.index_cast %get3A_3372 : i32 to index
      %get3A_3375 = arith.constant 48 : index
      %get3A_3376 = tpu.vector_load %arg6[%get3A_3373, %get3A_3374, %get3A_3375] {strides = array<i32>} : memref<4x20x128xf32, #tpu.memory_space<vmem>>, vector<1x1x16xf32>,
      %get3A_3377 = vector.shape_cast %get3A_3376 : vector<1x1x16xf32> to vector<16xf32>
      %get3A_3378 = arith.constant 2 : i32
      %get3A_3379 = arith.constant 9 : i32
      %get3A_3380 = arith.index_cast %get3A_3378 : i32 to index
      %get3A_3381 = arith.index_cast %get3A_3379 : i32 to index
      %get3A_3382 = arith.constant 48 : index
      %get3A_3383 = tpu.vector_load %arg6[%get3A_3380, %get3A_3381, %get3A_3382] {strides = array<i32>} : memref<4x20x128xf32, #tpu.memory_space<vmem>>, vector<1x1x16xf32>,
      %get3A_3384 = vector.shape_cast %get3A_3383 : vector<1x1x16xf32> to vector<16xf32>
      %get3A_3385 = arith.constant 2 : i32
      %get3A_3386 = arith.constant 10 : i32
      %get3A_3387 = arith.index_cast %get3A_3385 : i32 to index
      %get3A_3388 = arith.index_cast %get3A_3386 : i32 to index
      %get3A_3389 = arith.constant 48 : index
      %get3A_3390 = tpu.vector_load %arg6[%get3A_3387, %get3A_3388, %get3A_3389] {strides = array<i32>} : memref<4x20x128xf32, #tpu.memory_space<vmem>>, vector<1x1x16xf32>,
      %get3A_3391 = vector.shape_cast %get3A_3390 : vector<1x1x16xf32> to vector<16xf32>
      %get3A_3392 = arith.constant 2 : i32
      %get3A_3393 = arith.constant 11 : i32
      %get3A_3394 = arith.index_cast %get3A_3392 : i32 to index
      %get3A_3395 = arith.index_cast %get3A_3393 : i32 to index
      %get3A_3396 = arith.constant 48 : index
      %get3A_3397 = tpu.vector_load %arg6[%get3A_3394, %get3A_3395, %get3A_3396] {strides = array<i32>} : memref<4x20x128xf32, #tpu.memory_space<vmem>>, vector<1x1x16xf32>,
      %get3A_3398 = vector.shape_cast %get3A_3397 : vector<1x1x16xf32> to vector<16xf32>
      %get3A_3399 = arith.constant 2 : i32
      %get3A_3400 = arith.constant 12 : i32
      %get3A_3401 = arith.index_cast %get3A_3399 : i32 to index
      %get3A_3402 = arith.index_cast %get3A_3400 : i32 to index
      %get3A_3403 = arith.constant 48 : index
      %get3A_3404 = tpu.vector_load %arg6[%get3A_3401, %get3A_3402, %get3A_3403] {strides = array<i32>} : memref<4x20x128xf32, #tpu.memory_space<vmem>>, vector<1x1x16xf32>,
      %get3A_3405 = vector.shape_cast %get3A_3404 : vector<1x1x16xf32> to vector<16xf32>
      %get3A_3406 = arith.constant 2 : i32
      %get3A_3407 = arith.constant 13 : i32
      %get3A_3408 = arith.index_cast %get3A_3406 : i32 to index
      %get3A_3409 = arith.index_cast %get3A_3407 : i32 to index
      %get3A_3410 = arith.constant 48 : index
      %get3A_3411 = tpu.vector_load %arg6[%get3A_3408, %get3A_3409, %get3A_3410] {strides = array<i32>} : memref<4x20x128xf32, #tpu.memory_space<vmem>>, vector<1x1x16xf32>,
      %get3A_3412 = vector.shape_cast %get3A_3411 : vector<1x1x16xf32> to vector<16xf32>
      %get3A_3413 = arith.constant 2 : i32
      %get3A_3414 = arith.constant 14 : i32
      %get3A_3415 = arith.index_cast %get3A_3413 : i32 to index
      %get3A_3416 = arith.index_cast %get3A_3414 : i32 to index
      %get3A_3417 = arith.constant 48 : index
      %get3A_3418 = tpu.vector_load %arg6[%get3A_3415, %get3A_3416, %get3A_3417] {strides = array<i32>} : memref<4x20x128xf32, #tpu.memory_space<vmem>>, vector<1x1x16xf32>,
      %get3A_3419 = vector.shape_cast %get3A_3418 : vector<1x1x16xf32> to vector<16xf32>
      %get3A_3420 = arith.constant 2 : i32
      %get3A_3421 = arith.constant 15 : i32
      %get3A_3422 = arith.index_cast %get3A_3420 : i32 to index
      %get3A_3423 = arith.index_cast %get3A_3421 : i32 to index
      %get3A_3424 = arith.constant 48 : index
      %get3A_3425 = tpu.vector_load %arg6[%get3A_3422, %get3A_3423, %get3A_3424] {strides = array<i32>} : memref<4x20x128xf32, #tpu.memory_space<vmem>>, vector<1x1x16xf32>,
      %get3A_3426 = vector.shape_cast %get3A_3425 : vector<1x1x16xf32> to vector<16xf32>
      %get3A_3427 = arith.constant 2 : i32
      %get3A_3428 = arith.constant 16 : i32
      %get3A_3429 = arith.index_cast %get3A_3427 : i32 to index
      %get3A_3430 = arith.index_cast %get3A_3428 : i32 to index
      %get3A_3431 = arith.constant 48 : index
      %get3A_3432 = tpu.vector_load %arg6[%get3A_3429, %get3A_3430, %get3A_3431] {strides = array<i32>} : memref<4x20x128xf32, #tpu.memory_space<vmem>>, vector<1x1x16xf32>,
      %get3A_3433 = vector.shape_cast %get3A_3432 : vector<1x1x16xf32> to vector<16xf32>
      %get3A_3434 = arith.constant 2 : i32
      %get3A_3435 = arith.constant 17 : i32
      %get3A_3436 = arith.index_cast %get3A_3434 : i32 to index
      %get3A_3437 = arith.index_cast %get3A_3435 : i32 to index
      %get3A_3438 = arith.constant 48 : index
      %get3A_3439 = tpu.vector_load %arg6[%get3A_3436, %get3A_3437, %get3A_3438] {strides = array<i32>} : memref<4x20x128xf32, #tpu.memory_space<vmem>>, vector<1x1x16xf32>,
      %get3A_3440 = vector.shape_cast %get3A_3439 : vector<1x1x16xf32> to vector<16xf32>
      %get3A_3441 = arith.constant 2 : i32
      %get3A_3442 = arith.constant 18 : i32
      %get3A_3443 = arith.index_cast %get3A_3441 : i32 to index
      %get3A_3444 = arith.index_cast %get3A_3442 : i32 to index
      %get3A_3445 = arith.constant 48 : index
      %get3A_3446 = tpu.vector_load %arg6[%get3A_3443, %get3A_3444, %get3A_3445] {strides = array<i32>} : memref<4x20x128xf32, #tpu.memory_space<vmem>>, vector<1x1x16xf32>,
      %get3A_3447 = vector.shape_cast %get3A_3446 : vector<1x1x16xf32> to vector<16xf32>
      %get3A_3448 = arith.constant 2 : i32
      %get3A_3449 = arith.constant 19 : i32
      %get3A_3450 = arith.index_cast %get3A_3448 : i32 to index
      %get3A_3451 = arith.index_cast %get3A_3449 : i32 to index
      %get3A_3452 = arith.constant 48 : index
      %get3A_3453 = tpu.vector_load %arg6[%get3A_3450, %get3A_3451, %get3A_3452] {strides = array<i32>} : memref<4x20x128xf32, #tpu.memory_space<vmem>>, vector<1x1x16xf32>,
      %get3A_3454 = vector.shape_cast %get3A_3453 : vector<1x1x16xf32> to vector<16xf32>
      %add3A_3455 = arith.addf %get3A_3321, %get3A_3328 : vector<16xf32>
      %add3A_3456 = arith.addf %get3A_3335, %get3A_3342 : vector<16xf32>
      %add3A_3457 = arith.addf %get3A_3349, %get3A_3356 : vector<16xf32>
      %add3A_3458 = arith.addf %get3A_3363, %get3A_3370 : vector<16xf32>
      %add3A_3459 = arith.addf %get3A_3377, %get3A_3384 : vector<16xf32>
      %add3A_3460 = arith.addf %get3A_3391, %get3A_3398 : vector<16xf32>
      %add3A_3461 = arith.addf %get3A_3405, %get3A_3412 : vector<16xf32>
      %add3A_3462 = arith.addf %get3A_3419, %get3A_3426 : vector<16xf32>
      %add3A_3463 = arith.addf %get3A_3433, %get3A_3440 : vector<16xf32>
      %add3A_3464 = arith.addf %get3A_3447, %get3A_3454 : vector<16xf32>
      %add3A_3465 = arith.addf %add3A_3455, %add3A_3456 : vector<16xf32>
      %add3A_3466 = arith.addf %add3A_3457, %add3A_3458 : vector<16xf32>
      %add3A_3467 = arith.addf %add3A_3459, %add3A_3460 : vector<16xf32>
      %add3A_3468 = arith.addf %add3A_3461, %add3A_3462 : vector<16xf32>
      %add3A_3469 = arith.addf %add3A_3463, %add3A_3464 : vector<16xf32>
      %add3A_3470 = arith.addf %add3A_3465, %add3A_3466 : vector<16xf32>
      %add3A_3471 = arith.addf %add3A_3467, %add3A_3468 : vector<16xf32>
      %add3A_3472 = arith.addf %add3A_3470, %add3A_3471 : vector<16xf32>
      %add3A_3473 = arith.addf %add3A_3472, %add3A_3469 : vector<16xf32>
      %swap3A_3474 = arith.index_cast %add3A_2802 : i32 to index
      %swap3A_3475 = arith.constant 48 : index
      %swap3A_3476 = tpu.vector_load %arg7[%swap3A_3474, %swap3A_3475] {strides = array<i32>} : memref<256x128xf32, #tpu.memory_space<vmem>>, vector<1x16xf32>,
      %swap3A_3477 = vector.shape_cast %swap3A_3476 : vector<1x16xf32> to vector<16xf32>
      %swap3A_3478 = vector.shape_cast %add3A_3473 : vector<16xf32> to vector<1x16xf32>
      tpu.vector_store %arg7[%swap3A_3474, %swap3A_3475], %swap3A_3478 {strides = array<i32>} : memref<256x128xf32, #tpu.memory_space<vmem>>, vector<1x16xf32>,
      %get3A_3479 = arith.constant 2 : i32
      %get3A_3480 = arith.constant 0 : i32
      %get3A_3481 = arith.index_cast %get3A_3479 : i32 to index
      %get3A_3482 = arith.index_cast %get3A_3480 : i32 to index
      %get3A_3483 = arith.constant 64 : index
      %get3A_3484 = tpu.vector_load %arg6[%get3A_3481, %get3A_3482, %get3A_3483] {strides = array<i32>} : memref<4x20x128xf32, #tpu.memory_space<vmem>>, vector<1x1x16xf32>,
      %get3A_3485 = vector.shape_cast %get3A_3484 : vector<1x1x16xf32> to vector<16xf32>
      %get3A_3486 = arith.constant 2 : i32
      %get3A_3487 = arith.constant 1 : i32
      %get3A_3488 = arith.index_cast %get3A_3486 : i32 to index
      %get3A_3489 = arith.index_cast %get3A_3487 : i32 to index
      %get3A_3490 = arith.constant 64 : index
      %get3A_3491 = tpu.vector_load %arg6[%get3A_3488, %get3A_3489, %get3A_3490] {strides = array<i32>} : memref<4x20x128xf32, #tpu.memory_space<vmem>>, vector<1x1x16xf32>,
      %get3A_3492 = vector.shape_cast %get3A_3491 : vector<1x1x16xf32> to vector<16xf32>
      %get3A_3493 = arith.constant 2 : i32
      %get3A_3494 = arith.constant 2 : i32
      %get3A_3495 = arith.index_cast %get3A_3493 : i32 to index
      %get3A_3496 = arith.index_cast %get3A_3494 : i32 to index
      %get3A_3497 = arith.constant 64 : index
      %get3A_3498 = tpu.vector_load %arg6[%get3A_3495, %get3A_3496, %get3A_3497] {strides = array<i32>} : memref<4x20x128xf32, #tpu.memory_space<vmem>>, vector<1x1x16xf32>,
      %get3A_3499 = vector.shape_cast %get3A_3498 : vector<1x1x16xf32> to vector<16xf32>
      %get3A_3500 = arith.constant 2 : i32
      %get3A_3501 = arith.constant 3 : i32
      %get3A_3502 = arith.index_cast %get3A_3500 : i32 to index
      %get3A_3503 = arith.index_cast %get3A_3501 : i32 to index
      %get3A_3504 = arith.constant 64 : index
      %get3A_3505 = tpu.vector_load %arg6[%get3A_3502, %get3A_3503, %get3A_3504] {strides = array<i32>} : memref<4x20x128xf32, #tpu.memory_space<vmem>>, vector<1x1x16xf32>,
      %get3A_3506 = vector.shape_cast %get3A_3505 : vector<1x1x16xf32> to vector<16xf32>
      %get3A_3507 = arith.constant 2 : i32
      %get3A_3508 = arith.constant 4 : i32
      %get3A_3509 = arith.index_cast %get3A_3507 : i32 to index
      %get3A_3510 = arith.index_cast %get3A_3508 : i32 to index
      %get3A_3511 = arith.constant 64 : index
      %get3A_3512 = tpu.vector_load %arg6[%get3A_3509, %get3A_3510, %get3A_3511] {strides = array<i32>} : memref<4x20x128xf32, #tpu.memory_space<vmem>>, vector<1x1x16xf32>,
      %get3A_3513 = vector.shape_cast %get3A_3512 : vector<1x1x16xf32> to vector<16xf32>
      %get3A_3514 = arith.constant 2 : i32
      %get3A_3515 = arith.constant 5 : i32
      %get3A_3516 = arith.index_cast %get3A_3514 : i32 to index
      %get3A_3517 = arith.index_cast %get3A_3515 : i32 to index
      %get3A_3518 = arith.constant 64 : index
      %get3A_3519 = tpu.vector_load %arg6[%get3A_3516, %get3A_3517, %get3A_3518] {strides = array<i32>} : memref<4x20x128xf32, #tpu.memory_space<vmem>>, vector<1x1x16xf32>,
      %get3A_3520 = vector.shape_cast %get3A_3519 : vector<1x1x16xf32> to vector<16xf32>
      %get3A_3521 = arith.constant 2 : i32
      %get3A_3522 = arith.constant 6 : i32
      %get3A_3523 = arith.index_cast %get3A_3521 : i32 to index
      %get3A_3524 = arith.index_cast %get3A_3522 : i32 to index
      %get3A_3525 = arith.constant 64 : index
      %get3A_3526 = tpu.vector_load %arg6[%get3A_3523, %get3A_3524, %get3A_3525] {strides = array<i32>} : memref<4x20x128xf32, #tpu.memory_space<vmem>>, vector<1x1x16xf32>,
      %get3A_3527 = vector.shape_cast %get3A_3526 : vector<1x1x16xf32> to vector<16xf32>
      %get3A_3528 = arith.constant 2 : i32
      %get3A_3529 = arith.constant 7 : i32
      %get3A_3530 = arith.index_cast %get3A_3528 : i32 to index
      %get3A_3531 = arith.index_cast %get3A_3529 : i32 to index
      %get3A_3532 = arith.constant 64 : index
      %get3A_3533 = tpu.vector_load %arg6[%get3A_3530, %get3A_3531, %get3A_3532] {strides = array<i32>} : memref<4x20x128xf32, #tpu.memory_space<vmem>>, vector<1x1x16xf32>,
      %get3A_3534 = vector.shape_cast %get3A_3533 : vector<1x1x16xf32> to vector<16xf32>
      %get3A_3535 = arith.constant 2 : i32
      %get3A_3536 = arith.constant 8 : i32
      %get3A_3537 = arith.index_cast %get3A_3535 : i32 to index
      %get3A_3538 = arith.index_cast %get3A_3536 : i32 to index
      %get3A_3539 = arith.constant 64 : index
      %get3A_3540 = tpu.vector_load %arg6[%get3A_3537, %get3A_3538, %get3A_3539] {strides = array<i32>} : memref<4x20x128xf32, #tpu.memory_space<vmem>>, vector<1x1x16xf32>,
      %get3A_3541 = vector.shape_cast %get3A_3540 : vector<1x1x16xf32> to vector<16xf32>
      %get3A_3542 = arith.constant 2 : i32
      %get3A_3543 = arith.constant 9 : i32
      %get3A_3544 = arith.index_cast %get3A_3542 : i32 to index
      %get3A_3545 = arith.index_cast %get3A_3543 : i32 to index
      %get3A_3546 = arith.constant 64 : index
      %get3A_3547 = tpu.vector_load %arg6[%get3A_3544, %get3A_3545, %get3A_3546] {strides = array<i32>} : memref<4x20x128xf32, #tpu.memory_space<vmem>>, vector<1x1x16xf32>,
      %get3A_3548 = vector.shape_cast %get3A_3547 : vector<1x1x16xf32> to vector<16xf32>
      %get3A_3549 = arith.constant 2 : i32
      %get3A_3550 = arith.constant 10 : i32
      %get3A_3551 = arith.index_cast %get3A_3549 : i32 to index
      %get3A_3552 = arith.index_cast %get3A_3550 : i32 to index
      %get3A_3553 = arith.constant 64 : index
      %get3A_3554 = tpu.vector_load %arg6[%get3A_3551, %get3A_3552, %get3A_3553] {strides = array<i32>} : memref<4x20x128xf32, #tpu.memory_space<vmem>>, vector<1x1x16xf32>,
      %get3A_3555 = vector.shape_cast %get3A_3554 : vector<1x1x16xf32> to vector<16xf32>
      %get3A_3556 = arith.constant 2 : i32
      %get3A_3557 = arith.constant 11 : i32
      %get3A_3558 = arith.index_cast %get3A_3556 : i32 to index
      %get3A_3559 = arith.index_cast %get3A_3557 : i32 to index
      %get3A_3560 = arith.constant 64 : index
      %get3A_3561 = tpu.vector_load %arg6[%get3A_3558, %get3A_3559, %get3A_3560] {strides = array<i32>} : memref<4x20x128xf32, #tpu.memory_space<vmem>>, vector<1x1x16xf32>,
      %get3A_3562 = vector.shape_cast %get3A_3561 : vector<1x1x16xf32> to vector<16xf32>
      %get3A_3563 = arith.constant 2 : i32
      %get3A_3564 = arith.constant 12 : i32
      %get3A_3565 = arith.index_cast %get3A_3563 : i32 to index
      %get3A_3566 = arith.index_cast %get3A_3564 : i32 to index
      %get3A_3567 = arith.constant 64 : index
      %get3A_3568 = tpu.vector_load %arg6[%get3A_3565, %get3A_3566, %get3A_3567] {strides = array<i32>} : memref<4x20x128xf32, #tpu.memory_space<vmem>>, vector<1x1x16xf32>,
      %get3A_3569 = vector.shape_cast %get3A_3568 : vector<1x1x16xf32> to vector<16xf32>
      %get3A_3570 = arith.constant 2 : i32
      %get3A_3571 = arith.constant 13 : i32
      %get3A_3572 = arith.index_cast %get3A_3570 : i32 to index
      %get3A_3573 = arith.index_cast %get3A_3571 : i32 to index
      %get3A_3574 = arith.constant 64 : index
      %get3A_3575 = tpu.vector_load %arg6[%get3A_3572, %get3A_3573, %get3A_3574] {strides = array<i32>} : memref<4x20x128xf32, #tpu.memory_space<vmem>>, vector<1x1x16xf32>,
      %get3A_3576 = vector.shape_cast %get3A_3575 : vector<1x1x16xf32> to vector<16xf32>
      %get3A_3577 = arith.constant 2 : i32
      %get3A_3578 = arith.constant 14 : i32
      %get3A_3579 = arith.index_cast %get3A_3577 : i32 to index
      %get3A_3580 = arith.index_cast %get3A_3578 : i32 to index
      %get3A_3581 = arith.constant 64 : index
      %get3A_3582 = tpu.vector_load %arg6[%get3A_3579, %get3A_3580, %get3A_3581] {strides = array<i32>} : memref<4x20x128xf32, #tpu.memory_space<vmem>>, vector<1x1x16xf32>,
      %get3A_3583 = vector.shape_cast %get3A_3582 : vector<1x1x16xf32> to vector<16xf32>
      %get3A_3584 = arith.constant 2 : i32
      %get3A_3585 = arith.constant 15 : i32
      %get3A_3586 = arith.index_cast %get3A_3584 : i32 to index
      %get3A_3587 = arith.index_cast %get3A_3585 : i32 to index
      %get3A_3588 = arith.constant 64 : index
      %get3A_3589 = tpu.vector_load %arg6[%get3A_3586, %get3A_3587, %get3A_3588] {strides = array<i32>} : memref<4x20x128xf32, #tpu.memory_space<vmem>>, vector<1x1x16xf32>,
      %get3A_3590 = vector.shape_cast %get3A_3589 : vector<1x1x16xf32> to vector<16xf32>
      %get3A_3591 = arith.constant 2 : i32
      %get3A_3592 = arith.constant 16 : i32
      %get3A_3593 = arith.index_cast %get3A_3591 : i32 to index
      %get3A_3594 = arith.index_cast %get3A_3592 : i32 to index
      %get3A_3595 = arith.constant 64 : index
      %get3A_3596 = tpu.vector_load %arg6[%get3A_3593, %get3A_3594, %get3A_3595] {strides = array<i32>} : memref<4x20x128xf32, #tpu.memory_space<vmem>>, vector<1x1x16xf32>,
      %get3A_3597 = vector.shape_cast %get3A_3596 : vector<1x1x16xf32> to vector<16xf32>
      %get3A_3598 = arith.constant 2 : i32
      %get3A_3599 = arith.constant 17 : i32
      %get3A_3600 = arith.index_cast %get3A_3598 : i32 to index
      %get3A_3601 = arith.index_cast %get3A_3599 : i32 to index
      %get3A_3602 = arith.constant 64 : index
      %get3A_3603 = tpu.vector_load %arg6[%get3A_3600, %get3A_3601, %get3A_3602] {strides = array<i32>} : memref<4x20x128xf32, #tpu.memory_space<vmem>>, vector<1x1x16xf32>,
      %get3A_3604 = vector.shape_cast %get3A_3603 : vector<1x1x16xf32> to vector<16xf32>
      %get3A_3605 = arith.constant 2 : i32
      %get3A_3606 = arith.constant 18 : i32
      %get3A_3607 = arith.index_cast %get3A_3605 : i32 to index
      %get3A_3608 = arith.index_cast %get3A_3606 : i32 to index
      %get3A_3609 = arith.constant 64 : index
      %get3A_3610 = tpu.vector_load %arg6[%get3A_3607, %get3A_3608, %get3A_3609] {strides = array<i32>} : memref<4x20x128xf32, #tpu.memory_space<vmem>>, vector<1x1x16xf32>,
      %get3A_3611 = vector.shape_cast %get3A_3610 : vector<1x1x16xf32> to vector<16xf32>
      %get3A_3612 = arith.constant 2 : i32
      %get3A_3613 = arith.constant 19 : i32
      %get3A_3614 = arith.index_cast %get3A_3612 : i32 to index
      %get3A_3615 = arith.index_cast %get3A_3613 : i32 to index
      %get3A_3616 = arith.constant 64 : index
      %get3A_3617 = tpu.vector_load %arg6[%get3A_3614, %get3A_3615, %get3A_3616] {strides = array<i32>} : memref<4x20x128xf32, #tpu.memory_space<vmem>>, vector<1x1x16xf32>,
      %get3A_3618 = vector.shape_cast %get3A_3617 : vector<1x1x16xf32> to vector<16xf32>
      %add3A_3619 = arith.addf %get3A_3485, %get3A_3492 : vector<16xf32>
      %add3A_3620 = arith.addf %get3A_3499, %get3A_3506 : vector<16xf32>
      %add3A_3621 = arith.addf %get3A_3513, %get3A_3520 : vector<16xf32>
      %add3A_3622 = arith.addf %get3A_3527, %get3A_3534 : vector<16xf32>
      %add3A_3623 = arith.addf %get3A_3541, %get3A_3548 : vector<16xf32>
      %add3A_3624 = arith.addf %get3A_3555, %get3A_3562 : vector<16xf32>
      %add3A_3625 = arith.addf %get3A_3569, %get3A_3576 : vector<16xf32>
      %add3A_3626 = arith.addf %get3A_3583, %get3A_3590 : vector<16xf32>
      %add3A_3627 = arith.addf %get3A_3597, %get3A_3604 : vector<16xf32>
      %add3A_3628 = arith.addf %get3A_3611, %get3A_3618 : vector<16xf32>
      %add3A_3629 = arith.addf %add3A_3619, %add3A_3620 : vector<16xf32>
      %add3A_3630 = arith.addf %add3A_3621, %add3A_3622 : vector<16xf32>
      %add3A_3631 = arith.addf %add3A_3623, %add3A_3624 : vector<16xf32>
      %add3A_3632 = arith.addf %add3A_3625, %add3A_3626 : vector<16xf32>
      %add3A_3633 = arith.addf %add3A_3627, %add3A_3628 : vector<16xf32>
      %add3A_3634 = arith.addf %add3A_3629, %add3A_3630 : vector<16xf32>
      %add3A_3635 = arith.addf %add3A_3631, %add3A_3632 : vector<16xf32>
      %add3A_3636 = arith.addf %add3A_3634, %add3A_3635 : vector<16xf32>
      %add3A_3637 = arith.addf %add3A_3636, %add3A_3633 : vector<16xf32>
      %swap3A_3638 = arith.index_cast %add3A_2802 : i32 to index
      %swap3A_3639 = arith.constant 64 : index
      %swap3A_3640 = tpu.vector_load %arg7[%swap3A_3638, %swap3A_3639] {strides = array<i32>} : memref<256x128xf32, #tpu.memory_space<vmem>>, vector<1x16xf32>,
      %swap3A_3641 = vector.shape_cast %swap3A_3640 : vector<1x16xf32> to vector<16xf32>
      %swap3A_3642 = vector.shape_cast %add3A_3637 : vector<16xf32> to vector<1x16xf32>
      tpu.vector_store %arg7[%swap3A_3638, %swap3A_3639], %swap3A_3642 {strides = array<i32>} : memref<256x128xf32, #tpu.memory_space<vmem>>, vector<1x16xf32>,
      %get3A_3643 = arith.constant 2 : i32
      %get3A_3644 = arith.constant 0 : i32
      %get3A_3645 = arith.index_cast %get3A_3643 : i32 to index
      %get3A_3646 = arith.index_cast %get3A_3644 : i32 to index
      %get3A_3647 = arith.constant 80 : index
      %get3A_3648 = tpu.vector_load %arg6[%get3A_3645, %get3A_3646, %get3A_3647] {strides = array<i32>} : memref<4x20x128xf32, #tpu.memory_space<vmem>>, vector<1x1x16xf32>,
      %get3A_3649 = vector.shape_cast %get3A_3648 : vector<1x1x16xf32> to vector<16xf32>
      %get3A_3650 = arith.constant 2 : i32
      %get3A_3651 = arith.constant 1 : i32
      %get3A_3652 = arith.index_cast %get3A_3650 : i32 to index
      %get3A_3653 = arith.index_cast %get3A_3651 : i32 to index
      %get3A_3654 = arith.constant 80 : index
      %get3A_3655 = tpu.vector_load %arg6[%get3A_3652, %get3A_3653, %get3A_3654] {strides = array<i32>} : memref<4x20x128xf32, #tpu.memory_space<vmem>>, vector<1x1x16xf32>,
      %get3A_3656 = vector.shape_cast %get3A_3655 : vector<1x1x16xf32> to vector<16xf32>
      %get3A_3657 = arith.constant 2 : i32
      %get3A_3658 = arith.constant 2 : i32
      %get3A_3659 = arith.index_cast %get3A_3657 : i32 to index
      %get3A_3660 = arith.index_cast %get3A_3658 : i32 to index
      %get3A_3661 = arith.constant 80 : index
      %get3A_3662 = tpu.vector_load %arg6[%get3A_3659, %get3A_3660, %get3A_3661] {strides = array<i32>} : memref<4x20x128xf32, #tpu.memory_space<vmem>>, vector<1x1x16xf32>,
      %get3A_3663 = vector.shape_cast %get3A_3662 : vector<1x1x16xf32> to vector<16xf32>
      %get3A_3664 = arith.constant 2 : i32
      %get3A_3665 = arith.constant 3 : i32
      %get3A_3666 = arith.index_cast %get3A_3664 : i32 to index
      %get3A_3667 = arith.index_cast %get3A_3665 : i32 to index
      %get3A_3668 = arith.constant 80 : index
      %get3A_3669 = tpu.vector_load %arg6[%get3A_3666, %get3A_3667, %get3A_3668] {strides = array<i32>} : memref<4x20x128xf32, #tpu.memory_space<vmem>>, vector<1x1x16xf32>,
      %get3A_3670 = vector.shape_cast %get3A_3669 : vector<1x1x16xf32> to vector<16xf32>
      %get3A_3671 = arith.constant 2 : i32
      %get3A_3672 = arith.constant 4 : i32
      %get3A_3673 = arith.index_cast %get3A_3671 : i32 to index
      %get3A_3674 = arith.index_cast %get3A_3672 : i32 to index
      %get3A_3675 = arith.constant 80 : index
      %get3A_3676 = tpu.vector_load %arg6[%get3A_3673, %get3A_3674, %get3A_3675] {strides = array<i32>} : memref<4x20x128xf32, #tpu.memory_space<vmem>>, vector<1x1x16xf32>,
      %get3A_3677 = vector.shape_cast %get3A_3676 : vector<1x1x16xf32> to vector<16xf32>
      %get3A_3678 = arith.constant 2 : i32
      %get3A_3679 = arith.constant 5 : i32
      %get3A_3680 = arith.index_cast %get3A_3678 : i32 to index
      %get3A_3681 = arith.index_cast %get3A_3679 : i32 to index
      %get3A_3682 = arith.constant 80 : index
      %get3A_3683 = tpu.vector_load %arg6[%get3A_3680, %get3A_3681, %get3A_3682] {strides = array<i32>} : memref<4x20x128xf32, #tpu.memory_space<vmem>>, vector<1x1x16xf32>,
      %get3A_3684 = vector.shape_cast %get3A_3683 : vector<1x1x16xf32> to vector<16xf32>
      %get3A_3685 = arith.constant 2 : i32
      %get3A_3686 = arith.constant 6 : i32
      %get3A_3687 = arith.index_cast %get3A_3685 : i32 to index
      %get3A_3688 = arith.index_cast %get3A_3686 : i32 to index
      %get3A_3689 = arith.constant 80 : index
      %get3A_3690 = tpu.vector_load %arg6[%get3A_3687, %get3A_3688, %get3A_3689] {strides = array<i32>} : memref<4x20x128xf32, #tpu.memory_space<vmem>>, vector<1x1x16xf32>,
      %get3A_3691 = vector.shape_cast %get3A_3690 : vector<1x1x16xf32> to vector<16xf32>
      %get3A_3692 = arith.constant 2 : i32
      %get3A_3693 = arith.constant 7 : i32
      %get3A_3694 = arith.index_cast %get3A_3692 : i32 to index
      %get3A_3695 = arith.index_cast %get3A_3693 : i32 to index
      %get3A_3696 = arith.constant 80 : index
      %get3A_3697 = tpu.vector_load %arg6[%get3A_3694, %get3A_3695, %get3A_3696] {strides = array<i32>} : memref<4x20x128xf32, #tpu.memory_space<vmem>>, vector<1x1x16xf32>,
      %get3A_3698 = vector.shape_cast %get3A_3697 : vector<1x1x16xf32> to vector<16xf32>
      %get3A_3699 = arith.constant 2 : i32
      %get3A_3700 = arith.constant 8 : i32
      %get3A_3701 = arith.index_cast %get3A_3699 : i32 to index
      %get3A_3702 = arith.index_cast %get3A_3700 : i32 to index
      %get3A_3703 = arith.constant 80 : index
      %get3A_3704 = tpu.vector_load %arg6[%get3A_3701, %get3A_3702, %get3A_3703] {strides = array<i32>} : memref<4x20x128xf32, #tpu.memory_space<vmem>>, vector<1x1x16xf32>,
      %get3A_3705 = vector.shape_cast %get3A_3704 : vector<1x1x16xf32> to vector<16xf32>
      %get3A_3706 = arith.constant 2 : i32
      %get3A_3707 = arith.constant 9 : i32
      %get3A_3708 = arith.index_cast %get3A_3706 : i32 to index
      %get3A_3709 = arith.index_cast %get3A_3707 : i32 to index
      %get3A_3710 = arith.constant 80 : index
      %get3A_3711 = tpu.vector_load %arg6[%get3A_3708, %get3A_3709, %get3A_3710] {strides = array<i32>} : memref<4x20x128xf32, #tpu.memory_space<vmem>>, vector<1x1x16xf32>,
      %get3A_3712 = vector.shape_cast %get3A_3711 : vector<1x1x16xf32> to vector<16xf32>
      %get3A_3713 = arith.constant 2 : i32
      %get3A_3714 = arith.constant 10 : i32
      %get3A_3715 = arith.index_cast %get3A_3713 : i32 to index
      %get3A_3716 = arith.index_cast %get3A_3714 : i32 to index
      %get3A_3717 = arith.constant 80 : index
      %get3A_3718 = tpu.vector_load %arg6[%get3A_3715, %get3A_3716, %get3A_3717] {strides = array<i32>} : memref<4x20x128xf32, #tpu.memory_space<vmem>>, vector<1x1x16xf32>,
      %get3A_3719 = vector.shape_cast %get3A_3718 : vector<1x1x16xf32> to vector<16xf32>
      %get3A_3720 = arith.constant 2 : i32
      %get3A_3721 = arith.constant 11 : i32
      %get3A_3722 = arith.index_cast %get3A_3720 : i32 to index
      %get3A_3723 = arith.index_cast %get3A_3721 : i32 to index
      %get3A_3724 = arith.constant 80 : index
      %get3A_3725 = tpu.vector_load %arg6[%get3A_3722, %get3A_3723, %get3A_3724] {strides = array<i32>} : memref<4x20x128xf32, #tpu.memory_space<vmem>>, vector<1x1x16xf32>,
      %get3A_3726 = vector.shape_cast %get3A_3725 : vector<1x1x16xf32> to vector<16xf32>
      %get3A_3727 = arith.constant 2 : i32
      %get3A_3728 = arith.constant 12 : i32
      %get3A_3729 = arith.index_cast %get3A_3727 : i32 to index
      %get3A_3730 = arith.index_cast %get3A_3728 : i32 to index
      %get3A_3731 = arith.constant 80 : index
      %get3A_3732 = tpu.vector_load %arg6[%get3A_3729, %get3A_3730, %get3A_3731] {strides = array<i32>} : memref<4x20x128xf32, #tpu.memory_space<vmem>>, vector<1x1x16xf32>,
      %get3A_3733 = vector.shape_cast %get3A_3732 : vector<1x1x16xf32> to vector<16xf32>
      %get3A_3734 = arith.constant 2 : i32
      %get3A_3735 = arith.constant 13 : i32
      %get3A_3736 = arith.index_cast %get3A_3734 : i32 to index
      %get3A_3737 = arith.index_cast %get3A_3735 : i32 to index
      %get3A_3738 = arith.constant 80 : index
      %get3A_3739 = tpu.vector_load %arg6[%get3A_3736, %get3A_3737, %get3A_3738] {strides = array<i32>} : memref<4x20x128xf32, #tpu.memory_space<vmem>>, vector<1x1x16xf32>,
      %get3A_3740 = vector.shape_cast %get3A_3739 : vector<1x1x16xf32> to vector<16xf32>
      %get3A_3741 = arith.constant 2 : i32
      %get3A_3742 = arith.constant 14 : i32
      %get3A_3743 = arith.index_cast %get3A_3741 : i32 to index
      %get3A_3744 = arith.index_cast %get3A_3742 : i32 to index
      %get3A_3745 = arith.constant 80 : index
      %get3A_3746 = tpu.vector_load %arg6[%get3A_3743, %get3A_3744, %get3A_3745] {strides = array<i32>} : memref<4x20x128xf32, #tpu.memory_space<vmem>>, vector<1x1x16xf32>,
      %get3A_3747 = vector.shape_cast %get3A_3746 : vector<1x1x16xf32> to vector<16xf32>
      %get3A_3748 = arith.constant 2 : i32
      %get3A_3749 = arith.constant 15 : i32
      %get3A_3750 = arith.index_cast %get3A_3748 : i32 to index
      %get3A_3751 = arith.index_cast %get3A_3749 : i32 to index
      %get3A_3752 = arith.constant 80 : index
      %get3A_3753 = tpu.vector_load %arg6[%get3A_3750, %get3A_3751, %get3A_3752] {strides = array<i32>} : memref<4x20x128xf32, #tpu.memory_space<vmem>>, vector<1x1x16xf32>,
      %get3A_3754 = vector.shape_cast %get3A_3753 : vector<1x1x16xf32> to vector<16xf32>
      %get3A_3755 = arith.constant 2 : i32
      %get3A_3756 = arith.constant 16 : i32
      %get3A_3757 = arith.index_cast %get3A_3755 : i32 to index
      %get3A_3758 = arith.index_cast %get3A_3756 : i32 to index
      %get3A_3759 = arith.constant 80 : index
      %get3A_3760 = tpu.vector_load %arg6[%get3A_3757, %get3A_3758, %get3A_3759] {strides = array<i32>} : memref<4x20x128xf32, #tpu.memory_space<vmem>>, vector<1x1x16xf32>,
      %get3A_3761 = vector.shape_cast %get3A_3760 : vector<1x1x16xf32> to vector<16xf32>
      %get3A_3762 = arith.constant 2 : i32
      %get3A_3763 = arith.constant 17 : i32
      %get3A_3764 = arith.index_cast %get3A_3762 : i32 to index
      %get3A_3765 = arith.index_cast %get3A_3763 : i32 to index
      %get3A_3766 = arith.constant 80 : index
      %get3A_3767 = tpu.vector_load %arg6[%get3A_3764, %get3A_3765, %get3A_3766] {strides = array<i32>} : memref<4x20x128xf32, #tpu.memory_space<vmem>>, vector<1x1x16xf32>,
      %get3A_3768 = vector.shape_cast %get3A_3767 : vector<1x1x16xf32> to vector<16xf32>
      %get3A_3769 = arith.constant 2 : i32
      %get3A_3770 = arith.constant 18 : i32
      %get3A_3771 = arith.index_cast %get3A_3769 : i32 to index
      %get3A_3772 = arith.index_cast %get3A_3770 : i32 to index
      %get3A_3773 = arith.constant 80 : index
      %get3A_3774 = tpu.vector_load %arg6[%get3A_3771, %get3A_3772, %get3A_3773] {strides = array<i32>} : memref<4x20x128xf32, #tpu.memory_space<vmem>>, vector<1x1x16xf32>,
      %get3A_3775 = vector.shape_cast %get3A_3774 : vector<1x1x16xf32> to vector<16xf32>
      %get3A_3776 = arith.constant 2 : i32
      %get3A_3777 = arith.constant 19 : i32
      %get3A_3778 = arith.index_cast %get3A_3776 : i32 to index
      %get3A_3779 = arith.index_cast %get3A_3777 : i32 to index
      %get3A_3780 = arith.constant 80 : index
      %get3A_3781 = tpu.vector_load %arg6[%get3A_3778, %get3A_3779, %get3A_3780] {strides = array<i32>} : memref<4x20x128xf32, #tpu.memory_space<vmem>>, vector<1x1x16xf32>,
      %get3A_3782 = vector.shape_cast %get3A_3781 : vector<1x1x16xf32> to vector<16xf32>
      %add3A_3783 = arith.addf %get3A_3649, %get3A_3656 : vector<16xf32>
      %add3A_3784 = arith.addf %get3A_3663, %get3A_3670 : vector<16xf32>
      %add3A_3785 = arith.addf %get3A_3677, %get3A_3684 : vector<16xf32>
      %add3A_3786 = arith.addf %get3A_3691, %get3A_3698 : vector<16xf32>
      %add3A_3787 = arith.addf %get3A_3705, %get3A_3712 : vector<16xf32>
      %add3A_3788 = arith.addf %get3A_3719, %get3A_3726 : vector<16xf32>
      %add3A_3789 = arith.addf %get3A_3733, %get3A_3740 : vector<16xf32>
      %add3A_3790 = arith.addf %get3A_3747, %get3A_3754 : vector<16xf32>
      %add3A_3791 = arith.addf %get3A_3761, %get3A_3768 : vector<16xf32>
      %add3A_3792 = arith.addf %get3A_3775, %get3A_3782 : vector<16xf32>
      %add3A_3793 = arith.addf %add3A_3783, %add3A_3784 : vector<16xf32>
      %add3A_3794 = arith.addf %add3A_3785, %add3A_3786 : vector<16xf32>
      %add3A_3795 = arith.addf %add3A_3787, %add3A_3788 : vector<16xf32>
      %add3A_3796 = arith.addf %add3A_3789, %add3A_3790 : vector<16xf32>
      %add3A_3797 = arith.addf %add3A_3791, %add3A_3792 : vector<16xf32>
      %add3A_3798 = arith.addf %add3A_3793, %add3A_3794 : vector<16xf32>
      %add3A_3799 = arith.addf %add3A_3795, %add3A_3796 : vector<16xf32>
      %add3A_3800 = arith.addf %add3A_3798, %add3A_3799 : vector<16xf32>
      %add3A_3801 = arith.addf %add3A_3800, %add3A_3797 : vector<16xf32>
      %swap3A_3802 = arith.index_cast %add3A_2802 : i32 to index
      %swap3A_3803 = arith.constant 80 : index
      %swap3A_3804 = tpu.vector_load %arg7[%swap3A_3802, %swap3A_3803] {strides = array<i32>} : memref<256x128xf32, #tpu.memory_space<vmem>>, vector<1x16xf32>,
      %swap3A_3805 = vector.shape_cast %swap3A_3804 : vector<1x16xf32> to vector<16xf32>
      %swap3A_3806 = vector.shape_cast %add3A_3801 : vector<16xf32> to vector<1x16xf32>
      tpu.vector_store %arg7[%swap3A_3802, %swap3A_3803], %swap3A_3806 {strides = array<i32>} : memref<256x128xf32, #tpu.memory_space<vmem>>, vector<1x16xf32>,
      %get3A_3807 = arith.constant 2 : i32
      %get3A_3808 = arith.constant 0 : i32
      %get3A_3809 = arith.index_cast %get3A_3807 : i32 to index
      %get3A_3810 = arith.index_cast %get3A_3808 : i32 to index
      %get3A_3811 = arith.constant 96 : index
      %get3A_3812 = tpu.vector_load %arg6[%get3A_3809, %get3A_3810, %get3A_3811] {strides = array<i32>} : memref<4x20x128xf32, #tpu.memory_space<vmem>>, vector<1x1x16xf32>,
      %get3A_3813 = vector.shape_cast %get3A_3812 : vector<1x1x16xf32> to vector<16xf32>
      %get3A_3814 = arith.constant 2 : i32
      %get3A_3815 = arith.constant 1 : i32
      %get3A_3816 = arith.index_cast %get3A_3814 : i32 to index
      %get3A_3817 = arith.index_cast %get3A_3815 : i32 to index
      %get3A_3818 = arith.constant 96 : index
      %get3A_3819 = tpu.vector_load %arg6[%get3A_3816, %get3A_3817, %get3A_3818] {strides = array<i32>} : memref<4x20x128xf32, #tpu.memory_space<vmem>>, vector<1x1x16xf32>,
      %get3A_3820 = vector.shape_cast %get3A_3819 : vector<1x1x16xf32> to vector<16xf32>
      %get3A_3821 = arith.constant 2 : i32
      %get3A_3822 = arith.constant 2 : i32
      %get3A_3823 = arith.index_cast %get3A_3821 : i32 to index
      %get3A_3824 = arith.index_cast %get3A_3822 : i32 to index
      %get3A_3825 = arith.constant 96 : index
      %get3A_3826 = tpu.vector_load %arg6[%get3A_3823, %get3A_3824, %get3A_3825] {strides = array<i32>} : memref<4x20x128xf32, #tpu.memory_space<vmem>>, vector<1x1x16xf32>,
      %get3A_3827 = vector.shape_cast %get3A_3826 : vector<1x1x16xf32> to vector<16xf32>
      %get3A_3828 = arith.constant 2 : i32
      %get3A_3829 = arith.constant 3 : i32
      %get3A_3830 = arith.index_cast %get3A_3828 : i32 to index
      %get3A_3831 = arith.index_cast %get3A_3829 : i32 to index
      %get3A_3832 = arith.constant 96 : index
      %get3A_3833 = tpu.vector_load %arg6[%get3A_3830, %get3A_3831, %get3A_3832] {strides = array<i32>} : memref<4x20x128xf32, #tpu.memory_space<vmem>>, vector<1x1x16xf32>,
      %get3A_3834 = vector.shape_cast %get3A_3833 : vector<1x1x16xf32> to vector<16xf32>
      %get3A_3835 = arith.constant 2 : i32
      %get3A_3836 = arith.constant 4 : i32
      %get3A_3837 = arith.index_cast %get3A_3835 : i32 to index
      %get3A_3838 = arith.index_cast %get3A_3836 : i32 to index
      %get3A_3839 = arith.constant 96 : index
      %get3A_3840 = tpu.vector_load %arg6[%get3A_3837, %get3A_3838, %get3A_3839] {strides = array<i32>} : memref<4x20x128xf32, #tpu.memory_space<vmem>>, vector<1x1x16xf32>,
      %get3A_3841 = vector.shape_cast %get3A_3840 : vector<1x1x16xf32> to vector<16xf32>
      %get3A_3842 = arith.constant 2 : i32
      %get3A_3843 = arith.constant 5 : i32
      %get3A_3844 = arith.index_cast %get3A_3842 : i32 to index
      %get3A_3845 = arith.index_cast %get3A_3843 : i32 to index
      %get3A_3846 = arith.constant 96 : index
      %get3A_3847 = tpu.vector_load %arg6[%get3A_3844, %get3A_3845, %get3A_3846] {strides = array<i32>} : memref<4x20x128xf32, #tpu.memory_space<vmem>>, vector<1x1x16xf32>,
      %get3A_3848 = vector.shape_cast %get3A_3847 : vector<1x1x16xf32> to vector<16xf32>
      %get3A_3849 = arith.constant 2 : i32
      %get3A_3850 = arith.constant 6 : i32
      %get3A_3851 = arith.index_cast %get3A_3849 : i32 to index
      %get3A_3852 = arith.index_cast %get3A_3850 : i32 to index
      %get3A_3853 = arith.constant 96 : index
      %get3A_3854 = tpu.vector_load %arg6[%get3A_3851, %get3A_3852, %get3A_3853] {strides = array<i32>} : memref<4x20x128xf32, #tpu.memory_space<vmem>>, vector<1x1x16xf32>,
      %get3A_3855 = vector.shape_cast %get3A_3854 : vector<1x1x16xf32> to vector<16xf32>
      %get3A_3856 = arith.constant 2 : i32
      %get3A_3857 = arith.constant 7 : i32
      %get3A_3858 = arith.index_cast %get3A_3856 : i32 to index
      %get3A_3859 = arith.index_cast %get3A_3857 : i32 to index
      %get3A_3860 = arith.constant 96 : index
      %get3A_3861 = tpu.vector_load %arg6[%get3A_3858, %get3A_3859, %get3A_3860] {strides = array<i32>} : memref<4x20x128xf32, #tpu.memory_space<vmem>>, vector<1x1x16xf32>,
      %get3A_3862 = vector.shape_cast %get3A_3861 : vector<1x1x16xf32> to vector<16xf32>
      %get3A_3863 = arith.constant 2 : i32
      %get3A_3864 = arith.constant 8 : i32
      %get3A_3865 = arith.index_cast %get3A_3863 : i32 to index
      %get3A_3866 = arith.index_cast %get3A_3864 : i32 to index
      %get3A_3867 = arith.constant 96 : index
      %get3A_3868 = tpu.vector_load %arg6[%get3A_3865, %get3A_3866, %get3A_3867] {strides = array<i32>} : memref<4x20x128xf32, #tpu.memory_space<vmem>>, vector<1x1x16xf32>,
      %get3A_3869 = vector.shape_cast %get3A_3868 : vector<1x1x16xf32> to vector<16xf32>
      %get3A_3870 = arith.constant 2 : i32
      %get3A_3871 = arith.constant 9 : i32
      %get3A_3872 = arith.index_cast %get3A_3870 : i32 to index
      %get3A_3873 = arith.index_cast %get3A_3871 : i32 to index
      %get3A_3874 = arith.constant 96 : index
      %get3A_3875 = tpu.vector_load %arg6[%get3A_3872, %get3A_3873, %get3A_3874] {strides = array<i32>} : memref<4x20x128xf32, #tpu.memory_space<vmem>>, vector<1x1x16xf32>,
      %get3A_3876 = vector.shape_cast %get3A_3875 : vector<1x1x16xf32> to vector<16xf32>
      %get3A_3877 = arith.constant 2 : i32
      %get3A_3878 = arith.constant 10 : i32
      %get3A_3879 = arith.index_cast %get3A_3877 : i32 to index
      %get3A_3880 = arith.index_cast %get3A_3878 : i32 to index
      %get3A_3881 = arith.constant 96 : index
      %get3A_3882 = tpu.vector_load %arg6[%get3A_3879, %get3A_3880, %get3A_3881] {strides = array<i32>} : memref<4x20x128xf32, #tpu.memory_space<vmem>>, vector<1x1x16xf32>,
      %get3A_3883 = vector.shape_cast %get3A_3882 : vector<1x1x16xf32> to vector<16xf32>
      %get3A_3884 = arith.constant 2 : i32
      %get3A_3885 = arith.constant 11 : i32
      %get3A_3886 = arith.index_cast %get3A_3884 : i32 to index
      %get3A_3887 = arith.index_cast %get3A_3885 : i32 to index
      %get3A_3888 = arith.constant 96 : index
      %get3A_3889 = tpu.vector_load %arg6[%get3A_3886, %get3A_3887, %get3A_3888] {strides = array<i32>} : memref<4x20x128xf32, #tpu.memory_space<vmem>>, vector<1x1x16xf32>,
      %get3A_3890 = vector.shape_cast %get3A_3889 : vector<1x1x16xf32> to vector<16xf32>
      %get3A_3891 = arith.constant 2 : i32
      %get3A_3892 = arith.constant 12 : i32
      %get3A_3893 = arith.index_cast %get3A_3891 : i32 to index
      %get3A_3894 = arith.index_cast %get3A_3892 : i32 to index
      %get3A_3895 = arith.constant 96 : index
      %get3A_3896 = tpu.vector_load %arg6[%get3A_3893, %get3A_3894, %get3A_3895] {strides = array<i32>} : memref<4x20x128xf32, #tpu.memory_space<vmem>>, vector<1x1x16xf32>,
      %get3A_3897 = vector.shape_cast %get3A_3896 : vector<1x1x16xf32> to vector<16xf32>
      %get3A_3898 = arith.constant 2 : i32
      %get3A_3899 = arith.constant 13 : i32
      %get3A_3900 = arith.index_cast %get3A_3898 : i32 to index
      %get3A_3901 = arith.index_cast %get3A_3899 : i32 to index
      %get3A_3902 = arith.constant 96 : index
      %get3A_3903 = tpu.vector_load %arg6[%get3A_3900, %get3A_3901, %get3A_3902] {strides = array<i32>} : memref<4x20x128xf32, #tpu.memory_space<vmem>>, vector<1x1x16xf32>,
      %get3A_3904 = vector.shape_cast %get3A_3903 : vector<1x1x16xf32> to vector<16xf32>
      %get3A_3905 = arith.constant 2 : i32
      %get3A_3906 = arith.constant 14 : i32
      %get3A_3907 = arith.index_cast %get3A_3905 : i32 to index
      %get3A_3908 = arith.index_cast %get3A_3906 : i32 to index
      %get3A_3909 = arith.constant 96 : index
      %get3A_3910 = tpu.vector_load %arg6[%get3A_3907, %get3A_3908, %get3A_3909] {strides = array<i32>} : memref<4x20x128xf32, #tpu.memory_space<vmem>>, vector<1x1x16xf32>,
      %get3A_3911 = vector.shape_cast %get3A_3910 : vector<1x1x16xf32> to vector<16xf32>
      %get3A_3912 = arith.constant 2 : i32
      %get3A_3913 = arith.constant 15 : i32
      %get3A_3914 = arith.index_cast %get3A_3912 : i32 to index
      %get3A_3915 = arith.index_cast %get3A_3913 : i32 to index
      %get3A_3916 = arith.constant 96 : index
      %get3A_3917 = tpu.vector_load %arg6[%get3A_3914, %get3A_3915, %get3A_3916] {strides = array<i32>} : memref<4x20x128xf32, #tpu.memory_space<vmem>>, vector<1x1x16xf32>,
      %get3A_3918 = vector.shape_cast %get3A_3917 : vector<1x1x16xf32> to vector<16xf32>
      %get3A_3919 = arith.constant 2 : i32
      %get3A_3920 = arith.constant 16 : i32
      %get3A_3921 = arith.index_cast %get3A_3919 : i32 to index
      %get3A_3922 = arith.index_cast %get3A_3920 : i32 to index
      %get3A_3923 = arith.constant 96 : index
      %get3A_3924 = tpu.vector_load %arg6[%get3A_3921, %get3A_3922, %get3A_3923] {strides = array<i32>} : memref<4x20x128xf32, #tpu.memory_space<vmem>>, vector<1x1x16xf32>,
      %get3A_3925 = vector.shape_cast %get3A_3924 : vector<1x1x16xf32> to vector<16xf32>
      %get3A_3926 = arith.constant 2 : i32
      %get3A_3927 = arith.constant 17 : i32
      %get3A_3928 = arith.index_cast %get3A_3926 : i32 to index
      %get3A_3929 = arith.index_cast %get3A_3927 : i32 to index
      %get3A_3930 = arith.constant 96 : index
      %get3A_3931 = tpu.vector_load %arg6[%get3A_3928, %get3A_3929, %get3A_3930] {strides = array<i32>} : memref<4x20x128xf32, #tpu.memory_space<vmem>>, vector<1x1x16xf32>,
      %get3A_3932 = vector.shape_cast %get3A_3931 : vector<1x1x16xf32> to vector<16xf32>
      %get3A_3933 = arith.constant 2 : i32
      %get3A_3934 = arith.constant 18 : i32
      %get3A_3935 = arith.index_cast %get3A_3933 : i32 to index
      %get3A_3936 = arith.index_cast %get3A_3934 : i32 to index
      %get3A_3937 = arith.constant 96 : index
      %get3A_3938 = tpu.vector_load %arg6[%get3A_3935, %get3A_3936, %get3A_3937] {strides = array<i32>} : memref<4x20x128xf32, #tpu.memory_space<vmem>>, vector<1x1x16xf32>,
      %get3A_3939 = vector.shape_cast %get3A_3938 : vector<1x1x16xf32> to vector<16xf32>
      %get3A_3940 = arith.constant 2 : i32
      %get3A_3941 = arith.constant 19 : i32
      %get3A_3942 = arith.index_cast %get3A_3940 : i32 to index
      %get3A_3943 = arith.index_cast %get3A_3941 : i32 to index
      %get3A_3944 = arith.constant 96 : index
      %get3A_3945 = tpu.vector_load %arg6[%get3A_3942, %get3A_3943, %get3A_3944] {strides = array<i32>} : memref<4x20x128xf32, #tpu.memory_space<vmem>>, vector<1x1x16xf32>,
      %get3A_3946 = vector.shape_cast %get3A_3945 : vector<1x1x16xf32> to vector<16xf32>
      %add3A_3947 = arith.addf %get3A_3813, %get3A_3820 : vector<16xf32>
      %add3A_3948 = arith.addf %get3A_3827, %get3A_3834 : vector<16xf32>
      %add3A_3949 = arith.addf %get3A_3841, %get3A_3848 : vector<16xf32>
      %add3A_3950 = arith.addf %get3A_3855, %get3A_3862 : vector<16xf32>
      %add3A_3951 = arith.addf %get3A_3869, %get3A_3876 : vector<16xf32>
      %add3A_3952 = arith.addf %get3A_3883, %get3A_3890 : vector<16xf32>
      %add3A_3953 = arith.addf %get3A_3897, %get3A_3904 : vector<16xf32>
      %add3A_3954 = arith.addf %get3A_3911, %get3A_3918 : vector<16xf32>
      %add3A_3955 = arith.addf %get3A_3925, %get3A_3932 : vector<16xf32>
      %add3A_3956 = arith.addf %get3A_3939, %get3A_3946 : vector<16xf32>
      %add3A_3957 = arith.addf %add3A_3947, %add3A_3948 : vector<16xf32>
      %add3A_3958 = arith.addf %add3A_3949, %add3A_3950 : vector<16xf32>
      %add3A_3959 = arith.addf %add3A_3951, %add3A_3952 : vector<16xf32>
      %add3A_3960 = arith.addf %add3A_3953, %add3A_3954 : vector<16xf32>
      %add3A_3961 = arith.addf %add3A_3955, %add3A_3956 : vector<16xf32>
      %add3A_3962 = arith.addf %add3A_3957, %add3A_3958 : vector<16xf32>
      %add3A_3963 = arith.addf %add3A_3959, %add3A_3960 : vector<16xf32>
      %add3A_3964 = arith.addf %add3A_3962, %add3A_3963 : vector<16xf32>
      %add3A_3965 = arith.addf %add3A_3964, %add3A_3961 : vector<16xf32>
      %swap3A_3966 = arith.index_cast %add3A_2802 : i32 to index
      %swap3A_3967 = arith.constant 96 : index
      %swap3A_3968 = tpu.vector_load %arg7[%swap3A_3966, %swap3A_3967] {strides = array<i32>} : memref<256x128xf32, #tpu.memory_space<vmem>>, vector<1x16xf32>,
      %swap3A_3969 = vector.shape_cast %swap3A_3968 : vector<1x16xf32> to vector<16xf32>
      %swap3A_3970 = vector.shape_cast %add3A_3965 : vector<16xf32> to vector<1x16xf32>
      tpu.vector_store %arg7[%swap3A_3966, %swap3A_3967], %swap3A_3970 {strides = array<i32>} : memref<256x128xf32, #tpu.memory_space<vmem>>, vector<1x16xf32>,
      %get3A_3971 = arith.constant 2 : i32
      %get3A_3972 = arith.constant 0 : i32
      %get3A_3973 = arith.index_cast %get3A_3971 : i32 to index
      %get3A_3974 = arith.index_cast %get3A_3972 : i32 to index
      %get3A_3975 = arith.constant 112 : index
      %get3A_3976 = tpu.vector_load %arg6[%get3A_3973, %get3A_3974, %get3A_3975] {strides = array<i32>} : memref<4x20x128xf32, #tpu.memory_space<vmem>>, vector<1x1x16xf32>,
      %get3A_3977 = vector.shape_cast %get3A_3976 : vector<1x1x16xf32> to vector<16xf32>
      %get3A_3978 = arith.constant 2 : i32
      %get3A_3979 = arith.constant 1 : i32
      %get3A_3980 = arith.index_cast %get3A_3978 : i32 to index
      %get3A_3981 = arith.index_cast %get3A_3979 : i32 to index
      %get3A_3982 = arith.constant 112 : index
      %get3A_3983 = tpu.vector_load %arg6[%get3A_3980, %get3A_3981, %get3A_3982] {strides = array<i32>} : memref<4x20x128xf32, #tpu.memory_space<vmem>>, vector<1x1x16xf32>,
      %get3A_3984 = vector.shape_cast %get3A_3983 : vector<1x1x16xf32> to vector<16xf32>
      %get3A_3985 = arith.constant 2 : i32
      %get3A_3986 = arith.constant 2 : i32
      %get3A_3987 = arith.index_cast %get3A_3985 : i32 to index
      %get3A_3988 = arith.index_cast %get3A_3986 : i32 to index
      %get3A_3989 = arith.constant 112 : index
      %get3A_3990 = tpu.vector_load %arg6[%get3A_3987, %get3A_3988, %get3A_3989] {strides = array<i32>} : memref<4x20x128xf32, #tpu.memory_space<vmem>>, vector<1x1x16xf32>,
      %get3A_3991 = vector.shape_cast %get3A_3990 : vector<1x1x16xf32> to vector<16xf32>
      %get3A_3992 = arith.constant 2 : i32
      %get3A_3993 = arith.constant 3 : i32
      %get3A_3994 = arith.index_cast %get3A_3992 : i32 to index
      %get3A_3995 = arith.index_cast %get3A_3993 : i32 to index
      %get3A_3996 = arith.constant 112 : index
      %get3A_3997 = tpu.vector_load %arg6[%get3A_3994, %get3A_3995, %get3A_3996] {strides = array<i32>} : memref<4x20x128xf32, #tpu.memory_space<vmem>>, vector<1x1x16xf32>,
      %get3A_3998 = vector.shape_cast %get3A_3997 : vector<1x1x16xf32> to vector<16xf32>
      %get3A_3999 = arith.constant 2 : i32
      %get3A_4000 = arith.constant 4 : i32
      %get3A_4001 = arith.index_cast %get3A_3999 : i32 to index
      %get3A_4002 = arith.index_cast %get3A_4000 : i32 to index
      %get3A_4003 = arith.constant 112 : index
      %get3A_4004 = tpu.vector_load %arg6[%get3A_4001, %get3A_4002, %get3A_4003] {strides = array<i32>} : memref<4x20x128xf32, #tpu.memory_space<vmem>>, vector<1x1x16xf32>,
      %get3A_4005 = vector.shape_cast %get3A_4004 : vector<1x1x16xf32> to vector<16xf32>
      %get3A_4006 = arith.constant 2 : i32
      %get3A_4007 = arith.constant 5 : i32
      %get3A_4008 = arith.index_cast %get3A_4006 : i32 to index
      %get3A_4009 = arith.index_cast %get3A_4007 : i32 to index
      %get3A_4010 = arith.constant 112 : index
      %get3A_4011 = tpu.vector_load %arg6[%get3A_4008, %get3A_4009, %get3A_4010] {strides = array<i32>} : memref<4x20x128xf32, #tpu.memory_space<vmem>>, vector<1x1x16xf32>,
      %get3A_4012 = vector.shape_cast %get3A_4011 : vector<1x1x16xf32> to vector<16xf32>
      %get3A_4013 = arith.constant 2 : i32
      %get3A_4014 = arith.constant 6 : i32
      %get3A_4015 = arith.index_cast %get3A_4013 : i32 to index
      %get3A_4016 = arith.index_cast %get3A_4014 : i32 to index
      %get3A_4017 = arith.constant 112 : index
      %get3A_4018 = tpu.vector_load %arg6[%get3A_4015, %get3A_4016, %get3A_4017] {strides = array<i32>} : memref<4x20x128xf32, #tpu.memory_space<vmem>>, vector<1x1x16xf32>,
      %get3A_4019 = vector.shape_cast %get3A_4018 : vector<1x1x16xf32> to vector<16xf32>
      %get3A_4020 = arith.constant 2 : i32
      %get3A_4021 = arith.constant 7 : i32
      %get3A_4022 = arith.index_cast %get3A_4020 : i32 to index
      %get3A_4023 = arith.index_cast %get3A_4021 : i32 to index
      %get3A_4024 = arith.constant 112 : index
      %get3A_4025 = tpu.vector_load %arg6[%get3A_4022, %get3A_4023, %get3A_4024] {strides = array<i32>} : memref<4x20x128xf32, #tpu.memory_space<vmem>>, vector<1x1x16xf32>,
      %get3A_4026 = vector.shape_cast %get3A_4025 : vector<1x1x16xf32> to vector<16xf32>
      %get3A_4027 = arith.constant 2 : i32
      %get3A_4028 = arith.constant 8 : i32
      %get3A_4029 = arith.index_cast %get3A_4027 : i32 to index
      %get3A_4030 = arith.index_cast %get3A_4028 : i32 to index
      %get3A_4031 = arith.constant 112 : index
      %get3A_4032 = tpu.vector_load %arg6[%get3A_4029, %get3A_4030, %get3A_4031] {strides = array<i32>} : memref<4x20x128xf32, #tpu.memory_space<vmem>>, vector<1x1x16xf32>,
      %get3A_4033 = vector.shape_cast %get3A_4032 : vector<1x1x16xf32> to vector<16xf32>
      %get3A_4034 = arith.constant 2 : i32
      %get3A_4035 = arith.constant 9 : i32
      %get3A_4036 = arith.index_cast %get3A_4034 : i32 to index
      %get3A_4037 = arith.index_cast %get3A_4035 : i32 to index
      %get3A_4038 = arith.constant 112 : index
      %get3A_4039 = tpu.vector_load %arg6[%get3A_4036, %get3A_4037, %get3A_4038] {strides = array<i32>} : memref<4x20x128xf32, #tpu.memory_space<vmem>>, vector<1x1x16xf32>,
      %get3A_4040 = vector.shape_cast %get3A_4039 : vector<1x1x16xf32> to vector<16xf32>
      %get3A_4041 = arith.constant 2 : i32
      %get3A_4042 = arith.constant 10 : i32
      %get3A_4043 = arith.index_cast %get3A_4041 : i32 to index
      %get3A_4044 = arith.index_cast %get3A_4042 : i32 to index
      %get3A_4045 = arith.constant 112 : index
      %get3A_4046 = tpu.vector_load %arg6[%get3A_4043, %get3A_4044, %get3A_4045] {strides = array<i32>} : memref<4x20x128xf32, #tpu.memory_space<vmem>>, vector<1x1x16xf32>,
      %get3A_4047 = vector.shape_cast %get3A_4046 : vector<1x1x16xf32> to vector<16xf32>
      %get3A_4048 = arith.constant 2 : i32
      %get3A_4049 = arith.constant 11 : i32
      %get3A_4050 = arith.index_cast %get3A_4048 : i32 to index
      %get3A_4051 = arith.index_cast %get3A_4049 : i32 to index
      %get3A_4052 = arith.constant 112 : index
      %get3A_4053 = tpu.vector_load %arg6[%get3A_4050, %get3A_4051, %get3A_4052] {strides = array<i32>} : memref<4x20x128xf32, #tpu.memory_space<vmem>>, vector<1x1x16xf32>,
      %get3A_4054 = vector.shape_cast %get3A_4053 : vector<1x1x16xf32> to vector<16xf32>
      %get3A_4055 = arith.constant 2 : i32
      %get3A_4056 = arith.constant 12 : i32
      %get3A_4057 = arith.index_cast %get3A_4055 : i32 to index
      %get3A_4058 = arith.index_cast %get3A_4056 : i32 to index
      %get3A_4059 = arith.constant 112 : index
      %get3A_4060 = tpu.vector_load %arg6[%get3A_4057, %get3A_4058, %get3A_4059] {strides = array<i32>} : memref<4x20x128xf32, #tpu.memory_space<vmem>>, vector<1x1x16xf32>,
      %get3A_4061 = vector.shape_cast %get3A_4060 : vector<1x1x16xf32> to vector<16xf32>
      %get3A_4062 = arith.constant 2 : i32
      %get3A_4063 = arith.constant 13 : i32
      %get3A_4064 = arith.index_cast %get3A_4062 : i32 to index
      %get3A_4065 = arith.index_cast %get3A_4063 : i32 to index
      %get3A_4066 = arith.constant 112 : index
      %get3A_4067 = tpu.vector_load %arg6[%get3A_4064, %get3A_4065, %get3A_4066] {strides = array<i32>} : memref<4x20x128xf32, #tpu.memory_space<vmem>>, vector<1x1x16xf32>,
      %get3A_4068 = vector.shape_cast %get3A_4067 : vector<1x1x16xf32> to vector<16xf32>
      %get3A_4069 = arith.constant 2 : i32
      %get3A_4070 = arith.constant 14 : i32
      %get3A_4071 = arith.index_cast %get3A_4069 : i32 to index
      %get3A_4072 = arith.index_cast %get3A_4070 : i32 to index
      %get3A_4073 = arith.constant 112 : index
      %get3A_4074 = tpu.vector_load %arg6[%get3A_4071, %get3A_4072, %get3A_4073] {strides = array<i32>} : memref<4x20x128xf32, #tpu.memory_space<vmem>>, vector<1x1x16xf32>,
      %get3A_4075 = vector.shape_cast %get3A_4074 : vector<1x1x16xf32> to vector<16xf32>
      %get3A_4076 = arith.constant 2 : i32
      %get3A_4077 = arith.constant 15 : i32
      %get3A_4078 = arith.index_cast %get3A_4076 : i32 to index
      %get3A_4079 = arith.index_cast %get3A_4077 : i32 to index
      %get3A_4080 = arith.constant 112 : index
      %get3A_4081 = tpu.vector_load %arg6[%get3A_4078, %get3A_4079, %get3A_4080] {strides = array<i32>} : memref<4x20x128xf32, #tpu.memory_space<vmem>>, vector<1x1x16xf32>,
      %get3A_4082 = vector.shape_cast %get3A_4081 : vector<1x1x16xf32> to vector<16xf32>
      %get3A_4083 = arith.constant 2 : i32
      %get3A_4084 = arith.constant 16 : i32
      %get3A_4085 = arith.index_cast %get3A_4083 : i32 to index
      %get3A_4086 = arith.index_cast %get3A_4084 : i32 to index
      %get3A_4087 = arith.constant 112 : index
      %get3A_4088 = tpu.vector_load %arg6[%get3A_4085, %get3A_4086, %get3A_4087] {strides = array<i32>} : memref<4x20x128xf32, #tpu.memory_space<vmem>>, vector<1x1x16xf32>,
      %get3A_4089 = vector.shape_cast %get3A_4088 : vector<1x1x16xf32> to vector<16xf32>
      %get3A_4090 = arith.constant 2 : i32
      %get3A_4091 = arith.constant 17 : i32
      %get3A_4092 = arith.index_cast %get3A_4090 : i32 to index
      %get3A_4093 = arith.index_cast %get3A_4091 : i32 to index
      %get3A_4094 = arith.constant 112 : index
      %get3A_4095 = tpu.vector_load %arg6[%get3A_4092, %get3A_4093, %get3A_4094] {strides = array<i32>} : memref<4x20x128xf32, #tpu.memory_space<vmem>>, vector<1x1x16xf32>,
      %get3A_4096 = vector.shape_cast %get3A_4095 : vector<1x1x16xf32> to vector<16xf32>
      %get3A_4097 = arith.constant 2 : i32
      %get3A_4098 = arith.constant 18 : i32
      %get3A_4099 = arith.index_cast %get3A_4097 : i32 to index
      %get3A_4100 = arith.index_cast %get3A_4098 : i32 to index
      %get3A_4101 = arith.constant 112 : index
      %get3A_4102 = tpu.vector_load %arg6[%get3A_4099, %get3A_4100, %get3A_4101] {strides = array<i32>} : memref<4x20x128xf32, #tpu.memory_space<vmem>>, vector<1x1x16xf32>,
      %get3A_4103 = vector.shape_cast %get3A_4102 : vector<1x1x16xf32> to vector<16xf32>
      %get3A_4104 = arith.constant 2 : i32
      %get3A_4105 = arith.constant 19 : i32
      %get3A_4106 = arith.index_cast %get3A_4104 : i32 to index
      %get3A_4107 = arith.index_cast %get3A_4105 : i32 to index
      %get3A_4108 = arith.constant 112 : index
      %get3A_4109 = tpu.vector_load %arg6[%get3A_4106, %get3A_4107, %get3A_4108] {strides = array<i32>} : memref<4x20x128xf32, #tpu.memory_space<vmem>>, vector<1x1x16xf32>,
      %get3A_4110 = vector.shape_cast %get3A_4109 : vector<1x1x16xf32> to vector<16xf32>
      %add3A_4111 = arith.addf %get3A_3977, %get3A_3984 : vector<16xf32>
      %add3A_4112 = arith.addf %get3A_3991, %get3A_3998 : vector<16xf32>
      %add3A_4113 = arith.addf %get3A_4005, %get3A_4012 : vector<16xf32>
      %add3A_4114 = arith.addf %get3A_4019, %get3A_4026 : vector<16xf32>
      %add3A_4115 = arith.addf %get3A_4033, %get3A_4040 : vector<16xf32>
      %add3A_4116 = arith.addf %get3A_4047, %get3A_4054 : vector<16xf32>
      %add3A_4117 = arith.addf %get3A_4061, %get3A_4068 : vector<16xf32>
      %add3A_4118 = arith.addf %get3A_4075, %get3A_4082 : vector<16xf32>
      %add3A_4119 = arith.addf %get3A_4089, %get3A_4096 : vector<16xf32>
      %add3A_4120 = arith.addf %get3A_4103, %get3A_4110 : vector<16xf32>
      %add3A_4121 = arith.addf %add3A_4111, %add3A_4112 : vector<16xf32>
      %add3A_4122 = arith.addf %add3A_4113, %add3A_4114 : vector<16xf32>
      %add3A_4123 = arith.addf %add3A_4115, %add3A_4116 : vector<16xf32>
      %add3A_4124 = arith.addf %add3A_4117, %add3A_4118 : vector<16xf32>
      %add3A_4125 = arith.addf %add3A_4119, %add3A_4120 : vector<16xf32>
      %add3A_4126 = arith.addf %add3A_4121, %add3A_4122 : vector<16xf32>
      %add3A_4127 = arith.addf %add3A_4123, %add3A_4124 : vector<16xf32>
      %add3A_4128 = arith.addf %add3A_4126, %add3A_4127 : vector<16xf32>
      %add3A_4129 = arith.addf %add3A_4128, %add3A_4125 : vector<16xf32>
      %swap3A_4130 = arith.index_cast %add3A_2802 : i32 to index
      %swap3A_4131 = arith.constant 112 : index
      %swap3A_4132 = tpu.vector_load %arg7[%swap3A_4130, %swap3A_4131] {strides = array<i32>} : memref<256x128xf32, #tpu.memory_space<vmem>>, vector<1x16xf32>,
      %swap3A_4133 = vector.shape_cast %swap3A_4132 : vector<1x16xf32> to vector<16xf32>
      %swap3A_4134 = vector.shape_cast %add3A_4129 : vector<16xf32> to vector<1x16xf32>
      tpu.vector_store %arg7[%swap3A_4130, %swap3A_4131], %swap3A_4134 {strides = array<i32>} : memref<256x128xf32, #tpu.memory_space<vmem>>, vector<1x16xf32>,
      %mul3A_4135 = arith.constant 4 : i32
      %mul3A_4136 = arith.muli %scan3A_129, %mul3A_4135 : i32
      %add3A_4137 = arith.constant 3 : i32
      %add3A_4138 = arith.addi %mul3A_4136, %add3A_4137 : i32
      %add3A_4139 = arith.constant 4 : i32
      %add3A_4140 = arith.addi %add3A_4138, %add3A_4139 : i32
      %sub3A_4141 = arith.constant 1 : i32
      %sub3A_4142 = arith.subi %add3A_4140, %sub3A_4141 : i32
      %lt3A_4143 = arith.constant 256 : i32
      %lt3A_4144 = arith.cmpi slt, %sub3A_4142, %lt3A_4143 : i32
      %convert_element_type3A_4145 = arith.extui %lt3A_4144 : i1 to i32
      %cond3A_4146 = arith.constant 0 : i32
      %cond3A_4147 = arith.cmpi ne, %convert_element_type3A_4145, %cond3A_4146 : i32
      scf.if %cond3A_4147 {
        %dma_start3A_5493 = arith.constant 2 : i32
        %dma_start3A_5494 = arith.constant 0 : i32
        %dma_start3A_5495 = arith.constant 0 : i32
        %dma_start3A_5496 = tpu.memref_slice %arg6[%dma_start3A_5493, %dma_start3A_5494, %dma_start3A_5495] : memref<4x20x128xf32, #tpu.memory_space<vmem>> -> memref<1x20x128xf32, #tpu.memory_space<vmem>>
        %dma_start3A_5497 = tpu.memref_squeeze %dma_start3A_5496 : memref<1x20x128xf32, #tpu.memory_space<vmem>> -> memref<20x128xf32, #tpu.memory_space<vmem>>
        %dma_start3A_5498 = arith.constant 0 : i32
        %dma_start3A_5499 = tpu.memref_slice %arg5[%sub3A_4142, %dma_start3A_5498] : memref<256x20xi32, #tpu.memory_space<vmem>> -> memref<1x20xi32, #tpu.memory_space<vmem>>
        %dma_start3A_5500 = tpu.memref_squeeze %dma_start3A_5499 : memref<1x20xi32, #tpu.memory_space<vmem>> -> memref<20xi32, #tpu.memory_space<vmem>>
        %dma_start3A_5501 = arith.constant 0 : i32
        %dma_start3A_5502 = arith.constant 0 : i32
        %dma_start3A_5503 = tpu.memref_slice %arg3[%dma_start3A_5501, %dma_start3A_5502] : memref<100000x128xf32, #tpu.memory_space<hbm>> -> memref<100000x128xf32, #tpu.memory_space<hbm>>
        tpu.enqueue_indirect_dma source(%dma_start3A_5503 : memref<100000x128xf32, #tpu.memory_space<hbm>>) target(%dma_start3A_5497 : memref<20x128xf32, #tpu.memory_space<vmem>>) offsets(%dma_start3A_5500 : memref<20xi32, #tpu.memory_space<vmem>>) semaphore(%arg11 : memref<!tpu.dma_semaphore, #tpu.memory_space<semaphore_mem>>)
      } else {
      }
      %dma_wait3A_4148 = arith.constant 3 : i32
      %dma_wait3A_4149 = arith.constant 0 : i32
      %dma_wait3A_4150 = arith.constant 0 : i32
      %dma_wait3A_4151 = tpu.memref_slice %arg6[%dma_wait3A_4148, %dma_wait3A_4149, %dma_wait3A_4150] : memref<4x20x128xf32, #tpu.memory_space<vmem>> -> memref<1x20x128xf32, #tpu.memory_space<vmem>>
      %dma_wait3A_4152 = tpu.memref_squeeze %dma_wait3A_4151 : memref<1x20x128xf32, #tpu.memory_space<vmem>> -> memref<20x128xf32, #tpu.memory_space<vmem>>
      %dma_wait3A_4153 = arith.constant 0 : i32
      %dma_wait3A_4154 = tpu.memref_slice %arg5[%add3A_4138, %dma_wait3A_4153] : memref<256x20xi32, #tpu.memory_space<vmem>> -> memref<1x20xi32, #tpu.memory_space<vmem>>
      %dma_wait3A_4155 = tpu.memref_squeeze %dma_wait3A_4154 : memref<1x20xi32, #tpu.memory_space<vmem>> -> memref<20xi32, #tpu.memory_space<vmem>>
      %dma_wait3A_4156 = arith.constant 0 : i32
      %dma_wait3A_4157 = arith.constant 0 : i32
      %dma_wait3A_4158 = tpu.memref_slice %arg3[%dma_wait3A_4156, %dma_wait3A_4157] : memref<100000x128xf32, #tpu.memory_space<hbm>> -> memref<100000x128xf32, #tpu.memory_space<hbm>>
      tpu.wait_indirect_dma semaphore(%arg12 : memref<!tpu.dma_semaphore, #tpu.memory_space<semaphore_mem>>) src(%dma_wait3A_4158 : memref<100000x128xf32, #tpu.memory_space<hbm>>) dst(%dma_wait3A_4152 : memref<20x128xf32, #tpu.memory_space<vmem>>)
      %get3A_4159 = arith.constant 3 : i32
      %get3A_4160 = arith.constant 0 : i32
      %get3A_4161 = arith.index_cast %get3A_4159 : i32 to index
      %get3A_4162 = arith.index_cast %get3A_4160 : i32 to index
      %get3A_4163 = arith.constant 0 : index
      %get3A_4164 = tpu.vector_load %arg6[%get3A_4161, %get3A_4162, %get3A_4163] {strides = array<i32>} : memref<4x20x128xf32, #tpu.memory_space<vmem>>, vector<1x1x16xf32>,
      %get3A_4165 = vector.shape_cast %get3A_4164 : vector<1x1x16xf32> to vector<16xf32>
      %get3A_4166 = arith.constant 3 : i32
      %get3A_4167 = arith.constant 1 : i32
      %get3A_4168 = arith.index_cast %get3A_4166 : i32 to index
      %get3A_4169 = arith.index_cast %get3A_4167 : i32 to index
      %get3A_4170 = arith.constant 0 : index
      %get3A_4171 = tpu.vector_load %arg6[%get3A_4168, %get3A_4169, %get3A_4170] {strides = array<i32>} : memref<4x20x128xf32, #tpu.memory_space<vmem>>, vector<1x1x16xf32>,
      %get3A_4172 = vector.shape_cast %get3A_4171 : vector<1x1x16xf32> to vector<16xf32>
      %get3A_4173 = arith.constant 3 : i32
      %get3A_4174 = arith.constant 2 : i32
      %get3A_4175 = arith.index_cast %get3A_4173 : i32 to index
      %get3A_4176 = arith.index_cast %get3A_4174 : i32 to index
      %get3A_4177 = arith.constant 0 : index
      %get3A_4178 = tpu.vector_load %arg6[%get3A_4175, %get3A_4176, %get3A_4177] {strides = array<i32>} : memref<4x20x128xf32, #tpu.memory_space<vmem>>, vector<1x1x16xf32>,
      %get3A_4179 = vector.shape_cast %get3A_4178 : vector<1x1x16xf32> to vector<16xf32>
      %get3A_4180 = arith.constant 3 : i32
      %get3A_4181 = arith.constant 3 : i32
      %get3A_4182 = arith.index_cast %get3A_4180 : i32 to index
      %get3A_4183 = arith.index_cast %get3A_4181 : i32 to index
      %get3A_4184 = arith.constant 0 : index
      %get3A_4185 = tpu.vector_load %arg6[%get3A_4182, %get3A_4183, %get3A_4184] {strides = array<i32>} : memref<4x20x128xf32, #tpu.memory_space<vmem>>, vector<1x1x16xf32>,
      %get3A_4186 = vector.shape_cast %get3A_4185 : vector<1x1x16xf32> to vector<16xf32>
      %get3A_4187 = arith.constant 3 : i32
      %get3A_4188 = arith.constant 4 : i32
      %get3A_4189 = arith.index_cast %get3A_4187 : i32 to index
      %get3A_4190 = arith.index_cast %get3A_4188 : i32 to index
      %get3A_4191 = arith.constant 0 : index
      %get3A_4192 = tpu.vector_load %arg6[%get3A_4189, %get3A_4190, %get3A_4191] {strides = array<i32>} : memref<4x20x128xf32, #tpu.memory_space<vmem>>, vector<1x1x16xf32>,
      %get3A_4193 = vector.shape_cast %get3A_4192 : vector<1x1x16xf32> to vector<16xf32>
      %get3A_4194 = arith.constant 3 : i32
      %get3A_4195 = arith.constant 5 : i32
      %get3A_4196 = arith.index_cast %get3A_4194 : i32 to index
      %get3A_4197 = arith.index_cast %get3A_4195 : i32 to index
      %get3A_4198 = arith.constant 0 : index
      %get3A_4199 = tpu.vector_load %arg6[%get3A_4196, %get3A_4197, %get3A_4198] {strides = array<i32>} : memref<4x20x128xf32, #tpu.memory_space<vmem>>, vector<1x1x16xf32>,
      %get3A_4200 = vector.shape_cast %get3A_4199 : vector<1x1x16xf32> to vector<16xf32>
      %get3A_4201 = arith.constant 3 : i32
      %get3A_4202 = arith.constant 6 : i32
      %get3A_4203 = arith.index_cast %get3A_4201 : i32 to index
      %get3A_4204 = arith.index_cast %get3A_4202 : i32 to index
      %get3A_4205 = arith.constant 0 : index
      %get3A_4206 = tpu.vector_load %arg6[%get3A_4203, %get3A_4204, %get3A_4205] {strides = array<i32>} : memref<4x20x128xf32, #tpu.memory_space<vmem>>, vector<1x1x16xf32>,
      %get3A_4207 = vector.shape_cast %get3A_4206 : vector<1x1x16xf32> to vector<16xf32>
      %get3A_4208 = arith.constant 3 : i32
      %get3A_4209 = arith.constant 7 : i32
      %get3A_4210 = arith.index_cast %get3A_4208 : i32 to index
      %get3A_4211 = arith.index_cast %get3A_4209 : i32 to index
      %get3A_4212 = arith.constant 0 : index
      %get3A_4213 = tpu.vector_load %arg6[%get3A_4210, %get3A_4211, %get3A_4212] {strides = array<i32>} : memref<4x20x128xf32, #tpu.memory_space<vmem>>, vector<1x1x16xf32>,
      %get3A_4214 = vector.shape_cast %get3A_4213 : vector<1x1x16xf32> to vector<16xf32>
      %get3A_4215 = arith.constant 3 : i32
      %get3A_4216 = arith.constant 8 : i32
      %get3A_4217 = arith.index_cast %get3A_4215 : i32 to index
      %get3A_4218 = arith.index_cast %get3A_4216 : i32 to index
      %get3A_4219 = arith.constant 0 : index
      %get3A_4220 = tpu.vector_load %arg6[%get3A_4217, %get3A_4218, %get3A_4219] {strides = array<i32>} : memref<4x20x128xf32, #tpu.memory_space<vmem>>, vector<1x1x16xf32>,
      %get3A_4221 = vector.shape_cast %get3A_4220 : vector<1x1x16xf32> to vector<16xf32>
      %get3A_4222 = arith.constant 3 : i32
      %get3A_4223 = arith.constant 9 : i32
      %get3A_4224 = arith.index_cast %get3A_4222 : i32 to index
      %get3A_4225 = arith.index_cast %get3A_4223 : i32 to index
      %get3A_4226 = arith.constant 0 : index
      %get3A_4227 = tpu.vector_load %arg6[%get3A_4224, %get3A_4225, %get3A_4226] {strides = array<i32>} : memref<4x20x128xf32, #tpu.memory_space<vmem>>, vector<1x1x16xf32>,
      %get3A_4228 = vector.shape_cast %get3A_4227 : vector<1x1x16xf32> to vector<16xf32>
      %get3A_4229 = arith.constant 3 : i32
      %get3A_4230 = arith.constant 10 : i32
      %get3A_4231 = arith.index_cast %get3A_4229 : i32 to index
      %get3A_4232 = arith.index_cast %get3A_4230 : i32 to index
      %get3A_4233 = arith.constant 0 : index
      %get3A_4234 = tpu.vector_load %arg6[%get3A_4231, %get3A_4232, %get3A_4233] {strides = array<i32>} : memref<4x20x128xf32, #tpu.memory_space<vmem>>, vector<1x1x16xf32>,
      %get3A_4235 = vector.shape_cast %get3A_4234 : vector<1x1x16xf32> to vector<16xf32>
      %get3A_4236 = arith.constant 3 : i32
      %get3A_4237 = arith.constant 11 : i32
      %get3A_4238 = arith.index_cast %get3A_4236 : i32 to index
      %get3A_4239 = arith.index_cast %get3A_4237 : i32 to index
      %get3A_4240 = arith.constant 0 : index
      %get3A_4241 = tpu.vector_load %arg6[%get3A_4238, %get3A_4239, %get3A_4240] {strides = array<i32>} : memref<4x20x128xf32, #tpu.memory_space<vmem>>, vector<1x1x16xf32>,
      %get3A_4242 = vector.shape_cast %get3A_4241 : vector<1x1x16xf32> to vector<16xf32>
      %get3A_4243 = arith.constant 3 : i32
      %get3A_4244 = arith.constant 12 : i32
      %get3A_4245 = arith.index_cast %get3A_4243 : i32 to index
      %get3A_4246 = arith.index_cast %get3A_4244 : i32 to index
      %get3A_4247 = arith.constant 0 : index
      %get3A_4248 = tpu.vector_load %arg6[%get3A_4245, %get3A_4246, %get3A_4247] {strides = array<i32>} : memref<4x20x128xf32, #tpu.memory_space<vmem>>, vector<1x1x16xf32>,
      %get3A_4249 = vector.shape_cast %get3A_4248 : vector<1x1x16xf32> to vector<16xf32>
      %get3A_4250 = arith.constant 3 : i32
      %get3A_4251 = arith.constant 13 : i32
      %get3A_4252 = arith.index_cast %get3A_4250 : i32 to index
      %get3A_4253 = arith.index_cast %get3A_4251 : i32 to index
      %get3A_4254 = arith.constant 0 : index
      %get3A_4255 = tpu.vector_load %arg6[%get3A_4252, %get3A_4253, %get3A_4254] {strides = array<i32>} : memref<4x20x128xf32, #tpu.memory_space<vmem>>, vector<1x1x16xf32>,
      %get3A_4256 = vector.shape_cast %get3A_4255 : vector<1x1x16xf32> to vector<16xf32>
      %get3A_4257 = arith.constant 3 : i32
      %get3A_4258 = arith.constant 14 : i32
      %get3A_4259 = arith.index_cast %get3A_4257 : i32 to index
      %get3A_4260 = arith.index_cast %get3A_4258 : i32 to index
      %get3A_4261 = arith.constant 0 : index
      %get3A_4262 = tpu.vector_load %arg6[%get3A_4259, %get3A_4260, %get3A_4261] {strides = array<i32>} : memref<4x20x128xf32, #tpu.memory_space<vmem>>, vector<1x1x16xf32>,
      %get3A_4263 = vector.shape_cast %get3A_4262 : vector<1x1x16xf32> to vector<16xf32>
      %get3A_4264 = arith.constant 3 : i32
      %get3A_4265 = arith.constant 15 : i32
      %get3A_4266 = arith.index_cast %get3A_4264 : i32 to index
      %get3A_4267 = arith.index_cast %get3A_4265 : i32 to index
      %get3A_4268 = arith.constant 0 : index
      %get3A_4269 = tpu.vector_load %arg6[%get3A_4266, %get3A_4267, %get3A_4268] {strides = array<i32>} : memref<4x20x128xf32, #tpu.memory_space<vmem>>, vector<1x1x16xf32>,
      %get3A_4270 = vector.shape_cast %get3A_4269 : vector<1x1x16xf32> to vector<16xf32>
      %get3A_4271 = arith.constant 3 : i32
      %get3A_4272 = arith.constant 16 : i32
      %get3A_4273 = arith.index_cast %get3A_4271 : i32 to index
      %get3A_4274 = arith.index_cast %get3A_4272 : i32 to index
      %get3A_4275 = arith.constant 0 : index
      %get3A_4276 = tpu.vector_load %arg6[%get3A_4273, %get3A_4274, %get3A_4275] {strides = array<i32>} : memref<4x20x128xf32, #tpu.memory_space<vmem>>, vector<1x1x16xf32>,
      %get3A_4277 = vector.shape_cast %get3A_4276 : vector<1x1x16xf32> to vector<16xf32>
      %get3A_4278 = arith.constant 3 : i32
      %get3A_4279 = arith.constant 17 : i32
      %get3A_4280 = arith.index_cast %get3A_4278 : i32 to index
      %get3A_4281 = arith.index_cast %get3A_4279 : i32 to index
      %get3A_4282 = arith.constant 0 : index
      %get3A_4283 = tpu.vector_load %arg6[%get3A_4280, %get3A_4281, %get3A_4282] {strides = array<i32>} : memref<4x20x128xf32, #tpu.memory_space<vmem>>, vector<1x1x16xf32>,
      %get3A_4284 = vector.shape_cast %get3A_4283 : vector<1x1x16xf32> to vector<16xf32>
      %get3A_4285 = arith.constant 3 : i32
      %get3A_4286 = arith.constant 18 : i32
      %get3A_4287 = arith.index_cast %get3A_4285 : i32 to index
      %get3A_4288 = arith.index_cast %get3A_4286 : i32 to index
      %get3A_4289 = arith.constant 0 : index
      %get3A_4290 = tpu.vector_load %arg6[%get3A_4287, %get3A_4288, %get3A_4289] {strides = array<i32>} : memref<4x20x128xf32, #tpu.memory_space<vmem>>, vector<1x1x16xf32>,
      %get3A_4291 = vector.shape_cast %get3A_4290 : vector<1x1x16xf32> to vector<16xf32>
      %get3A_4292 = arith.constant 3 : i32
      %get3A_4293 = arith.constant 19 : i32
      %get3A_4294 = arith.index_cast %get3A_4292 : i32 to index
      %get3A_4295 = arith.index_cast %get3A_4293 : i32 to index
      %get3A_4296 = arith.constant 0 : index
      %get3A_4297 = tpu.vector_load %arg6[%get3A_4294, %get3A_4295, %get3A_4296] {strides = array<i32>} : memref<4x20x128xf32, #tpu.memory_space<vmem>>, vector<1x1x16xf32>,
      %get3A_4298 = vector.shape_cast %get3A_4297 : vector<1x1x16xf32> to vector<16xf32>
      %add3A_4299 = arith.addf %get3A_4165, %get3A_4172 : vector<16xf32>
      %add3A_4300 = arith.addf %get3A_4179, %get3A_4186 : vector<16xf32>
      %add3A_4301 = arith.addf %get3A_4193, %get3A_4200 : vector<16xf32>
      %add3A_4302 = arith.addf %get3A_4207, %get3A_4214 : vector<16xf32>
      %add3A_4303 = arith.addf %get3A_4221, %get3A_4228 : vector<16xf32>
      %add3A_4304 = arith.addf %get3A_4235, %get3A_4242 : vector<16xf32>
      %add3A_4305 = arith.addf %get3A_4249, %get3A_4256 : vector<16xf32>
      %add3A_4306 = arith.addf %get3A_4263, %get3A_4270 : vector<16xf32>
      %add3A_4307 = arith.addf %get3A_4277, %get3A_4284 : vector<16xf32>
      %add3A_4308 = arith.addf %get3A_4291, %get3A_4298 : vector<16xf32>
      %add3A_4309 = arith.addf %add3A_4299, %add3A_4300 : vector<16xf32>
      %add3A_4310 = arith.addf %add3A_4301, %add3A_4302 : vector<16xf32>
      %add3A_4311 = arith.addf %add3A_4303, %add3A_4304 : vector<16xf32>
      %add3A_4312 = arith.addf %add3A_4305, %add3A_4306 : vector<16xf32>
      %add3A_4313 = arith.addf %add3A_4307, %add3A_4308 : vector<16xf32>
      %add3A_4314 = arith.addf %add3A_4309, %add3A_4310 : vector<16xf32>
      %add3A_4315 = arith.addf %add3A_4311, %add3A_4312 : vector<16xf32>
      %add3A_4316 = arith.addf %add3A_4314, %add3A_4315 : vector<16xf32>
      %add3A_4317 = arith.addf %add3A_4316, %add3A_4313 : vector<16xf32>
      %swap3A_4318 = arith.index_cast %add3A_4138 : i32 to index
      %swap3A_4319 = arith.constant 0 : index
      %swap3A_4320 = tpu.vector_load %arg7[%swap3A_4318, %swap3A_4319] {strides = array<i32>} : memref<256x128xf32, #tpu.memory_space<vmem>>, vector<1x16xf32>,
      %swap3A_4321 = vector.shape_cast %swap3A_4320 : vector<1x16xf32> to vector<16xf32>
      %swap3A_4322 = vector.shape_cast %add3A_4317 : vector<16xf32> to vector<1x16xf32>
      tpu.vector_store %arg7[%swap3A_4318, %swap3A_4319], %swap3A_4322 {strides = array<i32>} : memref<256x128xf32, #tpu.memory_space<vmem>>, vector<1x16xf32>,
      %get3A_4323 = arith.constant 3 : i32
      %get3A_4324 = arith.constant 0 : i32
      %get3A_4325 = arith.index_cast %get3A_4323 : i32 to index
      %get3A_4326 = arith.index_cast %get3A_4324 : i32 to index
      %get3A_4327 = arith.constant 16 : index
      %get3A_4328 = tpu.vector_load %arg6[%get3A_4325, %get3A_4326, %get3A_4327] {strides = array<i32>} : memref<4x20x128xf32, #tpu.memory_space<vmem>>, vector<1x1x16xf32>,
      %get3A_4329 = vector.shape_cast %get3A_4328 : vector<1x1x16xf32> to vector<16xf32>
      %get3A_4330 = arith.constant 3 : i32
      %get3A_4331 = arith.constant 1 : i32
      %get3A_4332 = arith.index_cast %get3A_4330 : i32 to index
      %get3A_4333 = arith.index_cast %get3A_4331 : i32 to index
      %get3A_4334 = arith.constant 16 : index
      %get3A_4335 = tpu.vector_load %arg6[%get3A_4332, %get3A_4333, %get3A_4334] {strides = array<i32>} : memref<4x20x128xf32, #tpu.memory_space<vmem>>, vector<1x1x16xf32>,
      %get3A_4336 = vector.shape_cast %get3A_4335 : vector<1x1x16xf32> to vector<16xf32>
      %get3A_4337 = arith.constant 3 : i32
      %get3A_4338 = arith.constant 2 : i32
      %get3A_4339 = arith.index_cast %get3A_4337 : i32 to index
      %get3A_4340 = arith.index_cast %get3A_4338 : i32 to index
      %get3A_4341 = arith.constant 16 : index
      %get3A_4342 = tpu.vector_load %arg6[%get3A_4339, %get3A_4340, %get3A_4341] {strides = array<i32>} : memref<4x20x128xf32, #tpu.memory_space<vmem>>, vector<1x1x16xf32>,
      %get3A_4343 = vector.shape_cast %get3A_4342 : vector<1x1x16xf32> to vector<16xf32>
      %get3A_4344 = arith.constant 3 : i32
      %get3A_4345 = arith.constant 3 : i32
      %get3A_4346 = arith.index_cast %get3A_4344 : i32 to index
      %get3A_4347 = arith.index_cast %get3A_4345 : i32 to index
      %get3A_4348 = arith.constant 16 : index
      %get3A_4349 = tpu.vector_load %arg6[%get3A_4346, %get3A_4347, %get3A_4348] {strides = array<i32>} : memref<4x20x128xf32, #tpu.memory_space<vmem>>, vector<1x1x16xf32>,
      %get3A_4350 = vector.shape_cast %get3A_4349 : vector<1x1x16xf32> to vector<16xf32>
      %get3A_4351 = arith.constant 3 : i32
      %get3A_4352 = arith.constant 4 : i32
      %get3A_4353 = arith.index_cast %get3A_4351 : i32 to index
      %get3A_4354 = arith.index_cast %get3A_4352 : i32 to index
      %get3A_4355 = arith.constant 16 : index
      %get3A_4356 = tpu.vector_load %arg6[%get3A_4353, %get3A_4354, %get3A_4355] {strides = array<i32>} : memref<4x20x128xf32, #tpu.memory_space<vmem>>, vector<1x1x16xf32>,
      %get3A_4357 = vector.shape_cast %get3A_4356 : vector<1x1x16xf32> to vector<16xf32>
      %get3A_4358 = arith.constant 3 : i32
      %get3A_4359 = arith.constant 5 : i32
      %get3A_4360 = arith.index_cast %get3A_4358 : i32 to index
      %get3A_4361 = arith.index_cast %get3A_4359 : i32 to index
      %get3A_4362 = arith.constant 16 : index
      %get3A_4363 = tpu.vector_load %arg6[%get3A_4360, %get3A_4361, %get3A_4362] {strides = array<i32>} : memref<4x20x128xf32, #tpu.memory_space<vmem>>, vector<1x1x16xf32>,
      %get3A_4364 = vector.shape_cast %get3A_4363 : vector<1x1x16xf32> to vector<16xf32>
      %get3A_4365 = arith.constant 3 : i32
      %get3A_4366 = arith.constant 6 : i32
      %get3A_4367 = arith.index_cast %get3A_4365 : i32 to index
      %get3A_4368 = arith.index_cast %get3A_4366 : i32 to index
      %get3A_4369 = arith.constant 16 : index
      %get3A_4370 = tpu.vector_load %arg6[%get3A_4367, %get3A_4368, %get3A_4369] {strides = array<i32>} : memref<4x20x128xf32, #tpu.memory_space<vmem>>, vector<1x1x16xf32>,
      %get3A_4371 = vector.shape_cast %get3A_4370 : vector<1x1x16xf32> to vector<16xf32>
      %get3A_4372 = arith.constant 3 : i32
      %get3A_4373 = arith.constant 7 : i32
      %get3A_4374 = arith.index_cast %get3A_4372 : i32 to index
      %get3A_4375 = arith.index_cast %get3A_4373 : i32 to index
      %get3A_4376 = arith.constant 16 : index
      %get3A_4377 = tpu.vector_load %arg6[%get3A_4374, %get3A_4375, %get3A_4376] {strides = array<i32>} : memref<4x20x128xf32, #tpu.memory_space<vmem>>, vector<1x1x16xf32>,
      %get3A_4378 = vector.shape_cast %get3A_4377 : vector<1x1x16xf32> to vector<16xf32>
      %get3A_4379 = arith.constant 3 : i32
      %get3A_4380 = arith.constant 8 : i32
      %get3A_4381 = arith.index_cast %get3A_4379 : i32 to index
      %get3A_4382 = arith.index_cast %get3A_4380 : i32 to index
      %get3A_4383 = arith.constant 16 : index
      %get3A_4384 = tpu.vector_load %arg6[%get3A_4381, %get3A_4382, %get3A_4383] {strides = array<i32>} : memref<4x20x128xf32, #tpu.memory_space<vmem>>, vector<1x1x16xf32>,
      %get3A_4385 = vector.shape_cast %get3A_4384 : vector<1x1x16xf32> to vector<16xf32>
      %get3A_4386 = arith.constant 3 : i32
      %get3A_4387 = arith.constant 9 : i32
      %get3A_4388 = arith.index_cast %get3A_4386 : i32 to index
      %get3A_4389 = arith.index_cast %get3A_4387 : i32 to index
      %get3A_4390 = arith.constant 16 : index
      %get3A_4391 = tpu.vector_load %arg6[%get3A_4388, %get3A_4389, %get3A_4390] {strides = array<i32>} : memref<4x20x128xf32, #tpu.memory_space<vmem>>, vector<1x1x16xf32>,
      %get3A_4392 = vector.shape_cast %get3A_4391 : vector<1x1x16xf32> to vector<16xf32>
      %get3A_4393 = arith.constant 3 : i32
      %get3A_4394 = arith.constant 10 : i32
      %get3A_4395 = arith.index_cast %get3A_4393 : i32 to index
      %get3A_4396 = arith.index_cast %get3A_4394 : i32 to index
      %get3A_4397 = arith.constant 16 : index
      %get3A_4398 = tpu.vector_load %arg6[%get3A_4395, %get3A_4396, %get3A_4397] {strides = array<i32>} : memref<4x20x128xf32, #tpu.memory_space<vmem>>, vector<1x1x16xf32>,
      %get3A_4399 = vector.shape_cast %get3A_4398 : vector<1x1x16xf32> to vector<16xf32>
      %get3A_4400 = arith.constant 3 : i32
      %get3A_4401 = arith.constant 11 : i32
      %get3A_4402 = arith.index_cast %get3A_4400 : i32 to index
      %get3A_4403 = arith.index_cast %get3A_4401 : i32 to index
      %get3A_4404 = arith.constant 16 : index
      %get3A_4405 = tpu.vector_load %arg6[%get3A_4402, %get3A_4403, %get3A_4404] {strides = array<i32>} : memref<4x20x128xf32, #tpu.memory_space<vmem>>, vector<1x1x16xf32>,
      %get3A_4406 = vector.shape_cast %get3A_4405 : vector<1x1x16xf32> to vector<16xf32>
      %get3A_4407 = arith.constant 3 : i32
      %get3A_4408 = arith.constant 12 : i32
      %get3A_4409 = arith.index_cast %get3A_4407 : i32 to index
      %get3A_4410 = arith.index_cast %get3A_4408 : i32 to index
      %get3A_4411 = arith.constant 16 : index
      %get3A_4412 = tpu.vector_load %arg6[%get3A_4409, %get3A_4410, %get3A_4411] {strides = array<i32>} : memref<4x20x128xf32, #tpu.memory_space<vmem>>, vector<1x1x16xf32>,
      %get3A_4413 = vector.shape_cast %get3A_4412 : vector<1x1x16xf32> to vector<16xf32>
      %get3A_4414 = arith.constant 3 : i32
      %get3A_4415 = arith.constant 13 : i32
      %get3A_4416 = arith.index_cast %get3A_4414 : i32 to index
      %get3A_4417 = arith.index_cast %get3A_4415 : i32 to index
      %get3A_4418 = arith.constant 16 : index
      %get3A_4419 = tpu.vector_load %arg6[%get3A_4416, %get3A_4417, %get3A_4418] {strides = array<i32>} : memref<4x20x128xf32, #tpu.memory_space<vmem>>, vector<1x1x16xf32>,
      %get3A_4420 = vector.shape_cast %get3A_4419 : vector<1x1x16xf32> to vector<16xf32>
      %get3A_4421 = arith.constant 3 : i32
      %get3A_4422 = arith.constant 14 : i32
      %get3A_4423 = arith.index_cast %get3A_4421 : i32 to index
      %get3A_4424 = arith.index_cast %get3A_4422 : i32 to index
      %get3A_4425 = arith.constant 16 : index
      %get3A_4426 = tpu.vector_load %arg6[%get3A_4423, %get3A_4424, %get3A_4425] {strides = array<i32>} : memref<4x20x128xf32, #tpu.memory_space<vmem>>, vector<1x1x16xf32>,
      %get3A_4427 = vector.shape_cast %get3A_4426 : vector<1x1x16xf32> to vector<16xf32>
      %get3A_4428 = arith.constant 3 : i32
      %get3A_4429 = arith.constant 15 : i32
      %get3A_4430 = arith.index_cast %get3A_4428 : i32 to index
      %get3A_4431 = arith.index_cast %get3A_4429 : i32 to index
      %get3A_4432 = arith.constant 16 : index
      %get3A_4433 = tpu.vector_load %arg6[%get3A_4430, %get3A_4431, %get3A_4432] {strides = array<i32>} : memref<4x20x128xf32, #tpu.memory_space<vmem>>, vector<1x1x16xf32>,
      %get3A_4434 = vector.shape_cast %get3A_4433 : vector<1x1x16xf32> to vector<16xf32>
      %get3A_4435 = arith.constant 3 : i32
      %get3A_4436 = arith.constant 16 : i32
      %get3A_4437 = arith.index_cast %get3A_4435 : i32 to index
      %get3A_4438 = arith.index_cast %get3A_4436 : i32 to index
      %get3A_4439 = arith.constant 16 : index
      %get3A_4440 = tpu.vector_load %arg6[%get3A_4437, %get3A_4438, %get3A_4439] {strides = array<i32>} : memref<4x20x128xf32, #tpu.memory_space<vmem>>, vector<1x1x16xf32>,
      %get3A_4441 = vector.shape_cast %get3A_4440 : vector<1x1x16xf32> to vector<16xf32>
      %get3A_4442 = arith.constant 3 : i32
      %get3A_4443 = arith.constant 17 : i32
      %get3A_4444 = arith.index_cast %get3A_4442 : i32 to index
      %get3A_4445 = arith.index_cast %get3A_4443 : i32 to index
      %get3A_4446 = arith.constant 16 : index
      %get3A_4447 = tpu.vector_load %arg6[%get3A_4444, %get3A_4445, %get3A_4446] {strides = array<i32>} : memref<4x20x128xf32, #tpu.memory_space<vmem>>, vector<1x1x16xf32>,
      %get3A_4448 = vector.shape_cast %get3A_4447 : vector<1x1x16xf32> to vector<16xf32>
      %get3A_4449 = arith.constant 3 : i32
      %get3A_4450 = arith.constant 18 : i32
      %get3A_4451 = arith.index_cast %get3A_4449 : i32 to index
      %get3A_4452 = arith.index_cast %get3A_4450 : i32 to index
      %get3A_4453 = arith.constant 16 : index
      %get3A_4454 = tpu.vector_load %arg6[%get3A_4451, %get3A_4452, %get3A_4453] {strides = array<i32>} : memref<4x20x128xf32, #tpu.memory_space<vmem>>, vector<1x1x16xf32>,
      %get3A_4455 = vector.shape_cast %get3A_4454 : vector<1x1x16xf32> to vector<16xf32>
      %get3A_4456 = arith.constant 3 : i32
      %get3A_4457 = arith.constant 19 : i32
      %get3A_4458 = arith.index_cast %get3A_4456 : i32 to index
      %get3A_4459 = arith.index_cast %get3A_4457 : i32 to index
      %get3A_4460 = arith.constant 16 : index
      %get3A_4461 = tpu.vector_load %arg6[%get3A_4458, %get3A_4459, %get3A_4460] {strides = array<i32>} : memref<4x20x128xf32, #tpu.memory_space<vmem>>, vector<1x1x16xf32>,
      %get3A_4462 = vector.shape_cast %get3A_4461 : vector<1x1x16xf32> to vector<16xf32>
      %add3A_4463 = arith.addf %get3A_4329, %get3A_4336 : vector<16xf32>
      %add3A_4464 = arith.addf %get3A_4343, %get3A_4350 : vector<16xf32>
      %add3A_4465 = arith.addf %get3A_4357, %get3A_4364 : vector<16xf32>
      %add3A_4466 = arith.addf %get3A_4371, %get3A_4378 : vector<16xf32>
      %add3A_4467 = arith.addf %get3A_4385, %get3A_4392 : vector<16xf32>
      %add3A_4468 = arith.addf %get3A_4399, %get3A_4406 : vector<16xf32>
      %add3A_4469 = arith.addf %get3A_4413, %get3A_4420 : vector<16xf32>
      %add3A_4470 = arith.addf %get3A_4427, %get3A_4434 : vector<16xf32>
      %add3A_4471 = arith.addf %get3A_4441, %get3A_4448 : vector<16xf32>
      %add3A_4472 = arith.addf %get3A_4455, %get3A_4462 : vector<16xf32>
      %add3A_4473 = arith.addf %add3A_4463, %add3A_4464 : vector<16xf32>
      %add3A_4474 = arith.addf %add3A_4465, %add3A_4466 : vector<16xf32>
      %add3A_4475 = arith.addf %add3A_4467, %add3A_4468 : vector<16xf32>
      %add3A_4476 = arith.addf %add3A_4469, %add3A_4470 : vector<16xf32>
      %add3A_4477 = arith.addf %add3A_4471, %add3A_4472 : vector<16xf32>
      %add3A_4478 = arith.addf %add3A_4473, %add3A_4474 : vector<16xf32>
      %add3A_4479 = arith.addf %add3A_4475, %add3A_4476 : vector<16xf32>
      %add3A_4480 = arith.addf %add3A_4478, %add3A_4479 : vector<16xf32>
      %add3A_4481 = arith.addf %add3A_4480, %add3A_4477 : vector<16xf32>
      %swap3A_4482 = arith.index_cast %add3A_4138 : i32 to index
      %swap3A_4483 = arith.constant 16 : index
      %swap3A_4484 = tpu.vector_load %arg7[%swap3A_4482, %swap3A_4483] {strides = array<i32>} : memref<256x128xf32, #tpu.memory_space<vmem>>, vector<1x16xf32>,
      %swap3A_4485 = vector.shape_cast %swap3A_4484 : vector<1x16xf32> to vector<16xf32>
      %swap3A_4486 = vector.shape_cast %add3A_4481 : vector<16xf32> to vector<1x16xf32>
      tpu.vector_store %arg7[%swap3A_4482, %swap3A_4483], %swap3A_4486 {strides = array<i32>} : memref<256x128xf32, #tpu.memory_space<vmem>>, vector<1x16xf32>,
      %get3A_4487 = arith.constant 3 : i32
      %get3A_4488 = arith.constant 0 : i32
      %get3A_4489 = arith.index_cast %get3A_4487 : i32 to index
      %get3A_4490 = arith.index_cast %get3A_4488 : i32 to index
      %get3A_4491 = arith.constant 32 : index
      %get3A_4492 = tpu.vector_load %arg6[%get3A_4489, %get3A_4490, %get3A_4491] {strides = array<i32>} : memref<4x20x128xf32, #tpu.memory_space<vmem>>, vector<1x1x16xf32>,
      %get3A_4493 = vector.shape_cast %get3A_4492 : vector<1x1x16xf32> to vector<16xf32>
      %get3A_4494 = arith.constant 3 : i32
      %get3A_4495 = arith.constant 1 : i32
      %get3A_4496 = arith.index_cast %get3A_4494 : i32 to index
      %get3A_4497 = arith.index_cast %get3A_4495 : i32 to index
      %get3A_4498 = arith.constant 32 : index
      %get3A_4499 = tpu.vector_load %arg6[%get3A_4496, %get3A_4497, %get3A_4498] {strides = array<i32>} : memref<4x20x128xf32, #tpu.memory_space<vmem>>, vector<1x1x16xf32>,
      %get3A_4500 = vector.shape_cast %get3A_4499 : vector<1x1x16xf32> to vector<16xf32>
      %get3A_4501 = arith.constant 3 : i32
      %get3A_4502 = arith.constant 2 : i32
      %get3A_4503 = arith.index_cast %get3A_4501 : i32 to index
      %get3A_4504 = arith.index_cast %get3A_4502 : i32 to index
      %get3A_4505 = arith.constant 32 : index
      %get3A_4506 = tpu.vector_load %arg6[%get3A_4503, %get3A_4504, %get3A_4505] {strides = array<i32>} : memref<4x20x128xf32, #tpu.memory_space<vmem>>, vector<1x1x16xf32>,
      %get3A_4507 = vector.shape_cast %get3A_4506 : vector<1x1x16xf32> to vector<16xf32>
      %get3A_4508 = arith.constant 3 : i32
      %get3A_4509 = arith.constant 3 : i32
      %get3A_4510 = arith.index_cast %get3A_4508 : i32 to index
      %get3A_4511 = arith.index_cast %get3A_4509 : i32 to index
      %get3A_4512 = arith.constant 32 : index
      %get3A_4513 = tpu.vector_load %arg6[%get3A_4510, %get3A_4511, %get3A_4512] {strides = array<i32>} : memref<4x20x128xf32, #tpu.memory_space<vmem>>, vector<1x1x16xf32>,
      %get3A_4514 = vector.shape_cast %get3A_4513 : vector<1x1x16xf32> to vector<16xf32>
      %get3A_4515 = arith.constant 3 : i32
      %get3A_4516 = arith.constant 4 : i32
      %get3A_4517 = arith.index_cast %get3A_4515 : i32 to index
      %get3A_4518 = arith.index_cast %get3A_4516 : i32 to index
      %get3A_4519 = arith.constant 32 : index
      %get3A_4520 = tpu.vector_load %arg6[%get3A_4517, %get3A_4518, %get3A_4519] {strides = array<i32>} : memref<4x20x128xf32, #tpu.memory_space<vmem>>, vector<1x1x16xf32>,
      %get3A_4521 = vector.shape_cast %get3A_4520 : vector<1x1x16xf32> to vector<16xf32>
      %get3A_4522 = arith.constant 3 : i32
      %get3A_4523 = arith.constant 5 : i32
      %get3A_4524 = arith.index_cast %get3A_4522 : i32 to index
      %get3A_4525 = arith.index_cast %get3A_4523 : i32 to index
      %get3A_4526 = arith.constant 32 : index
      %get3A_4527 = tpu.vector_load %arg6[%get3A_4524, %get3A_4525, %get3A_4526] {strides = array<i32>} : memref<4x20x128xf32, #tpu.memory_space<vmem>>, vector<1x1x16xf32>,
      %get3A_4528 = vector.shape_cast %get3A_4527 : vector<1x1x16xf32> to vector<16xf32>
      %get3A_4529 = arith.constant 3 : i32
      %get3A_4530 = arith.constant 6 : i32
      %get3A_4531 = arith.index_cast %get3A_4529 : i32 to index
      %get3A_4532 = arith.index_cast %get3A_4530 : i32 to index
      %get3A_4533 = arith.constant 32 : index
      %get3A_4534 = tpu.vector_load %arg6[%get3A_4531, %get3A_4532, %get3A_4533] {strides = array<i32>} : memref<4x20x128xf32, #tpu.memory_space<vmem>>, vector<1x1x16xf32>,
      %get3A_4535 = vector.shape_cast %get3A_4534 : vector<1x1x16xf32> to vector<16xf32>
      %get3A_4536 = arith.constant 3 : i32
      %get3A_4537 = arith.constant 7 : i32
      %get3A_4538 = arith.index_cast %get3A_4536 : i32 to index
      %get3A_4539 = arith.index_cast %get3A_4537 : i32 to index
      %get3A_4540 = arith.constant 32 : index
      %get3A_4541 = tpu.vector_load %arg6[%get3A_4538, %get3A_4539, %get3A_4540] {strides = array<i32>} : memref<4x20x128xf32, #tpu.memory_space<vmem>>, vector<1x1x16xf32>,
      %get3A_4542 = vector.shape_cast %get3A_4541 : vector<1x1x16xf32> to vector<16xf32>
      %get3A_4543 = arith.constant 3 : i32
      %get3A_4544 = arith.constant 8 : i32
      %get3A_4545 = arith.index_cast %get3A_4543 : i32 to index
      %get3A_4546 = arith.index_cast %get3A_4544 : i32 to index
      %get3A_4547 = arith.constant 32 : index
      %get3A_4548 = tpu.vector_load %arg6[%get3A_4545, %get3A_4546, %get3A_4547] {strides = array<i32>} : memref<4x20x128xf32, #tpu.memory_space<vmem>>, vector<1x1x16xf32>,
      %get3A_4549 = vector.shape_cast %get3A_4548 : vector<1x1x16xf32> to vector<16xf32>
      %get3A_4550 = arith.constant 3 : i32
      %get3A_4551 = arith.constant 9 : i32
      %get3A_4552 = arith.index_cast %get3A_4550 : i32 to index
      %get3A_4553 = arith.index_cast %get3A_4551 : i32 to index
      %get3A_4554 = arith.constant 32 : index
      %get3A_4555 = tpu.vector_load %arg6[%get3A_4552, %get3A_4553, %get3A_4554] {strides = array<i32>} : memref<4x20x128xf32, #tpu.memory_space<vmem>>, vector<1x1x16xf32>,
      %get3A_4556 = vector.shape_cast %get3A_4555 : vector<1x1x16xf32> to vector<16xf32>
      %get3A_4557 = arith.constant 3 : i32
      %get3A_4558 = arith.constant 10 : i32
      %get3A_4559 = arith.index_cast %get3A_4557 : i32 to index
      %get3A_4560 = arith.index_cast %get3A_4558 : i32 to index
      %get3A_4561 = arith.constant 32 : index
      %get3A_4562 = tpu.vector_load %arg6[%get3A_4559, %get3A_4560, %get3A_4561] {strides = array<i32>} : memref<4x20x128xf32, #tpu.memory_space<vmem>>, vector<1x1x16xf32>,
      %get3A_4563 = vector.shape_cast %get3A_4562 : vector<1x1x16xf32> to vector<16xf32>
      %get3A_4564 = arith.constant 3 : i32
      %get3A_4565 = arith.constant 11 : i32
      %get3A_4566 = arith.index_cast %get3A_4564 : i32 to index
      %get3A_4567 = arith.index_cast %get3A_4565 : i32 to index
      %get3A_4568 = arith.constant 32 : index
      %get3A_4569 = tpu.vector_load %arg6[%get3A_4566, %get3A_4567, %get3A_4568] {strides = array<i32>} : memref<4x20x128xf32, #tpu.memory_space<vmem>>, vector<1x1x16xf32>,
      %get3A_4570 = vector.shape_cast %get3A_4569 : vector<1x1x16xf32> to vector<16xf32>
      %get3A_4571 = arith.constant 3 : i32
      %get3A_4572 = arith.constant 12 : i32
      %get3A_4573 = arith.index_cast %get3A_4571 : i32 to index
      %get3A_4574 = arith.index_cast %get3A_4572 : i32 to index
      %get3A_4575 = arith.constant 32 : index
      %get3A_4576 = tpu.vector_load %arg6[%get3A_4573, %get3A_4574, %get3A_4575] {strides = array<i32>} : memref<4x20x128xf32, #tpu.memory_space<vmem>>, vector<1x1x16xf32>,
      %get3A_4577 = vector.shape_cast %get3A_4576 : vector<1x1x16xf32> to vector<16xf32>
      %get3A_4578 = arith.constant 3 : i32
      %get3A_4579 = arith.constant 13 : i32
      %get3A_4580 = arith.index_cast %get3A_4578 : i32 to index
      %get3A_4581 = arith.index_cast %get3A_4579 : i32 to index
      %get3A_4582 = arith.constant 32 : index
      %get3A_4583 = tpu.vector_load %arg6[%get3A_4580, %get3A_4581, %get3A_4582] {strides = array<i32>} : memref<4x20x128xf32, #tpu.memory_space<vmem>>, vector<1x1x16xf32>,
      %get3A_4584 = vector.shape_cast %get3A_4583 : vector<1x1x16xf32> to vector<16xf32>
      %get3A_4585 = arith.constant 3 : i32
      %get3A_4586 = arith.constant 14 : i32
      %get3A_4587 = arith.index_cast %get3A_4585 : i32 to index
      %get3A_4588 = arith.index_cast %get3A_4586 : i32 to index
      %get3A_4589 = arith.constant 32 : index
      %get3A_4590 = tpu.vector_load %arg6[%get3A_4587, %get3A_4588, %get3A_4589] {strides = array<i32>} : memref<4x20x128xf32, #tpu.memory_space<vmem>>, vector<1x1x16xf32>,
      %get3A_4591 = vector.shape_cast %get3A_4590 : vector<1x1x16xf32> to vector<16xf32>
      %get3A_4592 = arith.constant 3 : i32
      %get3A_4593 = arith.constant 15 : i32
      %get3A_4594 = arith.index_cast %get3A_4592 : i32 to index
      %get3A_4595 = arith.index_cast %get3A_4593 : i32 to index
      %get3A_4596 = arith.constant 32 : index
      %get3A_4597 = tpu.vector_load %arg6[%get3A_4594, %get3A_4595, %get3A_4596] {strides = array<i32>} : memref<4x20x128xf32, #tpu.memory_space<vmem>>, vector<1x1x16xf32>,
      %get3A_4598 = vector.shape_cast %get3A_4597 : vector<1x1x16xf32> to vector<16xf32>
      %get3A_4599 = arith.constant 3 : i32
      %get3A_4600 = arith.constant 16 : i32
      %get3A_4601 = arith.index_cast %get3A_4599 : i32 to index
      %get3A_4602 = arith.index_cast %get3A_4600 : i32 to index
      %get3A_4603 = arith.constant 32 : index
      %get3A_4604 = tpu.vector_load %arg6[%get3A_4601, %get3A_4602, %get3A_4603] {strides = array<i32>} : memref<4x20x128xf32, #tpu.memory_space<vmem>>, vector<1x1x16xf32>,
      %get3A_4605 = vector.shape_cast %get3A_4604 : vector<1x1x16xf32> to vector<16xf32>
      %get3A_4606 = arith.constant 3 : i32
      %get3A_4607 = arith.constant 17 : i32
      %get3A_4608 = arith.index_cast %get3A_4606 : i32 to index
      %get3A_4609 = arith.index_cast %get3A_4607 : i32 to index
      %get3A_4610 = arith.constant 32 : index
      %get3A_4611 = tpu.vector_load %arg6[%get3A_4608, %get3A_4609, %get3A_4610] {strides = array<i32>} : memref<4x20x128xf32, #tpu.memory_space<vmem>>, vector<1x1x16xf32>,
      %get3A_4612 = vector.shape_cast %get3A_4611 : vector<1x1x16xf32> to vector<16xf32>
      %get3A_4613 = arith.constant 3 : i32
      %get3A_4614 = arith.constant 18 : i32
      %get3A_4615 = arith.index_cast %get3A_4613 : i32 to index
      %get3A_4616 = arith.index_cast %get3A_4614 : i32 to index
      %get3A_4617 = arith.constant 32 : index
      %get3A_4618 = tpu.vector_load %arg6[%get3A_4615, %get3A_4616, %get3A_4617] {strides = array<i32>} : memref<4x20x128xf32, #tpu.memory_space<vmem>>, vector<1x1x16xf32>,
      %get3A_4619 = vector.shape_cast %get3A_4618 : vector<1x1x16xf32> to vector<16xf32>
      %get3A_4620 = arith.constant 3 : i32
      %get3A_4621 = arith.constant 19 : i32
      %get3A_4622 = arith.index_cast %get3A_4620 : i32 to index
      %get3A_4623 = arith.index_cast %get3A_4621 : i32 to index
      %get3A_4624 = arith.constant 32 : index
      %get3A_4625 = tpu.vector_load %arg6[%get3A_4622, %get3A_4623, %get3A_4624] {strides = array<i32>} : memref<4x20x128xf32, #tpu.memory_space<vmem>>, vector<1x1x16xf32>,
      %get3A_4626 = vector.shape_cast %get3A_4625 : vector<1x1x16xf32> to vector<16xf32>
      %add3A_4627 = arith.addf %get3A_4493, %get3A_4500 : vector<16xf32>
      %add3A_4628 = arith.addf %get3A_4507, %get3A_4514 : vector<16xf32>
      %add3A_4629 = arith.addf %get3A_4521, %get3A_4528 : vector<16xf32>
      %add3A_4630 = arith.addf %get3A_4535, %get3A_4542 : vector<16xf32>
      %add3A_4631 = arith.addf %get3A_4549, %get3A_4556 : vector<16xf32>
      %add3A_4632 = arith.addf %get3A_4563, %get3A_4570 : vector<16xf32>
      %add3A_4633 = arith.addf %get3A_4577, %get3A_4584 : vector<16xf32>
      %add3A_4634 = arith.addf %get3A_4591, %get3A_4598 : vector<16xf32>
      %add3A_4635 = arith.addf %get3A_4605, %get3A_4612 : vector<16xf32>
      %add3A_4636 = arith.addf %get3A_4619, %get3A_4626 : vector<16xf32>
      %add3A_4637 = arith.addf %add3A_4627, %add3A_4628 : vector<16xf32>
      %add3A_4638 = arith.addf %add3A_4629, %add3A_4630 : vector<16xf32>
      %add3A_4639 = arith.addf %add3A_4631, %add3A_4632 : vector<16xf32>
      %add3A_4640 = arith.addf %add3A_4633, %add3A_4634 : vector<16xf32>
      %add3A_4641 = arith.addf %add3A_4635, %add3A_4636 : vector<16xf32>
      %add3A_4642 = arith.addf %add3A_4637, %add3A_4638 : vector<16xf32>
      %add3A_4643 = arith.addf %add3A_4639, %add3A_4640 : vector<16xf32>
      %add3A_4644 = arith.addf %add3A_4642, %add3A_4643 : vector<16xf32>
      %add3A_4645 = arith.addf %add3A_4644, %add3A_4641 : vector<16xf32>
      %swap3A_4646 = arith.index_cast %add3A_4138 : i32 to index
      %swap3A_4647 = arith.constant 32 : index
      %swap3A_4648 = tpu.vector_load %arg7[%swap3A_4646, %swap3A_4647] {strides = array<i32>} : memref<256x128xf32, #tpu.memory_space<vmem>>, vector<1x16xf32>,
      %swap3A_4649 = vector.shape_cast %swap3A_4648 : vector<1x16xf32> to vector<16xf32>
      %swap3A_4650 = vector.shape_cast %add3A_4645 : vector<16xf32> to vector<1x16xf32>
      tpu.vector_store %arg7[%swap3A_4646, %swap3A_4647], %swap3A_4650 {strides = array<i32>} : memref<256x128xf32, #tpu.memory_space<vmem>>, vector<1x16xf32>,
      %get3A_4651 = arith.constant 3 : i32
      %get3A_4652 = arith.constant 0 : i32
      %get3A_4653 = arith.index_cast %get3A_4651 : i32 to index
      %get3A_4654 = arith.index_cast %get3A_4652 : i32 to index
      %get3A_4655 = arith.constant 48 : index
      %get3A_4656 = tpu.vector_load %arg6[%get3A_4653, %get3A_4654, %get3A_4655] {strides = array<i32>} : memref<4x20x128xf32, #tpu.memory_space<vmem>>, vector<1x1x16xf32>,
      %get3A_4657 = vector.shape_cast %get3A_4656 : vector<1x1x16xf32> to vector<16xf32>
      %get3A_4658 = arith.constant 3 : i32
      %get3A_4659 = arith.constant 1 : i32
      %get3A_4660 = arith.index_cast %get3A_4658 : i32 to index
      %get3A_4661 = arith.index_cast %get3A_4659 : i32 to index
      %get3A_4662 = arith.constant 48 : index
      %get3A_4663 = tpu.vector_load %arg6[%get3A_4660, %get3A_4661, %get3A_4662] {strides = array<i32>} : memref<4x20x128xf32, #tpu.memory_space<vmem>>, vector<1x1x16xf32>,
      %get3A_4664 = vector.shape_cast %get3A_4663 : vector<1x1x16xf32> to vector<16xf32>
      %get3A_4665 = arith.constant 3 : i32
      %get3A_4666 = arith.constant 2 : i32
      %get3A_4667 = arith.index_cast %get3A_4665 : i32 to index
      %get3A_4668 = arith.index_cast %get3A_4666 : i32 to index
      %get3A_4669 = arith.constant 48 : index
      %get3A_4670 = tpu.vector_load %arg6[%get3A_4667, %get3A_4668, %get3A_4669] {strides = array<i32>} : memref<4x20x128xf32, #tpu.memory_space<vmem>>, vector<1x1x16xf32>,
      %get3A_4671 = vector.shape_cast %get3A_4670 : vector<1x1x16xf32> to vector<16xf32>
      %get3A_4672 = arith.constant 3 : i32
      %get3A_4673 = arith.constant 3 : i32
      %get3A_4674 = arith.index_cast %get3A_4672 : i32 to index
      %get3A_4675 = arith.index_cast %get3A_4673 : i32 to index
      %get3A_4676 = arith.constant 48 : index
      %get3A_4677 = tpu.vector_load %arg6[%get3A_4674, %get3A_4675, %get3A_4676] {strides = array<i32>} : memref<4x20x128xf32, #tpu.memory_space<vmem>>, vector<1x1x16xf32>,
      %get3A_4678 = vector.shape_cast %get3A_4677 : vector<1x1x16xf32> to vector<16xf32>
      %get3A_4679 = arith.constant 3 : i32
      %get3A_4680 = arith.constant 4 : i32
      %get3A_4681 = arith.index_cast %get3A_4679 : i32 to index
      %get3A_4682 = arith.index_cast %get3A_4680 : i32 to index
      %get3A_4683 = arith.constant 48 : index
      %get3A_4684 = tpu.vector_load %arg6[%get3A_4681, %get3A_4682, %get3A_4683] {strides = array<i32>} : memref<4x20x128xf32, #tpu.memory_space<vmem>>, vector<1x1x16xf32>,
      %get3A_4685 = vector.shape_cast %get3A_4684 : vector<1x1x16xf32> to vector<16xf32>
      %get3A_4686 = arith.constant 3 : i32
      %get3A_4687 = arith.constant 5 : i32
      %get3A_4688 = arith.index_cast %get3A_4686 : i32 to index
      %get3A_4689 = arith.index_cast %get3A_4687 : i32 to index
      %get3A_4690 = arith.constant 48 : index
      %get3A_4691 = tpu.vector_load %arg6[%get3A_4688, %get3A_4689, %get3A_4690] {strides = array<i32>} : memref<4x20x128xf32, #tpu.memory_space<vmem>>, vector<1x1x16xf32>,
      %get3A_4692 = vector.shape_cast %get3A_4691 : vector<1x1x16xf32> to vector<16xf32>
      %get3A_4693 = arith.constant 3 : i32
      %get3A_4694 = arith.constant 6 : i32
      %get3A_4695 = arith.index_cast %get3A_4693 : i32 to index
      %get3A_4696 = arith.index_cast %get3A_4694 : i32 to index
      %get3A_4697 = arith.constant 48 : index
      %get3A_4698 = tpu.vector_load %arg6[%get3A_4695, %get3A_4696, %get3A_4697] {strides = array<i32>} : memref<4x20x128xf32, #tpu.memory_space<vmem>>, vector<1x1x16xf32>,
      %get3A_4699 = vector.shape_cast %get3A_4698 : vector<1x1x16xf32> to vector<16xf32>
      %get3A_4700 = arith.constant 3 : i32
      %get3A_4701 = arith.constant 7 : i32
      %get3A_4702 = arith.index_cast %get3A_4700 : i32 to index
      %get3A_4703 = arith.index_cast %get3A_4701 : i32 to index
      %get3A_4704 = arith.constant 48 : index
      %get3A_4705 = tpu.vector_load %arg6[%get3A_4702, %get3A_4703, %get3A_4704] {strides = array<i32>} : memref<4x20x128xf32, #tpu.memory_space<vmem>>, vector<1x1x16xf32>,
      %get3A_4706 = vector.shape_cast %get3A_4705 : vector<1x1x16xf32> to vector<16xf32>
      %get3A_4707 = arith.constant 3 : i32
      %get3A_4708 = arith.constant 8 : i32
      %get3A_4709 = arith.index_cast %get3A_4707 : i32 to index
      %get3A_4710 = arith.index_cast %get3A_4708 : i32 to index
      %get3A_4711 = arith.constant 48 : index
      %get3A_4712 = tpu.vector_load %arg6[%get3A_4709, %get3A_4710, %get3A_4711] {strides = array<i32>} : memref<4x20x128xf32, #tpu.memory_space<vmem>>, vector<1x1x16xf32>,
      %get3A_4713 = vector.shape_cast %get3A_4712 : vector<1x1x16xf32> to vector<16xf32>
      %get3A_4714 = arith.constant 3 : i32
      %get3A_4715 = arith.constant 9 : i32
      %get3A_4716 = arith.index_cast %get3A_4714 : i32 to index
      %get3A_4717 = arith.index_cast %get3A_4715 : i32 to index
      %get3A_4718 = arith.constant 48 : index
      %get3A_4719 = tpu.vector_load %arg6[%get3A_4716, %get3A_4717, %get3A_4718] {strides = array<i32>} : memref<4x20x128xf32, #tpu.memory_space<vmem>>, vector<1x1x16xf32>,
      %get3A_4720 = vector.shape_cast %get3A_4719 : vector<1x1x16xf32> to vector<16xf32>
      %get3A_4721 = arith.constant 3 : i32
      %get3A_4722 = arith.constant 10 : i32
      %get3A_4723 = arith.index_cast %get3A_4721 : i32 to index
      %get3A_4724 = arith.index_cast %get3A_4722 : i32 to index
      %get3A_4725 = arith.constant 48 : index
      %get3A_4726 = tpu.vector_load %arg6[%get3A_4723, %get3A_4724, %get3A_4725] {strides = array<i32>} : memref<4x20x128xf32, #tpu.memory_space<vmem>>, vector<1x1x16xf32>,
      %get3A_4727 = vector.shape_cast %get3A_4726 : vector<1x1x16xf32> to vector<16xf32>
      %get3A_4728 = arith.constant 3 : i32
      %get3A_4729 = arith.constant 11 : i32
      %get3A_4730 = arith.index_cast %get3A_4728 : i32 to index
      %get3A_4731 = arith.index_cast %get3A_4729 : i32 to index
      %get3A_4732 = arith.constant 48 : index
      %get3A_4733 = tpu.vector_load %arg6[%get3A_4730, %get3A_4731, %get3A_4732] {strides = array<i32>} : memref<4x20x128xf32, #tpu.memory_space<vmem>>, vector<1x1x16xf32>,
      %get3A_4734 = vector.shape_cast %get3A_4733 : vector<1x1x16xf32> to vector<16xf32>
      %get3A_4735 = arith.constant 3 : i32
      %get3A_4736 = arith.constant 12 : i32
      %get3A_4737 = arith.index_cast %get3A_4735 : i32 to index
      %get3A_4738 = arith.index_cast %get3A_4736 : i32 to index
      %get3A_4739 = arith.constant 48 : index
      %get3A_4740 = tpu.vector_load %arg6[%get3A_4737, %get3A_4738, %get3A_4739] {strides = array<i32>} : memref<4x20x128xf32, #tpu.memory_space<vmem>>, vector<1x1x16xf32>,
      %get3A_4741 = vector.shape_cast %get3A_4740 : vector<1x1x16xf32> to vector<16xf32>
      %get3A_4742 = arith.constant 3 : i32
      %get3A_4743 = arith.constant 13 : i32
      %get3A_4744 = arith.index_cast %get3A_4742 : i32 to index
      %get3A_4745 = arith.index_cast %get3A_4743 : i32 to index
      %get3A_4746 = arith.constant 48 : index
      %get3A_4747 = tpu.vector_load %arg6[%get3A_4744, %get3A_4745, %get3A_4746] {strides = array<i32>} : memref<4x20x128xf32, #tpu.memory_space<vmem>>, vector<1x1x16xf32>,
      %get3A_4748 = vector.shape_cast %get3A_4747 : vector<1x1x16xf32> to vector<16xf32>
      %get3A_4749 = arith.constant 3 : i32
      %get3A_4750 = arith.constant 14 : i32
      %get3A_4751 = arith.index_cast %get3A_4749 : i32 to index
      %get3A_4752 = arith.index_cast %get3A_4750 : i32 to index
      %get3A_4753 = arith.constant 48 : index
      %get3A_4754 = tpu.vector_load %arg6[%get3A_4751, %get3A_4752, %get3A_4753] {strides = array<i32>} : memref<4x20x128xf32, #tpu.memory_space<vmem>>, vector<1x1x16xf32>,
      %get3A_4755 = vector.shape_cast %get3A_4754 : vector<1x1x16xf32> to vector<16xf32>
      %get3A_4756 = arith.constant 3 : i32
      %get3A_4757 = arith.constant 15 : i32
      %get3A_4758 = arith.index_cast %get3A_4756 : i32 to index
      %get3A_4759 = arith.index_cast %get3A_4757 : i32 to index
      %get3A_4760 = arith.constant 48 : index
      %get3A_4761 = tpu.vector_load %arg6[%get3A_4758, %get3A_4759, %get3A_4760] {strides = array<i32>} : memref<4x20x128xf32, #tpu.memory_space<vmem>>, vector<1x1x16xf32>,
      %get3A_4762 = vector.shape_cast %get3A_4761 : vector<1x1x16xf32> to vector<16xf32>
      %get3A_4763 = arith.constant 3 : i32
      %get3A_4764 = arith.constant 16 : i32
      %get3A_4765 = arith.index_cast %get3A_4763 : i32 to index
      %get3A_4766 = arith.index_cast %get3A_4764 : i32 to index
      %get3A_4767 = arith.constant 48 : index
      %get3A_4768 = tpu.vector_load %arg6[%get3A_4765, %get3A_4766, %get3A_4767] {strides = array<i32>} : memref<4x20x128xf32, #tpu.memory_space<vmem>>, vector<1x1x16xf32>,
      %get3A_4769 = vector.shape_cast %get3A_4768 : vector<1x1x16xf32> to vector<16xf32>
      %get3A_4770 = arith.constant 3 : i32
      %get3A_4771 = arith.constant 17 : i32
      %get3A_4772 = arith.index_cast %get3A_4770 : i32 to index
      %get3A_4773 = arith.index_cast %get3A_4771 : i32 to index
      %get3A_4774 = arith.constant 48 : index
      %get3A_4775 = tpu.vector_load %arg6[%get3A_4772, %get3A_4773, %get3A_4774] {strides = array<i32>} : memref<4x20x128xf32, #tpu.memory_space<vmem>>, vector<1x1x16xf32>,
      %get3A_4776 = vector.shape_cast %get3A_4775 : vector<1x1x16xf32> to vector<16xf32>
      %get3A_4777 = arith.constant 3 : i32
      %get3A_4778 = arith.constant 18 : i32
      %get3A_4779 = arith.index_cast %get3A_4777 : i32 to index
      %get3A_4780 = arith.index_cast %get3A_4778 : i32 to index
      %get3A_4781 = arith.constant 48 : index
      %get3A_4782 = tpu.vector_load %arg6[%get3A_4779, %get3A_4780, %get3A_4781] {strides = array<i32>} : memref<4x20x128xf32, #tpu.memory_space<vmem>>, vector<1x1x16xf32>,
      %get3A_4783 = vector.shape_cast %get3A_4782 : vector<1x1x16xf32> to vector<16xf32>
      %get3A_4784 = arith.constant 3 : i32
      %get3A_4785 = arith.constant 19 : i32
      %get3A_4786 = arith.index_cast %get3A_4784 : i32 to index
      %get3A_4787 = arith.index_cast %get3A_4785 : i32 to index
      %get3A_4788 = arith.constant 48 : index
      %get3A_4789 = tpu.vector_load %arg6[%get3A_4786, %get3A_4787, %get3A_4788] {strides = array<i32>} : memref<4x20x128xf32, #tpu.memory_space<vmem>>, vector<1x1x16xf32>,
      %get3A_4790 = vector.shape_cast %get3A_4789 : vector<1x1x16xf32> to vector<16xf32>
      %add3A_4791 = arith.addf %get3A_4657, %get3A_4664 : vector<16xf32>
      %add3A_4792 = arith.addf %get3A_4671, %get3A_4678 : vector<16xf32>
      %add3A_4793 = arith.addf %get3A_4685, %get3A_4692 : vector<16xf32>
      %add3A_4794 = arith.addf %get3A_4699, %get3A_4706 : vector<16xf32>
      %add3A_4795 = arith.addf %get3A_4713, %get3A_4720 : vector<16xf32>
      %add3A_4796 = arith.addf %get3A_4727, %get3A_4734 : vector<16xf32>
      %add3A_4797 = arith.addf %get3A_4741, %get3A_4748 : vector<16xf32>
      %add3A_4798 = arith.addf %get3A_4755, %get3A_4762 : vector<16xf32>
      %add3A_4799 = arith.addf %get3A_4769, %get3A_4776 : vector<16xf32>
      %add3A_4800 = arith.addf %get3A_4783, %get3A_4790 : vector<16xf32>
      %add3A_4801 = arith.addf %add3A_4791, %add3A_4792 : vector<16xf32>
      %add3A_4802 = arith.addf %add3A_4793, %add3A_4794 : vector<16xf32>
      %add3A_4803 = arith.addf %add3A_4795, %add3A_4796 : vector<16xf32>
      %add3A_4804 = arith.addf %add3A_4797, %add3A_4798 : vector<16xf32>
      %add3A_4805 = arith.addf %add3A_4799, %add3A_4800 : vector<16xf32>
      %add3A_4806 = arith.addf %add3A_4801, %add3A_4802 : vector<16xf32>
      %add3A_4807 = arith.addf %add3A_4803, %add3A_4804 : vector<16xf32>
      %add3A_4808 = arith.addf %add3A_4806, %add3A_4807 : vector<16xf32>
      %add3A_4809 = arith.addf %add3A_4808, %add3A_4805 : vector<16xf32>
      %swap3A_4810 = arith.index_cast %add3A_4138 : i32 to index
      %swap3A_4811 = arith.constant 48 : index
      %swap3A_4812 = tpu.vector_load %arg7[%swap3A_4810, %swap3A_4811] {strides = array<i32>} : memref<256x128xf32, #tpu.memory_space<vmem>>, vector<1x16xf32>,
      %swap3A_4813 = vector.shape_cast %swap3A_4812 : vector<1x16xf32> to vector<16xf32>
      %swap3A_4814 = vector.shape_cast %add3A_4809 : vector<16xf32> to vector<1x16xf32>
      tpu.vector_store %arg7[%swap3A_4810, %swap3A_4811], %swap3A_4814 {strides = array<i32>} : memref<256x128xf32, #tpu.memory_space<vmem>>, vector<1x16xf32>,
      %get3A_4815 = arith.constant 3 : i32
      %get3A_4816 = arith.constant 0 : i32
      %get3A_4817 = arith.index_cast %get3A_4815 : i32 to index
      %get3A_4818 = arith.index_cast %get3A_4816 : i32 to index
      %get3A_4819 = arith.constant 64 : index
      %get3A_4820 = tpu.vector_load %arg6[%get3A_4817, %get3A_4818, %get3A_4819] {strides = array<i32>} : memref<4x20x128xf32, #tpu.memory_space<vmem>>, vector<1x1x16xf32>,
      %get3A_4821 = vector.shape_cast %get3A_4820 : vector<1x1x16xf32> to vector<16xf32>
      %get3A_4822 = arith.constant 3 : i32
      %get3A_4823 = arith.constant 1 : i32
      %get3A_4824 = arith.index_cast %get3A_4822 : i32 to index
      %get3A_4825 = arith.index_cast %get3A_4823 : i32 to index
      %get3A_4826 = arith.constant 64 : index
      %get3A_4827 = tpu.vector_load %arg6[%get3A_4824, %get3A_4825, %get3A_4826] {strides = array<i32>} : memref<4x20x128xf32, #tpu.memory_space<vmem>>, vector<1x1x16xf32>,
      %get3A_4828 = vector.shape_cast %get3A_4827 : vector<1x1x16xf32> to vector<16xf32>
      %get3A_4829 = arith.constant 3 : i32
      %get3A_4830 = arith.constant 2 : i32
      %get3A_4831 = arith.index_cast %get3A_4829 : i32 to index
      %get3A_4832 = arith.index_cast %get3A_4830 : i32 to index
      %get3A_4833 = arith.constant 64 : index
      %get3A_4834 = tpu.vector_load %arg6[%get3A_4831, %get3A_4832, %get3A_4833] {strides = array<i32>} : memref<4x20x128xf32, #tpu.memory_space<vmem>>, vector<1x1x16xf32>,
      %get3A_4835 = vector.shape_cast %get3A_4834 : vector<1x1x16xf32> to vector<16xf32>
      %get3A_4836 = arith.constant 3 : i32
      %get3A_4837 = arith.constant 3 : i32
      %get3A_4838 = arith.index_cast %get3A_4836 : i32 to index
      %get3A_4839 = arith.index_cast %get3A_4837 : i32 to index
      %get3A_4840 = arith.constant 64 : index
      %get3A_4841 = tpu.vector_load %arg6[%get3A_4838, %get3A_4839, %get3A_4840] {strides = array<i32>} : memref<4x20x128xf32, #tpu.memory_space<vmem>>, vector<1x1x16xf32>,
      %get3A_4842 = vector.shape_cast %get3A_4841 : vector<1x1x16xf32> to vector<16xf32>
      %get3A_4843 = arith.constant 3 : i32
      %get3A_4844 = arith.constant 4 : i32
      %get3A_4845 = arith.index_cast %get3A_4843 : i32 to index
      %get3A_4846 = arith.index_cast %get3A_4844 : i32 to index
      %get3A_4847 = arith.constant 64 : index
      %get3A_4848 = tpu.vector_load %arg6[%get3A_4845, %get3A_4846, %get3A_4847] {strides = array<i32>} : memref<4x20x128xf32, #tpu.memory_space<vmem>>, vector<1x1x16xf32>,
      %get3A_4849 = vector.shape_cast %get3A_4848 : vector<1x1x16xf32> to vector<16xf32>
      %get3A_4850 = arith.constant 3 : i32
      %get3A_4851 = arith.constant 5 : i32
      %get3A_4852 = arith.index_cast %get3A_4850 : i32 to index
      %get3A_4853 = arith.index_cast %get3A_4851 : i32 to index
      %get3A_4854 = arith.constant 64 : index
      %get3A_4855 = tpu.vector_load %arg6[%get3A_4852, %get3A_4853, %get3A_4854] {strides = array<i32>} : memref<4x20x128xf32, #tpu.memory_space<vmem>>, vector<1x1x16xf32>,
      %get3A_4856 = vector.shape_cast %get3A_4855 : vector<1x1x16xf32> to vector<16xf32>
      %get3A_4857 = arith.constant 3 : i32
      %get3A_4858 = arith.constant 6 : i32
      %get3A_4859 = arith.index_cast %get3A_4857 : i32 to index
      %get3A_4860 = arith.index_cast %get3A_4858 : i32 to index
      %get3A_4861 = arith.constant 64 : index
      %get3A_4862 = tpu.vector_load %arg6[%get3A_4859, %get3A_4860, %get3A_4861] {strides = array<i32>} : memref<4x20x128xf32, #tpu.memory_space<vmem>>, vector<1x1x16xf32>,
      %get3A_4863 = vector.shape_cast %get3A_4862 : vector<1x1x16xf32> to vector<16xf32>
      %get3A_4864 = arith.constant 3 : i32
      %get3A_4865 = arith.constant 7 : i32
      %get3A_4866 = arith.index_cast %get3A_4864 : i32 to index
      %get3A_4867 = arith.index_cast %get3A_4865 : i32 to index
      %get3A_4868 = arith.constant 64 : index
      %get3A_4869 = tpu.vector_load %arg6[%get3A_4866, %get3A_4867, %get3A_4868] {strides = array<i32>} : memref<4x20x128xf32, #tpu.memory_space<vmem>>, vector<1x1x16xf32>,
      %get3A_4870 = vector.shape_cast %get3A_4869 : vector<1x1x16xf32> to vector<16xf32>
      %get3A_4871 = arith.constant 3 : i32
      %get3A_4872 = arith.constant 8 : i32
      %get3A_4873 = arith.index_cast %get3A_4871 : i32 to index
      %get3A_4874 = arith.index_cast %get3A_4872 : i32 to index
      %get3A_4875 = arith.constant 64 : index
      %get3A_4876 = tpu.vector_load %arg6[%get3A_4873, %get3A_4874, %get3A_4875] {strides = array<i32>} : memref<4x20x128xf32, #tpu.memory_space<vmem>>, vector<1x1x16xf32>,
      %get3A_4877 = vector.shape_cast %get3A_4876 : vector<1x1x16xf32> to vector<16xf32>
      %get3A_4878 = arith.constant 3 : i32
      %get3A_4879 = arith.constant 9 : i32
      %get3A_4880 = arith.index_cast %get3A_4878 : i32 to index
      %get3A_4881 = arith.index_cast %get3A_4879 : i32 to index
      %get3A_4882 = arith.constant 64 : index
      %get3A_4883 = tpu.vector_load %arg6[%get3A_4880, %get3A_4881, %get3A_4882] {strides = array<i32>} : memref<4x20x128xf32, #tpu.memory_space<vmem>>, vector<1x1x16xf32>,
      %get3A_4884 = vector.shape_cast %get3A_4883 : vector<1x1x16xf32> to vector<16xf32>
      %get3A_4885 = arith.constant 3 : i32
      %get3A_4886 = arith.constant 10 : i32
      %get3A_4887 = arith.index_cast %get3A_4885 : i32 to index
      %get3A_4888 = arith.index_cast %get3A_4886 : i32 to index
      %get3A_4889 = arith.constant 64 : index
      %get3A_4890 = tpu.vector_load %arg6[%get3A_4887, %get3A_4888, %get3A_4889] {strides = array<i32>} : memref<4x20x128xf32, #tpu.memory_space<vmem>>, vector<1x1x16xf32>,
      %get3A_4891 = vector.shape_cast %get3A_4890 : vector<1x1x16xf32> to vector<16xf32>
      %get3A_4892 = arith.constant 3 : i32
      %get3A_4893 = arith.constant 11 : i32
      %get3A_4894 = arith.index_cast %get3A_4892 : i32 to index
      %get3A_4895 = arith.index_cast %get3A_4893 : i32 to index
      %get3A_4896 = arith.constant 64 : index
      %get3A_4897 = tpu.vector_load %arg6[%get3A_4894, %get3A_4895, %get3A_4896] {strides = array<i32>} : memref<4x20x128xf32, #tpu.memory_space<vmem>>, vector<1x1x16xf32>,
      %get3A_4898 = vector.shape_cast %get3A_4897 : vector<1x1x16xf32> to vector<16xf32>
      %get3A_4899 = arith.constant 3 : i32
      %get3A_4900 = arith.constant 12 : i32
      %get3A_4901 = arith.index_cast %get3A_4899 : i32 to index
      %get3A_4902 = arith.index_cast %get3A_4900 : i32 to index
      %get3A_4903 = arith.constant 64 : index
      %get3A_4904 = tpu.vector_load %arg6[%get3A_4901, %get3A_4902, %get3A_4903] {strides = array<i32>} : memref<4x20x128xf32, #tpu.memory_space<vmem>>, vector<1x1x16xf32>,
      %get3A_4905 = vector.shape_cast %get3A_4904 : vector<1x1x16xf32> to vector<16xf32>
      %get3A_4906 = arith.constant 3 : i32
      %get3A_4907 = arith.constant 13 : i32
      %get3A_4908 = arith.index_cast %get3A_4906 : i32 to index
      %get3A_4909 = arith.index_cast %get3A_4907 : i32 to index
      %get3A_4910 = arith.constant 64 : index
      %get3A_4911 = tpu.vector_load %arg6[%get3A_4908, %get3A_4909, %get3A_4910] {strides = array<i32>} : memref<4x20x128xf32, #tpu.memory_space<vmem>>, vector<1x1x16xf32>,
      %get3A_4912 = vector.shape_cast %get3A_4911 : vector<1x1x16xf32> to vector<16xf32>
      %get3A_4913 = arith.constant 3 : i32
      %get3A_4914 = arith.constant 14 : i32
      %get3A_4915 = arith.index_cast %get3A_4913 : i32 to index
      %get3A_4916 = arith.index_cast %get3A_4914 : i32 to index
      %get3A_4917 = arith.constant 64 : index
      %get3A_4918 = tpu.vector_load %arg6[%get3A_4915, %get3A_4916, %get3A_4917] {strides = array<i32>} : memref<4x20x128xf32, #tpu.memory_space<vmem>>, vector<1x1x16xf32>,
      %get3A_4919 = vector.shape_cast %get3A_4918 : vector<1x1x16xf32> to vector<16xf32>
      %get3A_4920 = arith.constant 3 : i32
      %get3A_4921 = arith.constant 15 : i32
      %get3A_4922 = arith.index_cast %get3A_4920 : i32 to index
      %get3A_4923 = arith.index_cast %get3A_4921 : i32 to index
      %get3A_4924 = arith.constant 64 : index
      %get3A_4925 = tpu.vector_load %arg6[%get3A_4922, %get3A_4923, %get3A_4924] {strides = array<i32>} : memref<4x20x128xf32, #tpu.memory_space<vmem>>, vector<1x1x16xf32>,
      %get3A_4926 = vector.shape_cast %get3A_4925 : vector<1x1x16xf32> to vector<16xf32>
      %get3A_4927 = arith.constant 3 : i32
      %get3A_4928 = arith.constant 16 : i32
      %get3A_4929 = arith.index_cast %get3A_4927 : i32 to index
      %get3A_4930 = arith.index_cast %get3A_4928 : i32 to index
      %get3A_4931 = arith.constant 64 : index
      %get3A_4932 = tpu.vector_load %arg6[%get3A_4929, %get3A_4930, %get3A_4931] {strides = array<i32>} : memref<4x20x128xf32, #tpu.memory_space<vmem>>, vector<1x1x16xf32>,
      %get3A_4933 = vector.shape_cast %get3A_4932 : vector<1x1x16xf32> to vector<16xf32>
      %get3A_4934 = arith.constant 3 : i32
      %get3A_4935 = arith.constant 17 : i32
      %get3A_4936 = arith.index_cast %get3A_4934 : i32 to index
      %get3A_4937 = arith.index_cast %get3A_4935 : i32 to index
      %get3A_4938 = arith.constant 64 : index
      %get3A_4939 = tpu.vector_load %arg6[%get3A_4936, %get3A_4937, %get3A_4938] {strides = array<i32>} : memref<4x20x128xf32, #tpu.memory_space<vmem>>, vector<1x1x16xf32>,
      %get3A_4940 = vector.shape_cast %get3A_4939 : vector<1x1x16xf32> to vector<16xf32>
      %get3A_4941 = arith.constant 3 : i32
      %get3A_4942 = arith.constant 18 : i32
      %get3A_4943 = arith.index_cast %get3A_4941 : i32 to index
      %get3A_4944 = arith.index_cast %get3A_4942 : i32 to index
      %get3A_4945 = arith.constant 64 : index
      %get3A_4946 = tpu.vector_load %arg6[%get3A_4943, %get3A_4944, %get3A_4945] {strides = array<i32>} : memref<4x20x128xf32, #tpu.memory_space<vmem>>, vector<1x1x16xf32>,
      %get3A_4947 = vector.shape_cast %get3A_4946 : vector<1x1x16xf32> to vector<16xf32>
      %get3A_4948 = arith.constant 3 : i32
      %get3A_4949 = arith.constant 19 : i32
      %get3A_4950 = arith.index_cast %get3A_4948 : i32 to index
      %get3A_4951 = arith.index_cast %get3A_4949 : i32 to index
      %get3A_4952 = arith.constant 64 : index
      %get3A_4953 = tpu.vector_load %arg6[%get3A_4950, %get3A_4951, %get3A_4952] {strides = array<i32>} : memref<4x20x128xf32, #tpu.memory_space<vmem>>, vector<1x1x16xf32>,
      %get3A_4954 = vector.shape_cast %get3A_4953 : vector<1x1x16xf32> to vector<16xf32>
      %add3A_4955 = arith.addf %get3A_4821, %get3A_4828 : vector<16xf32>
      %add3A_4956 = arith.addf %get3A_4835, %get3A_4842 : vector<16xf32>
      %add3A_4957 = arith.addf %get3A_4849, %get3A_4856 : vector<16xf32>
      %add3A_4958 = arith.addf %get3A_4863, %get3A_4870 : vector<16xf32>
      %add3A_4959 = arith.addf %get3A_4877, %get3A_4884 : vector<16xf32>
      %add3A_4960 = arith.addf %get3A_4891, %get3A_4898 : vector<16xf32>
      %add3A_4961 = arith.addf %get3A_4905, %get3A_4912 : vector<16xf32>
      %add3A_4962 = arith.addf %get3A_4919, %get3A_4926 : vector<16xf32>
      %add3A_4963 = arith.addf %get3A_4933, %get3A_4940 : vector<16xf32>
      %add3A_4964 = arith.addf %get3A_4947, %get3A_4954 : vector<16xf32>
      %add3A_4965 = arith.addf %add3A_4955, %add3A_4956 : vector<16xf32>
      %add3A_4966 = arith.addf %add3A_4957, %add3A_4958 : vector<16xf32>
      %add3A_4967 = arith.addf %add3A_4959, %add3A_4960 : vector<16xf32>
      %add3A_4968 = arith.addf %add3A_4961, %add3A_4962 : vector<16xf32>
      %add3A_4969 = arith.addf %add3A_4963, %add3A_4964 : vector<16xf32>
      %add3A_4970 = arith.addf %add3A_4965, %add3A_4966 : vector<16xf32>
      %add3A_4971 = arith.addf %add3A_4967, %add3A_4968 : vector<16xf32>
      %add3A_4972 = arith.addf %add3A_4970, %add3A_4971 : vector<16xf32>
      %add3A_4973 = arith.addf %add3A_4972, %add3A_4969 : vector<16xf32>
      %swap3A_4974 = arith.index_cast %add3A_4138 : i32 to index
      %swap3A_4975 = arith.constant 64 : index
      %swap3A_4976 = tpu.vector_load %arg7[%swap3A_4974, %swap3A_4975] {strides = array<i32>} : memref<256x128xf32, #tpu.memory_space<vmem>>, vector<1x16xf32>,
      %swap3A_4977 = vector.shape_cast %swap3A_4976 : vector<1x16xf32> to vector<16xf32>
      %swap3A_4978 = vector.shape_cast %add3A_4973 : vector<16xf32> to vector<1x16xf32>
      tpu.vector_store %arg7[%swap3A_4974, %swap3A_4975], %swap3A_4978 {strides = array<i32>} : memref<256x128xf32, #tpu.memory_space<vmem>>, vector<1x16xf32>,
      %get3A_4979 = arith.constant 3 : i32
      %get3A_4980 = arith.constant 0 : i32
      %get3A_4981 = arith.index_cast %get3A_4979 : i32 to index
      %get3A_4982 = arith.index_cast %get3A_4980 : i32 to index
      %get3A_4983 = arith.constant 80 : index
      %get3A_4984 = tpu.vector_load %arg6[%get3A_4981, %get3A_4982, %get3A_4983] {strides = array<i32>} : memref<4x20x128xf32, #tpu.memory_space<vmem>>, vector<1x1x16xf32>,
      %get3A_4985 = vector.shape_cast %get3A_4984 : vector<1x1x16xf32> to vector<16xf32>
      %get3A_4986 = arith.constant 3 : i32
      %get3A_4987 = arith.constant 1 : i32
      %get3A_4988 = arith.index_cast %get3A_4986 : i32 to index
      %get3A_4989 = arith.index_cast %get3A_4987 : i32 to index
      %get3A_4990 = arith.constant 80 : index
      %get3A_4991 = tpu.vector_load %arg6[%get3A_4988, %get3A_4989, %get3A_4990] {strides = array<i32>} : memref<4x20x128xf32, #tpu.memory_space<vmem>>, vector<1x1x16xf32>,
      %get3A_4992 = vector.shape_cast %get3A_4991 : vector<1x1x16xf32> to vector<16xf32>
      %get3A_4993 = arith.constant 3 : i32
      %get3A_4994 = arith.constant 2 : i32
      %get3A_4995 = arith.index_cast %get3A_4993 : i32 to index
      %get3A_4996 = arith.index_cast %get3A_4994 : i32 to index
      %get3A_4997 = arith.constant 80 : index
      %get3A_4998 = tpu.vector_load %arg6[%get3A_4995, %get3A_4996, %get3A_4997] {strides = array<i32>} : memref<4x20x128xf32, #tpu.memory_space<vmem>>, vector<1x1x16xf32>,
      %get3A_4999 = vector.shape_cast %get3A_4998 : vector<1x1x16xf32> to vector<16xf32>
      %get3A_5000 = arith.constant 3 : i32
      %get3A_5001 = arith.constant 3 : i32
      %get3A_5002 = arith.index_cast %get3A_5000 : i32 to index
      %get3A_5003 = arith.index_cast %get3A_5001 : i32 to index
      %get3A_5004 = arith.constant 80 : index
      %get3A_5005 = tpu.vector_load %arg6[%get3A_5002, %get3A_5003, %get3A_5004] {strides = array<i32>} : memref<4x20x128xf32, #tpu.memory_space<vmem>>, vector<1x1x16xf32>,
      %get3A_5006 = vector.shape_cast %get3A_5005 : vector<1x1x16xf32> to vector<16xf32>
      %get3A_5007 = arith.constant 3 : i32
      %get3A_5008 = arith.constant 4 : i32
      %get3A_5009 = arith.index_cast %get3A_5007 : i32 to index
      %get3A_5010 = arith.index_cast %get3A_5008 : i32 to index
      %get3A_5011 = arith.constant 80 : index
      %get3A_5012 = tpu.vector_load %arg6[%get3A_5009, %get3A_5010, %get3A_5011] {strides = array<i32>} : memref<4x20x128xf32, #tpu.memory_space<vmem>>, vector<1x1x16xf32>,
      %get3A_5013 = vector.shape_cast %get3A_5012 : vector<1x1x16xf32> to vector<16xf32>
      %get3A_5014 = arith.constant 3 : i32
      %get3A_5015 = arith.constant 5 : i32
      %get3A_5016 = arith.index_cast %get3A_5014 : i32 to index
      %get3A_5017 = arith.index_cast %get3A_5015 : i32 to index
      %get3A_5018 = arith.constant 80 : index
      %get3A_5019 = tpu.vector_load %arg6[%get3A_5016, %get3A_5017, %get3A_5018] {strides = array<i32>} : memref<4x20x128xf32, #tpu.memory_space<vmem>>, vector<1x1x16xf32>,
      %get3A_5020 = vector.shape_cast %get3A_5019 : vector<1x1x16xf32> to vector<16xf32>
      %get3A_5021 = arith.constant 3 : i32
      %get3A_5022 = arith.constant 6 : i32
      %get3A_5023 = arith.index_cast %get3A_5021 : i32 to index
      %get3A_5024 = arith.index_cast %get3A_5022 : i32 to index
      %get3A_5025 = arith.constant 80 : index
      %get3A_5026 = tpu.vector_load %arg6[%get3A_5023, %get3A_5024, %get3A_5025] {strides = array<i32>} : memref<4x20x128xf32, #tpu.memory_space<vmem>>, vector<1x1x16xf32>,
      %get3A_5027 = vector.shape_cast %get3A_5026 : vector<1x1x16xf32> to vector<16xf32>
      %get3A_5028 = arith.constant 3 : i32
      %get3A_5029 = arith.constant 7 : i32
      %get3A_5030 = arith.index_cast %get3A_5028 : i32 to index
      %get3A_5031 = arith.index_cast %get3A_5029 : i32 to index
      %get3A_5032 = arith.constant 80 : index
      %get3A_5033 = tpu.vector_load %arg6[%get3A_5030, %get3A_5031, %get3A_5032] {strides = array<i32>} : memref<4x20x128xf32, #tpu.memory_space<vmem>>, vector<1x1x16xf32>,
      %get3A_5034 = vector.shape_cast %get3A_5033 : vector<1x1x16xf32> to vector<16xf32>
      %get3A_5035 = arith.constant 3 : i32
      %get3A_5036 = arith.constant 8 : i32
      %get3A_5037 = arith.index_cast %get3A_5035 : i32 to index
      %get3A_5038 = arith.index_cast %get3A_5036 : i32 to index
      %get3A_5039 = arith.constant 80 : index
      %get3A_5040 = tpu.vector_load %arg6[%get3A_5037, %get3A_5038, %get3A_5039] {strides = array<i32>} : memref<4x20x128xf32, #tpu.memory_space<vmem>>, vector<1x1x16xf32>,
      %get3A_5041 = vector.shape_cast %get3A_5040 : vector<1x1x16xf32> to vector<16xf32>
      %get3A_5042 = arith.constant 3 : i32
      %get3A_5043 = arith.constant 9 : i32
      %get3A_5044 = arith.index_cast %get3A_5042 : i32 to index
      %get3A_5045 = arith.index_cast %get3A_5043 : i32 to index
      %get3A_5046 = arith.constant 80 : index
      %get3A_5047 = tpu.vector_load %arg6[%get3A_5044, %get3A_5045, %get3A_5046] {strides = array<i32>} : memref<4x20x128xf32, #tpu.memory_space<vmem>>, vector<1x1x16xf32>,
      %get3A_5048 = vector.shape_cast %get3A_5047 : vector<1x1x16xf32> to vector<16xf32>
      %get3A_5049 = arith.constant 3 : i32
      %get3A_5050 = arith.constant 10 : i32
      %get3A_5051 = arith.index_cast %get3A_5049 : i32 to index
      %get3A_5052 = arith.index_cast %get3A_5050 : i32 to index
      %get3A_5053 = arith.constant 80 : index
      %get3A_5054 = tpu.vector_load %arg6[%get3A_5051, %get3A_5052, %get3A_5053] {strides = array<i32>} : memref<4x20x128xf32, #tpu.memory_space<vmem>>, vector<1x1x16xf32>,
      %get3A_5055 = vector.shape_cast %get3A_5054 : vector<1x1x16xf32> to vector<16xf32>
      %get3A_5056 = arith.constant 3 : i32
      %get3A_5057 = arith.constant 11 : i32
      %get3A_5058 = arith.index_cast %get3A_5056 : i32 to index
      %get3A_5059 = arith.index_cast %get3A_5057 : i32 to index
      %get3A_5060 = arith.constant 80 : index
      %get3A_5061 = tpu.vector_load %arg6[%get3A_5058, %get3A_5059, %get3A_5060] {strides = array<i32>} : memref<4x20x128xf32, #tpu.memory_space<vmem>>, vector<1x1x16xf32>,
      %get3A_5062 = vector.shape_cast %get3A_5061 : vector<1x1x16xf32> to vector<16xf32>
      %get3A_5063 = arith.constant 3 : i32
      %get3A_5064 = arith.constant 12 : i32
      %get3A_5065 = arith.index_cast %get3A_5063 : i32 to index
      %get3A_5066 = arith.index_cast %get3A_5064 : i32 to index
      %get3A_5067 = arith.constant 80 : index
      %get3A_5068 = tpu.vector_load %arg6[%get3A_5065, %get3A_5066, %get3A_5067] {strides = array<i32>} : memref<4x20x128xf32, #tpu.memory_space<vmem>>, vector<1x1x16xf32>,
      %get3A_5069 = vector.shape_cast %get3A_5068 : vector<1x1x16xf32> to vector<16xf32>
      %get3A_5070 = arith.constant 3 : i32
      %get3A_5071 = arith.constant 13 : i32
      %get3A_5072 = arith.index_cast %get3A_5070 : i32 to index
      %get3A_5073 = arith.index_cast %get3A_5071 : i32 to index
      %get3A_5074 = arith.constant 80 : index
      %get3A_5075 = tpu.vector_load %arg6[%get3A_5072, %get3A_5073, %get3A_5074] {strides = array<i32>} : memref<4x20x128xf32, #tpu.memory_space<vmem>>, vector<1x1x16xf32>,
      %get3A_5076 = vector.shape_cast %get3A_5075 : vector<1x1x16xf32> to vector<16xf32>
      %get3A_5077 = arith.constant 3 : i32
      %get3A_5078 = arith.constant 14 : i32
      %get3A_5079 = arith.index_cast %get3A_5077 : i32 to index
      %get3A_5080 = arith.index_cast %get3A_5078 : i32 to index
      %get3A_5081 = arith.constant 80 : index
      %get3A_5082 = tpu.vector_load %arg6[%get3A_5079, %get3A_5080, %get3A_5081] {strides = array<i32>} : memref<4x20x128xf32, #tpu.memory_space<vmem>>, vector<1x1x16xf32>,
      %get3A_5083 = vector.shape_cast %get3A_5082 : vector<1x1x16xf32> to vector<16xf32>
      %get3A_5084 = arith.constant 3 : i32
      %get3A_5085 = arith.constant 15 : i32
      %get3A_5086 = arith.index_cast %get3A_5084 : i32 to index
      %get3A_5087 = arith.index_cast %get3A_5085 : i32 to index
      %get3A_5088 = arith.constant 80 : index
      %get3A_5089 = tpu.vector_load %arg6[%get3A_5086, %get3A_5087, %get3A_5088] {strides = array<i32>} : memref<4x20x128xf32, #tpu.memory_space<vmem>>, vector<1x1x16xf32>,
      %get3A_5090 = vector.shape_cast %get3A_5089 : vector<1x1x16xf32> to vector<16xf32>
      %get3A_5091 = arith.constant 3 : i32
      %get3A_5092 = arith.constant 16 : i32
      %get3A_5093 = arith.index_cast %get3A_5091 : i32 to index
      %get3A_5094 = arith.index_cast %get3A_5092 : i32 to index
      %get3A_5095 = arith.constant 80 : index
      %get3A_5096 = tpu.vector_load %arg6[%get3A_5093, %get3A_5094, %get3A_5095] {strides = array<i32>} : memref<4x20x128xf32, #tpu.memory_space<vmem>>, vector<1x1x16xf32>,
      %get3A_5097 = vector.shape_cast %get3A_5096 : vector<1x1x16xf32> to vector<16xf32>
      %get3A_5098 = arith.constant 3 : i32
      %get3A_5099 = arith.constant 17 : i32
      %get3A_5100 = arith.index_cast %get3A_5098 : i32 to index
      %get3A_5101 = arith.index_cast %get3A_5099 : i32 to index
      %get3A_5102 = arith.constant 80 : index
      %get3A_5103 = tpu.vector_load %arg6[%get3A_5100, %get3A_5101, %get3A_5102] {strides = array<i32>} : memref<4x20x128xf32, #tpu.memory_space<vmem>>, vector<1x1x16xf32>,
      %get3A_5104 = vector.shape_cast %get3A_5103 : vector<1x1x16xf32> to vector<16xf32>
      %get3A_5105 = arith.constant 3 : i32
      %get3A_5106 = arith.constant 18 : i32
      %get3A_5107 = arith.index_cast %get3A_5105 : i32 to index
      %get3A_5108 = arith.index_cast %get3A_5106 : i32 to index
      %get3A_5109 = arith.constant 80 : index
      %get3A_5110 = tpu.vector_load %arg6[%get3A_5107, %get3A_5108, %get3A_5109] {strides = array<i32>} : memref<4x20x128xf32, #tpu.memory_space<vmem>>, vector<1x1x16xf32>,
      %get3A_5111 = vector.shape_cast %get3A_5110 : vector<1x1x16xf32> to vector<16xf32>
      %get3A_5112 = arith.constant 3 : i32
      %get3A_5113 = arith.constant 19 : i32
      %get3A_5114 = arith.index_cast %get3A_5112 : i32 to index
      %get3A_5115 = arith.index_cast %get3A_5113 : i32 to index
      %get3A_5116 = arith.constant 80 : index
      %get3A_5117 = tpu.vector_load %arg6[%get3A_5114, %get3A_5115, %get3A_5116] {strides = array<i32>} : memref<4x20x128xf32, #tpu.memory_space<vmem>>, vector<1x1x16xf32>,
      %get3A_5118 = vector.shape_cast %get3A_5117 : vector<1x1x16xf32> to vector<16xf32>
      %add3A_5119 = arith.addf %get3A_4985, %get3A_4992 : vector<16xf32>
      %add3A_5120 = arith.addf %get3A_4999, %get3A_5006 : vector<16xf32>
      %add3A_5121 = arith.addf %get3A_5013, %get3A_5020 : vector<16xf32>
      %add3A_5122 = arith.addf %get3A_5027, %get3A_5034 : vector<16xf32>
      %add3A_5123 = arith.addf %get3A_5041, %get3A_5048 : vector<16xf32>
      %add3A_5124 = arith.addf %get3A_5055, %get3A_5062 : vector<16xf32>
      %add3A_5125 = arith.addf %get3A_5069, %get3A_5076 : vector<16xf32>
      %add3A_5126 = arith.addf %get3A_5083, %get3A_5090 : vector<16xf32>
      %add3A_5127 = arith.addf %get3A_5097, %get3A_5104 : vector<16xf32>
      %add3A_5128 = arith.addf %get3A_5111, %get3A_5118 : vector<16xf32>
      %add3A_5129 = arith.addf %add3A_5119, %add3A_5120 : vector<16xf32>
      %add3A_5130 = arith.addf %add3A_5121, %add3A_5122 : vector<16xf32>
      %add3A_5131 = arith.addf %add3A_5123, %add3A_5124 : vector<16xf32>
      %add3A_5132 = arith.addf %add3A_5125, %add3A_5126 : vector<16xf32>
      %add3A_5133 = arith.addf %add3A_5127, %add3A_5128 : vector<16xf32>
      %add3A_5134 = arith.addf %add3A_5129, %add3A_5130 : vector<16xf32>
      %add3A_5135 = arith.addf %add3A_5131, %add3A_5132 : vector<16xf32>
      %add3A_5136 = arith.addf %add3A_5134, %add3A_5135 : vector<16xf32>
      %add3A_5137 = arith.addf %add3A_5136, %add3A_5133 : vector<16xf32>
      %swap3A_5138 = arith.index_cast %add3A_4138 : i32 to index
      %swap3A_5139 = arith.constant 80 : index
      %swap3A_5140 = tpu.vector_load %arg7[%swap3A_5138, %swap3A_5139] {strides = array<i32>} : memref<256x128xf32, #tpu.memory_space<vmem>>, vector<1x16xf32>,
      %swap3A_5141 = vector.shape_cast %swap3A_5140 : vector<1x16xf32> to vector<16xf32>
      %swap3A_5142 = vector.shape_cast %add3A_5137 : vector<16xf32> to vector<1x16xf32>
      tpu.vector_store %arg7[%swap3A_5138, %swap3A_5139], %swap3A_5142 {strides = array<i32>} : memref<256x128xf32, #tpu.memory_space<vmem>>, vector<1x16xf32>,
      %get3A_5143 = arith.constant 3 : i32
      %get3A_5144 = arith.constant 0 : i32
      %get3A_5145 = arith.index_cast %get3A_5143 : i32 to index
      %get3A_5146 = arith.index_cast %get3A_5144 : i32 to index
      %get3A_5147 = arith.constant 96 : index
      %get3A_5148 = tpu.vector_load %arg6[%get3A_5145, %get3A_5146, %get3A_5147] {strides = array<i32>} : memref<4x20x128xf32, #tpu.memory_space<vmem>>, vector<1x1x16xf32>,
      %get3A_5149 = vector.shape_cast %get3A_5148 : vector<1x1x16xf32> to vector<16xf32>
      %get3A_5150 = arith.constant 3 : i32
      %get3A_5151 = arith.constant 1 : i32
      %get3A_5152 = arith.index_cast %get3A_5150 : i32 to index
      %get3A_5153 = arith.index_cast %get3A_5151 : i32 to index
      %get3A_5154 = arith.constant 96 : index
      %get3A_5155 = tpu.vector_load %arg6[%get3A_5152, %get3A_5153, %get3A_5154] {strides = array<i32>} : memref<4x20x128xf32, #tpu.memory_space<vmem>>, vector<1x1x16xf32>,
      %get3A_5156 = vector.shape_cast %get3A_5155 : vector<1x1x16xf32> to vector<16xf32>
      %get3A_5157 = arith.constant 3 : i32
      %get3A_5158 = arith.constant 2 : i32
      %get3A_5159 = arith.index_cast %get3A_5157 : i32 to index
      %get3A_5160 = arith.index_cast %get3A_5158 : i32 to index
      %get3A_5161 = arith.constant 96 : index
      %get3A_5162 = tpu.vector_load %arg6[%get3A_5159, %get3A_5160, %get3A_5161] {strides = array<i32>} : memref<4x20x128xf32, #tpu.memory_space<vmem>>, vector<1x1x16xf32>,
      %get3A_5163 = vector.shape_cast %get3A_5162 : vector<1x1x16xf32> to vector<16xf32>
      %get3A_5164 = arith.constant 3 : i32
      %get3A_5165 = arith.constant 3 : i32
      %get3A_5166 = arith.index_cast %get3A_5164 : i32 to index
      %get3A_5167 = arith.index_cast %get3A_5165 : i32 to index
      %get3A_5168 = arith.constant 96 : index
      %get3A_5169 = tpu.vector_load %arg6[%get3A_5166, %get3A_5167, %get3A_5168] {strides = array<i32>} : memref<4x20x128xf32, #tpu.memory_space<vmem>>, vector<1x1x16xf32>,
      %get3A_5170 = vector.shape_cast %get3A_5169 : vector<1x1x16xf32> to vector<16xf32>
      %get3A_5171 = arith.constant 3 : i32
      %get3A_5172 = arith.constant 4 : i32
      %get3A_5173 = arith.index_cast %get3A_5171 : i32 to index
      %get3A_5174 = arith.index_cast %get3A_5172 : i32 to index
      %get3A_5175 = arith.constant 96 : index
      %get3A_5176 = tpu.vector_load %arg6[%get3A_5173, %get3A_5174, %get3A_5175] {strides = array<i32>} : memref<4x20x128xf32, #tpu.memory_space<vmem>>, vector<1x1x16xf32>,
      %get3A_5177 = vector.shape_cast %get3A_5176 : vector<1x1x16xf32> to vector<16xf32>
      %get3A_5178 = arith.constant 3 : i32
      %get3A_5179 = arith.constant 5 : i32
      %get3A_5180 = arith.index_cast %get3A_5178 : i32 to index
      %get3A_5181 = arith.index_cast %get3A_5179 : i32 to index
      %get3A_5182 = arith.constant 96 : index
      %get3A_5183 = tpu.vector_load %arg6[%get3A_5180, %get3A_5181, %get3A_5182] {strides = array<i32>} : memref<4x20x128xf32, #tpu.memory_space<vmem>>, vector<1x1x16xf32>,
      %get3A_5184 = vector.shape_cast %get3A_5183 : vector<1x1x16xf32> to vector<16xf32>
      %get3A_5185 = arith.constant 3 : i32
      %get3A_5186 = arith.constant 6 : i32
      %get3A_5187 = arith.index_cast %get3A_5185 : i32 to index
      %get3A_5188 = arith.index_cast %get3A_5186 : i32 to index
      %get3A_5189 = arith.constant 96 : index
      %get3A_5190 = tpu.vector_load %arg6[%get3A_5187, %get3A_5188, %get3A_5189] {strides = array<i32>} : memref<4x20x128xf32, #tpu.memory_space<vmem>>, vector<1x1x16xf32>,
      %get3A_5191 = vector.shape_cast %get3A_5190 : vector<1x1x16xf32> to vector<16xf32>
      %get3A_5192 = arith.constant 3 : i32
      %get3A_5193 = arith.constant 7 : i32
      %get3A_5194 = arith.index_cast %get3A_5192 : i32 to index
      %get3A_5195 = arith.index_cast %get3A_5193 : i32 to index
      %get3A_5196 = arith.constant 96 : index
      %get3A_5197 = tpu.vector_load %arg6[%get3A_5194, %get3A_5195, %get3A_5196] {strides = array<i32>} : memref<4x20x128xf32, #tpu.memory_space<vmem>>, vector<1x1x16xf32>,
      %get3A_5198 = vector.shape_cast %get3A_5197 : vector<1x1x16xf32> to vector<16xf32>
      %get3A_5199 = arith.constant 3 : i32
      %get3A_5200 = arith.constant 8 : i32
      %get3A_5201 = arith.index_cast %get3A_5199 : i32 to index
      %get3A_5202 = arith.index_cast %get3A_5200 : i32 to index
      %get3A_5203 = arith.constant 96 : index
      %get3A_5204 = tpu.vector_load %arg6[%get3A_5201, %get3A_5202, %get3A_5203] {strides = array<i32>} : memref<4x20x128xf32, #tpu.memory_space<vmem>>, vector<1x1x16xf32>,
      %get3A_5205 = vector.shape_cast %get3A_5204 : vector<1x1x16xf32> to vector<16xf32>
      %get3A_5206 = arith.constant 3 : i32
      %get3A_5207 = arith.constant 9 : i32
      %get3A_5208 = arith.index_cast %get3A_5206 : i32 to index
      %get3A_5209 = arith.index_cast %get3A_5207 : i32 to index
      %get3A_5210 = arith.constant 96 : index
      %get3A_5211 = tpu.vector_load %arg6[%get3A_5208, %get3A_5209, %get3A_5210] {strides = array<i32>} : memref<4x20x128xf32, #tpu.memory_space<vmem>>, vector<1x1x16xf32>,
      %get3A_5212 = vector.shape_cast %get3A_5211 : vector<1x1x16xf32> to vector<16xf32>
      %get3A_5213 = arith.constant 3 : i32
      %get3A_5214 = arith.constant 10 : i32
      %get3A_5215 = arith.index_cast %get3A_5213 : i32 to index
      %get3A_5216 = arith.index_cast %get3A_5214 : i32 to index
      %get3A_5217 = arith.constant 96 : index
      %get3A_5218 = tpu.vector_load %arg6[%get3A_5215, %get3A_5216, %get3A_5217] {strides = array<i32>} : memref<4x20x128xf32, #tpu.memory_space<vmem>>, vector<1x1x16xf32>,
      %get3A_5219 = vector.shape_cast %get3A_5218 : vector<1x1x16xf32> to vector<16xf32>
      %get3A_5220 = arith.constant 3 : i32
      %get3A_5221 = arith.constant 11 : i32
      %get3A_5222 = arith.index_cast %get3A_5220 : i32 to index
      %get3A_5223 = arith.index_cast %get3A_5221 : i32 to index
      %get3A_5224 = arith.constant 96 : index
      %get3A_5225 = tpu.vector_load %arg6[%get3A_5222, %get3A_5223, %get3A_5224] {strides = array<i32>} : memref<4x20x128xf32, #tpu.memory_space<vmem>>, vector<1x1x16xf32>,
      %get3A_5226 = vector.shape_cast %get3A_5225 : vector<1x1x16xf32> to vector<16xf32>
      %get3A_5227 = arith.constant 3 : i32
      %get3A_5228 = arith.constant 12 : i32
      %get3A_5229 = arith.index_cast %get3A_5227 : i32 to index
      %get3A_5230 = arith.index_cast %get3A_5228 : i32 to index
      %get3A_5231 = arith.constant 96 : index
      %get3A_5232 = tpu.vector_load %arg6[%get3A_5229, %get3A_5230, %get3A_5231] {strides = array<i32>} : memref<4x20x128xf32, #tpu.memory_space<vmem>>, vector<1x1x16xf32>,
      %get3A_5233 = vector.shape_cast %get3A_5232 : vector<1x1x16xf32> to vector<16xf32>
      %get3A_5234 = arith.constant 3 : i32
      %get3A_5235 = arith.constant 13 : i32
      %get3A_5236 = arith.index_cast %get3A_5234 : i32 to index
      %get3A_5237 = arith.index_cast %get3A_5235 : i32 to index
      %get3A_5238 = arith.constant 96 : index
      %get3A_5239 = tpu.vector_load %arg6[%get3A_5236, %get3A_5237, %get3A_5238] {strides = array<i32>} : memref<4x20x128xf32, #tpu.memory_space<vmem>>, vector<1x1x16xf32>,
      %get3A_5240 = vector.shape_cast %get3A_5239 : vector<1x1x16xf32> to vector<16xf32>
      %get3A_5241 = arith.constant 3 : i32
      %get3A_5242 = arith.constant 14 : i32
      %get3A_5243 = arith.index_cast %get3A_5241 : i32 to index
      %get3A_5244 = arith.index_cast %get3A_5242 : i32 to index
      %get3A_5245 = arith.constant 96 : index
      %get3A_5246 = tpu.vector_load %arg6[%get3A_5243, %get3A_5244, %get3A_5245] {strides = array<i32>} : memref<4x20x128xf32, #tpu.memory_space<vmem>>, vector<1x1x16xf32>,
      %get3A_5247 = vector.shape_cast %get3A_5246 : vector<1x1x16xf32> to vector<16xf32>
      %get3A_5248 = arith.constant 3 : i32
      %get3A_5249 = arith.constant 15 : i32
      %get3A_5250 = arith.index_cast %get3A_5248 : i32 to index
      %get3A_5251 = arith.index_cast %get3A_5249 : i32 to index
      %get3A_5252 = arith.constant 96 : index
      %get3A_5253 = tpu.vector_load %arg6[%get3A_5250, %get3A_5251, %get3A_5252] {strides = array<i32>} : memref<4x20x128xf32, #tpu.memory_space<vmem>>, vector<1x1x16xf32>,
      %get3A_5254 = vector.shape_cast %get3A_5253 : vector<1x1x16xf32> to vector<16xf32>
      %get3A_5255 = arith.constant 3 : i32
      %get3A_5256 = arith.constant 16 : i32
      %get3A_5257 = arith.index_cast %get3A_5255 : i32 to index
      %get3A_5258 = arith.index_cast %get3A_5256 : i32 to index
      %get3A_5259 = arith.constant 96 : index
      %get3A_5260 = tpu.vector_load %arg6[%get3A_5257, %get3A_5258, %get3A_5259] {strides = array<i32>} : memref<4x20x128xf32, #tpu.memory_space<vmem>>, vector<1x1x16xf32>,
      %get3A_5261 = vector.shape_cast %get3A_5260 : vector<1x1x16xf32> to vector<16xf32>
      %get3A_5262 = arith.constant 3 : i32
      %get3A_5263 = arith.constant 17 : i32
      %get3A_5264 = arith.index_cast %get3A_5262 : i32 to index
      %get3A_5265 = arith.index_cast %get3A_5263 : i32 to index
      %get3A_5266 = arith.constant 96 : index
      %get3A_5267 = tpu.vector_load %arg6[%get3A_5264, %get3A_5265, %get3A_5266] {strides = array<i32>} : memref<4x20x128xf32, #tpu.memory_space<vmem>>, vector<1x1x16xf32>,
      %get3A_5268 = vector.shape_cast %get3A_5267 : vector<1x1x16xf32> to vector<16xf32>
      %get3A_5269 = arith.constant 3 : i32
      %get3A_5270 = arith.constant 18 : i32
      %get3A_5271 = arith.index_cast %get3A_5269 : i32 to index
      %get3A_5272 = arith.index_cast %get3A_5270 : i32 to index
      %get3A_5273 = arith.constant 96 : index
      %get3A_5274 = tpu.vector_load %arg6[%get3A_5271, %get3A_5272, %get3A_5273] {strides = array<i32>} : memref<4x20x128xf32, #tpu.memory_space<vmem>>, vector<1x1x16xf32>,
      %get3A_5275 = vector.shape_cast %get3A_5274 : vector<1x1x16xf32> to vector<16xf32>
      %get3A_5276 = arith.constant 3 : i32
      %get3A_5277 = arith.constant 19 : i32
      %get3A_5278 = arith.index_cast %get3A_5276 : i32 to index
      %get3A_5279 = arith.index_cast %get3A_5277 : i32 to index
      %get3A_5280 = arith.constant 96 : index
      %get3A_5281 = tpu.vector_load %arg6[%get3A_5278, %get3A_5279, %get3A_5280] {strides = array<i32>} : memref<4x20x128xf32, #tpu.memory_space<vmem>>, vector<1x1x16xf32>,
      %get3A_5282 = vector.shape_cast %get3A_5281 : vector<1x1x16xf32> to vector<16xf32>
      %add3A_5283 = arith.addf %get3A_5149, %get3A_5156 : vector<16xf32>
      %add3A_5284 = arith.addf %get3A_5163, %get3A_5170 : vector<16xf32>
      %add3A_5285 = arith.addf %get3A_5177, %get3A_5184 : vector<16xf32>
      %add3A_5286 = arith.addf %get3A_5191, %get3A_5198 : vector<16xf32>
      %add3A_5287 = arith.addf %get3A_5205, %get3A_5212 : vector<16xf32>
      %add3A_5288 = arith.addf %get3A_5219, %get3A_5226 : vector<16xf32>
      %add3A_5289 = arith.addf %get3A_5233, %get3A_5240 : vector<16xf32>
      %add3A_5290 = arith.addf %get3A_5247, %get3A_5254 : vector<16xf32>
      %add3A_5291 = arith.addf %get3A_5261, %get3A_5268 : vector<16xf32>
      %add3A_5292 = arith.addf %get3A_5275, %get3A_5282 : vector<16xf32>
      %add3A_5293 = arith.addf %add3A_5283, %add3A_5284 : vector<16xf32>
      %add3A_5294 = arith.addf %add3A_5285, %add3A_5286 : vector<16xf32>
      %add3A_5295 = arith.addf %add3A_5287, %add3A_5288 : vector<16xf32>
      %add3A_5296 = arith.addf %add3A_5289, %add3A_5290 : vector<16xf32>
      %add3A_5297 = arith.addf %add3A_5291, %add3A_5292 : vector<16xf32>
      %add3A_5298 = arith.addf %add3A_5293, %add3A_5294 : vector<16xf32>
      %add3A_5299 = arith.addf %add3A_5295, %add3A_5296 : vector<16xf32>
      %add3A_5300 = arith.addf %add3A_5298, %add3A_5299 : vector<16xf32>
      %add3A_5301 = arith.addf %add3A_5300, %add3A_5297 : vector<16xf32>
      %swap3A_5302 = arith.index_cast %add3A_4138 : i32 to index
      %swap3A_5303 = arith.constant 96 : index
      %swap3A_5304 = tpu.vector_load %arg7[%swap3A_5302, %swap3A_5303] {strides = array<i32>} : memref<256x128xf32, #tpu.memory_space<vmem>>, vector<1x16xf32>,
      %swap3A_5305 = vector.shape_cast %swap3A_5304 : vector<1x16xf32> to vector<16xf32>
      %swap3A_5306 = vector.shape_cast %add3A_5301 : vector<16xf32> to vector<1x16xf32>
      tpu.vector_store %arg7[%swap3A_5302, %swap3A_5303], %swap3A_5306 {strides = array<i32>} : memref<256x128xf32, #tpu.memory_space<vmem>>, vector<1x16xf32>,
      %get3A_5307 = arith.constant 3 : i32
      %get3A_5308 = arith.constant 0 : i32
      %get3A_5309 = arith.index_cast %get3A_5307 : i32 to index
      %get3A_5310 = arith.index_cast %get3A_5308 : i32 to index
      %get3A_5311 = arith.constant 112 : index
      %get3A_5312 = tpu.vector_load %arg6[%get3A_5309, %get3A_5310, %get3A_5311] {strides = array<i32>} : memref<4x20x128xf32, #tpu.memory_space<vmem>>, vector<1x1x16xf32>,
      %get3A_5313 = vector.shape_cast %get3A_5312 : vector<1x1x16xf32> to vector<16xf32>
      %get3A_5314 = arith.constant 3 : i32
      %get3A_5315 = arith.constant 1 : i32
      %get3A_5316 = arith.index_cast %get3A_5314 : i32 to index
      %get3A_5317 = arith.index_cast %get3A_5315 : i32 to index
      %get3A_5318 = arith.constant 112 : index
      %get3A_5319 = tpu.vector_load %arg6[%get3A_5316, %get3A_5317, %get3A_5318] {strides = array<i32>} : memref<4x20x128xf32, #tpu.memory_space<vmem>>, vector<1x1x16xf32>,
      %get3A_5320 = vector.shape_cast %get3A_5319 : vector<1x1x16xf32> to vector<16xf32>
      %get3A_5321 = arith.constant 3 : i32
      %get3A_5322 = arith.constant 2 : i32
      %get3A_5323 = arith.index_cast %get3A_5321 : i32 to index
      %get3A_5324 = arith.index_cast %get3A_5322 : i32 to index
      %get3A_5325 = arith.constant 112 : index
      %get3A_5326 = tpu.vector_load %arg6[%get3A_5323, %get3A_5324, %get3A_5325] {strides = array<i32>} : memref<4x20x128xf32, #tpu.memory_space<vmem>>, vector<1x1x16xf32>,
      %get3A_5327 = vector.shape_cast %get3A_5326 : vector<1x1x16xf32> to vector<16xf32>
      %get3A_5328 = arith.constant 3 : i32
      %get3A_5329 = arith.constant 3 : i32
      %get3A_5330 = arith.index_cast %get3A_5328 : i32 to index
      %get3A_5331 = arith.index_cast %get3A_5329 : i32 to index
      %get3A_5332 = arith.constant 112 : index
      %get3A_5333 = tpu.vector_load %arg6[%get3A_5330, %get3A_5331, %get3A_5332] {strides = array<i32>} : memref<4x20x128xf32, #tpu.memory_space<vmem>>, vector<1x1x16xf32>,
      %get3A_5334 = vector.shape_cast %get3A_5333 : vector<1x1x16xf32> to vector<16xf32>
      %get3A_5335 = arith.constant 3 : i32
      %get3A_5336 = arith.constant 4 : i32
      %get3A_5337 = arith.index_cast %get3A_5335 : i32 to index
      %get3A_5338 = arith.index_cast %get3A_5336 : i32 to index
      %get3A_5339 = arith.constant 112 : index
      %get3A_5340 = tpu.vector_load %arg6[%get3A_5337, %get3A_5338, %get3A_5339] {strides = array<i32>} : memref<4x20x128xf32, #tpu.memory_space<vmem>>, vector<1x1x16xf32>,
      %get3A_5341 = vector.shape_cast %get3A_5340 : vector<1x1x16xf32> to vector<16xf32>
      %get3A_5342 = arith.constant 3 : i32
      %get3A_5343 = arith.constant 5 : i32
      %get3A_5344 = arith.index_cast %get3A_5342 : i32 to index
      %get3A_5345 = arith.index_cast %get3A_5343 : i32 to index
      %get3A_5346 = arith.constant 112 : index
      %get3A_5347 = tpu.vector_load %arg6[%get3A_5344, %get3A_5345, %get3A_5346] {strides = array<i32>} : memref<4x20x128xf32, #tpu.memory_space<vmem>>, vector<1x1x16xf32>,
      %get3A_5348 = vector.shape_cast %get3A_5347 : vector<1x1x16xf32> to vector<16xf32>
      %get3A_5349 = arith.constant 3 : i32
      %get3A_5350 = arith.constant 6 : i32
      %get3A_5351 = arith.index_cast %get3A_5349 : i32 to index
      %get3A_5352 = arith.index_cast %get3A_5350 : i32 to index
      %get3A_5353 = arith.constant 112 : index
      %get3A_5354 = tpu.vector_load %arg6[%get3A_5351, %get3A_5352, %get3A_5353] {strides = array<i32>} : memref<4x20x128xf32, #tpu.memory_space<vmem>>, vector<1x1x16xf32>,
      %get3A_5355 = vector.shape_cast %get3A_5354 : vector<1x1x16xf32> to vector<16xf32>
      %get3A_5356 = arith.constant 3 : i32
      %get3A_5357 = arith.constant 7 : i32
      %get3A_5358 = arith.index_cast %get3A_5356 : i32 to index
      %get3A_5359 = arith.index_cast %get3A_5357 : i32 to index
      %get3A_5360 = arith.constant 112 : index
      %get3A_5361 = tpu.vector_load %arg6[%get3A_5358, %get3A_5359, %get3A_5360] {strides = array<i32>} : memref<4x20x128xf32, #tpu.memory_space<vmem>>, vector<1x1x16xf32>,
      %get3A_5362 = vector.shape_cast %get3A_5361 : vector<1x1x16xf32> to vector<16xf32>
      %get3A_5363 = arith.constant 3 : i32
      %get3A_5364 = arith.constant 8 : i32
      %get3A_5365 = arith.index_cast %get3A_5363 : i32 to index
      %get3A_5366 = arith.index_cast %get3A_5364 : i32 to index
      %get3A_5367 = arith.constant 112 : index
      %get3A_5368 = tpu.vector_load %arg6[%get3A_5365, %get3A_5366, %get3A_5367] {strides = array<i32>} : memref<4x20x128xf32, #tpu.memory_space<vmem>>, vector<1x1x16xf32>,
      %get3A_5369 = vector.shape_cast %get3A_5368 : vector<1x1x16xf32> to vector<16xf32>
      %get3A_5370 = arith.constant 3 : i32
      %get3A_5371 = arith.constant 9 : i32
      %get3A_5372 = arith.index_cast %get3A_5370 : i32 to index
      %get3A_5373 = arith.index_cast %get3A_5371 : i32 to index
      %get3A_5374 = arith.constant 112 : index
      %get3A_5375 = tpu.vector_load %arg6[%get3A_5372, %get3A_5373, %get3A_5374] {strides = array<i32>} : memref<4x20x128xf32, #tpu.memory_space<vmem>>, vector<1x1x16xf32>,
      %get3A_5376 = vector.shape_cast %get3A_5375 : vector<1x1x16xf32> to vector<16xf32>
      %get3A_5377 = arith.constant 3 : i32
      %get3A_5378 = arith.constant 10 : i32
      %get3A_5379 = arith.index_cast %get3A_5377 : i32 to index
      %get3A_5380 = arith.index_cast %get3A_5378 : i32 to index
      %get3A_5381 = arith.constant 112 : index
      %get3A_5382 = tpu.vector_load %arg6[%get3A_5379, %get3A_5380, %get3A_5381] {strides = array<i32>} : memref<4x20x128xf32, #tpu.memory_space<vmem>>, vector<1x1x16xf32>,
      %get3A_5383 = vector.shape_cast %get3A_5382 : vector<1x1x16xf32> to vector<16xf32>
      %get3A_5384 = arith.constant 3 : i32
      %get3A_5385 = arith.constant 11 : i32
      %get3A_5386 = arith.index_cast %get3A_5384 : i32 to index
      %get3A_5387 = arith.index_cast %get3A_5385 : i32 to index
      %get3A_5388 = arith.constant 112 : index
      %get3A_5389 = tpu.vector_load %arg6[%get3A_5386, %get3A_5387, %get3A_5388] {strides = array<i32>} : memref<4x20x128xf32, #tpu.memory_space<vmem>>, vector<1x1x16xf32>,
      %get3A_5390 = vector.shape_cast %get3A_5389 : vector<1x1x16xf32> to vector<16xf32>
      %get3A_5391 = arith.constant 3 : i32
      %get3A_5392 = arith.constant 12 : i32
      %get3A_5393 = arith.index_cast %get3A_5391 : i32 to index
      %get3A_5394 = arith.index_cast %get3A_5392 : i32 to index
      %get3A_5395 = arith.constant 112 : index
      %get3A_5396 = tpu.vector_load %arg6[%get3A_5393, %get3A_5394, %get3A_5395] {strides = array<i32>} : memref<4x20x128xf32, #tpu.memory_space<vmem>>, vector<1x1x16xf32>,
      %get3A_5397 = vector.shape_cast %get3A_5396 : vector<1x1x16xf32> to vector<16xf32>
      %get3A_5398 = arith.constant 3 : i32
      %get3A_5399 = arith.constant 13 : i32
      %get3A_5400 = arith.index_cast %get3A_5398 : i32 to index
      %get3A_5401 = arith.index_cast %get3A_5399 : i32 to index
      %get3A_5402 = arith.constant 112 : index
      %get3A_5403 = tpu.vector_load %arg6[%get3A_5400, %get3A_5401, %get3A_5402] {strides = array<i32>} : memref<4x20x128xf32, #tpu.memory_space<vmem>>, vector<1x1x16xf32>,
      %get3A_5404 = vector.shape_cast %get3A_5403 : vector<1x1x16xf32> to vector<16xf32>
      %get3A_5405 = arith.constant 3 : i32
      %get3A_5406 = arith.constant 14 : i32
      %get3A_5407 = arith.index_cast %get3A_5405 : i32 to index
      %get3A_5408 = arith.index_cast %get3A_5406 : i32 to index
      %get3A_5409 = arith.constant 112 : index
      %get3A_5410 = tpu.vector_load %arg6[%get3A_5407, %get3A_5408, %get3A_5409] {strides = array<i32>} : memref<4x20x128xf32, #tpu.memory_space<vmem>>, vector<1x1x16xf32>,
      %get3A_5411 = vector.shape_cast %get3A_5410 : vector<1x1x16xf32> to vector<16xf32>
      %get3A_5412 = arith.constant 3 : i32
      %get3A_5413 = arith.constant 15 : i32
      %get3A_5414 = arith.index_cast %get3A_5412 : i32 to index
      %get3A_5415 = arith.index_cast %get3A_5413 : i32 to index
      %get3A_5416 = arith.constant 112 : index
      %get3A_5417 = tpu.vector_load %arg6[%get3A_5414, %get3A_5415, %get3A_5416] {strides = array<i32>} : memref<4x20x128xf32, #tpu.memory_space<vmem>>, vector<1x1x16xf32>,
      %get3A_5418 = vector.shape_cast %get3A_5417 : vector<1x1x16xf32> to vector<16xf32>
      %get3A_5419 = arith.constant 3 : i32
      %get3A_5420 = arith.constant 16 : i32
      %get3A_5421 = arith.index_cast %get3A_5419 : i32 to index
      %get3A_5422 = arith.index_cast %get3A_5420 : i32 to index
      %get3A_5423 = arith.constant 112 : index
      %get3A_5424 = tpu.vector_load %arg6[%get3A_5421, %get3A_5422, %get3A_5423] {strides = array<i32>} : memref<4x20x128xf32, #tpu.memory_space<vmem>>, vector<1x1x16xf32>,
      %get3A_5425 = vector.shape_cast %get3A_5424 : vector<1x1x16xf32> to vector<16xf32>
      %get3A_5426 = arith.constant 3 : i32
      %get3A_5427 = arith.constant 17 : i32
      %get3A_5428 = arith.index_cast %get3A_5426 : i32 to index
      %get3A_5429 = arith.index_cast %get3A_5427 : i32 to index
      %get3A_5430 = arith.constant 112 : index
      %get3A_5431 = tpu.vector_load %arg6[%get3A_5428, %get3A_5429, %get3A_5430] {strides = array<i32>} : memref<4x20x128xf32, #tpu.memory_space<vmem>>, vector<1x1x16xf32>,
      %get3A_5432 = vector.shape_cast %get3A_5431 : vector<1x1x16xf32> to vector<16xf32>
      %get3A_5433 = arith.constant 3 : i32
      %get3A_5434 = arith.constant 18 : i32
      %get3A_5435 = arith.index_cast %get3A_5433 : i32 to index
      %get3A_5436 = arith.index_cast %get3A_5434 : i32 to index
      %get3A_5437 = arith.constant 112 : index
      %get3A_5438 = tpu.vector_load %arg6[%get3A_5435, %get3A_5436, %get3A_5437] {strides = array<i32>} : memref<4x20x128xf32, #tpu.memory_space<vmem>>, vector<1x1x16xf32>,
      %get3A_5439 = vector.shape_cast %get3A_5438 : vector<1x1x16xf32> to vector<16xf32>
      %get3A_5440 = arith.constant 3 : i32
      %get3A_5441 = arith.constant 19 : i32
      %get3A_5442 = arith.index_cast %get3A_5440 : i32 to index
      %get3A_5443 = arith.index_cast %get3A_5441 : i32 to index
      %get3A_5444 = arith.constant 112 : index
      %get3A_5445 = tpu.vector_load %arg6[%get3A_5442, %get3A_5443, %get3A_5444] {strides = array<i32>} : memref<4x20x128xf32, #tpu.memory_space<vmem>>, vector<1x1x16xf32>,
      %get3A_5446 = vector.shape_cast %get3A_5445 : vector<1x1x16xf32> to vector<16xf32>
      %add3A_5447 = arith.addf %get3A_5313, %get3A_5320 : vector<16xf32>
      %add3A_5448 = arith.addf %get3A_5327, %get3A_5334 : vector<16xf32>
      %add3A_5449 = arith.addf %get3A_5341, %get3A_5348 : vector<16xf32>
      %add3A_5450 = arith.addf %get3A_5355, %get3A_5362 : vector<16xf32>
      %add3A_5451 = arith.addf %get3A_5369, %get3A_5376 : vector<16xf32>
      %add3A_5452 = arith.addf %get3A_5383, %get3A_5390 : vector<16xf32>
      %add3A_5453 = arith.addf %get3A_5397, %get3A_5404 : vector<16xf32>
      %add3A_5454 = arith.addf %get3A_5411, %get3A_5418 : vector<16xf32>
      %add3A_5455 = arith.addf %get3A_5425, %get3A_5432 : vector<16xf32>
      %add3A_5456 = arith.addf %get3A_5439, %get3A_5446 : vector<16xf32>
      %add3A_5457 = arith.addf %add3A_5447, %add3A_5448 : vector<16xf32>
      %add3A_5458 = arith.addf %add3A_5449, %add3A_5450 : vector<16xf32>
      %add3A_5459 = arith.addf %add3A_5451, %add3A_5452 : vector<16xf32>
      %add3A_5460 = arith.addf %add3A_5453, %add3A_5454 : vector<16xf32>
      %add3A_5461 = arith.addf %add3A_5455, %add3A_5456 : vector<16xf32>
      %add3A_5462 = arith.addf %add3A_5457, %add3A_5458 : vector<16xf32>
      %add3A_5463 = arith.addf %add3A_5459, %add3A_5460 : vector<16xf32>
      %add3A_5464 = arith.addf %add3A_5462, %add3A_5463 : vector<16xf32>
      %add3A_5465 = arith.addf %add3A_5464, %add3A_5461 : vector<16xf32>
      %swap3A_5466 = arith.index_cast %add3A_4138 : i32 to index
      %swap3A_5467 = arith.constant 112 : index
      %swap3A_5468 = tpu.vector_load %arg7[%swap3A_5466, %swap3A_5467] {strides = array<i32>} : memref<256x128xf32, #tpu.memory_space<vmem>>, vector<1x16xf32>,
      %swap3A_5469 = vector.shape_cast %swap3A_5468 : vector<1x16xf32> to vector<16xf32>
      %swap3A_5470 = vector.shape_cast %add3A_5465 : vector<16xf32> to vector<1x16xf32>
      tpu.vector_store %arg7[%swap3A_5466, %swap3A_5467], %swap3A_5470 {strides = array<i32>} : memref<256x128xf32, #tpu.memory_space<vmem>>, vector<1x16xf32>,
      %jit3A_5471 = arith.constant 16 : i32
      %eq3A_5472 = arith.constant 0 : i32
      %eq3A_5473 = arith.cmpi eq, %jit3A_5471, %eq3A_5472 : i32
      %jit3A_5474 = arith.constant 1 : i32
      %select_n3A_5475 = arith.select %eq3A_5473, %jit3A_5474, %jit3A_5471 : i32
      %rem3A_5476 = arith.remsi %scan3A_129, %select_n3A_5475 : i32
      %ne3A_5477 = arith.constant 0 : i32
      %ne3A_5478 = arith.cmpi ne, %rem3A_5476, %ne3A_5477 : i32
      %lt3A_5479 = arith.constant 0 : i32
      %lt3A_5480 = arith.cmpi slt, %rem3A_5476, %lt3A_5479 : i32
      %lt3A_5481 = arith.constant 0 : i32
      %lt3A_5482 = arith.cmpi slt, %select_n3A_5475, %lt3A_5481 : i32
      %ne3A_5483 = arith.xori %lt3A_5480, %lt3A_5482 : i1
      %and3A_5484 = arith.andi %ne3A_5483, %ne3A_5478 : i1
      %add3A_5485 = arith.addi %rem3A_5476, %select_n3A_5475 : i32
      %select_n3A_5486 = arith.select %and3A_5484, %add3A_5485, %rem3A_5476 : i32
      %eq3A_5487 = arith.constant 15 : i32
      %eq3A_5488 = arith.cmpi eq, %select_n3A_5486, %eq3A_5487 : i32
      %convert_element_type3A_5489 = arith.extui %eq3A_5488 : i1 to i32
      %cond3A_5490 = arith.constant 0 : i32
      %cond3A_5491 = arith.cmpi ne, %convert_element_type3A_5489, %cond3A_5490 : i32
      scf.if %cond3A_5491 {
        %jit3A_5493 = arith.constant 16 : i32
        %div3A_5494 = arith.divsi %scan3A_129, %jit3A_5493 : i32
        %sign3A_5495 = arith.constant 0 : i32
        %sign3A_5496 = arith.cmpi sgt, %scan3A_129, %sign3A_5495 : i32
        %sign3A_5497 = arith.extui %sign3A_5496 : i1 to i32
        %sign3A_5498 = arith.constant 0 : i32
        %sign3A_5499 = arith.cmpi slt, %scan3A_129, %sign3A_5498 : i32
        %sign3A_5500 = arith.extui %sign3A_5499 : i1 to i32
        %sign3A_5501 = arith.subi %sign3A_5497, %sign3A_5500 : i32
        %sign3A_5502 = arith.constant 0 : i32
        %sign3A_5503 = arith.cmpi sgt, %jit3A_5493, %sign3A_5502 : i32
        %sign3A_5504 = arith.extui %sign3A_5503 : i1 to i32
        %sign3A_5505 = arith.constant 0 : i32
        %sign3A_5506 = arith.cmpi slt, %jit3A_5493, %sign3A_5505 : i32
        %sign3A_5507 = arith.extui %sign3A_5506 : i1 to i32
        %sign3A_5508 = arith.subi %sign3A_5504, %sign3A_5507 : i32
        %ne3A_5509 = arith.cmpi ne, %sign3A_5501, %sign3A_5508 : i32
        %rem3A_5510 = arith.remsi %scan3A_129, %jit3A_5493 : i32
        %ne3A_5511 = arith.constant 0 : i32
        %ne3A_5512 = arith.cmpi ne, %rem3A_5510, %ne3A_5511 : i32
        %and3A_5513 = arith.andi %ne3A_5509, %ne3A_5512 : i1
        %sub3A_5514 = arith.constant 1 : i32
        %sub3A_5515 = arith.subi %div3A_5494, %sub3A_5514 : i32
        %select_n3A_5516 = arith.select %and3A_5513, %sub3A_5515, %div3A_5494 : i32
        %mul3A_5517 = arith.constant 64 : i32
        %mul3A_5518 = arith.muli %select_n3A_5516, %mul3A_5517 : i32
        %mul3A_5519 = arith.constant 256 : i32
        %mul3A_5520 = arith.muli %add3A, %mul3A_5519 : i32
        %mul3A_5521 = arith.constant 64 : i32
        %mul3A_5522 = arith.muli %select_n3A_5516, %mul3A_5521 : i32
        %add3A_5523 = arith.addi %mul3A_5520, %mul3A_5522 : i32
        %dma_start3A_5524 = arith.constant 0 : i32
        %dma_start3A_5525 = tpu.memref_slice %arg7[%mul3A_5518, %dma_start3A_5524] : memref<256x128xf32, #tpu.memory_space<vmem>> -> memref<64x128xf32, #tpu.memory_space<vmem>>
        %dma_start3A_5526 = arith.constant 0 : i32
        %dma_start3A_5527 = tpu.memref_slice %arg4[%add3A_5523, %dma_start3A_5526] : memref<8192x128xf32, #tpu.memory_space<hbm>> -> memref<64x128xf32, #tpu.memory_space<hbm>>
        %dma_start3A_5528 = arith.constant 0 : i32
        %dma_start3A_5529 = tpu.memref_slice %arg4[%add3A_5523, %dma_start3A_5528] : memref<8192x128xf32, #tpu.memory_space<hbm>> -> memref<64x128xf32, #tpu.memory_space<hbm>>
        %dma_start3A_5530 = arith.constant 0 : i32
        %dma_start3A_5531 = tpu.memref_slice %arg7[%mul3A_5518, %dma_start3A_5530] : memref<256x128xf32, #tpu.memory_space<vmem>> -> memref<64x128xf32, #tpu.memory_space<vmem>>
        tpu.enqueue_dma source(%dma_start3A_5531 : memref<64x128xf32, #tpu.memory_space<vmem>>) target(%dma_start3A_5529 : memref<64x128xf32, #tpu.memory_space<hbm>>) target_semaphore(%arg8 : memref<!tpu.dma_semaphore, #tpu.memory_space<semaphore_mem>>)
      } else {
      }
      %scan3A_5492 = arith.constant 0 : i32
      scf.yield %scan3A_5492 : i32
    }
    %scan3A_73 = arith.constant 64 : i32
    %mul3A_74 = arith.constant 256 : i32
    %mul3A_75 = arith.muli %add3A, %mul3A_74 : i32
    %add3A_76 = arith.constant 0 : i32
    %add3A_77 = arith.addi %mul3A_75, %add3A_76 : i32
    %dma_wait3A = arith.constant 0 : i32
    %dma_wait3A_78 = arith.constant 0 : i32
    %dma_wait3A_79 = tpu.memref_slice %arg7[%dma_wait3A, %dma_wait3A_78] : memref<256x128xf32, #tpu.memory_space<vmem>> -> memref<64x128xf32, #tpu.memory_space<vmem>>
    %dma_wait3A_80 = arith.constant 0 : i32
    %dma_wait3A_81 = tpu.memref_slice %arg4[%add3A_77, %dma_wait3A_80] : memref<8192x128xf32, #tpu.memory_space<hbm>> -> memref<64x128xf32, #tpu.memory_space<hbm>>
    %dma_wait3A_82 = arith.constant 0 : i32
    %dma_wait3A_83 = tpu.memref_slice %arg4[%add3A_77, %dma_wait3A_82] : memref<8192x128xf32, #tpu.memory_space<hbm>> -> memref<64x128xf32, #tpu.memory_space<hbm>>
    %dma_wait3A_84 = arith.constant 0 : i32
    %dma_wait3A_85 = arith.constant 0 : i32
    %dma_wait3A_86 = tpu.memref_slice %arg7[%dma_wait3A_84, %dma_wait3A_85] : memref<256x128xf32, #tpu.memory_space<vmem>> -> memref<64x128xf32, #tpu.memory_space<vmem>>
    tpu.wait_dma2 semaphore(%arg8 : memref<!tpu.dma_semaphore, #tpu.memory_space<semaphore_mem>>) src(%dma_wait3A_86 : memref<64x128xf32, #tpu.memory_space<vmem>>) dst(%dma_wait3A_83 : memref<64x128xf32, #tpu.memory_space<hbm>>)
    %mul3A_87 = arith.constant 256 : i32
    %mul3A_88 = arith.muli %add3A, %mul3A_87 : i32
    %add3A_89 = arith.constant 64 : i32
    %add3A_90 = arith.addi %mul3A_88, %add3A_89 : i32
    %dma_wait3A_91 = arith.constant 64 : i32
    %dma_wait3A_92 = arith.constant 0 : i32
    %dma_wait3A_93 = tpu.memref_slice %arg7[%dma_wait3A_91, %dma_wait3A_92] : memref<256x128xf32, #tpu.memory_space<vmem>> -> memref<64x128xf32, #tpu.memory_space<vmem>>
    %dma_wait3A_94 = arith.constant 0 : i32
    %dma_wait3A_95 = tpu.memref_slice %arg4[%add3A_90, %dma_wait3A_94] : memref<8192x128xf32, #tpu.memory_space<hbm>> -> memref<64x128xf32, #tpu.memory_space<hbm>>
    %dma_wait3A_96 = arith.constant 0 : i32
    %dma_wait3A_97 = tpu.memref_slice %arg4[%add3A_90, %dma_wait3A_96] : memref<8192x128xf32, #tpu.memory_space<hbm>> -> memref<64x128xf32, #tpu.memory_space<hbm>>
    %dma_wait3A_98 = arith.constant 64 : i32
    %dma_wait3A_99 = arith.constant 0 : i32
    %dma_wait3A_100 = tpu.memref_slice %arg7[%dma_wait3A_98, %dma_wait3A_99] : memref<256x128xf32, #tpu.memory_space<vmem>> -> memref<64x128xf32, #tpu.memory_space<vmem>>
    tpu.wait_dma2 semaphore(%arg8 : memref<!tpu.dma_semaphore, #tpu.memory_space<semaphore_mem>>) src(%dma_wait3A_100 : memref<64x128xf32, #tpu.memory_space<vmem>>) dst(%dma_wait3A_97 : memref<64x128xf32, #tpu.memory_space<hbm>>)
    %mul3A_101 = arith.constant 256 : i32
    %mul3A_102 = arith.muli %add3A, %mul3A_101 : i32
    %add3A_103 = arith.constant 128 : i32
    %add3A_104 = arith.addi %mul3A_102, %add3A_103 : i32
    %dma_wait3A_105 = arith.constant 128 : i32
    %dma_wait3A_106 = arith.constant 0 : i32
    %dma_wait3A_107 = tpu.memref_slice %arg7[%dma_wait3A_105, %dma_wait3A_106] : memref<256x128xf32, #tpu.memory_space<vmem>> -> memref<64x128xf32, #tpu.memory_space<vmem>>
    %dma_wait3A_108 = arith.constant 0 : i32
    %dma_wait3A_109 = tpu.memref_slice %arg4[%add3A_104, %dma_wait3A_108] : memref<8192x128xf32, #tpu.memory_space<hbm>> -> memref<64x128xf32, #tpu.memory_space<hbm>>
    %dma_wait3A_110 = arith.constant 0 : i32
    %dma_wait3A_111 = tpu.memref_slice %arg4[%add3A_104, %dma_wait3A_110] : memref<8192x128xf32, #tpu.memory_space<hbm>> -> memref<64x128xf32, #tpu.memory_space<hbm>>
    %dma_wait3A_112 = arith.constant 128 : i32
    %dma_wait3A_113 = arith.constant 0 : i32
    %dma_wait3A_114 = tpu.memref_slice %arg7[%dma_wait3A_112, %dma_wait3A_113] : memref<256x128xf32, #tpu.memory_space<vmem>> -> memref<64x128xf32, #tpu.memory_space<vmem>>
    tpu.wait_dma2 semaphore(%arg8 : memref<!tpu.dma_semaphore, #tpu.memory_space<semaphore_mem>>) src(%dma_wait3A_114 : memref<64x128xf32, #tpu.memory_space<vmem>>) dst(%dma_wait3A_111 : memref<64x128xf32, #tpu.memory_space<hbm>>)
    %mul3A_115 = arith.constant 256 : i32
    %mul3A_116 = arith.muli %add3A, %mul3A_115 : i32
    %add3A_117 = arith.constant 192 : i32
    %add3A_118 = arith.addi %mul3A_116, %add3A_117 : i32
    %dma_wait3A_119 = arith.constant 192 : i32
    %dma_wait3A_120 = arith.constant 0 : i32
    %dma_wait3A_121 = tpu.memref_slice %arg7[%dma_wait3A_119, %dma_wait3A_120] : memref<256x128xf32, #tpu.memory_space<vmem>> -> memref<64x128xf32, #tpu.memory_space<vmem>>
    %dma_wait3A_122 = arith.constant 0 : i32
    %dma_wait3A_123 = tpu.memref_slice %arg4[%add3A_118, %dma_wait3A_122] : memref<8192x128xf32, #tpu.memory_space<hbm>> -> memref<64x128xf32, #tpu.memory_space<hbm>>
    %dma_wait3A_124 = arith.constant 0 : i32
    %dma_wait3A_125 = tpu.memref_slice %arg4[%add3A_118, %dma_wait3A_124] : memref<8192x128xf32, #tpu.memory_space<hbm>> -> memref<64x128xf32, #tpu.memory_space<hbm>>
    %dma_wait3A_126 = arith.constant 192 : i32
    %dma_wait3A_127 = arith.constant 0 : i32
    %dma_wait3A_128 = tpu.memref_slice %arg7[%dma_wait3A_126, %dma_wait3A_127] : memref<256x128xf32, #tpu.memory_space<vmem>> -> memref<64x128xf32, #tpu.memory_space<vmem>>
    tpu.wait_dma2 semaphore(%arg8 : memref<!tpu.dma_semaphore, #tpu.memory_space<semaphore_mem>>) src(%dma_wait3A_128 : memref<64x128xf32, #tpu.memory_space<vmem>>) dst(%dma_wait3A_125 : memref<64x128xf32, #tpu.memory_space<hbm>>)
    return
  }
}

</mosaic_0001>

<sc_bundles>
// kernel: kernel.3.cloned.1.call-start
scs
__scs_entry_jumppad:
0x0: {  	(pc) =	sbr.rel $0x88, $3  }
0x1: {  	(tag) =	ssettag $0x0;
	lr =	simm.s32 $0x1  }
0x2: {  	[smem:$0x3F9F] =	sst lr;
	_ =	strace $0xD0000000  }
0x3: {  	_ = 	snop  }
0x4: {  	_ = 	snop  }
0x5: {  	_ = 	snop  }
0x6: {  	_ = 	snop  }
0x7: {  	_ = 	snop  }
__scs_overlays_trampoline_lowered:
0x8: {  	[smem:$0x3FAE] =	sst s0  }
0x9: {  	[smem:$0x3FAF] =	sst s1  }
0xa: {  	[smem:$0x3FB0] =	sst s2  }
0xb: {  	[smem:$0x3FB1] =	sst s3  }
0xc: {  	[smem:$0x3FB2] =	sst s4  }
0xd: {  	[smem:$0x3FB3] =	sst s5  }
0xe: {  	[smem:$0x3FB4] =	sst s6  }
0xf: {  	[smem:$0x3FB5] =	sst s7  }
0x10: {  	[smem:$0x3FB6] =	sst s8  }
0x11: {  	[smem:$0x3FB7] =	sst s9;
	s0 =	simm.s32 @!p0 $0x0  }
0x12: {  	s1 =	sld [smem:$0x3F9D];
	s0 =	simm.s32 @p0 $0x1  }
0x13: {  	[smem:$0x3FB8] =	sst s0;
	s0 =	simm.s32 @!p1 $0x0  }
0x14: {  	s2 =	sld [smem:$0x3F9C];
	s0 =	simm.s32 @p1 $0x1  }
0x15: {  	[smem:$0x3FB9] =	sst s0;
	s0 =	simm.s32 @!p2 $0x0  }
0x16: {  	s3 =	sld [smem:$0x3FDB];
	s0 =	simm.s32 @p2 $0x1  }
0x17: {  	s4 =	simm.s32 $0x1BF5;
	[smem:$0x3FBB] =	sst s0  }
0x18: {  	s0 =	sld [smem:$0x3F9E];
	_ =	swait.ge [sflag:s4], $0x0  }
0x19: {  	s7 =	sld [smem:$0x3F9F]  }
0x1a: {  	s8 =	sadd.s32 $0xFFFFE003, lr  }
0x1b: {  	s9 =	sadd.s32 $0xFFFFFEF7, lr;
	s5 =	simm.s32 $0xFFFFFFFF;
	p2 =	slt.u32 s8, $0xFFFFF086  }
0x1c: {  	p1 =	slt.u32 s9, $0xF7A;
	s5 =	simm.s32 @!p2 $0x0  }
0x1d: {  	s5 =	simm.s32 @p1 $0x1;
	p0 =	seq.s32 s7, s2  }
0x1e: {  	s7 =	smul.u32 @!p0 $0xF7A, s2;
	p2 =	seq.s32 @!p0 s5, $0x0  }
0x1f: {  	s9 =	smul.u32 $0xF7A, s1;
	s8 =	simm.s32 @!p0 $0x1BF5;
	p2 =	por !p2, p0  }
0x20: {  	[sflag:s8] =	ssyncset.s32 @!p0 $0xFFFFF086;
	s6 =	sadd.s32 @!p0 s3, s7;
	s7 =	simm.s32 @!p0 $0x108  }
0x21: {  	s3 =	sadd.s32 s3, s9;
	s6 =	sadd.s32 @!p0 $0x88, s6;
	s7 =	simm.s32 @p2 $0x1082  }
0x22: {  	[simem:s7], [sflag:s8] =	dma.local @!p0 [hbm:s6], $0xF7A  }
0x23: {  	s9 =	sor.u32 $0xD0000000, s2;
	s6 =	simm.s32 $0x108;
	_ =	swait.ge @!p0 [sflag:s8], $0x0  }
0x24: {  	s3 =	sadd.s32 $0x88, s3;
	s6 =	simm.s32 @!p1 $0x1082;
	[sflag:s4] =	ssyncset.s32 $0xFFFFF086  }
0x25: {  	[simem:s6], [sflag:s4] =	dma.local [hbm:s3], $0xF7A  }
0x26: {  	[smem:$0x3F9F] =	sst s1;
	(tag) =	ssettag s2;
	_ =	strace s9  }
0x27: {  	s1 =	sld [smem:$0x3FAF]  }
0x28: {  	s2 =	sld [smem:$0x3FB0]  }
0x29: {  	s4 =	sld [smem:$0x3FB2]  }
0x2a: {  	p0 =	seq.s32 s5, $0x0;
	s5 =	sld [smem:$0x3FB3]  }
0x2b: {  	s6 =	sld [smem:$0x3FB4]  }
0x2c: {  	s7 =	sld [smem:$0x3FB5]  }
0x2d: {  	s3 =	simm.s32 $0x108;
	s8 =	sld [smem:$0x3FB6]  }
0x2e: {  	s3 =	simm.s32 @!p0 $0x1082;
	s9 =	sld [smem:$0x3FB7]  }
0x2f: {  	lr =	sadd.s32 s0, s3;
	s0 =	sld [smem:$0x3FAE]  }
0x30: {  	s3 =	sld [smem:$0x3FB1]  }
0x31: {  	[smem:$0x3FBA] =	sst s10  }
0x32: {  	s10 =	sld [smem:$0x3FB8];
	_ =	sdelay $0x3  }
0x33: {  	p0 =	seq.s32 s10, $0x1;
	s10 =	sld [smem:$0x3FBA];
	_ =	sdelay $0x3  }
0x34: {  	[smem:$0x3FBA] =	sst s10  }
0x35: {  	s10 =	sld [smem:$0x3FB9];
	_ =	sdelay $0x3  }
0x36: {  	p1 =	seq.s32 s10, $0x1;
	s10 =	sld [smem:$0x3FBA];
	_ =	sdelay $0x3  }
0x37: {  	[smem:$0x3FBA] =	sst s10  }
0x38: {  	s10 =	sld [smem:$0x3FBB]  }
0x39: {  	_ = 	snop;
	(pc) =	sbr.ind lr, $3  }
0x3a: {  	_ = 	snop  }
0x3b: {  	_ = 	snop  }
0x3c: {  	p2 =	seq.s32 s10, $0x1;
	s10 =	sld [smem:$0x3FBA]  }
0x3d: {  	_ =	shalt  }
0x3e: {  	_ =	shalt  }
0x3f: {  	_ =	shalt  }
0x40: {  	_ =	shalt  }
0x41: {  	_ =	shalt  }
0x42: {  	_ =	shalt  }
0x43: {  	_ =	shalt  }
0x44: {  	_ =	shalt  }
0x45: {  	_ =	shalt  }
0x46: {  	_ =	shalt  }
0x47: {  	_ =	shalt  }
0x48: {  	_ =	shalt  }
0x49: {  	_ =	shalt  }
0x4a: {  	_ =	shalt  }
0x4b: {  	_ =	shalt  }
0x4c: {  	_ =	shalt  }
0x4d: {  	_ =	shalt  }
0x4e: {  	_ =	shalt  }
0x4f: {  	_ =	shalt  }
0x50: {  	_ =	shalt  }
0x51: {  	_ =	shalt  }
0x52: {  	_ =	shalt  }
0x53: {  	_ =	shalt  }
0x54: {  	_ =	shalt  }
0x55: {  	_ =	shalt  }
0x56: {  	_ =	shalt  }
0x57: {  	_ =	shalt  }
0x58: {  	_ =	shalt  }
0x59: {  	_ =	shalt  }
0x5a: {  	_ =	shalt  }
0x5b: {  	_ =	shalt  }
0x5c: {  	_ =	shalt  }
0x5d: {  	_ =	shalt  }
0x5e: {  	_ =	shalt  }
0x5f: {  	_ =	shalt  }
0x60: {  	_ =	shalt  }
0x61: {  	_ =	shalt  }
0x62: {  	_ =	shalt  }
0x63: {  	_ =	shalt  }
0x64: {  	_ =	shalt  }
0x65: {  	_ =	shalt  }
0x66: {  	_ =	shalt  }
0x67: {  	_ =	shalt  }
0x68: {  	_ =	shalt  }
0x69: {  	_ =	shalt  }
0x6a: {  	_ =	shalt  }
0x6b: {  	_ =	shalt  }
0x6c: {  	_ =	shalt  }
0x6d: {  	_ =	shalt  }
0x6e: {  	_ =	shalt  }
0x6f: {  	_ =	shalt  }
0x70: {  	_ =	shalt  }
0x71: {  	_ =	shalt  }
0x72: {  	_ =	shalt  }
0x73: {  	_ =	shalt  }
0x74: {  	_ =	shalt  }
0x75: {  	_ =	shalt  }
0x76: {  	_ =	shalt  }
0x77: {  	_ =	shalt  }
0x78: {  	_ =	shalt  }
0x79: {  	_ =	shalt  }
0x7a: {  	_ =	shalt  }
0x7b: {  	_ =	shalt  }
0x7c: {  	_ =	shalt  }
0x7d: {  	_ =	shalt  }
0x7e: {  	_ =	shalt  }
0x7f: {  	_ =	shalt  }
0x80: {  	_ =	shalt  }
0x81: {  	_ =	shalt  }
0x82: {  	_ =	shalt  }
0x83: {  	_ =	shalt  }
0x84: {  	_ =	shalt  }
0x85: {  	_ =	shalt  }
0x86: {  	_ =	shalt  }
0x87: {  	_ =	shalt  }
.Lfunc_end0:
.L_simem_size_0:
called_computation_lowered:
.L_overlay_start_0:
0x88: {  	s2 =	sld [smem:$0x3FD9]  }
0x89: {  	s3 =	sld [smem:$0x3FFE];
	_ =	sdelay $0x1  }
0x8a: {  	s1 =	srdreg.scid  }
0x8b: {  	s0 =	sand.u32 $0x1, s1  }
0x8c: {  	s17 =	sshll.u32 s0, $0xA;
	s2 =	sadd.s32 s3, s2  }
0x8d: {  	s2 =	sadd.s32 s2, s17  }
0x8e: {  	[smem:$0x3FC6] =	sst s2  }
0x8f: {  	_ = 	snop  }
0x90: {  	s2 =	sld [smem:$0x3FC8]  }
0x91: {  	s18 =	sld [smem:$0x3FD0];
	(tm) =	ssettm $0x1  }
0x92: {  	s4 =	sld [smem:$0x3FFB];
	_ =	sdelay $0x3  }
0x93: {  	_ =	strace s4  }
0x94: {  	s4 =	sld [smem:$0x3FFC];
	_ =	sdelay $0x3  }
0x95: {  	_ =	strace s4  }
0x96: {  	s4 =	sld [smem:$0x3FFD];
	_ =	sdelay $0x3  }
0x97: {  	_ =	strace s4  }
0x98: {  	_ =	strace $0x8FFFFFFF  }
0x99: {  	s19 =	sld [smem:$0x3FDB];
	_ =	sdelay $0x1  }
0x9a: {  	s5 =	simm.s32 $_scs_section_size  }
0x9b: {  	s6 =	simm.s32 $_size__tile_overlayer_lowered;
	s7 =	simm.s32 $_tile_overlayer_lowered  }
0x9c: {  	s22 =	simm.s32 $0x1BFF;
	s21 =	sshll.u32 s7, $0x1;
	s4 =	sadd.s32 s5, s19  }
0x9d: {  	s8 =	simm.s32 $0x0;
	s20 =	sshll.u32 s6, $0x1;
	s6 =	sadd.s32 s21, s4  }
0x9e: {  	[timem:s8], [sflag:s22] =	dma.local [hbm:s6], s20  }
0x9f: {  	_ =	swait.ge [sflag:s22], s20  }
0xa0: {  	s5 =	ssub.s32 $0x0, s20;
	[sflag:s22] =	ssyncset.done $0x0  }
0xa1: {  	[sflag:s22] =	ssyncadd.s32 s5;
	_ =	sdelay $0x1  }
0xa2: {  	s23 =	simm.s32 $0x1B8B  }
0xa3: {  	_ =	swait.ge [sflag:s23], $0x1  }
0xa4: {  	[sflag:s23] =	ssyncset.done $0x0  }
0xa5: {  	s25 =	simm.s32 $0x1B8E;
	s24 =	sld [smem:$0x3FFE];
	[sflag:s23] =	ssyncadd.s32 $0xFFFFFFFF  }
0xa6: {  	s26 =	simm.s32 $execute0_lowered;
	[smem:$0x3FD2] =	sst s25  }
0xa7: {  	s6 =	sshll.u32 s26, $0x1;
	_ =	strace $0x80000046;
	[dreg:$0x1] =	wrdreg $0xFFFFFFFF  }
0xa8: {  	s28 =	simm.s32 $_size_execute0_lowered;
	s4 =	sadd.s32 s4, s6;
	[dreg:$0x0] =	wrdreg $0x0  }
0xa9: {  	s6 =	sshll.u32 s28, $0x1;
	[dreg:$0x2] =	wrdreg s4  }
0xaa: {  	[dreg:$0x3] =	wrdreg s6  }
0xab: {  	[dreg:$0x4] =	wrdreg $0xC0  }
0xac: {  	_ =	task [dreg:s8], $0x5FFFF  }
0xad: {  	[dreg:$0x1] =	wrdreg $0xFFFFFFFF  }
0xae: {  	[dreg:$0x0] =	wrdreg $0x60  }
0xaf: {  	[dreg:$0x2] =	wrdreg s24  }
0xb0: {  	[dreg:$0x3] =	wrdreg s2  }
0xb1: {  	[dreg:$0x4] =	wrdreg s18  }
0xb2: {  	[dreg:$0x5] =	wrdreg $0x9  }
0xb3: {  	_ =	task.clear_ibuf [dreg:s8], $0x6FFFF;
	_ =	strace $0x90000046  }
0xb4: {  	s29 =	simm.s32 $0x9;
	_ =	strace $0x80000048  }
0xb5: {  	_ =	swait.ge [sflag:s29], $0x1  }
0xb6: {  	[sflag:s29] =	ssyncadd.s32 $0xFFFFFFFF  }
0xb7: {  	_ =	strace $0x90000048  }
0xb8: {  	_ =	sfence  }
0xb9: {  	s30 =	sld [smem:$0x0];
	_ =	sdelay $0x2  }
0xba: {  	s31 =	sshll.u32 s1, $0xD;
	s1 =	sshrl.u32 s1, $0x2  }
0xbb: {  	s3 =	sand.u32 $0x4000, s31;
	s1 =	sadd.s32 s1, s30  }
0xbc: {  	s0 =	sor.u32 s3, s0;
	s1 =	sshll.u32 s1, $0x11  }
0xbd: {  	s0 =	sor.u32 s1, s0  }
0xbe: {  	s0 =	sadd.s32 $0x8F2B, s0  }
0xbf: {  	[sflag:s0] =	ssyncadd.remote.s32 $0x1  }
0xc0: {  	_ =	sfence.sel $0xFFFF  }
0xc1: {  	[dreg:$0x0] =	wrdreg $0xFFFFFFFF;
	(pc) =	sbr.abs _section_cstart, $3  }
0xc2: {  	[dreg:$0x1] =	wrdreg $0xFFFFFFFF  }
0xc3: {  	_ =	task.clear_ibuf [dreg:s8], $0x2FFFF;
	_ =	strace $0x9FFFFFFF  }
0xc4: {  	(tm) =	ssettm $0x7FFFFFFF  }
0xc5: {  	_ =	shalt  }
tec
execute0_lowered:
.L_overlay_start_1:
0x0: {  	(tag) =	ssettag $0x1  }
0x1: {  	s5 =	rddreg [dreg:$0x0]  }
0x2: {  	s1 =	srdreg.scid;
	s2 =	rddreg [dreg:$0x1]  }
0x3: {  	s0 =	stileid.u32;
	s3 =	simm.s32 $0x1;
	s7 =	rddreg [dreg:$0x2]  }
0x4: {  	s10 =	simm.s32 $0x8000;
	s11 =	simm.s32 $0x80;
	s12 =	simm.s32 $0x8C00  }
0x5: {  	s13 =	simm.s32 $0x100;
	s4 =	sand.u32 $0x1, s1;
	s29 =	sshll.u32 s0, $0x1  }
0x6: {  	s14 =	simm.s32 $0x9800;
	s15 =	simm.s32 $0xA400;
	s6 =	sor.u32 s4, s29  }
0x7: {  	s16 =	simm.s32 $0x2;
	p1 =	seq.s32 s4, $0x1;
	p0 =	seq.s32 s6, $0x0  }
0x8: {  	s17 =	simm.s32 $0x3;
	s18 =	simm.s32 $0x4;
	p0 =	por !p0, !p1  }
0x9: {  	s19 =	simm.s32 $0x5;
	s20 =	simm.s32 $0x0;
	p0 =	por !p0, !p0  }
0xa: {  	s1 =	rddreg [dreg:$0x3];
	s9 =	sshll.u32 s4, $0xF;
	s3 =	simm.s32 @!p0 $0x0  }
0xb: {  	s30 =	ssub.s32 $0x2, s4;
	s4 =	simm.s32 $0x1;
	s8 =	ssub.s32 s0, s3  }
0xc: {  	s31 =	sshrl.u32 s30, $0x1;
	s3 =	simm.s32 $0x0;
	s8 =	sshll.u32 s8, $0x10  }
0xd: {  	s6 =	sshll.u32 s6, $0xC;
	[smem:$0x7FF] =	sst s3;
	s8 =	sor.u32 s9, s8  }
0xe: {  	s6 =	sadd.s32 s7, s6;
	_ =	strace $0x80000047;
	s8 =	sshrl.u32 s8, $0x3  }
0xf: {  	s9 =	simm.s32 $0x14;
	s5 =	sadd.s32 s8, s5;
	s8 =	ssub.s32 s30, s31  }
0x10: {  	s5 =	sadd.s32 $0x400, s5;
	s7 =	smax.u32 s8, $0x1;
	s8 =	simm.s32 $0x6  }
.LBB2_1:
0x11: {  	[tilespmem:s3], [sflag:$0x6] =	stream.linear.gather [hbm4b:s5+s3], $0x8000, $0x38;
	[tilespmem:$0x13000] =	vst v63  }
0x12: {  	_ =	swait.ge [sflag:s8], $0x8000  }
0x13: {  	[sflag:s8] =	ssyncset.done $0x0  }
0x14: {  	[sflag:s8] =	ssyncadd.s32 $0xFFFF8000  }
0x15: {  	[tilespmem:s10], [sflag:$0x2] =	stream.indirect.gather [hbm4b:s2+s9], $0x80, s3, s9, $0xb8;
	[tilespmem:$0x13000] =	vst v63  }
0x16: {  	_ = 	snop  }
0x17: {  	[tilespmem:s12], [sflag:$0x3] =	stream.indirect.gather [hbm4b:s2+s9], $0x80, s11, s9, $0xb8;
	[tilespmem:$0x13000] =	vst v63  }
0x18: {  	s21 =	simm.s32 $0x0;
	s22 =	simm.s32 $0x0  }
0x19: {  	[tilespmem:s14], [sflag:$0x4] =	stream.indirect.gather [hbm4b:s2+s9], $0x80, s13, s9, $0xb8;
	[tilespmem:$0x13000] =	vst v63  }
.LBB2_2:
0x1a: {  	s23 =	sshra.s32 s21, $0x2  }
0x1b: {  	s24 =	sadd.s32 $0x180, s23  }
0x1c: {  	[tilespmem:s15], [sflag:$0x5] =	stream.indirect.gather [hbm4b:s2+s9], $0x80, s24, s9, $0xb8;
	[tilespmem:$0x13000] =	vst v63  }
0x1d: {  	_ =	swait.ge [sflag:s16], $0xA00  }
0x1e: {  	[sflag:s16] =	ssyncset.done $0x0  }
0x1f: {  	[sflag:s16] =	ssyncadd.s32 $0xFFFFF600  }
0x20: {  	v0 =	vld [tilespmem:$0x8000]  }
0x21: {  	v1 =	vld [tilespmem:$0x8080]  }
0x22: {  	v2 =	vld [tilespmem:$0x8100]  }
0x23: {  	v3 =	vld [tilespmem:$0x8180]  }
0x24: {  	v4 =	vld [tilespmem:$0x8200]  }
0x25: {  	v5 =	vld [tilespmem:$0x8280]  }
0x26: {  	v6 =	vld [tilespmem:$0x8300]  }
0x27: {  	v7 =	vld [tilespmem:$0x8380]  }
0x28: {  	v8 =	vld [tilespmem:$0x8400]  }
0x29: {  	v9 =	vld [tilespmem:$0x8480]  }
0x2a: {  	v10 =	vld [tilespmem:$0x8500]  }
0x2b: {  	v11 =	vld [tilespmem:$0x8580]  }
0x2c: {  	v12 =	vld [tilespmem:$0x8600]  }
0x2d: {  	v13 =	vld [tilespmem:$0x8680]  }
0x2e: {  	v14 =	vld [tilespmem:$0x8700]  }
0x2f: {  	v15 =	vld [tilespmem:$0x8780]  }
0x30: {  	v16 =	vld [tilespmem:$0x8800]  }
0x31: {  	v17 =	vld [tilespmem:$0x8880]  }
0x32: {  	v18 =	vld [tilespmem:$0x8900];
	v0 =	vadd.f32 v1, v0;
	v19 =	vadd.f32 v3, v2  }
0x33: {  	v20 =	vld [tilespmem:$0x8980];
	v21 =	vadd.f32 v5, v4;
	v22 =	vadd.f32 v7, v6  }
0x34: {  	v23 =	vadd.f32 v9, v8;
	v24 =	vadd.f32 v11, v10  }
0x35: {  	v25 =	vadd.f32 v13, v12;
	v26 =	vadd.f32 v15, v14  }
0x36: {  	v0 =	vadd.f32 v19, v0;
	v27 =	vadd.f32 v22, v21  }
0x37: {  	v28 =	vadd.f32 v24, v23;
	v29 =	vadd.f32 v26, v25  }
0x38: {  	v30 =	vadd.f32 v17, v16;
	v2 =	vadd.f32 v20, v18  }
0x39: {  	v0 =	vadd.f32 v27, v0;
	v31 =	vadd.f32 v29, v28;
	_ =	sdelay $0x1  }
0x3a: {  	v2 =	vadd.f32 v2, v30;
	v0 =	vadd.f32 v31, v0;
	_ =	sdelay $0x1  }
0x3b: {  	v0 =	vadd.f32 v2, v0;
	_ =	sdelay $0x1  }
0x3c: {  	[tilespmem:s23+$0xB000] =	vst v0  }
0x3d: {  	v0 =	vld [tilespmem:$0x8010]  }
0x3e: {  	v32 =	vld [tilespmem:$0x8090]  }
0x3f: {  	v33 =	vld [tilespmem:$0x8110]  }
0x40: {  	v34 =	vld [tilespmem:$0x8190]  }
0x41: {  	v35 =	vld [tilespmem:$0x8210]  }
0x42: {  	v36 =	vld [tilespmem:$0x8290]  }
0x43: {  	v37 =	vld [tilespmem:$0x8310]  }
0x44: {  	v38 =	vld [tilespmem:$0x8390]  }
0x45: {  	v39 =	vld [tilespmem:$0x8410]  }
0x46: {  	v40 =	vld [tilespmem:$0x8490]  }
0x47: {  	v41 =	vld [tilespmem:$0x8510]  }
0x48: {  	v42 =	vld [tilespmem:$0x8590]  }
0x49: {  	v43 =	vld [tilespmem:$0x8610]  }
0x4a: {  	v44 =	vld [tilespmem:$0x8690]  }
0x4b: {  	v45 =	vld [tilespmem:$0x8710]  }
0x4c: {  	v46 =	vld [tilespmem:$0x8790]  }
0x4d: {  	v47 =	vld [tilespmem:$0x8810]  }
0x4e: {  	v48 =	vld [tilespmem:$0x8890]  }
0x4f: {  	v49 =	vld [tilespmem:$0x8910];
	v0 =	vadd.f32 v32, v0;
	v50 =	vadd.f32 v34, v33  }
0x50: {  	v51 =	vld [tilespmem:$0x8990];
	v52 =	vadd.f32 v36, v35;
	v53 =	vadd.f32 v38, v37  }
0x51: {  	v54 =	vadd.f32 v40, v39;
	v55 =	vadd.f32 v42, v41  }
0x52: {  	v56 =	vadd.f32 v44, v43;
	v57 =	vadd.f32 v46, v45  }
0x53: {  	v0 =	vadd.f32 v50, v0;
	v58 =	vadd.f32 v53, v52  }
0x54: {  	v59 =	vadd.f32 v55, v54;
	v60 =	vadd.f32 v57, v56  }
0x55: {  	v61 =	vadd.f32 v48, v47;
	v2 =	vadd.f32 v51, v49  }
0x56: {  	v0 =	vadd.f32 v58, v0;
	v62 =	vadd.f32 v60, v59;
	_ =	sdelay $0x1  }
0x57: {  	v2 =	vadd.f32 v2, v61;
	v0 =	vadd.f32 v62, v0;
	_ =	sdelay $0x1  }
0x58: {  	v0 =	vadd.f32 v2, v0;
	_ =	sdelay $0x1  }
0x59: {  	[tilespmem:s23+$0xB010] =	vst v0  }
0x5a: {  	v0 =	vld [tilespmem:$0x8020]  }
0x5b: {  	v63 =	vld [tilespmem:$0x80A0]  }
0x5c: {  	v21 =	vld [tilespmem:$0x8120]  }
0x5d: {  	v22 =	vld [tilespmem:$0x81A0]  }
0x5e: {  	v23 =	vld [tilespmem:$0x8220]  }
0x5f: {  	v24 =	vld [tilespmem:$0x82A0]  }
0x60: {  	v25 =	vld [tilespmem:$0x8320]  }
0x61: {  	v26 =	vld [tilespmem:$0x83A0]  }
0x62: {  	v27 =	vld [tilespmem:$0x8420]  }
0x63: {  	v28 =	vld [tilespmem:$0x84A0]  }
0x64: {  	v29 =	vld [tilespmem:$0x8520]  }
0x65: {  	v30 =	vld [tilespmem:$0x85A0]  }
0x66: {  	v31 =	vld [tilespmem:$0x8620]  }
0x67: {  	v32 =	vld [tilespmem:$0x86A0]  }
0x68: {  	v33 =	vld [tilespmem:$0x8720]  }
0x69: {  	v34 =	vld [tilespmem:$0x87A0]  }
0x6a: {  	v35 =	vld [tilespmem:$0x8820]  }
0x6b: {  	v36 =	vld [tilespmem:$0x88A0]  }
0x6c: {  	v37 =	vld [tilespmem:$0x8920];
	v0 =	vadd.f32 v63, v0;
	v38 =	vadd.f32 v22, v21  }
0x6d: {  	v39 =	vld [tilespmem:$0x89A0];
	v40 =	vadd.f32 v24, v23;
	v41 =	vadd.f32 v26, v25  }
0x6e: {  	v42 =	vadd.f32 v28, v27;
	v43 =	vadd.f32 v30, v29  }
0x6f: {  	v44 =	vadd.f32 v32, v31;
	v45 =	vadd.f32 v34, v33  }
0x70: {  	v0 =	vadd.f32 v38, v0;
	v46 =	vadd.f32 v41, v40  }
0x71: {  	v47 =	vadd.f32 v43, v42;
	v48 =	vadd.f32 v45, v44  }
0x72: {  	v49 =	vadd.f32 v36, v35;
	v2 =	vadd.f32 v39, v37  }
0x73: {  	v0 =	vadd.f32 v46, v0;
	v50 =	vadd.f32 v48, v47;
	_ =	sdelay $0x1  }
0x74: {  	v2 =	vadd.f32 v2, v49;
	v0 =	vadd.f32 v50, v0;
	_ =	sdelay $0x1  }
0x75: {  	v0 =	vadd.f32 v2, v0;
	_ =	sdelay $0x1  }
0x76: {  	[tilespmem:s23+$0xB020] =	vst v0  }
0x77: {  	v0 =	vld [tilespmem:$0x8030]  }
0x78: {  	v51 =	vld [tilespmem:$0x80B0]  }
0x79: {  	v52 =	vld [tilespmem:$0x8130]  }
0x7a: {  	v53 =	vld [tilespmem:$0x81B0]  }
0x7b: {  	v54 =	vld [tilespmem:$0x8230]  }
0x7c: {  	v55 =	vld [tilespmem:$0x82B0]  }
0x7d: {  	v56 =	vld [tilespmem:$0x8330]  }
0x7e: {  	v57 =	vld [tilespmem:$0x83B0]  }
0x7f: {  	v58 =	vld [tilespmem:$0x8430]  }
0x80: {  	v59 =	vld [tilespmem:$0x84B0]  }
0x81: {  	v60 =	vld [tilespmem:$0x8530]  }
0x82: {  	v61 =	vld [tilespmem:$0x85B0]  }
0x83: {  	v62 =	vld [tilespmem:$0x8630]  }
0x84: {  	v63 =	vld [tilespmem:$0x86B0]  }
0x85: {  	v21 =	vld [tilespmem:$0x8730]  }
0x86: {  	v22 =	vld [tilespmem:$0x87B0]  }
0x87: {  	v23 =	vld [tilespmem:$0x8830]  }
0x88: {  	v24 =	vld [tilespmem:$0x88B0]  }
0x89: {  	v25 =	vld [tilespmem:$0x8930];
	v0 =	vadd.f32 v51, v0;
	v26 =	vadd.f32 v53, v52  }
0x8a: {  	v27 =	vld [tilespmem:$0x89B0];
	v28 =	vadd.f32 v55, v54;
	v29 =	vadd.f32 v57, v56  }
0x8b: {  	v30 =	vadd.f32 v59, v58;
	v31 =	vadd.f32 v61, v60  }
0x8c: {  	v32 =	vadd.f32 v63, v62;
	v33 =	vadd.f32 v22, v21  }
0x8d: {  	v0 =	vadd.f32 v26, v0;
	v34 =	vadd.f32 v29, v28  }
0x8e: {  	v35 =	vadd.f32 v31, v30;
	v36 =	vadd.f32 v33, v32  }
0x8f: {  	v37 =	vadd.f32 v24, v23;
	v2 =	vadd.f32 v27, v25  }
0x90: {  	v0 =	vadd.f32 v34, v0;
	v38 =	vadd.f32 v36, v35;
	_ =	sdelay $0x1  }
0x91: {  	v2 =	vadd.f32 v2, v37;
	v0 =	vadd.f32 v38, v0;
	_ =	sdelay $0x1  }
0x92: {  	v0 =	vadd.f32 v2, v0;
	_ =	sdelay $0x1  }
0x93: {  	[tilespmem:s23+$0xB030] =	vst v0  }
0x94: {  	v0 =	vld [tilespmem:$0x8040]  }
0x95: {  	v39 =	vld [tilespmem:$0x80C0]  }
0x96: {  	v40 =	vld [tilespmem:$0x8140]  }
0x97: {  	v41 =	vld [tilespmem:$0x81C0]  }
0x98: {  	v42 =	vld [tilespmem:$0x8240]  }
0x99: {  	v43 =	vld [tilespmem:$0x82C0]  }
0x9a: {  	v44 =	vld [tilespmem:$0x8340]  }
0x9b: {  	v45 =	vld [tilespmem:$0x83C0]  }
0x9c: {  	v46 =	vld [tilespmem:$0x8440]  }
0x9d: {  	v47 =	vld [tilespmem:$0x84C0]  }
0x9e: {  	v48 =	vld [tilespmem:$0x8540]  }
0x9f: {  	v49 =	vld [tilespmem:$0x85C0]  }
0xa0: {  	v50 =	vld [tilespmem:$0x8640]  }
0xa1: {  	v51 =	vld [tilespmem:$0x86C0]  }
0xa2: {  	v52 =	vld [tilespmem:$0x8740]  }
0xa3: {  	v53 =	vld [tilespmem:$0x87C0]  }
0xa4: {  	v54 =	vld [tilespmem:$0x8840]  }
0xa5: {  	v55 =	vld [tilespmem:$0x88C0]  }
0xa6: {  	v56 =	vld [tilespmem:$0x8940];
	v0 =	vadd.f32 v39, v0;
	v57 =	vadd.f32 v41, v40  }
0xa7: {  	v58 =	vld [tilespmem:$0x89C0];
	v59 =	vadd.f32 v43, v42;
	v60 =	vadd.f32 v45, v44  }
0xa8: {  	v61 =	vadd.f32 v47, v46;
	v62 =	vadd.f32 v49, v48  }
0xa9: {  	v63 =	vadd.f32 v51, v50;
	v12 =	vadd.f32 v53, v52  }
0xaa: {  	v0 =	vadd.f32 v57, v0;
	v13 =	vadd.f32 v60, v59  }
0xab: {  	v14 =	vadd.f32 v62, v61;
	v15 =	vadd.f32 v12, v63  }
0xac: {  	v19 =	vadd.f32 v55, v54;
	v2 =	vadd.f32 v58, v56  }
0xad: {  	v0 =	vadd.f32 v13, v0;
	v20 =	vadd.f32 v15, v14;
	_ =	sdelay $0x1  }
0xae: {  	v2 =	vadd.f32 v2, v19;
	v0 =	vadd.f32 v20, v0;
	_ =	sdelay $0x1  }
0xaf: {  	v0 =	vadd.f32 v2, v0;
	_ =	sdelay $0x1  }
0xb0: {  	[tilespmem:s23+$0xB040] =	vst v0  }
0xb1: {  	v0 =	vld [tilespmem:$0x8050]  }
0xb2: {  	v21 =	vld [tilespmem:$0x80D0]  }
0xb3: {  	v22 =	vld [tilespmem:$0x8150]  }
0xb4: {  	v23 =	vld [tilespmem:$0x81D0]  }
0xb5: {  	v24 =	vld [tilespmem:$0x8250]  }
0xb6: {  	v25 =	vld [tilespmem:$0x82D0]  }
0xb7: {  	v26 =	vld [tilespmem:$0x8350]  }
0xb8: {  	v27 =	vld [tilespmem:$0x83D0]  }
0xb9: {  	v28 =	vld [tilespmem:$0x8450]  }
0xba: {  	v29 =	vld [tilespmem:$0x84D0]  }
0xbb: {  	v30 =	vld [tilespmem:$0x8550]  }
0xbc: {  	v31 =	vld [tilespmem:$0x85D0]  }
0xbd: {  	v32 =	vld [tilespmem:$0x8650]  }
0xbe: {  	v33 =	vld [tilespmem:$0x86D0]  }
0xbf: {  	v34 =	vld [tilespmem:$0x8750]  }
0xc0: {  	v35 =	vld [tilespmem:$0x87D0]  }
0xc1: {  	v36 =	vld [tilespmem:$0x8850]  }
0xc2: {  	v37 =	vld [tilespmem:$0x88D0]  }
0xc3: {  	v38 =	vld [tilespmem:$0x8950];
	v0 =	vadd.f32 v21, v0;
	v39 =	vadd.f32 v23, v22  }
0xc4: {  	v40 =	vld [tilespmem:$0x89D0];
	v41 =	vadd.f32 v25, v24;
	v42 =	vadd.f32 v27, v26  }
0xc5: {  	v43 =	vadd.f32 v29, v28;
	v44 =	vadd.f32 v31, v30  }
0xc6: {  	v45 =	vadd.f32 v33, v32;
	v46 =	vadd.f32 v35, v34  }
0xc7: {  	v0 =	vadd.f32 v39, v0;
	v47 =	vadd.f32 v42, v41  }
0xc8: {  	v48 =	vadd.f32 v44, v43;
	v49 =	vadd.f32 v46, v45  }
0xc9: {  	v50 =	vadd.f32 v37, v36;
	v2 =	vadd.f32 v40, v38  }
0xca: {  	v0 =	vadd.f32 v47, v0;
	v51 =	vadd.f32 v49, v48;
	_ =	sdelay $0x1  }
0xcb: {  	v2 =	vadd.f32 v2, v50;
	v0 =	vadd.f32 v51, v0;
	_ =	sdelay $0x1  }
0xcc: {  	v0 =	vadd.f32 v2, v0;
	_ =	sdelay $0x1  }
0xcd: {  	[tilespmem:s23+$0xB050] =	vst v0  }
0xce: {  	v0 =	vld [tilespmem:$0x8060]  }
0xcf: {  	v52 =	vld [tilespmem:$0x80E0]  }
0xd0: {  	v53 =	vld [tilespmem:$0x8160]  }
0xd1: {  	v54 =	vld [tilespmem:$0x81E0]  }
0xd2: {  	v55 =	vld [tilespmem:$0x8260]  }
0xd3: {  	v56 =	vld [tilespmem:$0x82E0]  }
0xd4: {  	v57 =	vld [tilespmem:$0x8360]  }
0xd5: {  	v58 =	vld [tilespmem:$0x83E0]  }
0xd6: {  	v59 =	vld [tilespmem:$0x8460]  }
0xd7: {  	v60 =	vld [tilespmem:$0x84E0]  }
0xd8: {  	v61 =	vld [tilespmem:$0x8560]  }
0xd9: {  	v62 =	vld [tilespmem:$0x85E0]  }
0xda: {  	v63 =	vld [tilespmem:$0x8660]  }
0xdb: {  	v21 =	vld [tilespmem:$0x86E0]  }
0xdc: {  	v22 =	vld [tilespmem:$0x8760]  }
0xdd: {  	v23 =	vld [tilespmem:$0x87E0]  }
0xde: {  	v24 =	vld [tilespmem:$0x8860]  }
0xdf: {  	v25 =	vld [tilespmem:$0x88E0]  }
0xe0: {  	v26 =	vld [tilespmem:$0x8960];
	v0 =	vadd.f32 v52, v0;
	v27 =	vadd.f32 v54, v53  }
0xe1: {  	v28 =	vld [tilespmem:$0x89E0];
	v29 =	vadd.f32 v56, v55;
	v30 =	vadd.f32 v58, v57  }
0xe2: {  	v31 =	vadd.f32 v60, v59;
	v32 =	vadd.f32 v62, v61  }
0xe3: {  	v33 =	vadd.f32 v21, v63;
	v34 =	vadd.f32 v23, v22  }
0xe4: {  	v0 =	vadd.f32 v27, v0;
	v35 =	vadd.f32 v30, v29  }
0xe5: {  	v36 =	vadd.f32 v32, v31;
	v37 =	vadd.f32 v34, v33  }
0xe6: {  	v38 =	vadd.f32 v25, v24;
	v2 =	vadd.f32 v28, v26  }
0xe7: {  	v0 =	vadd.f32 v35, v0;
	v39 =	vadd.f32 v37, v36;
	_ =	sdelay $0x1  }
0xe8: {  	v2 =	vadd.f32 v2, v38;
	v0 =	vadd.f32 v39, v0;
	_ =	sdelay $0x1  }
0xe9: {  	v0 =	vadd.f32 v2, v0;
	_ =	sdelay $0x1  }
0xea: {  	[tilespmem:s23+$0xB060] =	vst v0  }
0xeb: {  	v0 =	vld [tilespmem:$0x8070]  }
0xec: {  	v40 =	vld [tilespmem:$0x80F0]  }
0xed: {  	v41 =	vld [tilespmem:$0x8170]  }
0xee: {  	v42 =	vld [tilespmem:$0x81F0]  }
0xef: {  	v43 =	vld [tilespmem:$0x8270]  }
0xf0: {  	v44 =	vld [tilespmem:$0x82F0]  }
0xf1: {  	v45 =	vld [tilespmem:$0x8370]  }
0xf2: {  	v46 =	vld [tilespmem:$0x83F0]  }
0xf3: {  	v47 =	vld [tilespmem:$0x8470]  }
0xf4: {  	v48 =	vld [tilespmem:$0x84F0]  }
0xf5: {  	v49 =	vld [tilespmem:$0x8570]  }
0xf6: {  	v50 =	vld [tilespmem:$0x85F0]  }
0xf7: {  	v51 =	vld [tilespmem:$0x8670]  }
0xf8: {  	v52 =	vld [tilespmem:$0x86F0]  }
0xf9: {  	v53 =	vld [tilespmem:$0x8770]  }
0xfa: {  	v54 =	vld [tilespmem:$0x87F0]  }
0xfb: {  	v55 =	vld [tilespmem:$0x8870]  }
0xfc: {  	v56 =	vld [tilespmem:$0x88F0]  }
0xfd: {  	v57 =	vld [tilespmem:$0x8970];
	v0 =	vadd.f32 v40, v0;
	v58 =	vadd.f32 v42, v41  }
0xfe: {  	v59 =	vld [tilespmem:$0x89F0];
	v60 =	vadd.f32 v44, v43;
	v61 =	vadd.f32 v46, v45  }
0xff: {  	v62 =	vadd.f32 v48, v47;
	v63 =	vadd.f32 v50, v49  }
0x100: {  	v19 =	vadd.f32 v52, v51;
	v20 =	vadd.f32 v54, v53  }
0x101: {  	v0 =	vadd.f32 v58, v0;
	v21 =	vadd.f32 v61, v60  }
0x102: {  	v22 =	vadd.f32 v63, v62;
	v23 =	vadd.f32 v20, v19  }
0x103: {  	v24 =	vadd.f32 v56, v55;
	v2 =	vadd.f32 v59, v57  }
0x104: {  	v0 =	vadd.f32 v21, v0;
	v25 =	vadd.f32 v23, v22;
	_ =	sdelay $0x1  }
0x105: {  	v2 =	vadd.f32 v2, v24;
	v0 =	vadd.f32 v25, v0;
	_ =	sdelay $0x1  }
0x106: {  	p0 =	seq.s32 s21, $0x1F800;
	v0 =	vadd.f32 v2, v0  }
0x107: {  	s24 =	sshra.s32 @!p0 s21, $0x2  }
0x108: {  	s25 =	simm.s32 @!p0 $0x14;
	s28 =	simm.s32 @!p0 $0x8000;
	s26 =	sadd.s32 @!p0 $0x200, s24;
	[tilespmem:s23+$0xB070] =	vst v0  }
0x109: {  	[tilespmem:s28], [sflag:$0x2] =	stream.indirect.gather @!p0 [hbm4b:s2+s25], $0x80, s26, s25, $0xb8;
	[tilespmem:$0x13000] =	vst v63  }
0x10a: {  	_ =	swait.ge [sflag:s17], $0xA00  }
0x10b: {  	[sflag:s17] =	ssyncset.done $0x0  }
0x10c: {  	[sflag:s17] =	ssyncadd.s32 $0xFFFFF600  }
0x10d: {  	v26 =	vld [tilespmem:$0x8C00]  }
0x10e: {  	v27 =	vld [tilespmem:$0x8C80]  }
0x10f: {  	v28 =	vld [tilespmem:$0x8D00]  }
0x110: {  	v29 =	vld [tilespmem:$0x8D80]  }
0x111: {  	v30 =	vld [tilespmem:$0x8E00]  }
0x112: {  	v31 =	vld [tilespmem:$0x8E80]  }
0x113: {  	v32 =	vld [tilespmem:$0x8F00]  }
0x114: {  	v33 =	vld [tilespmem:$0x8F80]  }
0x115: {  	v34 =	vld [tilespmem:$0x9000]  }
0x116: {  	v35 =	vld [tilespmem:$0x9080]  }
0x117: {  	v36 =	vld [tilespmem:$0x9100]  }
0x118: {  	v37 =	vld [tilespmem:$0x9180]  }
0x119: {  	v38 =	vld [tilespmem:$0x9200]  }
0x11a: {  	v39 =	vld [tilespmem:$0x9280]  }
0x11b: {  	v40 =	vld [tilespmem:$0x9300]  }
0x11c: {  	v41 =	vld [tilespmem:$0x9380]  }
0x11d: {  	v42 =	vld [tilespmem:$0x9400]  }
0x11e: {  	v43 =	vld [tilespmem:$0x9480]  }
0x11f: {  	v44 =	vld [tilespmem:$0x9500];
	v0 =	vadd.f32 v27, v26;
	v45 =	vadd.f32 v29, v28  }
0x120: {  	v46 =	vld [tilespmem:$0x9580];
	v47 =	vadd.f32 v31, v30;
	v48 =	vadd.f32 v33, v32  }
0x121: {  	v49 =	vadd.f32 v35, v34;
	v50 =	vadd.f32 v37, v36  }
0x122: {  	v51 =	vadd.f32 v39, v38;
	v52 =	vadd.f32 v41, v40  }
0x123: {  	v0 =	vadd.f32 v45, v0;
	v53 =	vadd.f32 v48, v47  }
0x124: {  	v54 =	vadd.f32 v50, v49;
	v55 =	vadd.f32 v52, v51  }
0x125: {  	v56 =	vadd.f32 v43, v42;
	v2 =	vadd.f32 v46, v44  }
0x126: {  	v0 =	vadd.f32 v53, v0;
	v57 =	vadd.f32 v55, v54;
	_ =	sdelay $0x1  }
0x127: {  	v2 =	vadd.f32 v2, v56;
	v0 =	vadd.f32 v57, v0;
	_ =	sdelay $0x1  }
0x128: {  	v0 =	vadd.f32 v2, v0;
	_ =	sdelay $0x1  }
0x129: {  	[tilespmem:s23+$0xB080] =	vst v0  }
0x12a: {  	v0 =	vld [tilespmem:$0x8C10]  }
0x12b: {  	v58 =	vld [tilespmem:$0x8C90]  }
0x12c: {  	v59 =	vld [tilespmem:$0x8D10]  }
0x12d: {  	v60 =	vld [tilespmem:$0x8D90]  }
0x12e: {  	v61 =	vld [tilespmem:$0x8E10]  }
0x12f: {  	v62 =	vld [tilespmem:$0x8E90]  }
0x130: {  	v63 =	vld [tilespmem:$0x8F10]  }
0x131: {  	v21 =	vld [tilespmem:$0x8F90]  }
0x132: {  	v22 =	vld [tilespmem:$0x9010]  }
0x133: {  	v23 =	vld [tilespmem:$0x9090]  }
0x134: {  	v24 =	vld [tilespmem:$0x9110]  }
0x135: {  	v25 =	vld [tilespmem:$0x9190]  }
0x136: {  	v26 =	vld [tilespmem:$0x9210]  }
0x137: {  	v27 =	vld [tilespmem:$0x9290]  }
0x138: {  	v28 =	vld [tilespmem:$0x9310]  }
0x139: {  	v29 =	vld [tilespmem:$0x9390]  }
0x13a: {  	v30 =	vld [tilespmem:$0x9410]  }
0x13b: {  	v31 =	vld [tilespmem:$0x9490]  }
0x13c: {  	v32 =	vld [tilespmem:$0x9510];
	v0 =	vadd.f32 v58, v0;
	v33 =	vadd.f32 v60, v59  }
0x13d: {  	v34 =	vld [tilespmem:$0x9590];
	v35 =	vadd.f32 v62, v61;
	v36 =	vadd.f32 v21, v63  }
0x13e: {  	v37 =	vadd.f32 v23, v22;
	v38 =	vadd.f32 v25, v24  }
0x13f: {  	v39 =	vadd.f32 v27, v26;
	v40 =	vadd.f32 v29, v28  }
0x140: {  	v0 =	vadd.f32 v33, v0;
	v41 =	vadd.f32 v36, v35  }
0x141: {  	v42 =	vadd.f32 v38, v37;
	v43 =	vadd.f32 v40, v39  }
0x142: {  	v44 =	vadd.f32 v31, v30;
	v2 =	vadd.f32 v34, v32  }
0x143: {  	v0 =	vadd.f32 v41, v0;
	v45 =	vadd.f32 v43, v42;
	_ =	sdelay $0x1  }
0x144: {  	v2 =	vadd.f32 v2, v44;
	v0 =	vadd.f32 v45, v0;
	_ =	sdelay $0x1  }
0x145: {  	v0 =	vadd.f32 v2, v0;
	_ =	sdelay $0x1  }
0x146: {  	[tilespmem:s23+$0xB090] =	vst v0  }
0x147: {  	v0 =	vld [tilespmem:$0x8C20]  }
0x148: {  	v46 =	vld [tilespmem:$0x8CA0]  }
0x149: {  	v47 =	vld [tilespmem:$0x8D20]  }
0x14a: {  	v48 =	vld [tilespmem:$0x8DA0]  }
0x14b: {  	v49 =	vld [tilespmem:$0x8E20]  }
0x14c: {  	v50 =	vld [tilespmem:$0x8EA0]  }
0x14d: {  	v51 =	vld [tilespmem:$0x8F20]  }
0x14e: {  	v52 =	vld [tilespmem:$0x8FA0]  }
0x14f: {  	v53 =	vld [tilespmem:$0x9020]  }
0x150: {  	v54 =	vld [tilespmem:$0x90A0]  }
0x151: {  	v55 =	vld [tilespmem:$0x9120]  }
0x152: {  	v56 =	vld [tilespmem:$0x91A0]  }
0x153: {  	v57 =	vld [tilespmem:$0x9220]  }
0x154: {  	v58 =	vld [tilespmem:$0x92A0]  }
0x155: {  	v59 =	vld [tilespmem:$0x9320]  }
0x156: {  	v60 =	vld [tilespmem:$0x93A0]  }
0x157: {  	v61 =	vld [tilespmem:$0x9420]  }
0x158: {  	v62 =	vld [tilespmem:$0x94A0]  }
0x159: {  	v63 =	vld [tilespmem:$0x9520];
	v0 =	vadd.f32 v46, v0;
	v19 =	vadd.f32 v48, v47  }
0x15a: {  	v20 =	vld [tilespmem:$0x95A0];
	v21 =	vadd.f32 v50, v49;
	v22 =	vadd.f32 v52, v51  }
0x15b: {  	v23 =	vadd.f32 v54, v53;
	v24 =	vadd.f32 v56, v55  }
0x15c: {  	v25 =	vadd.f32 v58, v57;
	v26 =	vadd.f32 v60, v59  }
0x15d: {  	v0 =	vadd.f32 v19, v0;
	v27 =	vadd.f32 v22, v21  }
0x15e: {  	v28 =	vadd.f32 v24, v23;
	v29 =	vadd.f32 v26, v25  }
0x15f: {  	v30 =	vadd.f32 v62, v61;
	v2 =	vadd.f32 v20, v63  }
0x160: {  	v0 =	vadd.f32 v27, v0;
	v31 =	vadd.f32 v29, v28;
	_ =	sdelay $0x1  }
0x161: {  	v2 =	vadd.f32 v2, v30;
	v0 =	vadd.f32 v31, v0;
	_ =	sdelay $0x1  }
0x162: {  	v0 =	vadd.f32 v2, v0;
	_ =	sdelay $0x1  }
0x163: {  	[tilespmem:s23+$0xB0A0] =	vst v0  }
0x164: {  	v0 =	vld [tilespmem:$0x8C30]  }
0x165: {  	v32 =	vld [tilespmem:$0x8CB0]  }
0x166: {  	v33 =	vld [tilespmem:$0x8D30]  }
0x167: {  	v34 =	vld [tilespmem:$0x8DB0]  }
0x168: {  	v35 =	vld [tilespmem:$0x8E30]  }
0x169: {  	v36 =	vld [tilespmem:$0x8EB0]  }
0x16a: {  	v37 =	vld [tilespmem:$0x8F30]  }
0x16b: {  	v38 =	vld [tilespmem:$0x8FB0]  }
0x16c: {  	v39 =	vld [tilespmem:$0x9030]  }
0x16d: {  	v40 =	vld [tilespmem:$0x90B0]  }
0x16e: {  	v41 =	vld [tilespmem:$0x9130]  }
0x16f: {  	v42 =	vld [tilespmem:$0x91B0]  }
0x170: {  	v43 =	vld [tilespmem:$0x9230]  }
0x171: {  	v44 =	vld [tilespmem:$0x92B0]  }
0x172: {  	v45 =	vld [tilespmem:$0x9330]  }
0x173: {  	v46 =	vld [tilespmem:$0x93B0]  }
0x174: {  	v47 =	vld [tilespmem:$0x9430]  }
0x175: {  	v48 =	vld [tilespmem:$0x94B0]  }
0x176: {  	v49 =	vld [tilespmem:$0x9530];
	v0 =	vadd.f32 v32, v0;
	v50 =	vadd.f32 v34, v33  }
0x177: {  	v51 =	vld [tilespmem:$0x95B0];
	v52 =	vadd.f32 v36, v35;
	v53 =	vadd.f32 v38, v37  }
0x178: {  	v54 =	vadd.f32 v40, v39;
	v55 =	vadd.f32 v42, v41  }
0x179: {  	v56 =	vadd.f32 v44, v43;
	v57 =	vadd.f32 v46, v45  }
0x17a: {  	v0 =	vadd.f32 v50, v0;
	v58 =	vadd.f32 v53, v52  }
0x17b: {  	v59 =	vadd.f32 v55, v54;
	v60 =	vadd.f32 v57, v56  }
0x17c: {  	v61 =	vadd.f32 v48, v47;
	v2 =	vadd.f32 v51, v49  }
0x17d: {  	v0 =	vadd.f32 v58, v0;
	v62 =	vadd.f32 v60, v59;
	_ =	sdelay $0x1  }
0x17e: {  	v2 =	vadd.f32 v2, v61;
	v0 =	vadd.f32 v62, v0;
	_ =	sdelay $0x1  }
0x17f: {  	v0 =	vadd.f32 v2, v0;
	_ =	sdelay $0x1  }
0x180: {  	[tilespmem:s23+$0xB0B0] =	vst v0  }
0x181: {  	v0 =	vld [tilespmem:$0x8C40]  }
0x182: {  	v63 =	vld [tilespmem:$0x8CC0]  }
0x183: {  	v21 =	vld [tilespmem:$0x8D40]  }
0x184: {  	v22 =	vld [tilespmem:$0x8DC0]  }
0x185: {  	v23 =	vld [tilespmem:$0x8E40]  }
0x186: {  	v24 =	vld [tilespmem:$0x8EC0]  }
0x187: {  	v25 =	vld [tilespmem:$0x8F40]  }
0x188: {  	v26 =	vld [tilespmem:$0x8FC0]  }
0x189: {  	v27 =	vld [tilespmem:$0x9040]  }
0x18a: {  	v28 =	vld [tilespmem:$0x90C0]  }
0x18b: {  	v29 =	vld [tilespmem:$0x9140]  }
0x18c: {  	v30 =	vld [tilespmem:$0x91C0]  }
0x18d: {  	v31 =	vld [tilespmem:$0x9240]  }
0x18e: {  	v32 =	vld [tilespmem:$0x92C0]  }
0x18f: {  	v33 =	vld [tilespmem:$0x9340]  }
0x190: {  	v34 =	vld [tilespmem:$0x93C0]  }
0x191: {  	v35 =	vld [tilespmem:$0x9440]  }
0x192: {  	v36 =	vld [tilespmem:$0x94C0]  }
0x193: {  	v37 =	vld [tilespmem:$0x9540];
	v0 =	vadd.f32 v63, v0;
	v38 =	vadd.f32 v22, v21  }
0x194: {  	v39 =	vld [tilespmem:$0x95C0];
	v40 =	vadd.f32 v24, v23;
	v41 =	vadd.f32 v26, v25  }
0x195: {  	v42 =	vadd.f32 v28, v27;
	v43 =	vadd.f32 v30, v29  }
0x196: {  	v44 =	vadd.f32 v32, v31;
	v45 =	vadd.f32 v34, v33  }
0x197: {  	v0 =	vadd.f32 v38, v0;
	v46 =	vadd.f32 v41, v40  }
0x198: {  	v47 =	vadd.f32 v43, v42;
	v48 =	vadd.f32 v45, v44  }
0x199: {  	v49 =	vadd.f32 v36, v35;
	v2 =	vadd.f32 v39, v37  }
0x19a: {  	v0 =	vadd.f32 v46, v0;
	v50 =	vadd.f32 v48, v47;
	_ =	sdelay $0x1  }
0x19b: {  	v2 =	vadd.f32 v2, v49;
	v0 =	vadd.f32 v50, v0;
	_ =	sdelay $0x1  }
0x19c: {  	v0 =	vadd.f32 v2, v0;
	_ =	sdelay $0x1  }
0x19d: {  	[tilespmem:s23+$0xB0C0] =	vst v0  }
0x19e: {  	v0 =	vld [tilespmem:$0x8C50]  }
0x19f: {  	v51 =	vld [tilespmem:$0x8CD0]  }
0x1a0: {  	v52 =	vld [tilespmem:$0x8D50]  }
0x1a1: {  	v53 =	vld [tilespmem:$0x8DD0]  }
0x1a2: {  	v54 =	vld [tilespmem:$0x8E50]  }
0x1a3: {  	v55 =	vld [tilespmem:$0x8ED0]  }
0x1a4: {  	v56 =	vld [tilespmem:$0x8F50]  }
0x1a5: {  	v57 =	vld [tilespmem:$0x8FD0]  }
0x1a6: {  	v58 =	vld [tilespmem:$0x9050]  }
0x1a7: {  	v59 =	vld [tilespmem:$0x90D0]  }
0x1a8: {  	v60 =	vld [tilespmem:$0x9150]  }
0x1a9: {  	v61 =	vld [tilespmem:$0x91D0]  }
0x1aa: {  	v62 =	vld [tilespmem:$0x9250]  }
0x1ab: {  	v63 =	vld [tilespmem:$0x92D0]  }
0x1ac: {  	v21 =	vld [tilespmem:$0x9350]  }
0x1ad: {  	v22 =	vld [tilespmem:$0x93D0]  }
0x1ae: {  	v23 =	vld [tilespmem:$0x9450]  }
0x1af: {  	v24 =	vld [tilespmem:$0x94D0]  }
0x1b0: {  	v25 =	vld [tilespmem:$0x9550];
	v0 =	vadd.f32 v51, v0;
	v26 =	vadd.f32 v53, v52  }
0x1b1: {  	v27 =	vld [tilespmem:$0x95D0];
	v28 =	vadd.f32 v55, v54;
	v29 =	vadd.f32 v57, v56  }
0x1b2: {  	v30 =	vadd.f32 v59, v58;
	v31 =	vadd.f32 v61, v60  }
0x1b3: {  	v32 =	vadd.f32 v63, v62;
	v33 =	vadd.f32 v22, v21  }
0x1b4: {  	v0 =	vadd.f32 v26, v0;
	v34 =	vadd.f32 v29, v28  }
0x1b5: {  	v35 =	vadd.f32 v31, v30;
	v36 =	vadd.f32 v33, v32  }
0x1b6: {  	v37 =	vadd.f32 v24, v23;
	v2 =	vadd.f32 v27, v25  }
0x1b7: {  	v0 =	vadd.f32 v34, v0;
	v38 =	vadd.f32 v36, v35;
	_ =	sdelay $0x1  }
0x1b8: {  	v2 =	vadd.f32 v2, v37;
	v0 =	vadd.f32 v38, v0;
	_ =	sdelay $0x1  }
0x1b9: {  	v0 =	vadd.f32 v2, v0;
	_ =	sdelay $0x1  }
0x1ba: {  	[tilespmem:s23+$0xB0D0] =	vst v0  }
0x1bb: {  	v0 =	vld [tilespmem:$0x8C60]  }
0x1bc: {  	v39 =	vld [tilespmem:$0x8CE0]  }
0x1bd: {  	v40 =	vld [tilespmem:$0x8D60]  }
0x1be: {  	v41 =	vld [tilespmem:$0x8DE0]  }
0x1bf: {  	v42 =	vld [tilespmem:$0x8E60]  }
0x1c0: {  	v43 =	vld [tilespmem:$0x8EE0]  }
0x1c1: {  	v44 =	vld [tilespmem:$0x8F60]  }
0x1c2: {  	v45 =	vld [tilespmem:$0x8FE0]  }
0x1c3: {  	v46 =	vld [tilespmem:$0x9060]  }
0x1c4: {  	v47 =	vld [tilespmem:$0x90E0]  }
0x1c5: {  	v48 =	vld [tilespmem:$0x9160]  }
0x1c6: {  	v49 =	vld [tilespmem:$0x91E0]  }
0x1c7: {  	v50 =	vld [tilespmem:$0x9260]  }
0x1c8: {  	v51 =	vld [tilespmem:$0x92E0]  }
0x1c9: {  	v52 =	vld [tilespmem:$0x9360]  }
0x1ca: {  	v53 =	vld [tilespmem:$0x93E0]  }
0x1cb: {  	v54 =	vld [tilespmem:$0x9460]  }
0x1cc: {  	v55 =	vld [tilespmem:$0x94E0]  }
0x1cd: {  	v56 =	vld [tilespmem:$0x9560];
	v0 =	vadd.f32 v39, v0;
	v57 =	vadd.f32 v41, v40  }
0x1ce: {  	v58 =	vld [tilespmem:$0x95E0];
	v59 =	vadd.f32 v43, v42;
	v60 =	vadd.f32 v45, v44  }
0x1cf: {  	v61 =	vadd.f32 v47, v46;
	v62 =	vadd.f32 v49, v48  }
0x1d0: {  	v63 =	vadd.f32 v51, v50;
	v12 =	vadd.f32 v53, v52  }
0x1d1: {  	v0 =	vadd.f32 v57, v0;
	v13 =	vadd.f32 v60, v59  }
0x1d2: {  	v14 =	vadd.f32 v62, v61;
	v15 =	vadd.f32 v12, v63  }
0x1d3: {  	v19 =	vadd.f32 v55, v54;
	v2 =	vadd.f32 v58, v56  }
0x1d4: {  	v0 =	vadd.f32 v13, v0;
	v20 =	vadd.f32 v15, v14;
	_ =	sdelay $0x1  }
0x1d5: {  	v2 =	vadd.f32 v2, v19;
	v0 =	vadd.f32 v20, v0;
	_ =	sdelay $0x1  }
0x1d6: {  	v0 =	vadd.f32 v2, v0;
	_ =	sdelay $0x1  }
0x1d7: {  	[tilespmem:s23+$0xB0E0] =	vst v0  }
0x1d8: {  	v0 =	vld [tilespmem:$0x8C70]  }
0x1d9: {  	v21 =	vld [tilespmem:$0x8CF0]  }
0x1da: {  	v22 =	vld [tilespmem:$0x8D70]  }
0x1db: {  	v23 =	vld [tilespmem:$0x8DF0]  }
0x1dc: {  	v24 =	vld [tilespmem:$0x8E70]  }
0x1dd: {  	v25 =	vld [tilespmem:$0x8EF0]  }
0x1de: {  	v26 =	vld [tilespmem:$0x8F70]  }
0x1df: {  	v27 =	vld [tilespmem:$0x8FF0]  }
0x1e0: {  	v28 =	vld [tilespmem:$0x9070]  }
0x1e1: {  	v29 =	vld [tilespmem:$0x90F0]  }
0x1e2: {  	v30 =	vld [tilespmem:$0x9170]  }
0x1e3: {  	v31 =	vld [tilespmem:$0x91F0]  }
0x1e4: {  	v32 =	vld [tilespmem:$0x9270]  }
0x1e5: {  	v33 =	vld [tilespmem:$0x92F0]  }
0x1e6: {  	v34 =	vld [tilespmem:$0x9370]  }
0x1e7: {  	v35 =	vld [tilespmem:$0x93F0]  }
0x1e8: {  	v36 =	vld [tilespmem:$0x9470]  }
0x1e9: {  	v37 =	vld [tilespmem:$0x94F0]  }
0x1ea: {  	v38 =	vld [tilespmem:$0x9570];
	v0 =	vadd.f32 v21, v0;
	v39 =	vadd.f32 v23, v22  }
0x1eb: {  	v40 =	vld [tilespmem:$0x95F0];
	v41 =	vadd.f32 v25, v24;
	v42 =	vadd.f32 v27, v26  }
0x1ec: {  	v43 =	vadd.f32 v29, v28;
	v44 =	vadd.f32 v31, v30  }
0x1ed: {  	v45 =	vadd.f32 v33, v32;
	v46 =	vadd.f32 v35, v34  }
0x1ee: {  	v0 =	vadd.f32 v39, v0;
	v47 =	vadd.f32 v42, v41  }
0x1ef: {  	v48 =	vadd.f32 v44, v43;
	v49 =	vadd.f32 v46, v45  }
0x1f0: {  	v50 =	vadd.f32 v37, v36;
	v2 =	vadd.f32 v40, v38  }
0x1f1: {  	v0 =	vadd.f32 v47, v0;
	v51 =	vadd.f32 v49, v48;
	_ =	sdelay $0x1  }
0x1f2: {  	v2 =	vadd.f32 v2, v50;
	v0 =	vadd.f32 v51, v0;
	_ =	sdelay $0x1  }
0x1f3: {  	v0 =	vadd.f32 v2, v0;
	_ =	sdelay $0x1  }
0x1f4: {  	s26 =	sadd.s32 @!p0 $0x280, s24;
	s28 =	simm.s32 @!p0 $0x8C00;
	[tilespmem:s23+$0xB0F0] =	vst v0  }
0x1f5: {  	[tilespmem:s28], [sflag:$0x3] =	stream.indirect.gather @!p0 [hbm4b:s2+s25], $0x80, s26, s25, $0xb8;
	[tilespmem:$0x13000] =	vst v63  }
0x1f6: {  	_ =	swait.ge [sflag:s18], $0xA00  }
0x1f7: {  	[sflag:s18] =	ssyncset.done $0x0  }
0x1f8: {  	[sflag:s18] =	ssyncadd.s32 $0xFFFFF600  }
0x1f9: {  	v52 =	vld [tilespmem:$0x9800]  }
0x1fa: {  	v53 =	vld [tilespmem:$0x9880]  }
0x1fb: {  	v54 =	vld [tilespmem:$0x9900]  }
0x1fc: {  	v55 =	vld [tilespmem:$0x9980]  }
0x1fd: {  	v56 =	vld [tilespmem:$0x9A00]  }
0x1fe: {  	v57 =	vld [tilespmem:$0x9A80]  }
0x1ff: {  	v58 =	vld [tilespmem:$0x9B00]  }
0x200: {  	v59 =	vld [tilespmem:$0x9B80]  }
0x201: {  	v60 =	vld [tilespmem:$0x9C00]  }
0x202: {  	v61 =	vld [tilespmem:$0x9C80]  }
0x203: {  	v62 =	vld [tilespmem:$0x9D00]  }
0x204: {  	v63 =	vld [tilespmem:$0x9D80]  }
0x205: {  	v21 =	vld [tilespmem:$0x9E00]  }
0x206: {  	v22 =	vld [tilespmem:$0x9E80]  }
0x207: {  	v23 =	vld [tilespmem:$0x9F00]  }
0x208: {  	v24 =	vld [tilespmem:$0x9F80]  }
0x209: {  	v25 =	vld [tilespmem:$0xA000]  }
0x20a: {  	v26 =	vld [tilespmem:$0xA080]  }
0x20b: {  	v27 =	vld [tilespmem:$0xA100];
	v0 =	vadd.f32 v53, v52;
	v28 =	vadd.f32 v55, v54  }
0x20c: {  	v29 =	vld [tilespmem:$0xA180];
	v30 =	vadd.f32 v57, v56;
	v31 =	vadd.f32 v59, v58  }
0x20d: {  	v32 =	vadd.f32 v61, v60;
	v33 =	vadd.f32 v63, v62  }
0x20e: {  	v34 =	vadd.f32 v22, v21;
	v35 =	vadd.f32 v24, v23  }
0x20f: {  	v0 =	vadd.f32 v28, v0;
	v36 =	vadd.f32 v31, v30  }
0x210: {  	v37 =	vadd.f32 v33, v32;
	v38 =	vadd.f32 v35, v34  }
0x211: {  	v39 =	vadd.f32 v26, v25;
	v2 =	vadd.f32 v29, v27  }
0x212: {  	v0 =	vadd.f32 v36, v0;
	v40 =	vadd.f32 v38, v37;
	_ =	sdelay $0x1  }
0x213: {  	v2 =	vadd.f32 v2, v39;
	v0 =	vadd.f32 v40, v0;
	_ =	sdelay $0x1  }
0x214: {  	v0 =	vadd.f32 v2, v0;
	_ =	sdelay $0x1  }
0x215: {  	[tilespmem:s23+$0xB100] =	vst v0  }
0x216: {  	v0 =	vld [tilespmem:$0x9810]  }
0x217: {  	v41 =	vld [tilespmem:$0x9890]  }
0x218: {  	v42 =	vld [tilespmem:$0x9910]  }
0x219: {  	v43 =	vld [tilespmem:$0x9990]  }
0x21a: {  	v44 =	vld [tilespmem:$0x9A10]  }
0x21b: {  	v45 =	vld [tilespmem:$0x9A90]  }
0x21c: {  	v46 =	vld [tilespmem:$0x9B10]  }
0x21d: {  	v47 =	vld [tilespmem:$0x9B90]  }
0x21e: {  	v48 =	vld [tilespmem:$0x9C10]  }
0x21f: {  	v49 =	vld [tilespmem:$0x9C90]  }
0x220: {  	v50 =	vld [tilespmem:$0x9D10]  }
0x221: {  	v51 =	vld [tilespmem:$0x9D90]  }
0x222: {  	v52 =	vld [tilespmem:$0x9E10]  }
0x223: {  	v53 =	vld [tilespmem:$0x9E90]  }
0x224: {  	v54 =	vld [tilespmem:$0x9F10]  }
0x225: {  	v55 =	vld [tilespmem:$0x9F90]  }
0x226: {  	v56 =	vld [tilespmem:$0xA010]  }
0x227: {  	v57 =	vld [tilespmem:$0xA090]  }
0x228: {  	v58 =	vld [tilespmem:$0xA110];
	v0 =	vadd.f32 v41, v0;
	v59 =	vadd.f32 v43, v42  }
0x229: {  	v60 =	vld [tilespmem:$0xA190];
	v61 =	vadd.f32 v45, v44;
	v62 =	vadd.f32 v47, v46  }
0x22a: {  	v63 =	vadd.f32 v49, v48;
	v19 =	vadd.f32 v51, v50  }
0x22b: {  	v20 =	vadd.f32 v53, v52;
	v21 =	vadd.f32 v55, v54  }
0x22c: {  	v0 =	vadd.f32 v59, v0;
	v22 =	vadd.f32 v62, v61  }
0x22d: {  	v23 =	vadd.f32 v19, v63;
	v24 =	vadd.f32 v21, v20  }
0x22e: {  	v25 =	vadd.f32 v57, v56;
	v2 =	vadd.f32 v60, v58  }
0x22f: {  	v0 =	vadd.f32 v22, v0;
	v26 =	vadd.f32 v24, v23;
	_ =	sdelay $0x1  }
0x230: {  	v2 =	vadd.f32 v2, v25;
	v0 =	vadd.f32 v26, v0;
	_ =	sdelay $0x1  }
0x231: {  	v0 =	vadd.f32 v2, v0;
	_ =	sdelay $0x1  }
0x232: {  	[tilespmem:s23+$0xB110] =	vst v0  }
0x233: {  	v0 =	vld [tilespmem:$0x9820]  }
0x234: {  	v27 =	vld [tilespmem:$0x98A0]  }
0x235: {  	v28 =	vld [tilespmem:$0x9920]  }
0x236: {  	v29 =	vld [tilespmem:$0x99A0]  }
0x237: {  	v30 =	vld [tilespmem:$0x9A20]  }
0x238: {  	v31 =	vld [tilespmem:$0x9AA0]  }
0x239: {  	v32 =	vld [tilespmem:$0x9B20]  }
0x23a: {  	v33 =	vld [tilespmem:$0x9BA0]  }
0x23b: {  	v34 =	vld [tilespmem:$0x9C20]  }
0x23c: {  	v35 =	vld [tilespmem:$0x9CA0]  }
0x23d: {  	v36 =	vld [tilespmem:$0x9D20]  }
0x23e: {  	v37 =	vld [tilespmem:$0x9DA0]  }
0x23f: {  	v38 =	vld [tilespmem:$0x9E20]  }
0x240: {  	v39 =	vld [tilespmem:$0x9EA0]  }
0x241: {  	v40 =	vld [tilespmem:$0x9F20]  }
0x242: {  	v41 =	vld [tilespmem:$0x9FA0]  }
0x243: {  	v42 =	vld [tilespmem:$0xA020]  }
0x244: {  	v43 =	vld [tilespmem:$0xA0A0]  }
0x245: {  	v44 =	vld [tilespmem:$0xA120];
	v0 =	vadd.f32 v27, v0;
	v45 =	vadd.f32 v29, v28  }
0x246: {  	v46 =	vld [tilespmem:$0xA1A0];
	v47 =	vadd.f32 v31, v30;
	v48 =	vadd.f32 v33, v32  }
0x247: {  	v49 =	vadd.f32 v35, v34;
	v50 =	vadd.f32 v37, v36  }
0x248: {  	v51 =	vadd.f32 v39, v38;
	v52 =	vadd.f32 v41, v40  }
0x249: {  	v0 =	vadd.f32 v45, v0;
	v53 =	vadd.f32 v48, v47  }
0x24a: {  	v54 =	vadd.f32 v50, v49;
	v55 =	vadd.f32 v52, v51  }
0x24b: {  	v56 =	vadd.f32 v43, v42;
	v2 =	vadd.f32 v46, v44  }
0x24c: {  	v0 =	vadd.f32 v53, v0;
	v57 =	vadd.f32 v55, v54;
	_ =	sdelay $0x1  }
0x24d: {  	v2 =	vadd.f32 v2, v56;
	v0 =	vadd.f32 v57, v0;
	_ =	sdelay $0x1  }
0x24e: {  	v0 =	vadd.f32 v2, v0;
	_ =	sdelay $0x1  }
0x24f: {  	[tilespmem:s23+$0xB120] =	vst v0  }
0x250: {  	v0 =	vld [tilespmem:$0x9830]  }
0x251: {  	v58 =	vld [tilespmem:$0x98B0]  }
0x252: {  	v59 =	vld [tilespmem:$0x9930]  }
0x253: {  	v60 =	vld [tilespmem:$0x99B0]  }
0x254: {  	v61 =	vld [tilespmem:$0x9A30]  }
0x255: {  	v62 =	vld [tilespmem:$0x9AB0]  }
0x256: {  	v63 =	vld [tilespmem:$0x9B30]  }
0x257: {  	v21 =	vld [tilespmem:$0x9BB0]  }
0x258: {  	v22 =	vld [tilespmem:$0x9C30]  }
0x259: {  	v23 =	vld [tilespmem:$0x9CB0]  }
0x25a: {  	v24 =	vld [tilespmem:$0x9D30]  }
0x25b: {  	v25 =	vld [tilespmem:$0x9DB0]  }
0x25c: {  	v26 =	vld [tilespmem:$0x9E30]  }
0x25d: {  	v27 =	vld [tilespmem:$0x9EB0]  }
0x25e: {  	v28 =	vld [tilespmem:$0x9F30]  }
0x25f: {  	v29 =	vld [tilespmem:$0x9FB0]  }
0x260: {  	v30 =	vld [tilespmem:$0xA030]  }
0x261: {  	v31 =	vld [tilespmem:$0xA0B0]  }
0x262: {  	v32 =	vld [tilespmem:$0xA130];
	v0 =	vadd.f32 v58, v0;
	v33 =	vadd.f32 v60, v59  }
0x263: {  	v34 =	vld [tilespmem:$0xA1B0];
	v35 =	vadd.f32 v62, v61;
	v36 =	vadd.f32 v21, v63  }
0x264: {  	v37 =	vadd.f32 v23, v22;
	v38 =	vadd.f32 v25, v24  }
0x265: {  	v39 =	vadd.f32 v27, v26;
	v40 =	vadd.f32 v29, v28  }
0x266: {  	v0 =	vadd.f32 v33, v0;
	v41 =	vadd.f32 v36, v35  }
0x267: {  	v42 =	vadd.f32 v38, v37;
	v43 =	vadd.f32 v40, v39  }
0x268: {  	v44 =	vadd.f32 v31, v30;
	v2 =	vadd.f32 v34, v32  }
0x269: {  	v0 =	vadd.f32 v41, v0;
	v45 =	vadd.f32 v43, v42;
	_ =	sdelay $0x1  }
0x26a: {  	v2 =	vadd.f32 v2, v44;
	v0 =	vadd.f32 v45, v0;
	_ =	sdelay $0x1  }
0x26b: {  	v0 =	vadd.f32 v2, v0;
	_ =	sdelay $0x1  }
0x26c: {  	[tilespmem:s23+$0xB130] =	vst v0  }
0x26d: {  	v0 =	vld [tilespmem:$0x9840]  }
0x26e: {  	v46 =	vld [tilespmem:$0x98C0]  }
0x26f: {  	v47 =	vld [tilespmem:$0x9940]  }
0x270: {  	v48 =	vld [tilespmem:$0x99C0]  }
0x271: {  	v49 =	vld [tilespmem:$0x9A40]  }
0x272: {  	v50 =	vld [tilespmem:$0x9AC0]  }
0x273: {  	v51 =	vld [tilespmem:$0x9B40]  }
0x274: {  	v52 =	vld [tilespmem:$0x9BC0]  }
0x275: {  	v53 =	vld [tilespmem:$0x9C40]  }
0x276: {  	v54 =	vld [tilespmem:$0x9CC0]  }
0x277: {  	v55 =	vld [tilespmem:$0x9D40]  }
0x278: {  	v56 =	vld [tilespmem:$0x9DC0]  }
0x279: {  	v57 =	vld [tilespmem:$0x9E40]  }
0x27a: {  	v58 =	vld [tilespmem:$0x9EC0]  }
0x27b: {  	v59 =	vld [tilespmem:$0x9F40]  }
0x27c: {  	v60 =	vld [tilespmem:$0x9FC0]  }
0x27d: {  	v61 =	vld [tilespmem:$0xA040]  }
0x27e: {  	v62 =	vld [tilespmem:$0xA0C0]  }
0x27f: {  	v63 =	vld [tilespmem:$0xA140];
	v0 =	vadd.f32 v46, v0;
	v19 =	vadd.f32 v48, v47  }
0x280: {  	v20 =	vld [tilespmem:$0xA1C0];
	v21 =	vadd.f32 v50, v49;
	v22 =	vadd.f32 v52, v51  }
0x281: {  	v23 =	vadd.f32 v54, v53;
	v24 =	vadd.f32 v56, v55  }
0x282: {  	v25 =	vadd.f32 v58, v57;
	v26 =	vadd.f32 v60, v59  }
0x283: {  	v0 =	vadd.f32 v19, v0;
	v27 =	vadd.f32 v22, v21  }
0x284: {  	v28 =	vadd.f32 v24, v23;
	v29 =	vadd.f32 v26, v25  }
0x285: {  	v30 =	vadd.f32 v62, v61;
	v2 =	vadd.f32 v20, v63  }
0x286: {  	v0 =	vadd.f32 v27, v0;
	v31 =	vadd.f32 v29, v28;
	_ =	sdelay $0x1  }
0x287: {  	v2 =	vadd.f32 v2, v30;
	v0 =	vadd.f32 v31, v0;
	_ =	sdelay $0x1  }
0x288: {  	v0 =	vadd.f32 v2, v0;
	_ =	sdelay $0x1  }
0x289: {  	[tilespmem:s23+$0xB140] =	vst v0  }
0x28a: {  	v0 =	vld [tilespmem:$0x9850]  }
0x28b: {  	v32 =	vld [tilespmem:$0x98D0]  }
0x28c: {  	v33 =	vld [tilespmem:$0x9950]  }
0x28d: {  	v34 =	vld [tilespmem:$0x99D0]  }
0x28e: {  	v35 =	vld [tilespmem:$0x9A50]  }
0x28f: {  	v36 =	vld [tilespmem:$0x9AD0]  }
0x290: {  	v37 =	vld [tilespmem:$0x9B50]  }
0x291: {  	v38 =	vld [tilespmem:$0x9BD0]  }
0x292: {  	v39 =	vld [tilespmem:$0x9C50]  }
0x293: {  	v40 =	vld [tilespmem:$0x9CD0]  }
0x294: {  	v41 =	vld [tilespmem:$0x9D50]  }
0x295: {  	v42 =	vld [tilespmem:$0x9DD0]  }
0x296: {  	v43 =	vld [tilespmem:$0x9E50]  }
0x297: {  	v44 =	vld [tilespmem:$0x9ED0]  }
0x298: {  	v45 =	vld [tilespmem:$0x9F50]  }
0x299: {  	v46 =	vld [tilespmem:$0x9FD0]  }
0x29a: {  	v47 =	vld [tilespmem:$0xA050]  }
0x29b: {  	v48 =	vld [tilespmem:$0xA0D0]  }
0x29c: {  	v49 =	vld [tilespmem:$0xA150];
	v0 =	vadd.f32 v32, v0;
	v50 =	vadd.f32 v34, v33  }
0x29d: {  	v51 =	vld [tilespmem:$0xA1D0];
	v52 =	vadd.f32 v36, v35;
	v53 =	vadd.f32 v38, v37  }
0x29e: {  	v54 =	vadd.f32 v40, v39;
	v55 =	vadd.f32 v42, v41  }
0x29f: {  	v56 =	vadd.f32 v44, v43;
	v57 =	vadd.f32 v46, v45  }
0x2a0: {  	v0 =	vadd.f32 v50, v0;
	v58 =	vadd.f32 v53, v52  }
0x2a1: {  	v59 =	vadd.f32 v55, v54;
	v60 =	vadd.f32 v57, v56  }
0x2a2: {  	v61 =	vadd.f32 v48, v47;
	v2 =	vadd.f32 v51, v49  }
0x2a3: {  	v0 =	vadd.f32 v58, v0;
	v62 =	vadd.f32 v60, v59;
	_ =	sdelay $0x1  }
0x2a4: {  	v2 =	vadd.f32 v2, v61;
	v0 =	vadd.f32 v62, v0;
	_ =	sdelay $0x1  }
0x2a5: {  	v0 =	vadd.f32 v2, v0;
	_ =	sdelay $0x1  }
0x2a6: {  	[tilespmem:s23+$0xB150] =	vst v0  }
0x2a7: {  	v0 =	vld [tilespmem:$0x9860]  }
0x2a8: {  	v63 =	vld [tilespmem:$0x98E0]  }
0x2a9: {  	v21 =	vld [tilespmem:$0x9960]  }
0x2aa: {  	v22 =	vld [tilespmem:$0x99E0]  }
0x2ab: {  	v23 =	vld [tilespmem:$0x9A60]  }
0x2ac: {  	v24 =	vld [tilespmem:$0x9AE0]  }
0x2ad: {  	v25 =	vld [tilespmem:$0x9B60]  }
0x2ae: {  	v26 =	vld [tilespmem:$0x9BE0]  }
0x2af: {  	v27 =	vld [tilespmem:$0x9C60]  }
0x2b0: {  	v28 =	vld [tilespmem:$0x9CE0]  }
0x2b1: {  	v29 =	vld [tilespmem:$0x9D60]  }
0x2b2: {  	v30 =	vld [tilespmem:$0x9DE0]  }
0x2b3: {  	v31 =	vld [tilespmem:$0x9E60]  }
0x2b4: {  	v32 =	vld [tilespmem:$0x9EE0]  }
0x2b5: {  	v33 =	vld [tilespmem:$0x9F60]  }
0x2b6: {  	v34 =	vld [tilespmem:$0x9FE0]  }
0x2b7: {  	v35 =	vld [tilespmem:$0xA060]  }
0x2b8: {  	v36 =	vld [tilespmem:$0xA0E0]  }
0x2b9: {  	v37 =	vld [tilespmem:$0xA160];
	v0 =	vadd.f32 v63, v0;
	v38 =	vadd.f32 v22, v21  }
0x2ba: {  	v39 =	vld [tilespmem:$0xA1E0];
	v40 =	vadd.f32 v24, v23;
	v41 =	vadd.f32 v26, v25  }
0x2bb: {  	v42 =	vadd.f32 v28, v27;
	v43 =	vadd.f32 v30, v29  }
0x2bc: {  	v44 =	vadd.f32 v32, v31;
	v45 =	vadd.f32 v34, v33  }
0x2bd: {  	v0 =	vadd.f32 v38, v0;
	v46 =	vadd.f32 v41, v40  }
0x2be: {  	v47 =	vadd.f32 v43, v42;
	v48 =	vadd.f32 v45, v44  }
0x2bf: {  	v49 =	vadd.f32 v36, v35;
	v2 =	vadd.f32 v39, v37  }
0x2c0: {  	v0 =	vadd.f32 v46, v0;
	v50 =	vadd.f32 v48, v47;
	_ =	sdelay $0x1  }
0x2c1: {  	v2 =	vadd.f32 v2, v49;
	v0 =	vadd.f32 v50, v0;
	_ =	sdelay $0x1  }
0x2c2: {  	v0 =	vadd.f32 v2, v0;
	_ =	sdelay $0x1  }
0x2c3: {  	[tilespmem:s23+$0xB160] =	vst v0  }
0x2c4: {  	v0 =	vld [tilespmem:$0x9870]  }
0x2c5: {  	v51 =	vld [tilespmem:$0x98F0]  }
0x2c6: {  	v52 =	vld [tilespmem:$0x9970]  }
0x2c7: {  	v53 =	vld [tilespmem:$0x99F0]  }
0x2c8: {  	v54 =	vld [tilespmem:$0x9A70]  }
0x2c9: {  	v55 =	vld [tilespmem:$0x9AF0]  }
0x2ca: {  	v56 =	vld [tilespmem:$0x9B70]  }
0x2cb: {  	v57 =	vld [tilespmem:$0x9BF0]  }
0x2cc: {  	v58 =	vld [tilespmem:$0x9C70]  }
0x2cd: {  	v59 =	vld [tilespmem:$0x9CF0]  }
0x2ce: {  	v60 =	vld [tilespmem:$0x9D70]  }
0x2cf: {  	v61 =	vld [tilespmem:$0x9DF0]  }
0x2d0: {  	v62 =	vld [tilespmem:$0x9E70]  }
0x2d1: {  	v63 =	vld [tilespmem:$0x9EF0]  }
0x2d2: {  	v21 =	vld [tilespmem:$0x9F70]  }
0x2d3: {  	v22 =	vld [tilespmem:$0x9FF0]  }
0x2d4: {  	v23 =	vld [tilespmem:$0xA070]  }
0x2d5: {  	v24 =	vld [tilespmem:$0xA0F0]  }
0x2d6: {  	v25 =	vld [tilespmem:$0xA170];
	v0 =	vadd.f32 v51, v0;
	v26 =	vadd.f32 v53, v52  }
0x2d7: {  	v27 =	vld [tilespmem:$0xA1F0];
	v28 =	vadd.f32 v55, v54;
	v29 =	vadd.f32 v57, v56  }
0x2d8: {  	v30 =	vadd.f32 v59, v58;
	v31 =	vadd.f32 v61, v60  }
0x2d9: {  	v32 =	vadd.f32 v63, v62;
	v33 =	vadd.f32 v22, v21  }
0x2da: {  	v0 =	vadd.f32 v26, v0;
	v34 =	vadd.f32 v29, v28  }
0x2db: {  	v35 =	vadd.f32 v31, v30;
	v36 =	vadd.f32 v33, v32  }
0x2dc: {  	v37 =	vadd.f32 v24, v23;
	v2 =	vadd.f32 v27, v25  }
0x2dd: {  	v0 =	vadd.f32 v34, v0;
	v38 =	vadd.f32 v36, v35;
	_ =	sdelay $0x1  }
0x2de: {  	v2 =	vadd.f32 v2, v37;
	v0 =	vadd.f32 v38, v0;
	_ =	sdelay $0x1  }
0x2df: {  	v0 =	vadd.f32 v2, v0;
	_ =	sdelay $0x1  }
0x2e0: {  	s24 =	sadd.s32 @!p0 $0x300, s24;
	s26 =	simm.s32 @!p0 $0x9800;
	[tilespmem:s23+$0xB170] =	vst v0  }
0x2e1: {  	[tilespmem:s26], [sflag:$0x4] =	stream.indirect.gather @!p0 [hbm4b:s2+s25], $0x80, s24, s25, $0xb8;
	[tilespmem:$0x13000] =	vst v63  }
0x2e2: {  	_ =	swait.ge [sflag:s19], $0xA00  }
0x2e3: {  	[sflag:s19] =	ssyncset.done $0x0  }
0x2e4: {  	[sflag:s19] =	ssyncadd.s32 $0xFFFFF600  }
0x2e5: {  	v39 =	vld [tilespmem:$0xA400]  }
0x2e6: {  	v40 =	vld [tilespmem:$0xA480]  }
0x2e7: {  	v41 =	vld [tilespmem:$0xA500]  }
0x2e8: {  	v42 =	vld [tilespmem:$0xA580]  }
0x2e9: {  	v43 =	vld [tilespmem:$0xA600]  }
0x2ea: {  	v44 =	vld [tilespmem:$0xA680]  }
0x2eb: {  	v45 =	vld [tilespmem:$0xA700]  }
0x2ec: {  	v46 =	vld [tilespmem:$0xA780]  }
0x2ed: {  	v47 =	vld [tilespmem:$0xA800]  }
0x2ee: {  	v48 =	vld [tilespmem:$0xA880]  }
0x2ef: {  	v49 =	vld [tilespmem:$0xA900]  }
0x2f0: {  	v50 =	vld [tilespmem:$0xA980]  }
0x2f1: {  	v51 =	vld [tilespmem:$0xAA00]  }
0x2f2: {  	v52 =	vld [tilespmem:$0xAA80]  }
0x2f3: {  	v53 =	vld [tilespmem:$0xAB00]  }
0x2f4: {  	v54 =	vld [tilespmem:$0xAB80]  }
0x2f5: {  	v55 =	vld [tilespmem:$0xAC00]  }
0x2f6: {  	v56 =	vld [tilespmem:$0xAC80]  }
0x2f7: {  	v57 =	vld [tilespmem:$0xAD00];
	v0 =	vadd.f32 v40, v39;
	v58 =	vadd.f32 v42, v41  }
0x2f8: {  	v59 =	vld [tilespmem:$0xAD80];
	v60 =	vadd.f32 v44, v43;
	v61 =	vadd.f32 v46, v45  }
0x2f9: {  	v62 =	vadd.f32 v48, v47;
	v63 =	vadd.f32 v50, v49  }
0x2fa: {  	v12 =	vadd.f32 v52, v51;
	v13 =	vadd.f32 v54, v53  }
0x2fb: {  	v0 =	vadd.f32 v58, v0;
	v14 =	vadd.f32 v61, v60  }
0x2fc: {  	v15 =	vadd.f32 v63, v62;
	v19 =	vadd.f32 v13, v12  }
0x2fd: {  	v20 =	vadd.f32 v56, v55;
	v2 =	vadd.f32 v59, v57  }
0x2fe: {  	v0 =	vadd.f32 v14, v0;
	v21 =	vadd.f32 v19, v15;
	_ =	sdelay $0x1  }
0x2ff: {  	v2 =	vadd.f32 v2, v20;
	v0 =	vadd.f32 v21, v0;
	_ =	sdelay $0x1  }
0x300: {  	v0 =	vadd.f32 v2, v0;
	_ =	sdelay $0x1  }
0x301: {  	[tilespmem:s23+$0xB180] =	vst v0  }
0x302: {  	v0 =	vld [tilespmem:$0xA410]  }
0x303: {  	v22 =	vld [tilespmem:$0xA490]  }
0x304: {  	v23 =	vld [tilespmem:$0xA510]  }
0x305: {  	v24 =	vld [tilespmem:$0xA590]  }
0x306: {  	v25 =	vld [tilespmem:$0xA610]  }
0x307: {  	v26 =	vld [tilespmem:$0xA690]  }
0x308: {  	v27 =	vld [tilespmem:$0xA710]  }
0x309: {  	v28 =	vld [tilespmem:$0xA790]  }
0x30a: {  	v29 =	vld [tilespmem:$0xA810]  }
0x30b: {  	v30 =	vld [tilespmem:$0xA890]  }
0x30c: {  	v31 =	vld [tilespmem:$0xA910]  }
0x30d: {  	v32 =	vld [tilespmem:$0xA990]  }
0x30e: {  	v33 =	vld [tilespmem:$0xAA10]  }
0x30f: {  	v34 =	vld [tilespmem:$0xAA90]  }
0x310: {  	v35 =	vld [tilespmem:$0xAB10]  }
0x311: {  	v36 =	vld [tilespmem:$0xAB90]  }
0x312: {  	v37 =	vld [tilespmem:$0xAC10]  }
0x313: {  	v38 =	vld [tilespmem:$0xAC90]  }
0x314: {  	v39 =	vld [tilespmem:$0xAD10];
	v0 =	vadd.f32 v22, v0;
	v40 =	vadd.f32 v24, v23  }
0x315: {  	v41 =	vld [tilespmem:$0xAD90];
	v42 =	vadd.f32 v26, v25;
	v43 =	vadd.f32 v28, v27  }
0x316: {  	v44 =	vadd.f32 v30, v29;
	v45 =	vadd.f32 v32, v31  }
0x317: {  	v46 =	vadd.f32 v34, v33;
	v47 =	vadd.f32 v36, v35  }
0x318: {  	v0 =	vadd.f32 v40, v0;
	v48 =	vadd.f32 v43, v42  }
0x319: {  	v49 =	vadd.f32 v45, v44;
	v50 =	vadd.f32 v47, v46  }
0x31a: {  	v51 =	vadd.f32 v38, v37;
	v2 =	vadd.f32 v41, v39  }
0x31b: {  	v0 =	vadd.f32 v48, v0;
	v52 =	vadd.f32 v50, v49;
	_ =	sdelay $0x1  }
0x31c: {  	v2 =	vadd.f32 v2, v51;
	v0 =	vadd.f32 v52, v0;
	_ =	sdelay $0x1  }
0x31d: {  	v0 =	vadd.f32 v2, v0;
	_ =	sdelay $0x1  }
0x31e: {  	[tilespmem:s23+$0xB190] =	vst v0  }
0x31f: {  	v0 =	vld [tilespmem:$0xA420]  }
0x320: {  	v53 =	vld [tilespmem:$0xA4A0]  }
0x321: {  	v54 =	vld [tilespmem:$0xA520]  }
0x322: {  	v55 =	vld [tilespmem:$0xA5A0]  }
0x323: {  	v56 =	vld [tilespmem:$0xA620]  }
0x324: {  	v57 =	vld [tilespmem:$0xA6A0]  }
0x325: {  	v58 =	vld [tilespmem:$0xA720]  }
0x326: {  	v59 =	vld [tilespmem:$0xA7A0]  }
0x327: {  	v60 =	vld [tilespmem:$0xA820]  }
0x328: {  	v61 =	vld [tilespmem:$0xA8A0]  }
0x329: {  	v62 =	vld [tilespmem:$0xA920]  }
0x32a: {  	v63 =	vld [tilespmem:$0xA9A0]  }
0x32b: {  	v21 =	vld [tilespmem:$0xAA20]  }
0x32c: {  	v22 =	vld [tilespmem:$0xAAA0]  }
0x32d: {  	v23 =	vld [tilespmem:$0xAB20]  }
0x32e: {  	v24 =	vld [tilespmem:$0xABA0]  }
0x32f: {  	v25 =	vld [tilespmem:$0xAC20]  }
0x330: {  	v26 =	vld [tilespmem:$0xACA0]  }
0x331: {  	v27 =	vld [tilespmem:$0xAD20];
	v0 =	vadd.f32 v53, v0;
	v28 =	vadd.f32 v55, v54  }
0x332: {  	v29 =	vld [tilespmem:$0xADA0];
	v30 =	vadd.f32 v57, v56;
	v31 =	vadd.f32 v59, v58  }
0x333: {  	v32 =	vadd.f32 v61, v60;
	v33 =	vadd.f32 v63, v62  }
0x334: {  	v34 =	vadd.f32 v22, v21;
	v35 =	vadd.f32 v24, v23  }
0x335: {  	v0 =	vadd.f32 v28, v0;
	v36 =	vadd.f32 v31, v30  }
0x336: {  	v37 =	vadd.f32 v33, v32;
	v38 =	vadd.f32 v35, v34  }
0x337: {  	v39 =	vadd.f32 v26, v25;
	v2 =	vadd.f32 v29, v27  }
0x338: {  	v0 =	vadd.f32 v36, v0;
	v40 =	vadd.f32 v38, v37;
	_ =	sdelay $0x1  }
0x339: {  	v2 =	vadd.f32 v2, v39;
	v0 =	vadd.f32 v40, v0;
	_ =	sdelay $0x1  }
0x33a: {  	v0 =	vadd.f32 v2, v0;
	_ =	sdelay $0x1  }
0x33b: {  	[tilespmem:s23+$0xB1A0] =	vst v0  }
0x33c: {  	v0 =	vld [tilespmem:$0xA430]  }
0x33d: {  	v41 =	vld [tilespmem:$0xA4B0]  }
0x33e: {  	v42 =	vld [tilespmem:$0xA530]  }
0x33f: {  	v43 =	vld [tilespmem:$0xA5B0]  }
0x340: {  	v44 =	vld [tilespmem:$0xA630]  }
0x341: {  	v45 =	vld [tilespmem:$0xA6B0]  }
0x342: {  	v46 =	vld [tilespmem:$0xA730]  }
0x343: {  	v47 =	vld [tilespmem:$0xA7B0]  }
0x344: {  	v48 =	vld [tilespmem:$0xA830]  }
0x345: {  	v49 =	vld [tilespmem:$0xA8B0]  }
0x346: {  	v50 =	vld [tilespmem:$0xA930]  }
0x347: {  	v51 =	vld [tilespmem:$0xA9B0]  }
0x348: {  	v52 =	vld [tilespmem:$0xAA30]  }
0x349: {  	v53 =	vld [tilespmem:$0xAAB0]  }
0x34a: {  	v54 =	vld [tilespmem:$0xAB30]  }
0x34b: {  	v55 =	vld [tilespmem:$0xABB0]  }
0x34c: {  	v56 =	vld [tilespmem:$0xAC30]  }
0x34d: {  	v57 =	vld [tilespmem:$0xACB0]  }
0x34e: {  	v58 =	vld [tilespmem:$0xAD30];
	v0 =	vadd.f32 v41, v0;
	v59 =	vadd.f32 v43, v42  }
0x34f: {  	v60 =	vld [tilespmem:$0xADB0];
	v61 =	vadd.f32 v45, v44;
	v62 =	vadd.f32 v47, v46  }
0x350: {  	v63 =	vadd.f32 v49, v48;
	v19 =	vadd.f32 v51, v50  }
0x351: {  	v20 =	vadd.f32 v53, v52;
	v21 =	vadd.f32 v55, v54  }
0x352: {  	v0 =	vadd.f32 v59, v0;
	v22 =	vadd.f32 v62, v61  }
0x353: {  	v23 =	vadd.f32 v19, v63;
	v24 =	vadd.f32 v21, v20  }
0x354: {  	v25 =	vadd.f32 v57, v56;
	v2 =	vadd.f32 v60, v58  }
0x355: {  	v0 =	vadd.f32 v22, v0;
	v26 =	vadd.f32 v24, v23;
	_ =	sdelay $0x1  }
0x356: {  	v2 =	vadd.f32 v2, v25;
	v0 =	vadd.f32 v26, v0;
	_ =	sdelay $0x1  }
0x357: {  	v0 =	vadd.f32 v2, v0;
	_ =	sdelay $0x1  }
0x358: {  	[tilespmem:s23+$0xB1B0] =	vst v0  }
0x359: {  	v0 =	vld [tilespmem:$0xA440]  }
0x35a: {  	v27 =	vld [tilespmem:$0xA4C0]  }
0x35b: {  	v28 =	vld [tilespmem:$0xA540]  }
0x35c: {  	v29 =	vld [tilespmem:$0xA5C0]  }
0x35d: {  	v30 =	vld [tilespmem:$0xA640]  }
0x35e: {  	v31 =	vld [tilespmem:$0xA6C0]  }
0x35f: {  	v32 =	vld [tilespmem:$0xA740]  }
0x360: {  	v33 =	vld [tilespmem:$0xA7C0]  }
0x361: {  	v34 =	vld [tilespmem:$0xA840]  }
0x362: {  	v35 =	vld [tilespmem:$0xA8C0]  }
0x363: {  	v36 =	vld [tilespmem:$0xA940]  }
0x364: {  	v37 =	vld [tilespmem:$0xA9C0]  }
0x365: {  	v38 =	vld [tilespmem:$0xAA40]  }
0x366: {  	v39 =	vld [tilespmem:$0xAAC0]  }
0x367: {  	v40 =	vld [tilespmem:$0xAB40]  }
0x368: {  	v41 =	vld [tilespmem:$0xABC0]  }
0x369: {  	v42 =	vld [tilespmem:$0xAC40]  }
0x36a: {  	v43 =	vld [tilespmem:$0xACC0]  }
0x36b: {  	v44 =	vld [tilespmem:$0xAD40];
	v0 =	vadd.f32 v27, v0;
	v45 =	vadd.f32 v29, v28  }
0x36c: {  	v46 =	vld [tilespmem:$0xADC0];
	v47 =	vadd.f32 v31, v30;
	v48 =	vadd.f32 v33, v32  }
0x36d: {  	v49 =	vadd.f32 v35, v34;
	v50 =	vadd.f32 v37, v36  }
0x36e: {  	v51 =	vadd.f32 v39, v38;
	v52 =	vadd.f32 v41, v40  }
0x36f: {  	v0 =	vadd.f32 v45, v0;
	v53 =	vadd.f32 v48, v47  }
0x370: {  	v54 =	vadd.f32 v50, v49;
	v55 =	vadd.f32 v52, v51  }
0x371: {  	v56 =	vadd.f32 v43, v42;
	v2 =	vadd.f32 v46, v44  }
0x372: {  	v0 =	vadd.f32 v53, v0;
	v57 =	vadd.f32 v55, v54;
	_ =	sdelay $0x1  }
0x373: {  	v2 =	vadd.f32 v2, v56;
	v0 =	vadd.f32 v57, v0;
	_ =	sdelay $0x1  }
0x374: {  	v0 =	vadd.f32 v2, v0;
	_ =	sdelay $0x1  }
0x375: {  	[tilespmem:s23+$0xB1C0] =	vst v0  }
0x376: {  	v0 =	vld [tilespmem:$0xA450]  }
0x377: {  	v58 =	vld [tilespmem:$0xA4D0]  }
0x378: {  	v59 =	vld [tilespmem:$0xA550]  }
0x379: {  	v60 =	vld [tilespmem:$0xA5D0]  }
0x37a: {  	v61 =	vld [tilespmem:$0xA650]  }
0x37b: {  	v62 =	vld [tilespmem:$0xA6D0]  }
0x37c: {  	v63 =	vld [tilespmem:$0xA750]  }
0x37d: {  	v21 =	vld [tilespmem:$0xA7D0]  }
0x37e: {  	v22 =	vld [tilespmem:$0xA850]  }
0x37f: {  	v23 =	vld [tilespmem:$0xA8D0]  }
0x380: {  	v24 =	vld [tilespmem:$0xA950]  }
0x381: {  	v25 =	vld [tilespmem:$0xA9D0]  }
0x382: {  	v26 =	vld [tilespmem:$0xAA50]  }
0x383: {  	v27 =	vld [tilespmem:$0xAAD0]  }
0x384: {  	v28 =	vld [tilespmem:$0xAB50]  }
0x385: {  	v29 =	vld [tilespmem:$0xABD0]  }
0x386: {  	v30 =	vld [tilespmem:$0xAC50]  }
0x387: {  	v31 =	vld [tilespmem:$0xACD0]  }
0x388: {  	v32 =	vld [tilespmem:$0xAD50];
	v0 =	vadd.f32 v58, v0;
	v33 =	vadd.f32 v60, v59  }
0x389: {  	v34 =	vld [tilespmem:$0xADD0];
	v35 =	vadd.f32 v62, v61;
	v36 =	vadd.f32 v21, v63  }
0x38a: {  	v37 =	vadd.f32 v23, v22;
	v38 =	vadd.f32 v25, v24  }
0x38b: {  	v39 =	vadd.f32 v27, v26;
	v40 =	vadd.f32 v29, v28  }
0x38c: {  	v0 =	vadd.f32 v33, v0;
	v41 =	vadd.f32 v36, v35  }
0x38d: {  	v42 =	vadd.f32 v38, v37;
	v43 =	vadd.f32 v40, v39  }
0x38e: {  	v44 =	vadd.f32 v31, v30;
	v2 =	vadd.f32 v34, v32  }
0x38f: {  	v0 =	vadd.f32 v41, v0;
	v45 =	vadd.f32 v43, v42;
	_ =	sdelay $0x1  }
0x390: {  	v2 =	vadd.f32 v2, v44;
	v0 =	vadd.f32 v45, v0;
	_ =	sdelay $0x1  }
0x391: {  	v0 =	vadd.f32 v2, v0;
	_ =	sdelay $0x1  }
0x392: {  	[tilespmem:s23+$0xB1D0] =	vst v0  }
0x393: {  	v0 =	vld [tilespmem:$0xA460]  }
0x394: {  	v46 =	vld [tilespmem:$0xA4E0]  }
0x395: {  	v47 =	vld [tilespmem:$0xA560]  }
0x396: {  	v48 =	vld [tilespmem:$0xA5E0]  }
0x397: {  	v49 =	vld [tilespmem:$0xA660]  }
0x398: {  	v50 =	vld [tilespmem:$0xA6E0]  }
0x399: {  	v51 =	vld [tilespmem:$0xA760]  }
0x39a: {  	v52 =	vld [tilespmem:$0xA7E0]  }
0x39b: {  	v53 =	vld [tilespmem:$0xA860]  }
0x39c: {  	v54 =	vld [tilespmem:$0xA8E0]  }
0x39d: {  	v55 =	vld [tilespmem:$0xA960]  }
0x39e: {  	v56 =	vld [tilespmem:$0xA9E0]  }
0x39f: {  	v57 =	vld [tilespmem:$0xAA60]  }
0x3a0: {  	v58 =	vld [tilespmem:$0xAAE0]  }
0x3a1: {  	v59 =	vld [tilespmem:$0xAB60]  }
0x3a2: {  	v60 =	vld [tilespmem:$0xABE0]  }
0x3a3: {  	v61 =	vld [tilespmem:$0xAC60]  }
0x3a4: {  	v62 =	vld [tilespmem:$0xACE0]  }
0x3a5: {  	v63 =	vld [tilespmem:$0xAD60];
	v0 =	vadd.f32 v46, v0;
	v20 =	vadd.f32 v48, v47  }
0x3a6: {  	v21 =	vld [tilespmem:$0xADE0];
	v22 =	vadd.f32 v50, v49;
	v23 =	vadd.f32 v52, v51  }
0x3a7: {  	v24 =	vadd.f32 v54, v53;
	v25 =	vadd.f32 v56, v55  }
0x3a8: {  	v26 =	vadd.f32 v58, v57;
	v27 =	vadd.f32 v60, v59  }
0x3a9: {  	v0 =	vadd.f32 v20, v0;
	v28 =	vadd.f32 v23, v22  }
0x3aa: {  	v29 =	vadd.f32 v25, v24;
	v30 =	vadd.f32 v27, v26  }
0x3ab: {  	v31 =	vadd.f32 v62, v61;
	v2 =	vadd.f32 v21, v63  }
0x3ac: {  	v0 =	vadd.f32 v28, v0;
	v32 =	vadd.f32 v30, v29;
	_ =	sdelay $0x1  }
0x3ad: {  	v2 =	vadd.f32 v2, v31;
	v0 =	vadd.f32 v32, v0;
	_ =	sdelay $0x1  }
0x3ae: {  	v0 =	vadd.f32 v2, v0;
	_ =	sdelay $0x1  }
0x3af: {  	[tilespmem:s23+$0xB1E0] =	vst v0  }
0x3b0: {  	v0 =	vld [tilespmem:$0xA470]  }
0x3b1: {  	v33 =	vld [tilespmem:$0xA4F0]  }
0x3b2: {  	v34 =	vld [tilespmem:$0xA570]  }
0x3b3: {  	v35 =	vld [tilespmem:$0xA5F0]  }
0x3b4: {  	v36 =	vld [tilespmem:$0xA670]  }
0x3b5: {  	v37 =	vld [tilespmem:$0xA6F0]  }
0x3b6: {  	v38 =	vld [tilespmem:$0xA770]  }
0x3b7: {  	v39 =	vld [tilespmem:$0xA7F0]  }
0x3b8: {  	v40 =	vld [tilespmem:$0xA870]  }
0x3b9: {  	v41 =	vld [tilespmem:$0xA8F0]  }
0x3ba: {  	v42 =	vld [tilespmem:$0xA970]  }
0x3bb: {  	v43 =	vld [tilespmem:$0xA9F0]  }
0x3bc: {  	v44 =	vld [tilespmem:$0xAA70]  }
0x3bd: {  	v45 =	vld [tilespmem:$0xAAF0]  }
0x3be: {  	v46 =	vld [tilespmem:$0xAB70]  }
0x3bf: {  	v47 =	vld [tilespmem:$0xABF0]  }
0x3c0: {  	v48 =	vld [tilespmem:$0xAC70]  }
0x3c1: {  	v49 =	vld [tilespmem:$0xACF0]  }
0x3c2: {  	v50 =	vld [tilespmem:$0xAD70];
	v0 =	vadd.f32 v33, v0;
	v51 =	vadd.f32 v35, v34  }
0x3c3: {  	v52 =	vld [tilespmem:$0xADF0];
	v53 =	vadd.f32 v37, v36;
	v54 =	vadd.f32 v39, v38  }
0x3c4: {  	v55 =	vadd.f32 v41, v40;
	v56 =	vadd.f32 v43, v42  }
0x3c5: {  	v57 =	vadd.f32 v45, v44;
	v58 =	vadd.f32 v47, v46  }
0x3c6: {  	v0 =	vadd.f32 v51, v0;
	v59 =	vadd.f32 v54, v53  }
0x3c7: {  	v60 =	vadd.f32 v56, v55;
	v61 =	vadd.f32 v58, v57  }
0x3c8: {  	v62 =	vadd.f32 v49, v48;
	v2 =	vadd.f32 v52, v50  }
0x3c9: {  	v0 =	vadd.f32 v59, v0;
	v63 =	vadd.f32 v61, v60;
	_ =	sdelay $0x1  }
0x3ca: {  	s31 =	sand.u32 $0xF, s22;
	v2 =	vadd.f32 v2, v62;
	v0 =	vadd.f32 v63, v0  }
0x3cb: {  	p0 =	sne.s32 s31, $0xF  }
0x3cc: {  	s24 =	sshll.u32 @!p0 s22, $0x9;
	s25 =	sshll.u32 @!p0 s22, $0x6;
	v0 =	vadd.f32 v2, v0  }
0x3cd: {  	s21 =	sadd.s32 $0x800, s21;
	s24 =	sand.u32 @!p0 $0x3FFFE000, s24;
	s25 =	sand.u32 @!p0 $0xFFFFFC00, s25  }
0x3ce: {  	[tilespmem:s23+$0xB1F0] =	vst v0;
	s23 =	sadd.s32 @!p0 $0xB000, s24;
	s24 =	sadd.s32 @!p0 s25, s6;
	s25 =	simm.s32 @!p0 $0x0  }
0x3cf: {  	[hbm4b:s24+s25] =	stream.linear.scatter @!p0 [tilespmem:s23], [sflag:$0x1], $0x2000, $0x38;
	[tilespmem:$0x13000] =	vst v63  }
0x3d0: {  	p0 =	sne.s32 s21, $0x20000  }
.Ltmp0:
0x3d1: {  	_ = 	snop;
	(pc) =	sbr.rel @p0 .LBB2_2-.Ltmp0, $2  }
0x3d2: {  	_ =	sdelay $0x2  }
0x3d3: {  	s22 =	sadd.s32 $0x1, s22  }
0x3d4: {  	_ =	swait.ge [sflag:s4], $0x2000  }
0x3d5: {  	[sflag:s4] =	ssyncset.done $0x0  }
0x3d6: {  	[sflag:s4] =	ssyncadd.s32 $0xFFFFE000  }
0x3d7: {  	_ =	swait.ge [sflag:s4], $0x2000  }
0x3d8: {  	[sflag:s4] =	ssyncset.done $0x0  }
0x3d9: {  	s20 =	sadd.s32 $0x1, s20;
	[sflag:s4] =	ssyncadd.s32 $0xFFFFE000  }
0x3da: {  	p0 =	sne.s32 s20, s7;
	_ =	swait.ge [sflag:s4], $0x2000  }
.Ltmp1:
0x3db: {  	[sflag:s4] =	ssyncset.done $0x0;
	(pc) =	sbr.rel @p0 .LBB2_1-.Ltmp1, $4  }
0x3dc: {  	[sflag:s4] =	ssyncadd.s32 $0xFFFFE000  }
0x3dd: {  	_ =	swait.ge [sflag:s4], $0x2000  }
0x3de: {  	[sflag:s4] =	ssyncset.done $0x0  }
0x3df: {  	[sflag:s4] =	ssyncadd.s32 $0xFFFFE000  }
0x3e0: {  	_ =	sfence.sel $0x180000  }
0x3e1: {  	[bflag:$0x0] =	sbarrier.arrive $0xFFFF  }
0x3e2: {  	p0 =	sne.s32 s0, $0x0;
	_ =	strace $0x90000047  }
0x3e3: {  	s0 =	sadd.s32 @!p0 $0x100000, s1;
	[bflag:$0x2] =	sbarrier.arrive $0xFFFF  }
0x3e4: {  	[sflag:s0] =	ssyncadd.tile.s32 @!p0 $0x1;
	_ =	shalt  }
.Lfunc_end2:
_tile_overlayer_lowered:
.L_overlay_start_2:
0x3e5: {  	(tag) =	ssettag $0x2  }
0x3e6: {  	s0 =	rddreg [dreg:$0x0];
	s2 =	stileid.u32  }
0x3e7: {  	s1 =	rddreg [dreg:$0x1];
	p0 =	sne.s32 s2, $0x0  }
0x3e8: {  	s3 =	rddreg [dreg:$0x2];
	[bflag:$0x3] =	sbarrier.arrive $0xFFFF;
	s2 =	simm.s32 @!p0 $0x1C06  }
0x3e9: {  	[timem:s3], [sflag:s2] =	dma.local @!p0 [hbm:s0], s1  }
0x3ea: {  	s0 =	simm.s32 @!p0 $0x6  }
0x3eb: {  	_ =	swait.ge @!p0 [sflag:s0], s1  }
0x3ec: {  	s1 =	ssub.s32 @!p0 $0x0, s1;
	[sflag:s0] =	ssyncset.done @!p0 $0x0  }
0x3ed: {  	[sflag:s0] =	ssyncadd.s32 @!p0 s1  }
0x3ee: {  	[bflag:$0x3] =	sbarrier.arrive $0xFFFF  }
0x3ef: {  	_ =	shalt  }

</sc_bundles>
